<compile_context>
chip_gen: v7x
topology: tpu7x:2x2x1
jax: 0.10.2.dev20260603
libtpu: 0.0.44.dev20260713+nightly
codegen_flags: <defaults>
</compile_context>

<pallas_src>
import functools

import jax
import jax.numpy as jnp
from jax import lax
from jax.experimental import pallas as pl
from jax.experimental.pallas import tpu as pltpu
from jax.experimental.pallas import tpu_sc as plsc

N = 10000
E = 160000
D_IN = 256
H1 = 512
H2 = 512

NS = 16
CH = 80
EPT = E // NS
NCHUNK = EPT // CH
ROWS_A = 624
TAIL = N - NS * ROWS_A
DSL = 128

_F32 = jnp.float32

_MESH = dict(core_axis_name="c", subcore_axis_name="s",
             num_cores=2, num_subcores=NS)


def _stripe_fill(buf, dst, r0, s):
  nfull = ROWS_A // CH
  rem = ROWS_A - nfull * CH
  for k in range(nfull):
    pltpu.sync_copy(buf, dst.at[pl.ds(r0 + k * CH, CH)])
  pltpu.sync_copy(buf.at[pl.ds(0, rem)], dst.at[pl.ds(r0 + nfull * CH, rem)])

  @pl.when(s == NS - 1)
  def _():
    pltpu.sync_copy(buf.at[pl.ds(0, TAIL)], dst.at[pl.ds(NS * ROWS_A, TAIL)])


def _stripe_out(src, buf, dst, r0, base, s):
  nfull = ROWS_A // CH
  rem = ROWS_A - nfull * CH
  for k in range(nfull):
    pltpu.sync_copy(src.at[pl.ds(r0 + k * CH, CH)], buf)
    pltpu.sync_copy(buf, dst.at[pl.ds(base + r0 + k * CH, CH)])
  pltpu.sync_copy(src.at[pl.ds(r0 + nfull * CH, rem)], buf.at[pl.ds(0, rem)])
  pltpu.sync_copy(buf.at[pl.ds(0, rem)],
                  dst.at[pl.ds(base + r0 + nfull * CH, rem)])

  @pl.when(s == NS - 1)
  def _():
    t0 = NS * ROWS_A
    pltpu.sync_copy(src.at[pl.ds(t0, TAIL)], buf.at[pl.ds(0, TAIL)])
    pltpu.sync_copy(buf.at[pl.ds(0, TAIL)], dst.at[pl.ds(base + t0, TAIL)])


@functools.cache
def _seg_sum_builder(interpret=False):
  scratch = (
      pltpu.VMEM_SHARED((N, DSL), _F32),
      pltpu.VMEM((EPT,), jnp.int32),
      pltpu.VMEM((NCHUNK, CH), jnp.int32),
      pltpu.VMEM((CH, DSL), _F32),
      pltpu.VMEM((CH, DSL), _F32),
      pltpu.SemaphoreType.DMA,
      pltpu.SemaphoreType.DMA,
  )
  mesh = plsc.VectorSubcoreMesh(**_MESH)

  def body(xs_h, src_h, dst3_h, z128_h, out_h,
           acc, srca, dsta, rows0, rows1, sem0, sem1):
    c = lax.axis_index("c")
    s = lax.axis_index("s")
    r0 = s * ROWS_A

    pltpu.sync_copy(z128_h.at[pl.ds(0, CH)], rows0)
    _stripe_fill(rows0, acc, r0, s)
    pltpu.sync_copy(src_h.at[pl.ds(c * E + s * EPT, EPT)], srca)
    pltpu.sync_copy(dst3_h.at[s], dsta)
    plsc.subcore_barrier()

    def gidx(j):
      return srca.at[pl.ds(j * CH, CH)]

    pltpu.async_copy(xs_h.at[gidx(0)], rows0, sem0)

    def pair(p, carry):
      j0 = 2 * p
      pltpu.async_copy(xs_h.at[gidx(j0 + 1)], rows1, sem1)
      pltpu.make_async_copy(xs_h.at[gidx(j0)], rows0, sem0).wait()
      pltpu.sync_copy(rows0, acc.at[dsta.at[j0]], add=True)
      pltpu.async_copy(xs_h.at[gidx(j0 + 2)], rows0, sem0)
      pltpu.make_async_copy(xs_h.at[gidx(j0 + 1)], rows1, sem1).wait()
      pltpu.sync_copy(rows1, acc.at[dsta.at[j0 + 1]], add=True)
      return carry

    lax.fori_loop(0, NCHUNK // 2, pair, 0)
    pltpu.make_async_copy(xs_h.at[gidx(NCHUNK - 1)], rows0, sem0).wait()
    pltpu.sync_copy(rows0, acc.at[dsta.at[NCHUNK - 1]], add=True)
    plsc.subcore_barrier()

    _stripe_out(acc, rows0, out_h, r0, c * N, s)

  return pl.kernel(body, out_type=jax.ShapeDtypeStruct((2 * N, DSL), _F32),
                   mesh=mesh, scratch_types=scratch, interpret=interpret)


NCH0 = 63


@functools.cache
def _count_builder(interpret=False):
  scratch = (
      pltpu.VMEM_SHARED((N, DSL), _F32),
      pltpu.VMEM((NCHUNK, CH), jnp.int32),
      pltpu.VMEM((CH, DSL), _F32),
      pltpu.SemaphoreType.DMA,
  )
  mesh = plsc.VectorSubcoreMesh(**_MESH)

  def body(dst3_h, z128_h, ones_h, out_h, cacc, dsta, buf, sem):
    c = lax.axis_index("c")
    s = lax.axis_index("s")
    r0 = s * ROWS_A

    pltpu.sync_copy(z128_h.at[pl.ds(0, CH)], buf)
    _stripe_fill(buf, cacc, r0, s)
    pltpu.sync_copy(dst3_h.at[s], dsta)
    pltpu.sync_copy(ones_h, buf)
    plsc.subcore_barrier()

    cbase = c * NCH0

    def chunk(j, carry):
      pltpu.sync_copy(buf, cacc.at[dsta.at[cbase + j]], add=True)
      return carry

    lax.fori_loop(0, NCH0 - c, chunk, 0)
    plsc.subcore_barrier()

    _stripe_out(cacc, buf, out_h, r0, c * N, s)

  return pl.kernel(body, out_type=jax.ShapeDtypeStruct((2 * N, DSL), _F32),
                   mesh=mesh, scratch_types=scratch, interpret=interpret)


BN = 1000


def _tc_xw1_builder(interpret=False):
  grid = (N // BN,)

  def body(x, wr, o):
    o[...] = lax.dot_general(x[...], wr[...], (((1,), (1,)), ((), ())),
                             preferred_element_type=_F32)

  return pl.pallas_call(
      body,
      grid=grid,
      in_specs=[
          pl.BlockSpec((BN, D_IN), lambda i: (i, 0)),
          pl.BlockSpec((H1, D_IN), lambda i: (0, 0)),
      ],
      out_specs=pl.BlockSpec((BN, H1), lambda i: (i, 0)),
      out_shape=jax.ShapeDtypeStruct((N, H1), _F32),
      interpret=interpret,
  )


def _tc_xw2_builder(interpret=False):
  grid = (N // BN,)

  def body(h0, h1r, h2r, h3r, wr, o):
    h = jnp.concatenate([h0[...], h1r[...], h2r[...], h3r[...]], axis=1)
    o[...] = lax.dot_general(h, wr[...], (((1,), (1,)), ((), ())),
                             preferred_element_type=_F32)

  return pl.pallas_call(
      body,
      grid=grid,
      in_specs=(
          [pl.BlockSpec((BN, DSL), lambda i: (i, 0))] * 4
          + [pl.BlockSpec((H2, H1), lambda i: (0, 0))]
      ),
      out_specs=pl.BlockSpec((BN, H2), lambda i: (i, 0)),
      out_shape=jax.ShapeDtypeStruct((N, H2), _F32),
      interpret=interpret,
  )


def _tc_layer1_builder(interpret=False):
  grid = (N // BN,)

  def body(s0, s1, cnt0, cnt1, xr, wl, bl, o0, o1, o2, o3):
    summed = jnp.concatenate([s0[...], s1[...]], axis=1)
    scale = 1.0 / jnp.maximum(cnt0[...] + cnt1[...], 1.0)
    h = lax.dot_general(summed, wl[...], (((1,), (1,)), ((), ())),
                        preferred_element_type=_F32)
    h = jnp.maximum(h * scale + xr[...] + bl[...], 0.0)
    o0[...] = h[:, 0:128]
    o1[...] = h[:, 128:256]
    o2[...] = h[:, 256:384]
    o3[...] = h[:, 384:512]

  return pl.pallas_call(
      body,
      grid=grid,
      in_specs=[
          pl.BlockSpec((BN, DSL), lambda i: (i, 0)),
          pl.BlockSpec((BN, DSL), lambda i: (i, 0)),
          pl.BlockSpec((BN, 1), lambda i: (i, 0)),
          pl.BlockSpec((BN, 1), lambda i: (i, 0)),
          pl.BlockSpec((BN, H1), lambda i: (i, 0)),
          pl.BlockSpec((H1, D_IN), lambda i: (0, 0)),
          pl.BlockSpec((1, H1), lambda i: (0, 0)),
      ],
      out_specs=[pl.BlockSpec((BN, DSL), lambda i: (i, 0))] * 4,
      out_shape=[jax.ShapeDtypeStruct((N, DSL), _F32)] * 4,
      interpret=interpret,
  )


def _tc_layer2_builder(interpret=False):
  grid = (N // BN,)

  def body(s0, s1, s2, s3, cnt0, cnt1, hr, wl, bl, w3, b3, o):
    summed = jnp.concatenate([s0[...], s1[...], s2[...], s3[...]], axis=1)
    scale = 1.0 / jnp.maximum(cnt0[...] + cnt1[...], 1.0)
    g = lax.dot_general(summed, wl[...], (((1,), (1,)), ((), ())),
                        preferred_element_type=_F32)
    h = jnp.maximum(g * scale + hr[...] + bl[...], 0.0)
    out = lax.dot_general(h, w3[...], (((1,), (1,)), ((), ())),
                          preferred_element_type=_F32)
    o[...] = out + b3[0, 0]

  return pl.pallas_call(
      body,
      grid=grid,
      in_specs=(
          [pl.BlockSpec((BN, DSL), lambda i: (i, 0))] * 4
          + [pl.BlockSpec((BN, 1), lambda i: (i, 0))] * 2
          + [
              pl.BlockSpec((BN, H2), lambda i: (i, 0)),
              pl.BlockSpec((H2, H1), lambda i: (0, 0)),
              pl.BlockSpec((1, H2), lambda i: (0, 0)),
              pl.BlockSpec((DSL, H2), lambda i: (0, 0)),
              pl.BlockSpec(memory_space=pltpu.SMEM),
          ]
      ),
      out_specs=[pl.BlockSpec((BN, DSL), lambda i: (i, 0))],
      out_shape=[jax.ShapeDtypeStruct((N, DSL), _F32)],
      interpret=interpret,
  )


_tc_xw1 = _tc_xw1_builder()
_tc_xw2 = _tc_xw2_builder()
_tc_layer1 = _tc_layer1_builder()
_tc_layer2 = _tc_layer2_builder()


@jax.jit
def _run(x, src2, dst3, Wl1, bl1, Wr1, Wl2, bl2, Wr2, W3, b3):
  _seg_sum = _seg_sum_builder()
  _count = _count_builder()
  z128 = jnp.zeros((N, DSL), _F32)
  ones = jnp.ones((CH, DSL), _F32)
  xs = jnp.concatenate([x[:, :DSL], x[:, DSL:]], axis=0)
  xr1 = _tc_xw1(x, Wr1)
  cnt128 = _count(dst3, z128, ones)
  cnt0 = cnt128[:N, :1]
  cnt1 = cnt128[N:, :1]
  sum1 = _seg_sum(xs, src2, dst3, z128)
  h0, h1, h2, h3 = _tc_layer1(sum1[:N], sum1[N:], cnt0, cnt1, xr1,
                              Wl1, bl1.reshape(1, H1))
  hs01 = jnp.concatenate([h0, h1], axis=0)
  hs23 = jnp.concatenate([h2, h3], axis=0)
  hr2 = _tc_xw2(h0, h1, h2, h3, Wr2)
  sum2a = _seg_sum(hs01, src2, dst3, z128)
  sum2b = _seg_sum(hs23, src2, dst3, z128)
  w3p = jnp.zeros((DSL, H2), _F32).at[0].set(W3[0])
  (out,) = _tc_layer2(sum2a[:N], sum2a[N:], sum2b[:N], sum2b[N:],
                      cnt0, cnt1, hr2,
                      Wl2, bl2.reshape(1, H2),
                      w3p, b3.reshape(1, 1))
  return out[:, :1]


def kernel(x, edge_index, Wl1, bl1, Wr1, Wl2, bl2, Wr2, W3, b3):
  src = edge_index[0].astype(jnp.int32)
  dst = edge_index[1].astype(jnp.int32)
  src2 = jnp.concatenate([src, src + N])
  dst3 = dst.reshape(NS, NCHUNK, CH)
  return _run(x, src2, dst3, Wl1, bl1, Wr1, Wl2, bl2, Wr2, W3, b3)

# --- scband reference (transcript-rebuilt; emitter-appended) ---
"""Pipeline reference for scband-net1-1-88081189306909 (READ-ONLY COPY).

The authoritative reference and input builder live on the scoring server;
editing this copy changes nothing except your own understanding.
"""

import jax, jax.numpy as jnp
import numpy as np

N = 10000
E = 160000
D_IN = 256
H1 = 512
H2 = 512


def setup_inputs(seed: int = 0) -> dict:
    key = jax.random.key(seed)
    ks = jax.random.split(key, 10)
    x = jax.random.normal(ks[0], (N, D_IN), dtype=jnp.float32)
    edge_index = jax.random.randint(ks[1], (2, E), 0, N, dtype=jnp.int32).astype(jnp.int64)
    # SAGEConv params: lin_l (aggregated neighbors, with bias), lin_r (root, no bias)
    Wl1 = jax.random.normal(ks[2], (H1, D_IN), dtype=jnp.float32) * (1.0 / np.sqrt(D_IN))
    bl1 = jnp.zeros((H1,), dtype=jnp.float32)
    Wr1 = jax.random.normal(ks[3], (H1, D_IN), dtype=jnp.float32) * (1.0 / np.sqrt(D_IN))
    Wl2 = jax.random.normal(ks[4], (H2, H1), dtype=jnp.float32) * (1.0 / np.sqrt(H1))
    bl2 = jnp.zeros((H2,), dtype=jnp.float32)
    Wr2 = jax.random.normal(ks[5], (H2, H1), dtype=jnp.float32) * (1.0 / np.sqrt(H1))
    W3 = jax.random.normal(ks[6], (1, H2), dtype=jnp.float32) * (1.0 / np.sqrt(H2))
    b3 = jnp.zeros((1,), dtype=jnp.float32)
    return {"x": x, "edge_index": edge_index, "Wl1": Wl1, "bl1": bl1, "Wr1": Wr1,
            "Wl2": Wl2, "bl2": bl2, "Wr2": Wr2, "W3": W3, "b3": b3}


def _sage_conv(x_in, src, dst, Wl, bl, Wr):
    # mean aggregation of neighbor features over incoming edges (src -> dst)
    msgs = x_in[src]                                   # gather [E, d]
    summed = jax.ops.segment_sum(msgs, dst, num_segments=N)
    cnt = jax.ops.segment_sum(jnp.ones((src.shape[0],), dtype=x_in.dtype), dst, num_segments=N)
    mean = summed / jnp.clip(cnt, 1.0)[:, None]
    return mean @ Wl.T + bl + x_in @ Wr.T


def reference(x, edge_index, Wl1, bl1, Wr1, Wl2, bl2, Wr2, W3, b3):
    src = edge_index[0]
    dst = edge_index[1]
    h = jax.nn.relu(_sage_conv(x, src, dst, Wl1, bl1, Wr1))
    h = jax.nn.relu(_sage_conv(h, src, dst, Wl2, bl2, Wr2))
    out = h @ W3.T + b3
    return out

if __name__ == "__main__":
    import jax
    _d = setup_inputs()
    print(jax.jit(kernel)(*tuple(_d.values())))

</pallas_src>

<mosaic_0001>
#map = affine_map<(d0, d1) -> (0, 0)>
#map1 = affine_map<(d0, d1) -> (0)>
#map2 = affine_map<(d0, d1) -> (0, 0, 0)>
module attributes {stable_mosaic.version = 14 : i64} {
  func.func @body(%arg0: i32, %arg1: i32, %arg2: memref<20000x128xf32, #tpu.memory_space<hbm>>, %arg3: memref<320000xi32, #tpu.memory_space<hbm>>, %arg4: memref<16x125x80xi32, #tpu.memory_space<hbm>>, %arg5: memref<10000x128xf32, #tpu.memory_space<hbm>>, %arg6: memref<20000x128xf32, #tpu.memory_space<hbm>>, %arg7: memref<10000x128xf32, #tpu.memory_space<vmem_shared>>, %arg8: memref<10000xi32, #tpu.memory_space<vmem>>, %arg9: memref<125x80xi32, #tpu.memory_space<vmem>>, %arg10: memref<80x128xf32, #tpu.memory_space<vmem>>, %arg11: memref<80x128xf32, #tpu.memory_space<vmem>>, %arg12: memref<!tpu.dma_semaphore, #tpu.memory_space<semaphore_mem>>, %arg13: memref<!tpu.dma_semaphore, #tpu.memory_space<semaphore_mem>>) attributes {dimension_semantics = [#tpu.dimension_semantics<core_parallel>, #tpu.dimension_semantics<subcore_parallel>], iteration_bounds = array<i64: 2, 16>, scalar_prefetch = 0 : i64, scratch_operands = 7 : i64, tpu.core_type = #tpu.core_type<sc_vector_subcore>, window_params = [{transform_indices = #map}, {transform_indices = #map1}, {transform_indices = #map2}, {transform_indices = #map}, {transform_indices = #map}]} {
    %mul3A = arith.constant 624 : i32
    %mul3A_0 = arith.muli %arg1, %mul3A : i32
    "tpu.region"() ({
      %run_scoped3A_84 = tpu.sem_alloc : memref<!tpu.dma_semaphore, #tpu.memory_space<semaphore_mem>>
      %dma_start3A_85 = arith.constant 0 : i32
      %dma_start3A_86 = arith.constant 0 : i32
      %dma_start3A_87 = tpu.memref_slice %arg5[%dma_start3A_85, %dma_start3A_86] : memref<10000x128xf32, #tpu.memory_space<hbm>> -> memref<80x128xf32, #tpu.memory_space<hbm>>
      %dma_start3A_88 = arith.constant 0 : i32
      %dma_start3A_89 = arith.constant 0 : i32
      %dma_start3A_90 = tpu.memref_slice %arg5[%dma_start3A_88, %dma_start3A_89] : memref<10000x128xf32, #tpu.memory_space<hbm>> -> memref<80x128xf32, #tpu.memory_space<hbm>>
      tpu.enqueue_dma source(%dma_start3A_90 : memref<80x128xf32, #tpu.memory_space<hbm>>) target(%arg10 : memref<80x128xf32, #tpu.memory_space<vmem>>) target_semaphore(%run_scoped3A_84 : memref<!tpu.dma_semaphore, #tpu.memory_space<semaphore_mem>>)
      %dma_wait3A_91 = arith.constant 0 : i32
      %dma_wait3A_92 = arith.constant 0 : i32
      %dma_wait3A_93 = tpu.memref_slice %arg5[%dma_wait3A_91, %dma_wait3A_92] : memref<10000x128xf32, #tpu.memory_space<hbm>> -> memref<80x128xf32, #tpu.memory_space<hbm>>
      %dma_wait3A_94 = arith.constant 0 : i32
      %dma_wait3A_95 = arith.constant 0 : i32
      %dma_wait3A_96 = tpu.memref_slice %arg5[%dma_wait3A_94, %dma_wait3A_95] : memref<10000x128xf32, #tpu.memory_space<hbm>> -> memref<80x128xf32, #tpu.memory_space<hbm>>
      tpu.wait_dma2 semaphore(%run_scoped3A_84 : memref<!tpu.dma_semaphore, #tpu.memory_space<semaphore_mem>>) src(%dma_wait3A_96 : memref<80x128xf32, #tpu.memory_space<hbm>>) dst(%arg10 : memref<80x128xf32, #tpu.memory_space<vmem>>)
      tpu.yield
    }) : () -> ()
    %add3A = arith.constant 0 : i32
    %add3A_1 = arith.addi %mul3A_0, %add3A : i32
    "tpu.region"() ({
      %run_scoped3A_84 = tpu.sem_alloc : memref<!tpu.dma_semaphore, #tpu.memory_space<semaphore_mem>>
      %dma_start3A_85 = arith.constant 0 : i32
      %dma_start3A_86 = tpu.memref_slice %arg7[%add3A_1, %dma_start3A_85] : memref<10000x128xf32, #tpu.memory_space<vmem_shared>> -> memref<80x128xf32, #tpu.memory_space<vmem_shared>>
      %dma_start3A_87 = arith.constant 0 : i32
      %dma_start3A_88 = tpu.memref_slice %arg7[%add3A_1, %dma_start3A_87] : memref<10000x128xf32, #tpu.memory_space<vmem_shared>> -> memref<80x128xf32, #tpu.memory_space<vmem_shared>>
      tpu.enqueue_dma source(%arg10 : memref<80x128xf32, #tpu.memory_space<vmem>>) target(%dma_start3A_88 : memref<80x128xf32, #tpu.memory_space<vmem_shared>>) target_semaphore(%run_scoped3A_84 : memref<!tpu.dma_semaphore, #tpu.memory_space<semaphore_mem>>)
      %dma_wait3A_89 = arith.constant 0 : i32
      %dma_wait3A_90 = tpu.memref_slice %arg7[%add3A_1, %dma_wait3A_89] : memref<10000x128xf32, #tpu.memory_space<vmem_shared>> -> memref<80x128xf32, #tpu.memory_space<vmem_shared>>
      %dma_wait3A_91 = arith.constant 0 : i32
      %dma_wait3A_92 = tpu.memref_slice %arg7[%add3A_1, %dma_wait3A_91] : memref<10000x128xf32, #tpu.memory_space<vmem_shared>> -> memref<80x128xf32, #tpu.memory_space<vmem_shared>>
      tpu.wait_dma2 semaphore(%run_scoped3A_84 : memref<!tpu.dma_semaphore, #tpu.memory_space<semaphore_mem>>) src(%arg10 : memref<80x128xf32, #tpu.memory_space<vmem>>) dst(%dma_wait3A_92 : memref<80x128xf32, #tpu.memory_space<vmem_shared>>)
      tpu.yield
    }) : () -> ()
    %add3A_2 = arith.constant 80 : i32
    %add3A_3 = arith.addi %mul3A_0, %add3A_2 : i32
    "tpu.region"() ({
      %run_scoped3A_84 = tpu.sem_alloc : memref<!tpu.dma_semaphore, #tpu.memory_space<semaphore_mem>>
      %dma_start3A_85 = arith.constant 0 : i32
      %dma_start3A_86 = tpu.memref_slice %arg7[%add3A_3, %dma_start3A_85] : memref<10000x128xf32, #tpu.memory_space<vmem_shared>> -> memref<80x128xf32, #tpu.memory_space<vmem_shared>>
      %dma_start3A_87 = arith.constant 0 : i32
      %dma_start3A_88 = tpu.memref_slice %arg7[%add3A_3, %dma_start3A_87] : memref<10000x128xf32, #tpu.memory_space<vmem_shared>> -> memref<80x128xf32, #tpu.memory_space<vmem_shared>>
      tpu.enqueue_dma source(%arg10 : memref<80x128xf32, #tpu.memory_space<vmem>>) target(%dma_start3A_88 : memref<80x128xf32, #tpu.memory_space<vmem_shared>>) target_semaphore(%run_scoped3A_84 : memref<!tpu.dma_semaphore, #tpu.memory_space<semaphore_mem>>)
      %dma_wait3A_89 = arith.constant 0 : i32
      %dma_wait3A_90 = tpu.memref_slice %arg7[%add3A_3, %dma_wait3A_89] : memref<10000x128xf32, #tpu.memory_space<vmem_shared>> -> memref<80x128xf32, #tpu.memory_space<vmem_shared>>
      %dma_wait3A_91 = arith.constant 0 : i32
      %dma_wait3A_92 = tpu.memref_slice %arg7[%add3A_3, %dma_wait3A_91] : memref<10000x128xf32, #tpu.memory_space<vmem_shared>> -> memref<80x128xf32, #tpu.memory_space<vmem_shared>>
      tpu.wait_dma2 semaphore(%run_scoped3A_84 : memref<!tpu.dma_semaphore, #tpu.memory_space<semaphore_mem>>) src(%arg10 : memref<80x128xf32, #tpu.memory_space<vmem>>) dst(%dma_wait3A_92 : memref<80x128xf32, #tpu.memory_space<vmem_shared>>)
      tpu.yield
    }) : () -> ()
    %add3A_4 = arith.constant 160 : i32
    %add3A_5 = arith.addi %mul3A_0, %add3A_4 : i32
    "tpu.region"() ({
      %run_scoped3A_84 = tpu.sem_alloc : memref<!tpu.dma_semaphore, #tpu.memory_space<semaphore_mem>>
      %dma_start3A_85 = arith.constant 0 : i32
      %dma_start3A_86 = tpu.memref_slice %arg7[%add3A_5, %dma_start3A_85] : memref<10000x128xf32, #tpu.memory_space<vmem_shared>> -> memref<80x128xf32, #tpu.memory_space<vmem_shared>>
      %dma_start3A_87 = arith.constant 0 : i32
      %dma_start3A_88 = tpu.memref_slice %arg7[%add3A_5, %dma_start3A_87] : memref<10000x128xf32, #tpu.memory_space<vmem_shared>> -> memref<80x128xf32, #tpu.memory_space<vmem_shared>>
      tpu.enqueue_dma source(%arg10 : memref<80x128xf32, #tpu.memory_space<vmem>>) target(%dma_start3A_88 : memref<80x128xf32, #tpu.memory_space<vmem_shared>>) target_semaphore(%run_scoped3A_84 : memref<!tpu.dma_semaphore, #tpu.memory_space<semaphore_mem>>)
      %dma_wait3A_89 = arith.constant 0 : i32
      %dma_wait3A_90 = tpu.memref_slice %arg7[%add3A_5, %dma_wait3A_89] : memref<10000x128xf32, #tpu.memory_space<vmem_shared>> -> memref<80x128xf32, #tpu.memory_space<vmem_shared>>
      %dma_wait3A_91 = arith.constant 0 : i32
      %dma_wait3A_92 = tpu.memref_slice %arg7[%add3A_5, %dma_wait3A_91] : memref<10000x128xf32, #tpu.memory_space<vmem_shared>> -> memref<80x128xf32, #tpu.memory_space<vmem_shared>>
      tpu.wait_dma2 semaphore(%run_scoped3A_84 : memref<!tpu.dma_semaphore, #tpu.memory_space<semaphore_mem>>) src(%arg10 : memref<80x128xf32, #tpu.memory_space<vmem>>) dst(%dma_wait3A_92 : memref<80x128xf32, #tpu.memory_space<vmem_shared>>)
      tpu.yield
    }) : () -> ()
    %add3A_6 = arith.constant 240 : i32
    %add3A_7 = arith.addi %mul3A_0, %add3A_6 : i32
    "tpu.region"() ({
      %run_scoped3A_84 = tpu.sem_alloc : memref<!tpu.dma_semaphore, #tpu.memory_space<semaphore_mem>>
      %dma_start3A_85 = arith.constant 0 : i32
      %dma_start3A_86 = tpu.memref_slice %arg7[%add3A_7, %dma_start3A_85] : memref<10000x128xf32, #tpu.memory_space<vmem_shared>> -> memref<80x128xf32, #tpu.memory_space<vmem_shared>>
      %dma_start3A_87 = arith.constant 0 : i32
      %dma_start3A_88 = tpu.memref_slice %arg7[%add3A_7, %dma_start3A_87] : memref<10000x128xf32, #tpu.memory_space<vmem_shared>> -> memref<80x128xf32, #tpu.memory_space<vmem_shared>>
      tpu.enqueue_dma source(%arg10 : memref<80x128xf32, #tpu.memory_space<vmem>>) target(%dma_start3A_88 : memref<80x128xf32, #tpu.memory_space<vmem_shared>>) target_semaphore(%run_scoped3A_84 : memref<!tpu.dma_semaphore, #tpu.memory_space<semaphore_mem>>)
      %dma_wait3A_89 = arith.constant 0 : i32
      %dma_wait3A_90 = tpu.memref_slice %arg7[%add3A_7, %dma_wait3A_89] : memref<10000x128xf32, #tpu.memory_space<vmem_shared>> -> memref<80x128xf32, #tpu.memory_space<vmem_shared>>
      %dma_wait3A_91 = arith.constant 0 : i32
      %dma_wait3A_92 = tpu.memref_slice %arg7[%add3A_7, %dma_wait3A_91] : memref<10000x128xf32, #tpu.memory_space<vmem_shared>> -> memref<80x128xf32, #tpu.memory_space<vmem_shared>>
      tpu.wait_dma2 semaphore(%run_scoped3A_84 : memref<!tpu.dma_semaphore, #tpu.memory_space<semaphore_mem>>) src(%arg10 : memref<80x128xf32, #tpu.memory_space<vmem>>) dst(%dma_wait3A_92 : memref<80x128xf32, #tpu.memory_space<vmem_shared>>)
      tpu.yield
    }) : () -> ()
    %add3A_8 = arith.constant 320 : i32
    %add3A_9 = arith.addi %mul3A_0, %add3A_8 : i32
    "tpu.region"() ({
      %run_scoped3A_84 = tpu.sem_alloc : memref<!tpu.dma_semaphore, #tpu.memory_space<semaphore_mem>>
      %dma_start3A_85 = arith.constant 0 : i32
      %dma_start3A_86 = tpu.memref_slice %arg7[%add3A_9, %dma_start3A_85] : memref<10000x128xf32, #tpu.memory_space<vmem_shared>> -> memref<80x128xf32, #tpu.memory_space<vmem_shared>>
      %dma_start3A_87 = arith.constant 0 : i32
      %dma_start3A_88 = tpu.memref_slice %arg7[%add3A_9, %dma_start3A_87] : memref<10000x128xf32, #tpu.memory_space<vmem_shared>> -> memref<80x128xf32, #tpu.memory_space<vmem_shared>>
      tpu.enqueue_dma source(%arg10 : memref<80x128xf32, #tpu.memory_space<vmem>>) target(%dma_start3A_88 : memref<80x128xf32, #tpu.memory_space<vmem_shared>>) target_semaphore(%run_scoped3A_84 : memref<!tpu.dma_semaphore, #tpu.memory_space<semaphore_mem>>)
      %dma_wait3A_89 = arith.constant 0 : i32
      %dma_wait3A_90 = tpu.memref_slice %arg7[%add3A_9, %dma_wait3A_89] : memref<10000x128xf32, #tpu.memory_space<vmem_shared>> -> memref<80x128xf32, #tpu.memory_space<vmem_shared>>
      %dma_wait3A_91 = arith.constant 0 : i32
      %dma_wait3A_92 = tpu.memref_slice %arg7[%add3A_9, %dma_wait3A_91] : memref<10000x128xf32, #tpu.memory_space<vmem_shared>> -> memref<80x128xf32, #tpu.memory_space<vmem_shared>>
      tpu.wait_dma2 semaphore(%run_scoped3A_84 : memref<!tpu.dma_semaphore, #tpu.memory_space<semaphore_mem>>) src(%arg10 : memref<80x128xf32, #tpu.memory_space<vmem>>) dst(%dma_wait3A_92 : memref<80x128xf32, #tpu.memory_space<vmem_shared>>)
      tpu.yield
    }) : () -> ()
    %add3A_10 = arith.constant 400 : i32
    %add3A_11 = arith.addi %mul3A_0, %add3A_10 : i32
    "tpu.region"() ({
      %run_scoped3A_84 = tpu.sem_alloc : memref<!tpu.dma_semaphore, #tpu.memory_space<semaphore_mem>>
      %dma_start3A_85 = arith.constant 0 : i32
      %dma_start3A_86 = tpu.memref_slice %arg7[%add3A_11, %dma_start3A_85] : memref<10000x128xf32, #tpu.memory_space<vmem_shared>> -> memref<80x128xf32, #tpu.memory_space<vmem_shared>>
      %dma_start3A_87 = arith.constant 0 : i32
      %dma_start3A_88 = tpu.memref_slice %arg7[%add3A_11, %dma_start3A_87] : memref<10000x128xf32, #tpu.memory_space<vmem_shared>> -> memref<80x128xf32, #tpu.memory_space<vmem_shared>>
      tpu.enqueue_dma source(%arg10 : memref<80x128xf32, #tpu.memory_space<vmem>>) target(%dma_start3A_88 : memref<80x128xf32, #tpu.memory_space<vmem_shared>>) target_semaphore(%run_scoped3A_84 : memref<!tpu.dma_semaphore, #tpu.memory_space<semaphore_mem>>)
      %dma_wait3A_89 = arith.constant 0 : i32
      %dma_wait3A_90 = tpu.memref_slice %arg7[%add3A_11, %dma_wait3A_89] : memref<10000x128xf32, #tpu.memory_space<vmem_shared>> -> memref<80x128xf32, #tpu.memory_space<vmem_shared>>
      %dma_wait3A_91 = arith.constant 0 : i32
      %dma_wait3A_92 = tpu.memref_slice %arg7[%add3A_11, %dma_wait3A_91] : memref<10000x128xf32, #tpu.memory_space<vmem_shared>> -> memref<80x128xf32, #tpu.memory_space<vmem_shared>>
      tpu.wait_dma2 semaphore(%run_scoped3A_84 : memref<!tpu.dma_semaphore, #tpu.memory_space<semaphore_mem>>) src(%arg10 : memref<80x128xf32, #tpu.memory_space<vmem>>) dst(%dma_wait3A_92 : memref<80x128xf32, #tpu.memory_space<vmem_shared>>)
      tpu.yield
    }) : () -> ()
    %add3A_12 = arith.constant 480 : i32
    %add3A_13 = arith.addi %mul3A_0, %add3A_12 : i32
    "tpu.region"() ({
      %run_scoped3A_84 = tpu.sem_alloc : memref<!tpu.dma_semaphore, #tpu.memory_space<semaphore_mem>>
      %dma_start3A_85 = arith.constant 0 : i32
      %dma_start3A_86 = tpu.memref_slice %arg7[%add3A_13, %dma_start3A_85] : memref<10000x128xf32, #tpu.memory_space<vmem_shared>> -> memref<80x128xf32, #tpu.memory_space<vmem_shared>>
      %dma_start3A_87 = arith.constant 0 : i32
      %dma_start3A_88 = tpu.memref_slice %arg7[%add3A_13, %dma_start3A_87] : memref<10000x128xf32, #tpu.memory_space<vmem_shared>> -> memref<80x128xf32, #tpu.memory_space<vmem_shared>>
      tpu.enqueue_dma source(%arg10 : memref<80x128xf32, #tpu.memory_space<vmem>>) target(%dma_start3A_88 : memref<80x128xf32, #tpu.memory_space<vmem_shared>>) target_semaphore(%run_scoped3A_84 : memref<!tpu.dma_semaphore, #tpu.memory_space<semaphore_mem>>)
      %dma_wait3A_89 = arith.constant 0 : i32
      %dma_wait3A_90 = tpu.memref_slice %arg7[%add3A_13, %dma_wait3A_89] : memref<10000x128xf32, #tpu.memory_space<vmem_shared>> -> memref<80x128xf32, #tpu.memory_space<vmem_shared>>
      %dma_wait3A_91 = arith.constant 0 : i32
      %dma_wait3A_92 = tpu.memref_slice %arg7[%add3A_13, %dma_wait3A_91] : memref<10000x128xf32, #tpu.memory_space<vmem_shared>> -> memref<80x128xf32, #tpu.memory_space<vmem_shared>>
      tpu.wait_dma2 semaphore(%run_scoped3A_84 : memref<!tpu.dma_semaphore, #tpu.memory_space<semaphore_mem>>) src(%arg10 : memref<80x128xf32, #tpu.memory_space<vmem>>) dst(%dma_wait3A_92 : memref<80x128xf32, #tpu.memory_space<vmem_shared>>)
      tpu.yield
    }) : () -> ()
    %add3A_14 = arith.constant 560 : i32
    %add3A_15 = arith.addi %mul3A_0, %add3A_14 : i32
    "tpu.region"() ({
      %run_scoped3A_84 = tpu.sem_alloc : memref<!tpu.dma_semaphore, #tpu.memory_space<semaphore_mem>>
      %dma_start3A_85 = arith.constant 0 : i32
      %dma_start3A_86 = arith.constant 0 : i32
      %dma_start3A_87 = tpu.memref_slice %arg10[%dma_start3A_85, %dma_start3A_86] : memref<80x128xf32, #tpu.memory_space<vmem>> -> memref<64x128xf32, #tpu.memory_space<vmem>>
      %dma_start3A_88 = arith.constant 0 : i32
      %dma_start3A_89 = tpu.memref_slice %arg7[%add3A_15, %dma_start3A_88] : memref<10000x128xf32, #tpu.memory_space<vmem_shared>> -> memref<64x128xf32, #tpu.memory_space<vmem_shared>>
      %dma_start3A_90 = arith.constant 0 : i32
      %dma_start3A_91 = tpu.memref_slice %arg7[%add3A_15, %dma_start3A_90] : memref<10000x128xf32, #tpu.memory_space<vmem_shared>> -> memref<64x128xf32, #tpu.memory_space<vmem_shared>>
      %dma_start3A_92 = arith.constant 0 : i32
      %dma_start3A_93 = arith.constant 0 : i32
      %dma_start3A_94 = tpu.memref_slice %arg10[%dma_start3A_92, %dma_start3A_93] : memref<80x128xf32, #tpu.memory_space<vmem>> -> memref<64x128xf32, #tpu.memory_space<vmem>>
      tpu.enqueue_dma source(%dma_start3A_94 : memref<64x128xf32, #tpu.memory_space<vmem>>) target(%dma_start3A_91 : memref<64x128xf32, #tpu.memory_space<vmem_shared>>) target_semaphore(%run_scoped3A_84 : memref<!tpu.dma_semaphore, #tpu.memory_space<semaphore_mem>>)
      %dma_wait3A_95 = arith.constant 0 : i32
      %dma_wait3A_96 = arith.constant 0 : i32
      %dma_wait3A_97 = tpu.memref_slice %arg10[%dma_wait3A_95, %dma_wait3A_96] : memref<80x128xf32, #tpu.memory_space<vmem>> -> memref<64x128xf32, #tpu.memory_space<vmem>>
      %dma_wait3A_98 = arith.constant 0 : i32
      %dma_wait3A_99 = tpu.memref_slice %arg7[%add3A_15, %dma_wait3A_98] : memref<10000x128xf32, #tpu.memory_space<vmem_shared>> -> memref<64x128xf32, #tpu.memory_space<vmem_shared>>
      %dma_wait3A_100 = arith.constant 0 : i32
      %dma_wait3A_101 = tpu.memref_slice %arg7[%add3A_15, %dma_wait3A_100] : memref<10000x128xf32, #tpu.memory_space<vmem_shared>> -> memref<64x128xf32, #tpu.memory_space<vmem_shared>>
      %dma_wait3A_102 = arith.constant 0 : i32
      %dma_wait3A_103 = arith.constant 0 : i32
      %dma_wait3A_104 = tpu.memref_slice %arg10[%dma_wait3A_102, %dma_wait3A_103] : memref<80x128xf32, #tpu.memory_space<vmem>> -> memref<64x128xf32, #tpu.memory_space<vmem>>
      tpu.wait_dma2 semaphore(%run_scoped3A_84 : memref<!tpu.dma_semaphore, #tpu.memory_space<semaphore_mem>>) src(%dma_wait3A_104 : memref<64x128xf32, #tpu.memory_space<vmem>>) dst(%dma_wait3A_101 : memref<64x128xf32, #tpu.memory_space<vmem_shared>>)
      tpu.yield
    }) : () -> ()
    %eq3A = arith.constant 15 : i32
    %eq3A_16 = arith.cmpi eq, %arg1, %eq3A : i32
    %convert_element_type3A = arith.extui %eq3A_16 : i1 to i32
    %cond3A = arith.constant 0 : i32
    %cond3A_17 = arith.cmpi ne, %convert_element_type3A, %cond3A : i32
    scf.if %cond3A_17 {
      "tpu.region"() ({
        %run_scoped3A_84 = tpu.sem_alloc : memref<!tpu.dma_semaphore, #tpu.memory_space<semaphore_mem>>
        %dma_start3A_85 = arith.constant 0 : i32
        %dma_start3A_86 = arith.constant 0 : i32
        %dma_start3A_87 = tpu.memref_slice %arg10[%dma_start3A_85, %dma_start3A_86] : memref<80x128xf32, #tpu.memory_space<vmem>> -> memref<16x128xf32, #tpu.memory_space<vmem>>
        %dma_start3A_88 = arith.constant 9984 : i32
        %dma_start3A_89 = arith.constant 0 : i32
        %dma_start3A_90 = tpu.memref_slice %arg7[%dma_start3A_88, %dma_start3A_89] : memref<10000x128xf32, #tpu.memory_space<vmem_shared>> -> memref<16x128xf32, #tpu.memory_space<vmem_shared>>
        %dma_start3A_91 = arith.constant 9984 : i32
        %dma_start3A_92 = arith.constant 0 : i32
        %dma_start3A_93 = tpu.memref_slice %arg7[%dma_start3A_91, %dma_start3A_92] : memref<10000x128xf32, #tpu.memory_space<vmem_shared>> -> memref<16x128xf32, #tpu.memory_space<vmem_shared>>
        %dma_start3A_94 = arith.constant 0 : i32
        %dma_start3A_95 = arith.constant 0 : i32
        %dma_start3A_96 = tpu.memref_slice %arg10[%dma_start3A_94, %dma_start3A_95] : memref<80x128xf32, #tpu.memory_space<vmem>> -> memref<16x128xf32, #tpu.memory_space<vmem>>
        tpu.enqueue_dma source(%dma_start3A_96 : memref<16x128xf32, #tpu.memory_space<vmem>>) target(%dma_start3A_93 : memref<16x128xf32, #tpu.memory_space<vmem_shared>>) target_semaphore(%run_scoped3A_84 : memref<!tpu.dma_semaphore, #tpu.memory_space<semaphore_mem>>)
        %dma_wait3A_97 = arith.constant 0 : i32
        %dma_wait3A_98 = arith.constant 0 : i32
        %dma_wait3A_99 = tpu.memref_slice %arg10[%dma_wait3A_97, %dma_wait3A_98] : memref<80x128xf32, #tpu.memory_space<vmem>> -> memref<16x128xf32, #tpu.memory_space<vmem>>
        %dma_wait3A_100 = arith.constant 9984 : i32
        %dma_wait3A_101 = arith.constant 0 : i32
        %dma_wait3A_102 = tpu.memref_slice %arg7[%dma_wait3A_100, %dma_wait3A_101] : memref<10000x128xf32, #tpu.memory_space<vmem_shared>> -> memref<16x128xf32, #tpu.memory_space<vmem_shared>>
        %dma_wait3A_103 = arith.constant 9984 : i32
        %dma_wait3A_104 = arith.constant 0 : i32
        %dma_wait3A_105 = tpu.memref_slice %arg7[%dma_wait3A_103, %dma_wait3A_104] : memref<10000x128xf32, #tpu.memory_space<vmem_shared>> -> memref<16x128xf32, #tpu.memory_space<vmem_shared>>
        %dma_wait3A_106 = arith.constant 0 : i32
        %dma_wait3A_107 = arith.constant 0 : i32
        %dma_wait3A_108 = tpu.memref_slice %arg10[%dma_wait3A_106, %dma_wait3A_107] : memref<80x128xf32, #tpu.memory_space<vmem>> -> memref<16x128xf32, #tpu.memory_space<vmem>>
        tpu.wait_dma2 semaphore(%run_scoped3A_84 : memref<!tpu.dma_semaphore, #tpu.memory_space<semaphore_mem>>) src(%dma_wait3A_108 : memref<16x128xf32, #tpu.memory_space<vmem>>) dst(%dma_wait3A_105 : memref<16x128xf32, #tpu.memory_space<vmem_shared>>)
        tpu.yield
      }) : () -> ()
    } else {
    }
    %mul3A_18 = arith.constant 160000 : i32
    %mul3A_19 = arith.muli %arg0, %mul3A_18 : i32
    %mul3A_20 = arith.constant 10000 : i32
    %mul3A_21 = arith.muli %arg1, %mul3A_20 : i32
    %add3A_22 = arith.addi %mul3A_19, %mul3A_21 : i32
    "tpu.region"() ({
      %run_scoped3A_84 = tpu.sem_alloc : memref<!tpu.dma_semaphore, #tpu.memory_space<semaphore_mem>>
      %dma_start3A_85 = tpu.memref_slice %arg3[%add3A_22] : memref<320000xi32, #tpu.memory_space<hbm>> -> memref<10000xi32, #tpu.memory_space<hbm>>
      %dma_start3A_86 = tpu.memref_slice %arg3[%add3A_22] : memref<320000xi32, #tpu.memory_space<hbm>> -> memref<10000xi32, #tpu.memory_space<hbm>>
      tpu.enqueue_dma source(%dma_start3A_86 : memref<10000xi32, #tpu.memory_space<hbm>>) target(%arg8 : memref<10000xi32, #tpu.memory_space<vmem>>) target_semaphore(%run_scoped3A_84 : memref<!tpu.dma_semaphore, #tpu.memory_space<semaphore_mem>>)
      %dma_wait3A_87 = tpu.memref_slice %arg3[%add3A_22] : memref<320000xi32, #tpu.memory_space<hbm>> -> memref<10000xi32, #tpu.memory_space<hbm>>
      %dma_wait3A_88 = tpu.memref_slice %arg3[%add3A_22] : memref<320000xi32, #tpu.memory_space<hbm>> -> memref<10000xi32, #tpu.memory_space<hbm>>
      tpu.wait_dma2 semaphore(%run_scoped3A_84 : memref<!tpu.dma_semaphore, #tpu.memory_space<semaphore_mem>>) src(%dma_wait3A_88 : memref<10000xi32, #tpu.memory_space<hbm>>) dst(%arg8 : memref<10000xi32, #tpu.memory_space<vmem>>)
      tpu.yield
    }) : () -> ()
    "tpu.region"() ({
      %run_scoped3A_84 = tpu.sem_alloc : memref<!tpu.dma_semaphore, #tpu.memory_space<semaphore_mem>>
      %dma_start3A_85 = arith.constant 0 : i32
      %dma_start3A_86 = arith.constant 0 : i32
      %dma_start3A_87 = tpu.memref_slice %arg4[%arg1, %dma_start3A_85, %dma_start3A_86] : memref<16x125x80xi32, #tpu.memory_space<hbm>> -> memref<1x125x80xi32, #tpu.memory_space<hbm>>
      %dma_start3A_88 = tpu.memref_squeeze %dma_start3A_87 : memref<1x125x80xi32, #tpu.memory_space<hbm>> -> memref<125x80xi32, #tpu.memory_space<hbm>>
      %dma_start3A_89 = arith.constant 0 : i32
      %dma_start3A_90 = arith.constant 0 : i32
      %dma_start3A_91 = tpu.memref_slice %arg4[%arg1, %dma_start3A_89, %dma_start3A_90] : memref<16x125x80xi32, #tpu.memory_space<hbm>> -> memref<1x125x80xi32, #tpu.memory_space<hbm>>
      %dma_start3A_92 = tpu.memref_squeeze %dma_start3A_91 : memref<1x125x80xi32, #tpu.memory_space<hbm>> -> memref<125x80xi32, #tpu.memory_space<hbm>>
      tpu.enqueue_dma source(%dma_start3A_92 : memref<125x80xi32, #tpu.memory_space<hbm>>) target(%arg9 : memref<125x80xi32, #tpu.memory_space<vmem>>) target_semaphore(%run_scoped3A_84 : memref<!tpu.dma_semaphore, #tpu.memory_space<semaphore_mem>>)
      %dma_wait3A_93 = arith.constant 0 : i32
      %dma_wait3A_94 = arith.constant 0 : i32
      %dma_wait3A_95 = tpu.memref_slice %arg4[%arg1, %dma_wait3A_93, %dma_wait3A_94] : memref<16x125x80xi32, #tpu.memory_space<hbm>> -> memref<1x125x80xi32, #tpu.memory_space<hbm>>
      %dma_wait3A_96 = tpu.memref_squeeze %dma_wait3A_95 : memref<1x125x80xi32, #tpu.memory_space<hbm>> -> memref<125x80xi32, #tpu.memory_space<hbm>>
      %dma_wait3A_97 = arith.constant 0 : i32
      %dma_wait3A_98 = arith.constant 0 : i32
      %dma_wait3A_99 = tpu.memref_slice %arg4[%arg1, %dma_wait3A_97, %dma_wait3A_98] : memref<16x125x80xi32, #tpu.memory_space<hbm>> -> memref<1x125x80xi32, #tpu.memory_space<hbm>>
      %dma_wait3A_100 = tpu.memref_squeeze %dma_wait3A_99 : memref<1x125x80xi32, #tpu.memory_space<hbm>> -> memref<125x80xi32, #tpu.memory_space<hbm>>
      tpu.wait_dma2 semaphore(%run_scoped3A_84 : memref<!tpu.dma_semaphore, #tpu.memory_space<semaphore_mem>>) src(%dma_wait3A_100 : memref<125x80xi32, #tpu.memory_space<hbm>>) dst(%arg9 : memref<125x80xi32, #tpu.memory_space<vmem>>)
      tpu.yield
    }) : () -> ()
    %barrier3A = arith.constant 0 : index
    tpu.barrier barrier_id(%barrier3A)
    %dma_start3A = arith.constant 0 : i32
    %dma_start3A_23 = tpu.memref_slice %arg8[%dma_start3A] : memref<10000xi32, #tpu.memory_space<vmem>> -> memref<80xi32, #tpu.memory_space<vmem>>
    %dma_start3A_24 = arith.constant 0 : i32
    %dma_start3A_25 = arith.constant 0 : i32
    %dma_start3A_26 = tpu.memref_slice %arg2[%dma_start3A_24, %dma_start3A_25] : memref<20000x128xf32, #tpu.memory_space<hbm>> -> memref<20000x128xf32, #tpu.memory_space<hbm>>
    tpu.enqueue_indirect_dma source(%dma_start3A_26 : memref<20000x128xf32, #tpu.memory_space<hbm>>) target(%arg10 : memref<80x128xf32, #tpu.memory_space<vmem>>) offsets(%dma_start3A_23 : memref<80xi32, #tpu.memory_space<vmem>>) semaphore(%arg12 : memref<!tpu.dma_semaphore, #tpu.memory_space<semaphore_mem>>)
    %scan3A = arith.constant 0 : i32
    %scan3A_27 = arith.constant 0 : i32
    %scan3A_28 = arith.constant 62 : i32
    %scan3A_29 = arith.addi %scan3A_27, %scan3A_28 : i32
    %scan3A_30 = arith.constant 1 : i32
    scf.for %scan3A_84 = %scan3A_27 to %scan3A_29 step %scan3A_30  : i32 {
      %mul3A_85 = arith.constant 2 : i32
      %mul3A_86 = arith.muli %mul3A_85, %scan3A_84 : i32
      %add3A_87 = arith.constant 1 : i32
      %add3A_88 = arith.addi %mul3A_86, %add3A_87 : i32
      %mul3A_89 = arith.constant 80 : i32
      %mul3A_90 = arith.muli %add3A_88, %mul3A_89 : i32
      %dma_start3A_91 = tpu.memref_slice %arg8[%mul3A_90] : memref<10000xi32, #tpu.memory_space<vmem>> -> memref<80xi32, #tpu.memory_space<vmem>>
      %dma_start3A_92 = arith.constant 0 : i32
      %dma_start3A_93 = arith.constant 0 : i32
      %dma_start3A_94 = tpu.memref_slice %arg2[%dma_start3A_92, %dma_start3A_93] : memref<20000x128xf32, #tpu.memory_space<hbm>> -> memref<20000x128xf32, #tpu.memory_space<hbm>>
      tpu.enqueue_indirect_dma source(%dma_start3A_94 : memref<20000x128xf32, #tpu.memory_space<hbm>>) target(%arg11 : memref<80x128xf32, #tpu.memory_space<vmem>>) offsets(%dma_start3A_91 : memref<80xi32, #tpu.memory_space<vmem>>) semaphore(%arg13 : memref<!tpu.dma_semaphore, #tpu.memory_space<semaphore_mem>>)
      %mul3A_95 = arith.constant 80 : i32
      %mul3A_96 = arith.muli %mul3A_86, %mul3A_95 : i32
      %dma_wait3A_97 = tpu.memref_slice %arg8[%mul3A_96] : memref<10000xi32, #tpu.memory_space<vmem>> -> memref<80xi32, #tpu.memory_space<vmem>>
      %dma_wait3A_98 = arith.constant 0 : i32
      %dma_wait3A_99 = arith.constant 0 : i32
      %dma_wait3A_100 = tpu.memref_slice %arg2[%dma_wait3A_98, %dma_wait3A_99] : memref<20000x128xf32, #tpu.memory_space<hbm>> -> memref<20000x128xf32, #tpu.memory_space<hbm>>
      tpu.wait_indirect_dma semaphore(%arg12 : memref<!tpu.dma_semaphore, #tpu.memory_space<semaphore_mem>>) src(%dma_wait3A_100 : memref<20000x128xf32, #tpu.memory_space<hbm>>) dst(%arg10 : memref<80x128xf32, #tpu.memory_space<vmem>>)
      "tpu.region"() ({
        %run_scoped3A_119 = tpu.sem_alloc : memref<!tpu.dma_semaphore, #tpu.memory_space<semaphore_mem>>
        %dma_start3A_120 = arith.constant 0 : i32
        %dma_start3A_121 = tpu.memref_slice %arg9[%mul3A_86, %dma_start3A_120] : memref<125x80xi32, #tpu.memory_space<vmem>> -> memref<1x80xi32, #tpu.memory_space<vmem>>
        %dma_start3A_122 = tpu.memref_squeeze %dma_start3A_121 : memref<1x80xi32, #tpu.memory_space<vmem>> -> memref<80xi32, #tpu.memory_space<vmem>>
        %dma_start3A_123 = arith.constant 0 : i32
        %dma_start3A_124 = arith.constant 0 : i32
        %dma_start3A_125 = tpu.memref_slice %arg7[%dma_start3A_123, %dma_start3A_124] : memref<10000x128xf32, #tpu.memory_space<vmem_shared>> -> memref<10000x128xf32, #tpu.memory_space<vmem_shared>>
        tpu.enqueue_indirect_dma source(%arg10 : memref<80x128xf32, #tpu.memory_space<vmem>>) target(%dma_start3A_125 : memref<10000x128xf32, #tpu.memory_space<vmem_shared>>) offsets(%dma_start3A_122 : memref<80xi32, #tpu.memory_space<vmem>>) semaphore(%run_scoped3A_119 : memref<!tpu.dma_semaphore, #tpu.memory_space<semaphore_mem>>) {add = true}
        %dma_wait3A_126 = arith.constant 0 : i32
        %dma_wait3A_127 = tpu.memref_slice %arg9[%mul3A_86, %dma_wait3A_126] : memref<125x80xi32, #tpu.memory_space<vmem>> -> memref<1x80xi32, #tpu.memory_space<vmem>>
        %dma_wait3A_128 = tpu.memref_squeeze %dma_wait3A_127 : memref<1x80xi32, #tpu.memory_space<vmem>> -> memref<80xi32, #tpu.memory_space<vmem>>
        %dma_wait3A_129 = arith.constant 0 : i32
        %dma_wait3A_130 = arith.constant 0 : i32
        %dma_wait3A_131 = tpu.memref_slice %arg7[%dma_wait3A_129, %dma_wait3A_130] : memref<10000x128xf32, #tpu.memory_space<vmem_shared>> -> memref<10000x128xf32, #tpu.memory_space<vmem_shared>>
        tpu.wait_indirect_dma semaphore(%run_scoped3A_119 : memref<!tpu.dma_semaphore, #tpu.memory_space<semaphore_mem>>) src(%arg10 : memref<80x128xf32, #tpu.memory_space<vmem>>) dst(%dma_wait3A_131 : memref<10000x128xf32, #tpu.memory_space<vmem_shared>>)
        tpu.yield
      }) : () -> ()
      %add3A_101 = arith.constant 2 : i32
      %add3A_102 = arith.addi %mul3A_86, %add3A_101 : i32
      %mul3A_103 = arith.constant 80 : i32
      %mul3A_104 = arith.muli %add3A_102, %mul3A_103 : i32
      %dma_start3A_105 = tpu.memref_slice %arg8[%mul3A_104] : memref<10000xi32, #tpu.memory_space<vmem>> -> memref<80xi32, #tpu.memory_space<vmem>>
      %dma_start3A_106 = arith.constant 0 : i32
      %dma_start3A_107 = arith.constant 0 : i32
      %dma_start3A_108 = tpu.memref_slice %arg2[%dma_start3A_106, %dma_start3A_107] : memref<20000x128xf32, #tpu.memory_space<hbm>> -> memref<20000x128xf32, #tpu.memory_space<hbm>>
      tpu.enqueue_indirect_dma source(%dma_start3A_108 : memref<20000x128xf32, #tpu.memory_space<hbm>>) target(%arg10 : memref<80x128xf32, #tpu.memory_space<vmem>>) offsets(%dma_start3A_105 : memref<80xi32, #tpu.memory_space<vmem>>) semaphore(%arg12 : memref<!tpu.dma_semaphore, #tpu.memory_space<semaphore_mem>>)
      %add3A_109 = arith.constant 1 : i32
      %add3A_110 = arith.addi %mul3A_86, %add3A_109 : i32
      %mul3A_111 = arith.constant 80 : i32
      %mul3A_112 = arith.muli %add3A_110, %mul3A_111 : i32
      %dma_wait3A_113 = tpu.memref_slice %arg8[%mul3A_112] : memref<10000xi32, #tpu.memory_space<vmem>> -> memref<80xi32, #tpu.memory_space<vmem>>
      %dma_wait3A_114 = arith.constant 0 : i32
      %dma_wait3A_115 = arith.constant 0 : i32
      %dma_wait3A_116 = tpu.memref_slice %arg2[%dma_wait3A_114, %dma_wait3A_115] : memref<20000x128xf32, #tpu.memory_space<hbm>> -> memref<20000x128xf32, #tpu.memory_space<hbm>>
      tpu.wait_indirect_dma semaphore(%arg13 : memref<!tpu.dma_semaphore, #tpu.memory_space<semaphore_mem>>) src(%dma_wait3A_116 : memref<20000x128xf32, #tpu.memory_space<hbm>>) dst(%arg11 : memref<80x128xf32, #tpu.memory_space<vmem>>)
      %add3A_117 = arith.constant 1 : i32
      %add3A_118 = arith.addi %mul3A_86, %add3A_117 : i32
      "tpu.region"() ({
        %run_scoped3A_119 = tpu.sem_alloc : memref<!tpu.dma_semaphore, #tpu.memory_space<semaphore_mem>>
        %dma_start3A_120 = arith.constant 0 : i32
        %dma_start3A_121 = tpu.memref_slice %arg9[%add3A_118, %dma_start3A_120] : memref<125x80xi32, #tpu.memory_space<vmem>> -> memref<1x80xi32, #tpu.memory_space<vmem>>
        %dma_start3A_122 = tpu.memref_squeeze %dma_start3A_121 : memref<1x80xi32, #tpu.memory_space<vmem>> -> memref<80xi32, #tpu.memory_space<vmem>>
        %dma_start3A_123 = arith.constant 0 : i32
        %dma_start3A_124 = arith.constant 0 : i32
        %dma_start3A_125 = tpu.memref_slice %arg7[%dma_start3A_123, %dma_start3A_124] : memref<10000x128xf32, #tpu.memory_space<vmem_shared>> -> memref<10000x128xf32, #tpu.memory_space<vmem_shared>>
        tpu.enqueue_indirect_dma source(%arg11 : memref<80x128xf32, #tpu.memory_space<vmem>>) target(%dma_start3A_125 : memref<10000x128xf32, #tpu.memory_space<vmem_shared>>) offsets(%dma_start3A_122 : memref<80xi32, #tpu.memory_space<vmem>>) semaphore(%run_scoped3A_119 : memref<!tpu.dma_semaphore, #tpu.memory_space<semaphore_mem>>) {add = true}
        %dma_wait3A_126 = arith.constant 0 : i32
        %dma_wait3A_127 = tpu.memref_slice %arg9[%add3A_118, %dma_wait3A_126] : memref<125x80xi32, #tpu.memory_space<vmem>> -> memref<1x80xi32, #tpu.memory_space<vmem>>
        %dma_wait3A_128 = tpu.memref_squeeze %dma_wait3A_127 : memref<1x80xi32, #tpu.memory_space<vmem>> -> memref<80xi32, #tpu.memory_space<vmem>>
        %dma_wait3A_129 = arith.constant 0 : i32
        %dma_wait3A_130 = arith.constant 0 : i32
        %dma_wait3A_131 = tpu.memref_slice %arg7[%dma_wait3A_129, %dma_wait3A_130] : memref<10000x128xf32, #tpu.memory_space<vmem_shared>> -> memref<10000x128xf32, #tpu.memory_space<vmem_shared>>
        tpu.wait_indirect_dma semaphore(%run_scoped3A_119 : memref<!tpu.dma_semaphore, #tpu.memory_space<semaphore_mem>>) src(%arg11 : memref<80x128xf32, #tpu.memory_space<vmem>>) dst(%dma_wait3A_131 : memref<10000x128xf32, #tpu.memory_space<vmem_shared>>)
        tpu.yield
      }) : () -> ()
    }
    %scan3A_31 = arith.constant 62 : i32
    %dma_wait3A = arith.constant 9920 : i32
    %dma_wait3A_32 = tpu.memref_slice %arg8[%dma_wait3A] : memref<10000xi32, #tpu.memory_space<vmem>> -> memref<80xi32, #tpu.memory_space<vmem>>
    %dma_wait3A_33 = arith.constant 0 : i32
    %dma_wait3A_34 = arith.constant 0 : i32
    %dma_wait3A_35 = tpu.memref_slice %arg2[%dma_wait3A_33, %dma_wait3A_34] : memref<20000x128xf32, #tpu.memory_space<hbm>> -> memref<20000x128xf32, #tpu.memory_space<hbm>>
    tpu.wait_indirect_dma semaphore(%arg12 : memref<!tpu.dma_semaphore, #tpu.memory_space<semaphore_mem>>) src(%dma_wait3A_35 : memref<20000x128xf32, #tpu.memory_space<hbm>>) dst(%arg10 : memref<80x128xf32, #tpu.memory_space<vmem>>)
    %run_scoped3A = arith.constant 124 : i32
    "tpu.region"() ({
      %run_scoped3A_84 = tpu.sem_alloc : memref<!tpu.dma_semaphore, #tpu.memory_space<semaphore_mem>>
      %dma_start3A_85 = arith.constant 0 : i32
      %dma_start3A_86 = tpu.memref_slice %arg9[%run_scoped3A, %dma_start3A_85] : memref<125x80xi32, #tpu.memory_space<vmem>> -> memref<1x80xi32, #tpu.memory_space<vmem>>
      %dma_start3A_87 = tpu.memref_squeeze %dma_start3A_86 : memref<1x80xi32, #tpu.memory_space<vmem>> -> memref<80xi32, #tpu.memory_space<vmem>>
      %dma_start3A_88 = arith.constant 0 : i32
      %dma_start3A_89 = arith.constant 0 : i32
      %dma_start3A_90 = tpu.memref_slice %arg7[%dma_start3A_88, %dma_start3A_89] : memref<10000x128xf32, #tpu.memory_space<vmem_shared>> -> memref<10000x128xf32, #tpu.memory_space<vmem_shared>>
      tpu.enqueue_indirect_dma source(%arg10 : memref<80x128xf32, #tpu.memory_space<vmem>>) target(%dma_start3A_90 : memref<10000x128xf32, #tpu.memory_space<vmem_shared>>) offsets(%dma_start3A_87 : memref<80xi32, #tpu.memory_space<vmem>>) semaphore(%run_scoped3A_84 : memref<!tpu.dma_semaphore, #tpu.memory_space<semaphore_mem>>) {add = true}
      %dma_wait3A_91 = arith.constant 0 : i32
      %dma_wait3A_92 = tpu.memref_slice %arg9[%run_scoped3A, %dma_wait3A_91] : memref<125x80xi32, #tpu.memory_space<vmem>> -> memref<1x80xi32, #tpu.memory_space<vmem>>
      %dma_wait3A_93 = tpu.memref_squeeze %dma_wait3A_92 : memref<1x80xi32, #tpu.memory_space<vmem>> -> memref<80xi32, #tpu.memory_space<vmem>>
      %dma_wait3A_94 = arith.constant 0 : i32
      %dma_wait3A_95 = arith.constant 0 : i32
      %dma_wait3A_96 = tpu.memref_slice %arg7[%dma_wait3A_94, %dma_wait3A_95] : memref<10000x128xf32, #tpu.memory_space<vmem_shared>> -> memref<10000x128xf32, #tpu.memory_space<vmem_shared>>
      tpu.wait_indirect_dma semaphore(%run_scoped3A_84 : memref<!tpu.dma_semaphore, #tpu.memory_space<semaphore_mem>>) src(%arg10 : memref<80x128xf32, #tpu.memory_space<vmem>>) dst(%dma_wait3A_96 : memref<10000x128xf32, #tpu.memory_space<vmem_shared>>)
      tpu.yield
    }) : () -> ()
    %barrier3A_36 = arith.constant 0 : index
    tpu.barrier barrier_id(%barrier3A_36)
    %mul3A_37 = arith.constant 10000 : i32
    %mul3A_38 = arith.muli %arg0, %mul3A_37 : i32
    %add3A_39 = arith.constant 0 : i32
    %add3A_40 = arith.addi %mul3A_0, %add3A_39 : i32
    "tpu.region"() ({
      %run_scoped3A_84 = tpu.sem_alloc : memref<!tpu.dma_semaphore, #tpu.memory_space<semaphore_mem>>
      %dma_start3A_85 = arith.constant 0 : i32
      %dma_start3A_86 = tpu.memref_slice %arg7[%add3A_40, %dma_start3A_85] : memref<10000x128xf32, #tpu.memory_space<vmem_shared>> -> memref<80x128xf32, #tpu.memory_space<vmem_shared>>
      %dma_start3A_87 = arith.constant 0 : i32
      %dma_start3A_88 = tpu.memref_slice %arg7[%add3A_40, %dma_start3A_87] : memref<10000x128xf32, #tpu.memory_space<vmem_shared>> -> memref<80x128xf32, #tpu.memory_space<vmem_shared>>
      tpu.enqueue_dma source(%dma_start3A_88 : memref<80x128xf32, #tpu.memory_space<vmem_shared>>) target(%arg10 : memref<80x128xf32, #tpu.memory_space<vmem>>) target_semaphore(%run_scoped3A_84 : memref<!tpu.dma_semaphore, #tpu.memory_space<semaphore_mem>>)
      %dma_wait3A_89 = arith.constant 0 : i32
      %dma_wait3A_90 = tpu.memref_slice %arg7[%add3A_40, %dma_wait3A_89] : memref<10000x128xf32, #tpu.memory_space<vmem_shared>> -> memref<80x128xf32, #tpu.memory_space<vmem_shared>>
      %dma_wait3A_91 = arith.constant 0 : i32
      %dma_wait3A_92 = tpu.memref_slice %arg7[%add3A_40, %dma_wait3A_91] : memref<10000x128xf32, #tpu.memory_space<vmem_shared>> -> memref<80x128xf32, #tpu.memory_space<vmem_shared>>
      tpu.wait_dma2 semaphore(%run_scoped3A_84 : memref<!tpu.dma_semaphore, #tpu.memory_space<semaphore_mem>>) src(%dma_wait3A_92 : memref<80x128xf32, #tpu.memory_space<vmem_shared>>) dst(%arg10 : memref<80x128xf32, #tpu.memory_space<vmem>>)
      tpu.yield
    }) : () -> ()
    %add3A_41 = arith.addi %mul3A_38, %mul3A_0 : i32
    %add3A_42 = arith.constant 0 : i32
    %add3A_43 = arith.addi %add3A_41, %add3A_42 : i32
    "tpu.region"() ({
      %run_scoped3A_84 = tpu.sem_alloc : memref<!tpu.dma_semaphore, #tpu.memory_space<semaphore_mem>>
      %dma_start3A_85 = arith.constant 0 : i32
      %dma_start3A_86 = tpu.memref_slice %arg6[%add3A_43, %dma_start3A_85] : memref<20000x128xf32, #tpu.memory_space<hbm>> -> memref<80x128xf32, #tpu.memory_space<hbm>>
      %dma_start3A_87 = arith.constant 0 : i32
      %dma_start3A_88 = tpu.memref_slice %arg6[%add3A_43, %dma_start3A_87] : memref<20000x128xf32, #tpu.memory_space<hbm>> -> memref<80x128xf32, #tpu.memory_space<hbm>>
      tpu.enqueue_dma source(%arg10 : memref<80x128xf32, #tpu.memory_space<vmem>>) target(%dma_start3A_88 : memref<80x128xf32, #tpu.memory_space<hbm>>) target_semaphore(%run_scoped3A_84 : memref<!tpu.dma_semaphore, #tpu.memory_space<semaphore_mem>>)
      %dma_wait3A_89 = arith.constant 0 : i32
      %dma_wait3A_90 = tpu.memref_slice %arg6[%add3A_43, %dma_wait3A_89] : memref<20000x128xf32, #tpu.memory_space<hbm>> -> memref<80x128xf32, #tpu.memory_space<hbm>>
      %dma_wait3A_91 = arith.constant 0 : i32
      %dma_wait3A_92 = tpu.memref_slice %arg6[%add3A_43, %dma_wait3A_91] : memref<20000x128xf32, #tpu.memory_space<hbm>> -> memref<80x128xf32, #tpu.memory_space<hbm>>
      tpu.wait_dma2 semaphore(%run_scoped3A_84 : memref<!tpu.dma_semaphore, #tpu.memory_space<semaphore_mem>>) src(%arg10 : memref<80x128xf32, #tpu.memory_space<vmem>>) dst(%dma_wait3A_92 : memref<80x128xf32, #tpu.memory_space<hbm>>)
      tpu.yield
    }) : () -> ()
    %add3A_44 = arith.constant 80 : i32
    %add3A_45 = arith.addi %mul3A_0, %add3A_44 : i32
    "tpu.region"() ({
      %run_scoped3A_84 = tpu.sem_alloc : memref<!tpu.dma_semaphore, #tpu.memory_space<semaphore_mem>>
      %dma_start3A_85 = arith.constant 0 : i32
      %dma_start3A_86 = tpu.memref_slice %arg7[%add3A_45, %dma_start3A_85] : memref<10000x128xf32, #tpu.memory_space<vmem_shared>> -> memref<80x128xf32, #tpu.memory_space<vmem_shared>>
      %dma_start3A_87 = arith.constant 0 : i32
      %dma_start3A_88 = tpu.memref_slice %arg7[%add3A_45, %dma_start3A_87] : memref<10000x128xf32, #tpu.memory_space<vmem_shared>> -> memref<80x128xf32, #tpu.memory_space<vmem_shared>>
      tpu.enqueue_dma source(%dma_start3A_88 : memref<80x128xf32, #tpu.memory_space<vmem_shared>>) target(%arg10 : memref<80x128xf32, #tpu.memory_space<vmem>>) target_semaphore(%run_scoped3A_84 : memref<!tpu.dma_semaphore, #tpu.memory_space<semaphore_mem>>)
      %dma_wait3A_89 = arith.constant 0 : i32
      %dma_wait3A_90 = tpu.memref_slice %arg7[%add3A_45, %dma_wait3A_89] : memref<10000x128xf32, #tpu.memory_space<vmem_shared>> -> memref<80x128xf32, #tpu.memory_space<vmem_shared>>
      %dma_wait3A_91 = arith.constant 0 : i32
      %dma_wait3A_92 = tpu.memref_slice %arg7[%add3A_45, %dma_wait3A_91] : memref<10000x128xf32, #tpu.memory_space<vmem_shared>> -> memref<80x128xf32, #tpu.memory_space<vmem_shared>>
      tpu.wait_dma2 semaphore(%run_scoped3A_84 : memref<!tpu.dma_semaphore, #tpu.memory_space<semaphore_mem>>) src(%dma_wait3A_92 : memref<80x128xf32, #tpu.memory_space<vmem_shared>>) dst(%arg10 : memref<80x128xf32, #tpu.memory_space<vmem>>)
      tpu.yield
    }) : () -> ()
    %add3A_46 = arith.addi %mul3A_38, %mul3A_0 : i32
    %add3A_47 = arith.constant 80 : i32
    %add3A_48 = arith.addi %add3A_46, %add3A_47 : i32
    "tpu.region"() ({
      %run_scoped3A_84 = tpu.sem_alloc : memref<!tpu.dma_semaphore, #tpu.memory_space<semaphore_mem>>
      %dma_start3A_85 = arith.constant 0 : i32
      %dma_start3A_86 = tpu.memref_slice %arg6[%add3A_48, %dma_start3A_85] : memref<20000x128xf32, #tpu.memory_space<hbm>> -> memref<80x128xf32, #tpu.memory_space<hbm>>
      %dma_start3A_87 = arith.constant 0 : i32
      %dma_start3A_88 = tpu.memref_slice %arg6[%add3A_48, %dma_start3A_87] : memref<20000x128xf32, #tpu.memory_space<hbm>> -> memref<80x128xf32, #tpu.memory_space<hbm>>
      tpu.enqueue_dma source(%arg10 : memref<80x128xf32, #tpu.memory_space<vmem>>) target(%dma_start3A_88 : memref<80x128xf32, #tpu.memory_space<hbm>>) target_semaphore(%run_scoped3A_84 : memref<!tpu.dma_semaphore, #tpu.memory_space<semaphore_mem>>)
      %dma_wait3A_89 = arith.constant 0 : i32
      %dma_wait3A_90 = tpu.memref_slice %arg6[%add3A_48, %dma_wait3A_89] : memref<20000x128xf32, #tpu.memory_space<hbm>> -> memref<80x128xf32, #tpu.memory_space<hbm>>
      %dma_wait3A_91 = arith.constant 0 : i32
      %dma_wait3A_92 = tpu.memref_slice %arg6[%add3A_48, %dma_wait3A_91] : memref<20000x128xf32, #tpu.memory_space<hbm>> -> memref<80x128xf32, #tpu.memory_space<hbm>>
      tpu.wait_dma2 semaphore(%run_scoped3A_84 : memref<!tpu.dma_semaphore, #tpu.memory_space<semaphore_mem>>) src(%arg10 : memref<80x128xf32, #tpu.memory_space<vmem>>) dst(%dma_wait3A_92 : memref<80x128xf32, #tpu.memory_space<hbm>>)
      tpu.yield
    }) : () -> ()
    %add3A_49 = arith.constant 160 : i32
    %add3A_50 = arith.addi %mul3A_0, %add3A_49 : i32
    "tpu.region"() ({
      %run_scoped3A_84 = tpu.sem_alloc : memref<!tpu.dma_semaphore, #tpu.memory_space<semaphore_mem>>
      %dma_start3A_85 = arith.constant 0 : i32
      %dma_start3A_86 = tpu.memref_slice %arg7[%add3A_50, %dma_start3A_85] : memref<10000x128xf32, #tpu.memory_space<vmem_shared>> -> memref<80x128xf32, #tpu.memory_space<vmem_shared>>
      %dma_start3A_87 = arith.constant 0 : i32
      %dma_start3A_88 = tpu.memref_slice %arg7[%add3A_50, %dma_start3A_87] : memref<10000x128xf32, #tpu.memory_space<vmem_shared>> -> memref<80x128xf32, #tpu.memory_space<vmem_shared>>
      tpu.enqueue_dma source(%dma_start3A_88 : memref<80x128xf32, #tpu.memory_space<vmem_shared>>) target(%arg10 : memref<80x128xf32, #tpu.memory_space<vmem>>) target_semaphore(%run_scoped3A_84 : memref<!tpu.dma_semaphore, #tpu.memory_space<semaphore_mem>>)
      %dma_wait3A_89 = arith.constant 0 : i32
      %dma_wait3A_90 = tpu.memref_slice %arg7[%add3A_50, %dma_wait3A_89] : memref<10000x128xf32, #tpu.memory_space<vmem_shared>> -> memref<80x128xf32, #tpu.memory_space<vmem_shared>>
      %dma_wait3A_91 = arith.constant 0 : i32
      %dma_wait3A_92 = tpu.memref_slice %arg7[%add3A_50, %dma_wait3A_91] : memref<10000x128xf32, #tpu.memory_space<vmem_shared>> -> memref<80x128xf32, #tpu.memory_space<vmem_shared>>
      tpu.wait_dma2 semaphore(%run_scoped3A_84 : memref<!tpu.dma_semaphore, #tpu.memory_space<semaphore_mem>>) src(%dma_wait3A_92 : memref<80x128xf32, #tpu.memory_space<vmem_shared>>) dst(%arg10 : memref<80x128xf32, #tpu.memory_space<vmem>>)
      tpu.yield
    }) : () -> ()
    %add3A_51 = arith.addi %mul3A_38, %mul3A_0 : i32
    %add3A_52 = arith.constant 160 : i32
    %add3A_53 = arith.addi %add3A_51, %add3A_52 : i32
    "tpu.region"() ({
      %run_scoped3A_84 = tpu.sem_alloc : memref<!tpu.dma_semaphore, #tpu.memory_space<semaphore_mem>>
      %dma_start3A_85 = arith.constant 0 : i32
      %dma_start3A_86 = tpu.memref_slice %arg6[%add3A_53, %dma_start3A_85] : memref<20000x128xf32, #tpu.memory_space<hbm>> -> memref<80x128xf32, #tpu.memory_space<hbm>>
      %dma_start3A_87 = arith.constant 0 : i32
      %dma_start3A_88 = tpu.memref_slice %arg6[%add3A_53, %dma_start3A_87] : memref<20000x128xf32, #tpu.memory_space<hbm>> -> memref<80x128xf32, #tpu.memory_space<hbm>>
      tpu.enqueue_dma source(%arg10 : memref<80x128xf32, #tpu.memory_space<vmem>>) target(%dma_start3A_88 : memref<80x128xf32, #tpu.memory_space<hbm>>) target_semaphore(%run_scoped3A_84 : memref<!tpu.dma_semaphore, #tpu.memory_space<semaphore_mem>>)
      %dma_wait3A_89 = arith.constant 0 : i32
      %dma_wait3A_90 = tpu.memref_slice %arg6[%add3A_53, %dma_wait3A_89] : memref<20000x128xf32, #tpu.memory_space<hbm>> -> memref<80x128xf32, #tpu.memory_space<hbm>>
      %dma_wait3A_91 = arith.constant 0 : i32
      %dma_wait3A_92 = tpu.memref_slice %arg6[%add3A_53, %dma_wait3A_91] : memref<20000x128xf32, #tpu.memory_space<hbm>> -> memref<80x128xf32, #tpu.memory_space<hbm>>
      tpu.wait_dma2 semaphore(%run_scoped3A_84 : memref<!tpu.dma_semaphore, #tpu.memory_space<semaphore_mem>>) src(%arg10 : memref<80x128xf32, #tpu.memory_space<vmem>>) dst(%dma_wait3A_92 : memref<80x128xf32, #tpu.memory_space<hbm>>)
      tpu.yield
    }) : () -> ()
    %add3A_54 = arith.constant 240 : i32
    %add3A_55 = arith.addi %mul3A_0, %add3A_54 : i32
    "tpu.region"() ({
      %run_scoped3A_84 = tpu.sem_alloc : memref<!tpu.dma_semaphore, #tpu.memory_space<semaphore_mem>>
      %dma_start3A_85 = arith.constant 0 : i32
      %dma_start3A_86 = tpu.memref_slice %arg7[%add3A_55, %dma_start3A_85] : memref<10000x128xf32, #tpu.memory_space<vmem_shared>> -> memref<80x128xf32, #tpu.memory_space<vmem_shared>>
      %dma_start3A_87 = arith.constant 0 : i32
      %dma_start3A_88 = tpu.memref_slice %arg7[%add3A_55, %dma_start3A_87] : memref<10000x128xf32, #tpu.memory_space<vmem_shared>> -> memref<80x128xf32, #tpu.memory_space<vmem_shared>>
      tpu.enqueue_dma source(%dma_start3A_88 : memref<80x128xf32, #tpu.memory_space<vmem_shared>>) target(%arg10 : memref<80x128xf32, #tpu.memory_space<vmem>>) target_semaphore(%run_scoped3A_84 : memref<!tpu.dma_semaphore, #tpu.memory_space<semaphore_mem>>)
      %dma_wait3A_89 = arith.constant 0 : i32
      %dma_wait3A_90 = tpu.memref_slice %arg7[%add3A_55, %dma_wait3A_89] : memref<10000x128xf32, #tpu.memory_space<vmem_shared>> -> memref<80x128xf32, #tpu.memory_space<vmem_shared>>
      %dma_wait3A_91 = arith.constant 0 : i32
      %dma_wait3A_92 = tpu.memref_slice %arg7[%add3A_55, %dma_wait3A_91] : memref<10000x128xf32, #tpu.memory_space<vmem_shared>> -> memref<80x128xf32, #tpu.memory_space<vmem_shared>>
      tpu.wait_dma2 semaphore(%run_scoped3A_84 : memref<!tpu.dma_semaphore, #tpu.memory_space<semaphore_mem>>) src(%dma_wait3A_92 : memref<80x128xf32, #tpu.memory_space<vmem_shared>>) dst(%arg10 : memref<80x128xf32, #tpu.memory_space<vmem>>)
      tpu.yield
    }) : () -> ()
    %add3A_56 = arith.addi %mul3A_38, %mul3A_0 : i32
    %add3A_57 = arith.constant 240 : i32
    %add3A_58 = arith.addi %add3A_56, %add3A_57 : i32
    "tpu.region"() ({
      %run_scoped3A_84 = tpu.sem_alloc : memref<!tpu.dma_semaphore, #tpu.memory_space<semaphore_mem>>
      %dma_start3A_85 = arith.constant 0 : i32
      %dma_start3A_86 = tpu.memref_slice %arg6[%add3A_58, %dma_start3A_85] : memref<20000x128xf32, #tpu.memory_space<hbm>> -> memref<80x128xf32, #tpu.memory_space<hbm>>
      %dma_start3A_87 = arith.constant 0 : i32
      %dma_start3A_88 = tpu.memref_slice %arg6[%add3A_58, %dma_start3A_87] : memref<20000x128xf32, #tpu.memory_space<hbm>> -> memref<80x128xf32, #tpu.memory_space<hbm>>
      tpu.enqueue_dma source(%arg10 : memref<80x128xf32, #tpu.memory_space<vmem>>) target(%dma_start3A_88 : memref<80x128xf32, #tpu.memory_space<hbm>>) target_semaphore(%run_scoped3A_84 : memref<!tpu.dma_semaphore, #tpu.memory_space<semaphore_mem>>)
      %dma_wait3A_89 = arith.constant 0 : i32
      %dma_wait3A_90 = tpu.memref_slice %arg6[%add3A_58, %dma_wait3A_89] : memref<20000x128xf32, #tpu.memory_space<hbm>> -> memref<80x128xf32, #tpu.memory_space<hbm>>
      %dma_wait3A_91 = arith.constant 0 : i32
      %dma_wait3A_92 = tpu.memref_slice %arg6[%add3A_58, %dma_wait3A_91] : memref<20000x128xf32, #tpu.memory_space<hbm>> -> memref<80x128xf32, #tpu.memory_space<hbm>>
      tpu.wait_dma2 semaphore(%run_scoped3A_84 : memref<!tpu.dma_semaphore, #tpu.memory_space<semaphore_mem>>) src(%arg10 : memref<80x128xf32, #tpu.memory_space<vmem>>) dst(%dma_wait3A_92 : memref<80x128xf32, #tpu.memory_space<hbm>>)
      tpu.yield
    }) : () -> ()
    %add3A_59 = arith.constant 320 : i32
    %add3A_60 = arith.addi %mul3A_0, %add3A_59 : i32
    "tpu.region"() ({
      %run_scoped3A_84 = tpu.sem_alloc : memref<!tpu.dma_semaphore, #tpu.memory_space<semaphore_mem>>
      %dma_start3A_85 = arith.constant 0 : i32
      %dma_start3A_86 = tpu.memref_slice %arg7[%add3A_60, %dma_start3A_85] : memref<10000x128xf32, #tpu.memory_space<vmem_shared>> -> memref<80x128xf32, #tpu.memory_space<vmem_shared>>
      %dma_start3A_87 = arith.constant 0 : i32
      %dma_start3A_88 = tpu.memref_slice %arg7[%add3A_60, %dma_start3A_87] : memref<10000x128xf32, #tpu.memory_space<vmem_shared>> -> memref<80x128xf32, #tpu.memory_space<vmem_shared>>
      tpu.enqueue_dma source(%dma_start3A_88 : memref<80x128xf32, #tpu.memory_space<vmem_shared>>) target(%arg10 : memref<80x128xf32, #tpu.memory_space<vmem>>) target_semaphore(%run_scoped3A_84 : memref<!tpu.dma_semaphore, #tpu.memory_space<semaphore_mem>>)
      %dma_wait3A_89 = arith.constant 0 : i32
      %dma_wait3A_90 = tpu.memref_slice %arg7[%add3A_60, %dma_wait3A_89] : memref<10000x128xf32, #tpu.memory_space<vmem_shared>> -> memref<80x128xf32, #tpu.memory_space<vmem_shared>>
      %dma_wait3A_91 = arith.constant 0 : i32
      %dma_wait3A_92 = tpu.memref_slice %arg7[%add3A_60, %dma_wait3A_91] : memref<10000x128xf32, #tpu.memory_space<vmem_shared>> -> memref<80x128xf32, #tpu.memory_space<vmem_shared>>
      tpu.wait_dma2 semaphore(%run_scoped3A_84 : memref<!tpu.dma_semaphore, #tpu.memory_space<semaphore_mem>>) src(%dma_wait3A_92 : memref<80x128xf32, #tpu.memory_space<vmem_shared>>) dst(%arg10 : memref<80x128xf32, #tpu.memory_space<vmem>>)
      tpu.yield
    }) : () -> ()
    %add3A_61 = arith.addi %mul3A_38, %mul3A_0 : i32
    %add3A_62 = arith.constant 320 : i32
    %add3A_63 = arith.addi %add3A_61, %add3A_62 : i32
    "tpu.region"() ({
      %run_scoped3A_84 = tpu.sem_alloc : memref<!tpu.dma_semaphore, #tpu.memory_space<semaphore_mem>>
      %dma_start3A_85 = arith.constant 0 : i32
      %dma_start3A_86 = tpu.memref_slice %arg6[%add3A_63, %dma_start3A_85] : memref<20000x128xf32, #tpu.memory_space<hbm>> -> memref<80x128xf32, #tpu.memory_space<hbm>>
      %dma_start3A_87 = arith.constant 0 : i32
      %dma_start3A_88 = tpu.memref_slice %arg6[%add3A_63, %dma_start3A_87] : memref<20000x128xf32, #tpu.memory_space<hbm>> -> memref<80x128xf32, #tpu.memory_space<hbm>>
      tpu.enqueue_dma source(%arg10 : memref<80x128xf32, #tpu.memory_space<vmem>>) target(%dma_start3A_88 : memref<80x128xf32, #tpu.memory_space<hbm>>) target_semaphore(%run_scoped3A_84 : memref<!tpu.dma_semaphore, #tpu.memory_space<semaphore_mem>>)
      %dma_wait3A_89 = arith.constant 0 : i32
      %dma_wait3A_90 = tpu.memref_slice %arg6[%add3A_63, %dma_wait3A_89] : memref<20000x128xf32, #tpu.memory_space<hbm>> -> memref<80x128xf32, #tpu.memory_space<hbm>>
      %dma_wait3A_91 = arith.constant 0 : i32
      %dma_wait3A_92 = tpu.memref_slice %arg6[%add3A_63, %dma_wait3A_91] : memref<20000x128xf32, #tpu.memory_space<hbm>> -> memref<80x128xf32, #tpu.memory_space<hbm>>
      tpu.wait_dma2 semaphore(%run_scoped3A_84 : memref<!tpu.dma_semaphore, #tpu.memory_space<semaphore_mem>>) src(%arg10 : memref<80x128xf32, #tpu.memory_space<vmem>>) dst(%dma_wait3A_92 : memref<80x128xf32, #tpu.memory_space<hbm>>)
      tpu.yield
    }) : () -> ()
    %add3A_64 = arith.constant 400 : i32
    %add3A_65 = arith.addi %mul3A_0, %add3A_64 : i32
    "tpu.region"() ({
      %run_scoped3A_84 = tpu.sem_alloc : memref<!tpu.dma_semaphore, #tpu.memory_space<semaphore_mem>>
      %dma_start3A_85 = arith.constant 0 : i32
      %dma_start3A_86 = tpu.memref_slice %arg7[%add3A_65, %dma_start3A_85] : memref<10000x128xf32, #tpu.memory_space<vmem_shared>> -> memref<80x128xf32, #tpu.memory_space<vmem_shared>>
      %dma_start3A_87 = arith.constant 0 : i32
      %dma_start3A_88 = tpu.memref_slice %arg7[%add3A_65, %dma_start3A_87] : memref<10000x128xf32, #tpu.memory_space<vmem_shared>> -> memref<80x128xf32, #tpu.memory_space<vmem_shared>>
      tpu.enqueue_dma source(%dma_start3A_88 : memref<80x128xf32, #tpu.memory_space<vmem_shared>>) target(%arg10 : memref<80x128xf32, #tpu.memory_space<vmem>>) target_semaphore(%run_scoped3A_84 : memref<!tpu.dma_semaphore, #tpu.memory_space<semaphore_mem>>)
      %dma_wait3A_89 = arith.constant 0 : i32
      %dma_wait3A_90 = tpu.memref_slice %arg7[%add3A_65, %dma_wait3A_89] : memref<10000x128xf32, #tpu.memory_space<vmem_shared>> -> memref<80x128xf32, #tpu.memory_space<vmem_shared>>
      %dma_wait3A_91 = arith.constant 0 : i32
      %dma_wait3A_92 = tpu.memref_slice %arg7[%add3A_65, %dma_wait3A_91] : memref<10000x128xf32, #tpu.memory_space<vmem_shared>> -> memref<80x128xf32, #tpu.memory_space<vmem_shared>>
      tpu.wait_dma2 semaphore(%run_scoped3A_84 : memref<!tpu.dma_semaphore, #tpu.memory_space<semaphore_mem>>) src(%dma_wait3A_92 : memref<80x128xf32, #tpu.memory_space<vmem_shared>>) dst(%arg10 : memref<80x128xf32, #tpu.memory_space<vmem>>)
      tpu.yield
    }) : () -> ()
    %add3A_66 = arith.addi %mul3A_38, %mul3A_0 : i32
    %add3A_67 = arith.constant 400 : i32
    %add3A_68 = arith.addi %add3A_66, %add3A_67 : i32
    "tpu.region"() ({
      %run_scoped3A_84 = tpu.sem_alloc : memref<!tpu.dma_semaphore, #tpu.memory_space<semaphore_mem>>
      %dma_start3A_85 = arith.constant 0 : i32
      %dma_start3A_86 = tpu.memref_slice %arg6[%add3A_68, %dma_start3A_85] : memref<20000x128xf32, #tpu.memory_space<hbm>> -> memref<80x128xf32, #tpu.memory_space<hbm>>
      %dma_start3A_87 = arith.constant 0 : i32
      %dma_start3A_88 = tpu.memref_slice %arg6[%add3A_68, %dma_start3A_87] : memref<20000x128xf32, #tpu.memory_space<hbm>> -> memref<80x128xf32, #tpu.memory_space<hbm>>
      tpu.enqueue_dma source(%arg10 : memref<80x128xf32, #tpu.memory_space<vmem>>) target(%dma_start3A_88 : memref<80x128xf32, #tpu.memory_space<hbm>>) target_semaphore(%run_scoped3A_84 : memref<!tpu.dma_semaphore, #tpu.memory_space<semaphore_mem>>)
      %dma_wait3A_89 = arith.constant 0 : i32
      %dma_wait3A_90 = tpu.memref_slice %arg6[%add3A_68, %dma_wait3A_89] : memref<20000x128xf32, #tpu.memory_space<hbm>> -> memref<80x128xf32, #tpu.memory_space<hbm>>
      %dma_wait3A_91 = arith.constant 0 : i32
      %dma_wait3A_92 = tpu.memref_slice %arg6[%add3A_68, %dma_wait3A_91] : memref<20000x128xf32, #tpu.memory_space<hbm>> -> memref<80x128xf32, #tpu.memory_space<hbm>>
      tpu.wait_dma2 semaphore(%run_scoped3A_84 : memref<!tpu.dma_semaphore, #tpu.memory_space<semaphore_mem>>) src(%arg10 : memref<80x128xf32, #tpu.memory_space<vmem>>) dst(%dma_wait3A_92 : memref<80x128xf32, #tpu.memory_space<hbm>>)
      tpu.yield
    }) : () -> ()
    %add3A_69 = arith.constant 480 : i32
    %add3A_70 = arith.addi %mul3A_0, %add3A_69 : i32
    "tpu.region"() ({
      %run_scoped3A_84 = tpu.sem_alloc : memref<!tpu.dma_semaphore, #tpu.memory_space<semaphore_mem>>
      %dma_start3A_85 = arith.constant 0 : i32
      %dma_start3A_86 = tpu.memref_slice %arg7[%add3A_70, %dma_start3A_85] : memref<10000x128xf32, #tpu.memory_space<vmem_shared>> -> memref<80x128xf32, #tpu.memory_space<vmem_shared>>
      %dma_start3A_87 = arith.constant 0 : i32
      %dma_start3A_88 = tpu.memref_slice %arg7[%add3A_70, %dma_start3A_87] : memref<10000x128xf32, #tpu.memory_space<vmem_shared>> -> memref<80x128xf32, #tpu.memory_space<vmem_shared>>
      tpu.enqueue_dma source(%dma_start3A_88 : memref<80x128xf32, #tpu.memory_space<vmem_shared>>) target(%arg10 : memref<80x128xf32, #tpu.memory_space<vmem>>) target_semaphore(%run_scoped3A_84 : memref<!tpu.dma_semaphore, #tpu.memory_space<semaphore_mem>>)
      %dma_wait3A_89 = arith.constant 0 : i32
      %dma_wait3A_90 = tpu.memref_slice %arg7[%add3A_70, %dma_wait3A_89] : memref<10000x128xf32, #tpu.memory_space<vmem_shared>> -> memref<80x128xf32, #tpu.memory_space<vmem_shared>>
      %dma_wait3A_91 = arith.constant 0 : i32
      %dma_wait3A_92 = tpu.memref_slice %arg7[%add3A_70, %dma_wait3A_91] : memref<10000x128xf32, #tpu.memory_space<vmem_shared>> -> memref<80x128xf32, #tpu.memory_space<vmem_shared>>
      tpu.wait_dma2 semaphore(%run_scoped3A_84 : memref<!tpu.dma_semaphore, #tpu.memory_space<semaphore_mem>>) src(%dma_wait3A_92 : memref<80x128xf32, #tpu.memory_space<vmem_shared>>) dst(%arg10 : memref<80x128xf32, #tpu.memory_space<vmem>>)
      tpu.yield
    }) : () -> ()
    %add3A_71 = arith.addi %mul3A_38, %mul3A_0 : i32
    %add3A_72 = arith.constant 480 : i32
    %add3A_73 = arith.addi %add3A_71, %add3A_72 : i32
    "tpu.region"() ({
      %run_scoped3A_84 = tpu.sem_alloc : memref<!tpu.dma_semaphore, #tpu.memory_space<semaphore_mem>>
      %dma_start3A_85 = arith.constant 0 : i32
      %dma_start3A_86 = tpu.memref_slice %arg6[%add3A_73, %dma_start3A_85] : memref<20000x128xf32, #tpu.memory_space<hbm>> -> memref<80x128xf32, #tpu.memory_space<hbm>>
      %dma_start3A_87 = arith.constant 0 : i32
      %dma_start3A_88 = tpu.memref_slice %arg6[%add3A_73, %dma_start3A_87] : memref<20000x128xf32, #tpu.memory_space<hbm>> -> memref<80x128xf32, #tpu.memory_space<hbm>>
      tpu.enqueue_dma source(%arg10 : memref<80x128xf32, #tpu.memory_space<vmem>>) target(%dma_start3A_88 : memref<80x128xf32, #tpu.memory_space<hbm>>) target_semaphore(%run_scoped3A_84 : memref<!tpu.dma_semaphore, #tpu.memory_space<semaphore_mem>>)
      %dma_wait3A_89 = arith.constant 0 : i32
      %dma_wait3A_90 = tpu.memref_slice %arg6[%add3A_73, %dma_wait3A_89] : memref<20000x128xf32, #tpu.memory_space<hbm>> -> memref<80x128xf32, #tpu.memory_space<hbm>>
      %dma_wait3A_91 = arith.constant 0 : i32
      %dma_wait3A_92 = tpu.memref_slice %arg6[%add3A_73, %dma_wait3A_91] : memref<20000x128xf32, #tpu.memory_space<hbm>> -> memref<80x128xf32, #tpu.memory_space<hbm>>
      tpu.wait_dma2 semaphore(%run_scoped3A_84 : memref<!tpu.dma_semaphore, #tpu.memory_space<semaphore_mem>>) src(%arg10 : memref<80x128xf32, #tpu.memory_space<vmem>>) dst(%dma_wait3A_92 : memref<80x128xf32, #tpu.memory_space<hbm>>)
      tpu.yield
    }) : () -> ()
    %add3A_74 = arith.constant 560 : i32
    %add3A_75 = arith.addi %mul3A_0, %add3A_74 : i32
    "tpu.region"() ({
      %run_scoped3A_84 = tpu.sem_alloc : memref<!tpu.dma_semaphore, #tpu.memory_space<semaphore_mem>>
      %dma_start3A_85 = arith.constant 0 : i32
      %dma_start3A_86 = arith.constant 0 : i32
      %dma_start3A_87 = tpu.memref_slice %arg10[%dma_start3A_85, %dma_start3A_86] : memref<80x128xf32, #tpu.memory_space<vmem>> -> memref<64x128xf32, #tpu.memory_space<vmem>>
      %dma_start3A_88 = arith.constant 0 : i32
      %dma_start3A_89 = tpu.memref_slice %arg7[%add3A_75, %dma_start3A_88] : memref<10000x128xf32, #tpu.memory_space<vmem_shared>> -> memref<64x128xf32, #tpu.memory_space<vmem_shared>>
      %dma_start3A_90 = arith.constant 0 : i32
      %dma_start3A_91 = arith.constant 0 : i32
      %dma_start3A_92 = tpu.memref_slice %arg10[%dma_start3A_90, %dma_start3A_91] : memref<80x128xf32, #tpu.memory_space<vmem>> -> memref<64x128xf32, #tpu.memory_space<vmem>>
      %dma_start3A_93 = arith.constant 0 : i32
      %dma_start3A_94 = tpu.memref_slice %arg7[%add3A_75, %dma_start3A_93] : memref<10000x128xf32, #tpu.memory_space<vmem_shared>> -> memref<64x128xf32, #tpu.memory_space<vmem_shared>>
      tpu.enqueue_dma source(%dma_start3A_94 : memref<64x128xf32, #tpu.memory_space<vmem_shared>>) target(%dma_start3A_92 : memref<64x128xf32, #tpu.memory_space<vmem>>) target_semaphore(%run_scoped3A_84 : memref<!tpu.dma_semaphore, #tpu.memory_space<semaphore_mem>>)
      %dma_wait3A_95 = arith.constant 0 : i32
      %dma_wait3A_96 = arith.constant 0 : i32
      %dma_wait3A_97 = tpu.memref_slice %arg10[%dma_wait3A_95, %dma_wait3A_96] : memref<80x128xf32, #tpu.memory_space<vmem>> -> memref<64x128xf32, #tpu.memory_space<vmem>>
      %dma_wait3A_98 = arith.constant 0 : i32
      %dma_wait3A_99 = tpu.memref_slice %arg7[%add3A_75, %dma_wait3A_98] : memref<10000x128xf32, #tpu.memory_space<vmem_shared>> -> memref<64x128xf32, #tpu.memory_space<vmem_shared>>
      %dma_wait3A_100 = arith.constant 0 : i32
      %dma_wait3A_101 = arith.constant 0 : i32
      %dma_wait3A_102 = tpu.memref_slice %arg10[%dma_wait3A_100, %dma_wait3A_101] : memref<80x128xf32, #tpu.memory_space<vmem>> -> memref<64x128xf32, #tpu.memory_space<vmem>>
      %dma_wait3A_103 = arith.constant 0 : i32
      %dma_wait3A_104 = tpu.memref_slice %arg7[%add3A_75, %dma_wait3A_103] : memref<10000x128xf32, #tpu.memory_space<vmem_shared>> -> memref<64x128xf32, #tpu.memory_space<vmem_shared>>
      tpu.wait_dma2 semaphore(%run_scoped3A_84 : memref<!tpu.dma_semaphore, #tpu.memory_space<semaphore_mem>>) src(%dma_wait3A_104 : memref<64x128xf32, #tpu.memory_space<vmem_shared>>) dst(%dma_wait3A_102 : memref<64x128xf32, #tpu.memory_space<vmem>>)
      tpu.yield
    }) : () -> ()
    %add3A_76 = arith.addi %mul3A_38, %mul3A_0 : i32
    %add3A_77 = arith.constant 560 : i32
    %add3A_78 = arith.addi %add3A_76, %add3A_77 : i32
    "tpu.region"() ({
      %run_scoped3A_84 = tpu.sem_alloc : memref<!tpu.dma_semaphore, #tpu.memory_space<semaphore_mem>>
      %dma_start3A_85 = arith.constant 0 : i32
      %dma_start3A_86 = arith.constant 0 : i32
      %dma_start3A_87 = tpu.memref_slice %arg10[%dma_start3A_85, %dma_start3A_86] : memref<80x128xf32, #tpu.memory_space<vmem>> -> memref<64x128xf32, #tpu.memory_space<vmem>>
      %dma_start3A_88 = arith.constant 0 : i32
      %dma_start3A_89 = tpu.memref_slice %arg6[%add3A_78, %dma_start3A_88] : memref<20000x128xf32, #tpu.memory_space<hbm>> -> memref<64x128xf32, #tpu.memory_space<hbm>>
      %dma_start3A_90 = arith.constant 0 : i32
      %dma_start3A_91 = tpu.memref_slice %arg6[%add3A_78, %dma_start3A_90] : memref<20000x128xf32, #tpu.memory_space<hbm>> -> memref<64x128xf32, #tpu.memory_space<hbm>>
      %dma_start3A_92 = arith.constant 0 : i32
      %dma_start3A_93 = arith.constant 0 : i32
      %dma_start3A_94 = tpu.memref_slice %arg10[%dma_start3A_92, %dma_start3A_93] : memref<80x128xf32, #tpu.memory_space<vmem>> -> memref<64x128xf32, #tpu.memory_space<vmem>>
      tpu.enqueue_dma source(%dma_start3A_94 : memref<64x128xf32, #tpu.memory_space<vmem>>) target(%dma_start3A_91 : memref<64x128xf32, #tpu.memory_space<hbm>>) target_semaphore(%run_scoped3A_84 : memref<!tpu.dma_semaphore, #tpu.memory_space<semaphore_mem>>)
      %dma_wait3A_95 = arith.constant 0 : i32
      %dma_wait3A_96 = arith.constant 0 : i32
      %dma_wait3A_97 = tpu.memref_slice %arg10[%dma_wait3A_95, %dma_wait3A_96] : memref<80x128xf32, #tpu.memory_space<vmem>> -> memref<64x128xf32, #tpu.memory_space<vmem>>
      %dma_wait3A_98 = arith.constant 0 : i32
      %dma_wait3A_99 = tpu.memref_slice %arg6[%add3A_78, %dma_wait3A_98] : memref<20000x128xf32, #tpu.memory_space<hbm>> -> memref<64x128xf32, #tpu.memory_space<hbm>>
      %dma_wait3A_100 = arith.constant 0 : i32
      %dma_wait3A_101 = tpu.memref_slice %arg6[%add3A_78, %dma_wait3A_100] : memref<20000x128xf32, #tpu.memory_space<hbm>> -> memref<64x128xf32, #tpu.memory_space<hbm>>
      %dma_wait3A_102 = arith.constant 0 : i32
      %dma_wait3A_103 = arith.constant 0 : i32
      %dma_wait3A_104 = tpu.memref_slice %arg10[%dma_wait3A_102, %dma_wait3A_103] : memref<80x128xf32, #tpu.memory_space<vmem>> -> memref<64x128xf32, #tpu.memory_space<vmem>>
      tpu.wait_dma2 semaphore(%run_scoped3A_84 : memref<!tpu.dma_semaphore, #tpu.memory_space<semaphore_mem>>) src(%dma_wait3A_104 : memref<64x128xf32, #tpu.memory_space<vmem>>) dst(%dma_wait3A_101 : memref<64x128xf32, #tpu.memory_space<hbm>>)
      tpu.yield
    }) : () -> ()
    %eq3A_79 = arith.constant 15 : i32
    %eq3A_80 = arith.cmpi eq, %arg1, %eq3A_79 : i32
    %convert_element_type3A_81 = arith.extui %eq3A_80 : i1 to i32
    %cond3A_82 = arith.constant 0 : i32
    %cond3A_83 = arith.cmpi ne, %convert_element_type3A_81, %cond3A_82 : i32
    scf.if %cond3A_83 {
      "tpu.region"() ({
        %run_scoped3A_86 = tpu.sem_alloc : memref<!tpu.dma_semaphore, #tpu.memory_space<semaphore_mem>>
        %dma_start3A_87 = arith.constant 0 : i32
        %dma_start3A_88 = arith.constant 0 : i32
        %dma_start3A_89 = tpu.memref_slice %arg10[%dma_start3A_87, %dma_start3A_88] : memref<80x128xf32, #tpu.memory_space<vmem>> -> memref<16x128xf32, #tpu.memory_space<vmem>>
        %dma_start3A_90 = arith.constant 9984 : i32
        %dma_start3A_91 = arith.constant 0 : i32
        %dma_start3A_92 = tpu.memref_slice %arg7[%dma_start3A_90, %dma_start3A_91] : memref<10000x128xf32, #tpu.memory_space<vmem_shared>> -> memref<16x128xf32, #tpu.memory_space<vmem_shared>>
        %dma_start3A_93 = arith.constant 0 : i32
        %dma_start3A_94 = arith.constant 0 : i32
        %dma_start3A_95 = tpu.memref_slice %arg10[%dma_start3A_93, %dma_start3A_94] : memref<80x128xf32, #tpu.memory_space<vmem>> -> memref<16x128xf32, #tpu.memory_space<vmem>>
        %dma_start3A_96 = arith.constant 9984 : i32
        %dma_start3A_97 = arith.constant 0 : i32
        %dma_start3A_98 = tpu.memref_slice %arg7[%dma_start3A_96, %dma_start3A_97] : memref<10000x128xf32, #tpu.memory_space<vmem_shared>> -> memref<16x128xf32, #tpu.memory_space<vmem_shared>>
        tpu.enqueue_dma source(%dma_start3A_98 : memref<16x128xf32, #tpu.memory_space<vmem_shared>>) target(%dma_start3A_95 : memref<16x128xf32, #tpu.memory_space<vmem>>) target_semaphore(%run_scoped3A_86 : memref<!tpu.dma_semaphore, #tpu.memory_space<semaphore_mem>>)
        %dma_wait3A_99 = arith.constant 0 : i32
        %dma_wait3A_100 = arith.constant 0 : i32
        %dma_wait3A_101 = tpu.memref_slice %arg10[%dma_wait3A_99, %dma_wait3A_100] : memref<80x128xf32, #tpu.memory_space<vmem>> -> memref<16x128xf32, #tpu.memory_space<vmem>>
        %dma_wait3A_102 = arith.constant 9984 : i32
        %dma_wait3A_103 = arith.constant 0 : i32
        %dma_wait3A_104 = tpu.memref_slice %arg7[%dma_wait3A_102, %dma_wait3A_103] : memref<10000x128xf32, #tpu.memory_space<vmem_shared>> -> memref<16x128xf32, #tpu.memory_space<vmem_shared>>
        %dma_wait3A_105 = arith.constant 0 : i32
        %dma_wait3A_106 = arith.constant 0 : i32
        %dma_wait3A_107 = tpu.memref_slice %arg10[%dma_wait3A_105, %dma_wait3A_106] : memref<80x128xf32, #tpu.memory_space<vmem>> -> memref<16x128xf32, #tpu.memory_space<vmem>>
        %dma_wait3A_108 = arith.constant 9984 : i32
        %dma_wait3A_109 = arith.constant 0 : i32
        %dma_wait3A_110 = tpu.memref_slice %arg7[%dma_wait3A_108, %dma_wait3A_109] : memref<10000x128xf32, #tpu.memory_space<vmem_shared>> -> memref<16x128xf32, #tpu.memory_space<vmem_shared>>
        tpu.wait_dma2 semaphore(%run_scoped3A_86 : memref<!tpu.dma_semaphore, #tpu.memory_space<semaphore_mem>>) src(%dma_wait3A_110 : memref<16x128xf32, #tpu.memory_space<vmem_shared>>) dst(%dma_wait3A_107 : memref<16x128xf32, #tpu.memory_space<vmem>>)
        tpu.yield
      }) : () -> ()
      %add3A_84 = arith.constant 9984 : i32
      %add3A_85 = arith.addi %mul3A_38, %add3A_84 : i32
      "tpu.region"() ({
        %run_scoped3A_86 = tpu.sem_alloc : memref<!tpu.dma_semaphore, #tpu.memory_space<semaphore_mem>>
        %dma_start3A_87 = arith.constant 0 : i32
        %dma_start3A_88 = arith.constant 0 : i32
        %dma_start3A_89 = tpu.memref_slice %arg10[%dma_start3A_87, %dma_start3A_88] : memref<80x128xf32, #tpu.memory_space<vmem>> -> memref<16x128xf32, #tpu.memory_space<vmem>>
        %dma_start3A_90 = arith.constant 0 : i32
        %dma_start3A_91 = tpu.memref_slice %arg6[%add3A_85, %dma_start3A_90] : memref<20000x128xf32, #tpu.memory_space<hbm>> -> memref<16x128xf32, #tpu.memory_space<hbm>>
        %dma_start3A_92 = arith.constant 0 : i32
        %dma_start3A_93 = tpu.memref_slice %arg6[%add3A_85, %dma_start3A_92] : memref<20000x128xf32, #tpu.memory_space<hbm>> -> memref<16x128xf32, #tpu.memory_space<hbm>>
        %dma_start3A_94 = arith.constant 0 : i32
        %dma_start3A_95 = arith.constant 0 : i32
        %dma_start3A_96 = tpu.memref_slice %arg10[%dma_start3A_94, %dma_start3A_95] : memref<80x128xf32, #tpu.memory_space<vmem>> -> memref<16x128xf32, #tpu.memory_space<vmem>>
        tpu.enqueue_dma source(%dma_start3A_96 : memref<16x128xf32, #tpu.memory_space<vmem>>) target(%dma_start3A_93 : memref<16x128xf32, #tpu.memory_space<hbm>>) target_semaphore(%run_scoped3A_86 : memref<!tpu.dma_semaphore, #tpu.memory_space<semaphore_mem>>)
        %dma_wait3A_97 = arith.constant 0 : i32
        %dma_wait3A_98 = arith.constant 0 : i32
        %dma_wait3A_99 = tpu.memref_slice %arg10[%dma_wait3A_97, %dma_wait3A_98] : memref<80x128xf32, #tpu.memory_space<vmem>> -> memref<16x128xf32, #tpu.memory_space<vmem>>
        %dma_wait3A_100 = arith.constant 0 : i32
        %dma_wait3A_101 = tpu.memref_slice %arg6[%add3A_85, %dma_wait3A_100] : memref<20000x128xf32, #tpu.memory_space<hbm>> -> memref<16x128xf32, #tpu.memory_space<hbm>>
        %dma_wait3A_102 = arith.constant 0 : i32
        %dma_wait3A_103 = tpu.memref_slice %arg6[%add3A_85, %dma_wait3A_102] : memref<20000x128xf32, #tpu.memory_space<hbm>> -> memref<16x128xf32, #tpu.memory_space<hbm>>
        %dma_wait3A_104 = arith.constant 0 : i32
        %dma_wait3A_105 = arith.constant 0 : i32
        %dma_wait3A_106 = tpu.memref_slice %arg10[%dma_wait3A_104, %dma_wait3A_105] : memref<80x128xf32, #tpu.memory_space<vmem>> -> memref<16x128xf32, #tpu.memory_space<vmem>>
        tpu.wait_dma2 semaphore(%run_scoped3A_86 : memref<!tpu.dma_semaphore, #tpu.memory_space<semaphore_mem>>) src(%dma_wait3A_106 : memref<16x128xf32, #tpu.memory_space<vmem>>) dst(%dma_wait3A_103 : memref<16x128xf32, #tpu.memory_space<hbm>>)
        tpu.yield
      }) : () -> ()
    } else {
    }
    return
  }
}

#map = affine_map<(d0, d1) -> (0, 0, 0)>
#map1 = affine_map<(d0, d1) -> (0, 0)>
module attributes {stable_mosaic.version = 14 : i64} {
  func.func @body(%arg0: i32, %arg1: i32, %arg2: memref<16x125x80xi32, #tpu.memory_space<hbm>>, %arg3: memref<10000x128xf32, #tpu.memory_space<hbm>>, %arg4: memref<80x128xf32, #tpu.memory_space<hbm>>, %arg5: memref<20000x128xf32, #tpu.memory_space<hbm>>, %arg6: memref<10000x128xf32, #tpu.memory_space<vmem_shared>>, %arg7: memref<125x80xi32, #tpu.memory_space<vmem>>, %arg8: memref<80x128xf32, #tpu.memory_space<vmem>>, %arg9: memref<!tpu.dma_semaphore, #tpu.memory_space<semaphore_mem>>) attributes {dimension_semantics = [#tpu.dimension_semantics<core_parallel>, #tpu.dimension_semantics<subcore_parallel>], iteration_bounds = array<i64: 2, 16>, scalar_prefetch = 0 : i64, scratch_operands = 4 : i64, tpu.core_type = #tpu.core_type<sc_vector_subcore>, window_params = [{transform_indices = #map}, {transform_indices = #map1}, {transform_indices = #map1}, {transform_indices = #map1}]} {
    %mul3A = arith.constant 624 : i32
    %mul3A_0 = arith.muli %arg1, %mul3A : i32
    "tpu.region"() ({
      %run_scoped3A = tpu.sem_alloc : memref<!tpu.dma_semaphore, #tpu.memory_space<semaphore_mem>>
      %dma_start3A = arith.constant 0 : i32
      %dma_start3A_78 = arith.constant 0 : i32
      %dma_start3A_79 = tpu.memref_slice %arg3[%dma_start3A, %dma_start3A_78] : memref<10000x128xf32, #tpu.memory_space<hbm>> -> memref<80x128xf32, #tpu.memory_space<hbm>>
      %dma_start3A_80 = arith.constant 0 : i32
      %dma_start3A_81 = arith.constant 0 : i32
      %dma_start3A_82 = tpu.memref_slice %arg3[%dma_start3A_80, %dma_start3A_81] : memref<10000x128xf32, #tpu.memory_space<hbm>> -> memref<80x128xf32, #tpu.memory_space<hbm>>
      tpu.enqueue_dma source(%dma_start3A_82 : memref<80x128xf32, #tpu.memory_space<hbm>>) target(%arg8 : memref<80x128xf32, #tpu.memory_space<vmem>>) target_semaphore(%run_scoped3A : memref<!tpu.dma_semaphore, #tpu.memory_space<semaphore_mem>>)
      %dma_wait3A = arith.constant 0 : i32
      %dma_wait3A_83 = arith.constant 0 : i32
      %dma_wait3A_84 = tpu.memref_slice %arg3[%dma_wait3A, %dma_wait3A_83] : memref<10000x128xf32, #tpu.memory_space<hbm>> -> memref<80x128xf32, #tpu.memory_space<hbm>>
      %dma_wait3A_85 = arith.constant 0 : i32
      %dma_wait3A_86 = arith.constant 0 : i32
      %dma_wait3A_87 = tpu.memref_slice %arg3[%dma_wait3A_85, %dma_wait3A_86] : memref<10000x128xf32, #tpu.memory_space<hbm>> -> memref<80x128xf32, #tpu.memory_space<hbm>>
      tpu.wait_dma2 semaphore(%run_scoped3A : memref<!tpu.dma_semaphore, #tpu.memory_space<semaphore_mem>>) src(%dma_wait3A_87 : memref<80x128xf32, #tpu.memory_space<hbm>>) dst(%arg8 : memref<80x128xf32, #tpu.memory_space<vmem>>)
      tpu.yield
    }) : () -> ()
    %add3A = arith.constant 0 : i32
    %add3A_1 = arith.addi %mul3A_0, %add3A : i32
    "tpu.region"() ({
      %run_scoped3A = tpu.sem_alloc : memref<!tpu.dma_semaphore, #tpu.memory_space<semaphore_mem>>
      %dma_start3A = arith.constant 0 : i32
      %dma_start3A_78 = tpu.memref_slice %arg6[%add3A_1, %dma_start3A] : memref<10000x128xf32, #tpu.memory_space<vmem_shared>> -> memref<80x128xf32, #tpu.memory_space<vmem_shared>>
      %dma_start3A_79 = arith.constant 0 : i32
      %dma_start3A_80 = tpu.memref_slice %arg6[%add3A_1, %dma_start3A_79] : memref<10000x128xf32, #tpu.memory_space<vmem_shared>> -> memref<80x128xf32, #tpu.memory_space<vmem_shared>>
      tpu.enqueue_dma source(%arg8 : memref<80x128xf32, #tpu.memory_space<vmem>>) target(%dma_start3A_80 : memref<80x128xf32, #tpu.memory_space<vmem_shared>>) target_semaphore(%run_scoped3A : memref<!tpu.dma_semaphore, #tpu.memory_space<semaphore_mem>>)
      %dma_wait3A = arith.constant 0 : i32
      %dma_wait3A_81 = tpu.memref_slice %arg6[%add3A_1, %dma_wait3A] : memref<10000x128xf32, #tpu.memory_space<vmem_shared>> -> memref<80x128xf32, #tpu.memory_space<vmem_shared>>
      %dma_wait3A_82 = arith.constant 0 : i32
      %dma_wait3A_83 = tpu.memref_slice %arg6[%add3A_1, %dma_wait3A_82] : memref<10000x128xf32, #tpu.memory_space<vmem_shared>> -> memref<80x128xf32, #tpu.memory_space<vmem_shared>>
      tpu.wait_dma2 semaphore(%run_scoped3A : memref<!tpu.dma_semaphore, #tpu.memory_space<semaphore_mem>>) src(%arg8 : memref<80x128xf32, #tpu.memory_space<vmem>>) dst(%dma_wait3A_83 : memref<80x128xf32, #tpu.memory_space<vmem_shared>>)
      tpu.yield
    }) : () -> ()
    %add3A_2 = arith.constant 80 : i32
    %add3A_3 = arith.addi %mul3A_0, %add3A_2 : i32
    "tpu.region"() ({
      %run_scoped3A = tpu.sem_alloc : memref<!tpu.dma_semaphore, #tpu.memory_space<semaphore_mem>>
      %dma_start3A = arith.constant 0 : i32
      %dma_start3A_78 = tpu.memref_slice %arg6[%add3A_3, %dma_start3A] : memref<10000x128xf32, #tpu.memory_space<vmem_shared>> -> memref<80x128xf32, #tpu.memory_space<vmem_shared>>
      %dma_start3A_79 = arith.constant 0 : i32
      %dma_start3A_80 = tpu.memref_slice %arg6[%add3A_3, %dma_start3A_79] : memref<10000x128xf32, #tpu.memory_space<vmem_shared>> -> memref<80x128xf32, #tpu.memory_space<vmem_shared>>
      tpu.enqueue_dma source(%arg8 : memref<80x128xf32, #tpu.memory_space<vmem>>) target(%dma_start3A_80 : memref<80x128xf32, #tpu.memory_space<vmem_shared>>) target_semaphore(%run_scoped3A : memref<!tpu.dma_semaphore, #tpu.memory_space<semaphore_mem>>)
      %dma_wait3A = arith.constant 0 : i32
      %dma_wait3A_81 = tpu.memref_slice %arg6[%add3A_3, %dma_wait3A] : memref<10000x128xf32, #tpu.memory_space<vmem_shared>> -> memref<80x128xf32, #tpu.memory_space<vmem_shared>>
      %dma_wait3A_82 = arith.constant 0 : i32
      %dma_wait3A_83 = tpu.memref_slice %arg6[%add3A_3, %dma_wait3A_82] : memref<10000x128xf32, #tpu.memory_space<vmem_shared>> -> memref<80x128xf32, #tpu.memory_space<vmem_shared>>
      tpu.wait_dma2 semaphore(%run_scoped3A : memref<!tpu.dma_semaphore, #tpu.memory_space<semaphore_mem>>) src(%arg8 : memref<80x128xf32, #tpu.memory_space<vmem>>) dst(%dma_wait3A_83 : memref<80x128xf32, #tpu.memory_space<vmem_shared>>)
      tpu.yield
    }) : () -> ()
    %add3A_4 = arith.constant 160 : i32
    %add3A_5 = arith.addi %mul3A_0, %add3A_4 : i32
    "tpu.region"() ({
      %run_scoped3A = tpu.sem_alloc : memref<!tpu.dma_semaphore, #tpu.memory_space<semaphore_mem>>
      %dma_start3A = arith.constant 0 : i32
      %dma_start3A_78 = tpu.memref_slice %arg6[%add3A_5, %dma_start3A] : memref<10000x128xf32, #tpu.memory_space<vmem_shared>> -> memref<80x128xf32, #tpu.memory_space<vmem_shared>>
      %dma_start3A_79 = arith.constant 0 : i32
      %dma_start3A_80 = tpu.memref_slice %arg6[%add3A_5, %dma_start3A_79] : memref<10000x128xf32, #tpu.memory_space<vmem_shared>> -> memref<80x128xf32, #tpu.memory_space<vmem_shared>>
      tpu.enqueue_dma source(%arg8 : memref<80x128xf32, #tpu.memory_space<vmem>>) target(%dma_start3A_80 : memref<80x128xf32, #tpu.memory_space<vmem_shared>>) target_semaphore(%run_scoped3A : memref<!tpu.dma_semaphore, #tpu.memory_space<semaphore_mem>>)
      %dma_wait3A = arith.constant 0 : i32
      %dma_wait3A_81 = tpu.memref_slice %arg6[%add3A_5, %dma_wait3A] : memref<10000x128xf32, #tpu.memory_space<vmem_shared>> -> memref<80x128xf32, #tpu.memory_space<vmem_shared>>
      %dma_wait3A_82 = arith.constant 0 : i32
      %dma_wait3A_83 = tpu.memref_slice %arg6[%add3A_5, %dma_wait3A_82] : memref<10000x128xf32, #tpu.memory_space<vmem_shared>> -> memref<80x128xf32, #tpu.memory_space<vmem_shared>>
      tpu.wait_dma2 semaphore(%run_scoped3A : memref<!tpu.dma_semaphore, #tpu.memory_space<semaphore_mem>>) src(%arg8 : memref<80x128xf32, #tpu.memory_space<vmem>>) dst(%dma_wait3A_83 : memref<80x128xf32, #tpu.memory_space<vmem_shared>>)
      tpu.yield
    }) : () -> ()
    %add3A_6 = arith.constant 240 : i32
    %add3A_7 = arith.addi %mul3A_0, %add3A_6 : i32
    "tpu.region"() ({
      %run_scoped3A = tpu.sem_alloc : memref<!tpu.dma_semaphore, #tpu.memory_space<semaphore_mem>>
      %dma_start3A = arith.constant 0 : i32
      %dma_start3A_78 = tpu.memref_slice %arg6[%add3A_7, %dma_start3A] : memref<10000x128xf32, #tpu.memory_space<vmem_shared>> -> memref<80x128xf32, #tpu.memory_space<vmem_shared>>
      %dma_start3A_79 = arith.constant 0 : i32
      %dma_start3A_80 = tpu.memref_slice %arg6[%add3A_7, %dma_start3A_79] : memref<10000x128xf32, #tpu.memory_space<vmem_shared>> -> memref<80x128xf32, #tpu.memory_space<vmem_shared>>
      tpu.enqueue_dma source(%arg8 : memref<80x128xf32, #tpu.memory_space<vmem>>) target(%dma_start3A_80 : memref<80x128xf32, #tpu.memory_space<vmem_shared>>) target_semaphore(%run_scoped3A : memref<!tpu.dma_semaphore, #tpu.memory_space<semaphore_mem>>)
      %dma_wait3A = arith.constant 0 : i32
      %dma_wait3A_81 = tpu.memref_slice %arg6[%add3A_7, %dma_wait3A] : memref<10000x128xf32, #tpu.memory_space<vmem_shared>> -> memref<80x128xf32, #tpu.memory_space<vmem_shared>>
      %dma_wait3A_82 = arith.constant 0 : i32
      %dma_wait3A_83 = tpu.memref_slice %arg6[%add3A_7, %dma_wait3A_82] : memref<10000x128xf32, #tpu.memory_space<vmem_shared>> -> memref<80x128xf32, #tpu.memory_space<vmem_shared>>
      tpu.wait_dma2 semaphore(%run_scoped3A : memref<!tpu.dma_semaphore, #tpu.memory_space<semaphore_mem>>) src(%arg8 : memref<80x128xf32, #tpu.memory_space<vmem>>) dst(%dma_wait3A_83 : memref<80x128xf32, #tpu.memory_space<vmem_shared>>)
      tpu.yield
    }) : () -> ()
    %add3A_8 = arith.constant 320 : i32
    %add3A_9 = arith.addi %mul3A_0, %add3A_8 : i32
    "tpu.region"() ({
      %run_scoped3A = tpu.sem_alloc : memref<!tpu.dma_semaphore, #tpu.memory_space<semaphore_mem>>
      %dma_start3A = arith.constant 0 : i32
      %dma_start3A_78 = tpu.memref_slice %arg6[%add3A_9, %dma_start3A] : memref<10000x128xf32, #tpu.memory_space<vmem_shared>> -> memref<80x128xf32, #tpu.memory_space<vmem_shared>>
      %dma_start3A_79 = arith.constant 0 : i32
      %dma_start3A_80 = tpu.memref_slice %arg6[%add3A_9, %dma_start3A_79] : memref<10000x128xf32, #tpu.memory_space<vmem_shared>> -> memref<80x128xf32, #tpu.memory_space<vmem_shared>>
      tpu.enqueue_dma source(%arg8 : memref<80x128xf32, #tpu.memory_space<vmem>>) target(%dma_start3A_80 : memref<80x128xf32, #tpu.memory_space<vmem_shared>>) target_semaphore(%run_scoped3A : memref<!tpu.dma_semaphore, #tpu.memory_space<semaphore_mem>>)
      %dma_wait3A = arith.constant 0 : i32
      %dma_wait3A_81 = tpu.memref_slice %arg6[%add3A_9, %dma_wait3A] : memref<10000x128xf32, #tpu.memory_space<vmem_shared>> -> memref<80x128xf32, #tpu.memory_space<vmem_shared>>
      %dma_wait3A_82 = arith.constant 0 : i32
      %dma_wait3A_83 = tpu.memref_slice %arg6[%add3A_9, %dma_wait3A_82] : memref<10000x128xf32, #tpu.memory_space<vmem_shared>> -> memref<80x128xf32, #tpu.memory_space<vmem_shared>>
      tpu.wait_dma2 semaphore(%run_scoped3A : memref<!tpu.dma_semaphore, #tpu.memory_space<semaphore_mem>>) src(%arg8 : memref<80x128xf32, #tpu.memory_space<vmem>>) dst(%dma_wait3A_83 : memref<80x128xf32, #tpu.memory_space<vmem_shared>>)
      tpu.yield
    }) : () -> ()
    %add3A_10 = arith.constant 400 : i32
    %add3A_11 = arith.addi %mul3A_0, %add3A_10 : i32
    "tpu.region"() ({
      %run_scoped3A = tpu.sem_alloc : memref<!tpu.dma_semaphore, #tpu.memory_space<semaphore_mem>>
      %dma_start3A = arith.constant 0 : i32
      %dma_start3A_78 = tpu.memref_slice %arg6[%add3A_11, %dma_start3A] : memref<10000x128xf32, #tpu.memory_space<vmem_shared>> -> memref<80x128xf32, #tpu.memory_space<vmem_shared>>
      %dma_start3A_79 = arith.constant 0 : i32
      %dma_start3A_80 = tpu.memref_slice %arg6[%add3A_11, %dma_start3A_79] : memref<10000x128xf32, #tpu.memory_space<vmem_shared>> -> memref<80x128xf32, #tpu.memory_space<vmem_shared>>
      tpu.enqueue_dma source(%arg8 : memref<80x128xf32, #tpu.memory_space<vmem>>) target(%dma_start3A_80 : memref<80x128xf32, #tpu.memory_space<vmem_shared>>) target_semaphore(%run_scoped3A : memref<!tpu.dma_semaphore, #tpu.memory_space<semaphore_mem>>)
      %dma_wait3A = arith.constant 0 : i32
      %dma_wait3A_81 = tpu.memref_slice %arg6[%add3A_11, %dma_wait3A] : memref<10000x128xf32, #tpu.memory_space<vmem_shared>> -> memref<80x128xf32, #tpu.memory_space<vmem_shared>>
      %dma_wait3A_82 = arith.constant 0 : i32
      %dma_wait3A_83 = tpu.memref_slice %arg6[%add3A_11, %dma_wait3A_82] : memref<10000x128xf32, #tpu.memory_space<vmem_shared>> -> memref<80x128xf32, #tpu.memory_space<vmem_shared>>
      tpu.wait_dma2 semaphore(%run_scoped3A : memref<!tpu.dma_semaphore, #tpu.memory_space<semaphore_mem>>) src(%arg8 : memref<80x128xf32, #tpu.memory_space<vmem>>) dst(%dma_wait3A_83 : memref<80x128xf32, #tpu.memory_space<vmem_shared>>)
      tpu.yield
    }) : () -> ()
    %add3A_12 = arith.constant 480 : i32
    %add3A_13 = arith.addi %mul3A_0, %add3A_12 : i32
    "tpu.region"() ({
      %run_scoped3A = tpu.sem_alloc : memref<!tpu.dma_semaphore, #tpu.memory_space<semaphore_mem>>
      %dma_start3A = arith.constant 0 : i32
      %dma_start3A_78 = tpu.memref_slice %arg6[%add3A_13, %dma_start3A] : memref<10000x128xf32, #tpu.memory_space<vmem_shared>> -> memref<80x128xf32, #tpu.memory_space<vmem_shared>>
      %dma_start3A_79 = arith.constant 0 : i32
      %dma_start3A_80 = tpu.memref_slice %arg6[%add3A_13, %dma_start3A_79] : memref<10000x128xf32, #tpu.memory_space<vmem_shared>> -> memref<80x128xf32, #tpu.memory_space<vmem_shared>>
      tpu.enqueue_dma source(%arg8 : memref<80x128xf32, #tpu.memory_space<vmem>>) target(%dma_start3A_80 : memref<80x128xf32, #tpu.memory_space<vmem_shared>>) target_semaphore(%run_scoped3A : memref<!tpu.dma_semaphore, #tpu.memory_space<semaphore_mem>>)
      %dma_wait3A = arith.constant 0 : i32
      %dma_wait3A_81 = tpu.memref_slice %arg6[%add3A_13, %dma_wait3A] : memref<10000x128xf32, #tpu.memory_space<vmem_shared>> -> memref<80x128xf32, #tpu.memory_space<vmem_shared>>
      %dma_wait3A_82 = arith.constant 0 : i32
      %dma_wait3A_83 = tpu.memref_slice %arg6[%add3A_13, %dma_wait3A_82] : memref<10000x128xf32, #tpu.memory_space<vmem_shared>> -> memref<80x128xf32, #tpu.memory_space<vmem_shared>>
      tpu.wait_dma2 semaphore(%run_scoped3A : memref<!tpu.dma_semaphore, #tpu.memory_space<semaphore_mem>>) src(%arg8 : memref<80x128xf32, #tpu.memory_space<vmem>>) dst(%dma_wait3A_83 : memref<80x128xf32, #tpu.memory_space<vmem_shared>>)
      tpu.yield
    }) : () -> ()
    %add3A_14 = arith.constant 560 : i32
    %add3A_15 = arith.addi %mul3A_0, %add3A_14 : i32
    "tpu.region"() ({
      %run_scoped3A = tpu.sem_alloc : memref<!tpu.dma_semaphore, #tpu.memory_space<semaphore_mem>>
      %dma_start3A = arith.constant 0 : i32
      %dma_start3A_78 = arith.constant 0 : i32
      %dma_start3A_79 = tpu.memref_slice %arg8[%dma_start3A, %dma_start3A_78] : memref<80x128xf32, #tpu.memory_space<vmem>> -> memref<64x128xf32, #tpu.memory_space<vmem>>
      %dma_start3A_80 = arith.constant 0 : i32
      %dma_start3A_81 = tpu.memref_slice %arg6[%add3A_15, %dma_start3A_80] : memref<10000x128xf32, #tpu.memory_space<vmem_shared>> -> memref<64x128xf32, #tpu.memory_space<vmem_shared>>
      %dma_start3A_82 = arith.constant 0 : i32
      %dma_start3A_83 = tpu.memref_slice %arg6[%add3A_15, %dma_start3A_82] : memref<10000x128xf32, #tpu.memory_space<vmem_shared>> -> memref<64x128xf32, #tpu.memory_space<vmem_shared>>
      %dma_start3A_84 = arith.constant 0 : i32
      %dma_start3A_85 = arith.constant 0 : i32
      %dma_start3A_86 = tpu.memref_slice %arg8[%dma_start3A_84, %dma_start3A_85] : memref<80x128xf32, #tpu.memory_space<vmem>> -> memref<64x128xf32, #tpu.memory_space<vmem>>
      tpu.enqueue_dma source(%dma_start3A_86 : memref<64x128xf32, #tpu.memory_space<vmem>>) target(%dma_start3A_83 : memref<64x128xf32, #tpu.memory_space<vmem_shared>>) target_semaphore(%run_scoped3A : memref<!tpu.dma_semaphore, #tpu.memory_space<semaphore_mem>>)
      %dma_wait3A = arith.constant 0 : i32
      %dma_wait3A_87 = arith.constant 0 : i32
      %dma_wait3A_88 = tpu.memref_slice %arg8[%dma_wait3A, %dma_wait3A_87] : memref<80x128xf32, #tpu.memory_space<vmem>> -> memref<64x128xf32, #tpu.memory_space<vmem>>
      %dma_wait3A_89 = arith.constant 0 : i32
      %dma_wait3A_90 = tpu.memref_slice %arg6[%add3A_15, %dma_wait3A_89] : memref<10000x128xf32, #tpu.memory_space<vmem_shared>> -> memref<64x128xf32, #tpu.memory_space<vmem_shared>>
      %dma_wait3A_91 = arith.constant 0 : i32
      %dma_wait3A_92 = tpu.memref_slice %arg6[%add3A_15, %dma_wait3A_91] : memref<10000x128xf32, #tpu.memory_space<vmem_shared>> -> memref<64x128xf32, #tpu.memory_space<vmem_shared>>
      %dma_wait3A_93 = arith.constant 0 : i32
      %dma_wait3A_94 = arith.constant 0 : i32
      %dma_wait3A_95 = tpu.memref_slice %arg8[%dma_wait3A_93, %dma_wait3A_94] : memref<80x128xf32, #tpu.memory_space<vmem>> -> memref<64x128xf32, #tpu.memory_space<vmem>>
      tpu.wait_dma2 semaphore(%run_scoped3A : memref<!tpu.dma_semaphore, #tpu.memory_space<semaphore_mem>>) src(%dma_wait3A_95 : memref<64x128xf32, #tpu.memory_space<vmem>>) dst(%dma_wait3A_92 : memref<64x128xf32, #tpu.memory_space<vmem_shared>>)
      tpu.yield
    }) : () -> ()
    %eq3A = arith.constant 15 : i32
    %eq3A_16 = arith.cmpi eq, %arg1, %eq3A : i32
    %convert_element_type3A = arith.extui %eq3A_16 : i1 to i32
    %cond3A = arith.constant 0 : i32
    %cond3A_17 = arith.cmpi ne, %convert_element_type3A, %cond3A : i32
    scf.if %cond3A_17 {
      "tpu.region"() ({
        %run_scoped3A = tpu.sem_alloc : memref<!tpu.dma_semaphore, #tpu.memory_space<semaphore_mem>>
        %dma_start3A = arith.constant 0 : i32
        %dma_start3A_78 = arith.constant 0 : i32
        %dma_start3A_79 = tpu.memref_slice %arg8[%dma_start3A, %dma_start3A_78] : memref<80x128xf32, #tpu.memory_space<vmem>> -> memref<16x128xf32, #tpu.memory_space<vmem>>
        %dma_start3A_80 = arith.constant 9984 : i32
        %dma_start3A_81 = arith.constant 0 : i32
        %dma_start3A_82 = tpu.memref_slice %arg6[%dma_start3A_80, %dma_start3A_81] : memref<10000x128xf32, #tpu.memory_space<vmem_shared>> -> memref<16x128xf32, #tpu.memory_space<vmem_shared>>
        %dma_start3A_83 = arith.constant 9984 : i32
        %dma_start3A_84 = arith.constant 0 : i32
        %dma_start3A_85 = tpu.memref_slice %arg6[%dma_start3A_83, %dma_start3A_84] : memref<10000x128xf32, #tpu.memory_space<vmem_shared>> -> memref<16x128xf32, #tpu.memory_space<vmem_shared>>
        %dma_start3A_86 = arith.constant 0 : i32
        %dma_start3A_87 = arith.constant 0 : i32
        %dma_start3A_88 = tpu.memref_slice %arg8[%dma_start3A_86, %dma_start3A_87] : memref<80x128xf32, #tpu.memory_space<vmem>> -> memref<16x128xf32, #tpu.memory_space<vmem>>
        tpu.enqueue_dma source(%dma_start3A_88 : memref<16x128xf32, #tpu.memory_space<vmem>>) target(%dma_start3A_85 : memref<16x128xf32, #tpu.memory_space<vmem_shared>>) target_semaphore(%run_scoped3A : memref<!tpu.dma_semaphore, #tpu.memory_space<semaphore_mem>>)
        %dma_wait3A = arith.constant 0 : i32
        %dma_wait3A_89 = arith.constant 0 : i32
        %dma_wait3A_90 = tpu.memref_slice %arg8[%dma_wait3A, %dma_wait3A_89] : memref<80x128xf32, #tpu.memory_space<vmem>> -> memref<16x128xf32, #tpu.memory_space<vmem>>
        %dma_wait3A_91 = arith.constant 9984 : i32
        %dma_wait3A_92 = arith.constant 0 : i32
        %dma_wait3A_93 = tpu.memref_slice %arg6[%dma_wait3A_91, %dma_wait3A_92] : memref<10000x128xf32, #tpu.memory_space<vmem_shared>> -> memref<16x128xf32, #tpu.memory_space<vmem_shared>>
        %dma_wait3A_94 = arith.constant 9984 : i32
        %dma_wait3A_95 = arith.constant 0 : i32
        %dma_wait3A_96 = tpu.memref_slice %arg6[%dma_wait3A_94, %dma_wait3A_95] : memref<10000x128xf32, #tpu.memory_space<vmem_shared>> -> memref<16x128xf32, #tpu.memory_space<vmem_shared>>
        %dma_wait3A_97 = arith.constant 0 : i32
        %dma_wait3A_98 = arith.constant 0 : i32
        %dma_wait3A_99 = tpu.memref_slice %arg8[%dma_wait3A_97, %dma_wait3A_98] : memref<80x128xf32, #tpu.memory_space<vmem>> -> memref<16x128xf32, #tpu.memory_space<vmem>>
        tpu.wait_dma2 semaphore(%run_scoped3A : memref<!tpu.dma_semaphore, #tpu.memory_space<semaphore_mem>>) src(%dma_wait3A_99 : memref<16x128xf32, #tpu.memory_space<vmem>>) dst(%dma_wait3A_96 : memref<16x128xf32, #tpu.memory_space<vmem_shared>>)
        tpu.yield
      }) : () -> ()
    } else {
    }
    "tpu.region"() ({
      %run_scoped3A = tpu.sem_alloc : memref<!tpu.dma_semaphore, #tpu.memory_space<semaphore_mem>>
      %dma_start3A = arith.constant 0 : i32
      %dma_start3A_78 = arith.constant 0 : i32
      %dma_start3A_79 = tpu.memref_slice %arg2[%arg1, %dma_start3A, %dma_start3A_78] : memref<16x125x80xi32, #tpu.memory_space<hbm>> -> memref<1x125x80xi32, #tpu.memory_space<hbm>>
      %dma_start3A_80 = tpu.memref_squeeze %dma_start3A_79 : memref<1x125x80xi32, #tpu.memory_space<hbm>> -> memref<125x80xi32, #tpu.memory_space<hbm>>
      %dma_start3A_81 = arith.constant 0 : i32
      %dma_start3A_82 = arith.constant 0 : i32
      %dma_start3A_83 = tpu.memref_slice %arg2[%arg1, %dma_start3A_81, %dma_start3A_82] : memref<16x125x80xi32, #tpu.memory_space<hbm>> -> memref<1x125x80xi32, #tpu.memory_space<hbm>>
      %dma_start3A_84 = tpu.memref_squeeze %dma_start3A_83 : memref<1x125x80xi32, #tpu.memory_space<hbm>> -> memref<125x80xi32, #tpu.memory_space<hbm>>
      tpu.enqueue_dma source(%dma_start3A_84 : memref<125x80xi32, #tpu.memory_space<hbm>>) target(%arg7 : memref<125x80xi32, #tpu.memory_space<vmem>>) target_semaphore(%run_scoped3A : memref<!tpu.dma_semaphore, #tpu.memory_space<semaphore_mem>>)
      %dma_wait3A = arith.constant 0 : i32
      %dma_wait3A_85 = arith.constant 0 : i32
      %dma_wait3A_86 = tpu.memref_slice %arg2[%arg1, %dma_wait3A, %dma_wait3A_85] : memref<16x125x80xi32, #tpu.memory_space<hbm>> -> memref<1x125x80xi32, #tpu.memory_space<hbm>>
      %dma_wait3A_87 = tpu.memref_squeeze %dma_wait3A_86 : memref<1x125x80xi32, #tpu.memory_space<hbm>> -> memref<125x80xi32, #tpu.memory_space<hbm>>
      %dma_wait3A_88 = arith.constant 0 : i32
      %dma_wait3A_89 = arith.constant 0 : i32
      %dma_wait3A_90 = tpu.memref_slice %arg2[%arg1, %dma_wait3A_88, %dma_wait3A_89] : memref<16x125x80xi32, #tpu.memory_space<hbm>> -> memref<1x125x80xi32, #tpu.memory_space<hbm>>
      %dma_wait3A_91 = tpu.memref_squeeze %dma_wait3A_90 : memref<1x125x80xi32, #tpu.memory_space<hbm>> -> memref<125x80xi32, #tpu.memory_space<hbm>>
      tpu.wait_dma2 semaphore(%run_scoped3A : memref<!tpu.dma_semaphore, #tpu.memory_space<semaphore_mem>>) src(%dma_wait3A_91 : memref<125x80xi32, #tpu.memory_space<hbm>>) dst(%arg7 : memref<125x80xi32, #tpu.memory_space<vmem>>)
      tpu.yield
    }) : () -> ()
    "tpu.region"() ({
      %run_scoped3A = tpu.sem_alloc : memref<!tpu.dma_semaphore, #tpu.memory_space<semaphore_mem>>
      tpu.enqueue_dma source(%arg4 : memref<80x128xf32, #tpu.memory_space<hbm>>) target(%arg8 : memref<80x128xf32, #tpu.memory_space<vmem>>) target_semaphore(%run_scoped3A : memref<!tpu.dma_semaphore, #tpu.memory_space<semaphore_mem>>)
      tpu.wait_dma2 semaphore(%run_scoped3A : memref<!tpu.dma_semaphore, #tpu.memory_space<semaphore_mem>>) src(%arg4 : memref<80x128xf32, #tpu.memory_space<hbm>>) dst(%arg8 : memref<80x128xf32, #tpu.memory_space<vmem>>)
      tpu.yield
    }) : () -> ()
    %barrier3A = arith.constant 0 : index
    tpu.barrier barrier_id(%barrier3A)
    %mul3A_18 = arith.constant 63 : i32
    %mul3A_19 = arith.muli %arg0, %mul3A_18 : i32
    %sub3A = arith.constant 63 : i32
    %sub3A_20 = arith.subi %sub3A, %arg0 : i32
    %while3A = arith.constant 0 : i32
    %while3A_21 = arith.constant 0 : i32
    %while3A_22 = arith.subi %sub3A_20, %while3A_21 : i32
    %while3A_23 = arith.addi %while3A_21, %while3A_22 : i32
    %while3A_24 = arith.constant 1 : i32
    %while3A_25 = arith.divsi %while3A_22, %while3A_24 : i32
    %while3A_26 = arith.muli %while3A_25, %while3A_24 : i32
    %while3A_27 = arith.addi %while3A_21, %while3A_26 : i32
    %while3A_28 = arith.constant 1 : i32
    scf.for %while3A_78 = %while3A_21 to %while3A_27 step %while3A_28  : i32 {
      %add3A_79 = arith.addi %mul3A_19, %while3A_78 : i32
      "tpu.region"() ({
        %run_scoped3A = tpu.sem_alloc : memref<!tpu.dma_semaphore, #tpu.memory_space<semaphore_mem>>
        %dma_start3A = arith.constant 0 : i32
        %dma_start3A_80 = tpu.memref_slice %arg7[%add3A_79, %dma_start3A] : memref<125x80xi32, #tpu.memory_space<vmem>> -> memref<1x80xi32, #tpu.memory_space<vmem>>
        %dma_start3A_81 = tpu.memref_squeeze %dma_start3A_80 : memref<1x80xi32, #tpu.memory_space<vmem>> -> memref<80xi32, #tpu.memory_space<vmem>>
        %dma_start3A_82 = arith.constant 0 : i32
        %dma_start3A_83 = arith.constant 0 : i32
        %dma_start3A_84 = tpu.memref_slice %arg6[%dma_start3A_82, %dma_start3A_83] : memref<10000x128xf32, #tpu.memory_space<vmem_shared>> -> memref<10000x128xf32, #tpu.memory_space<vmem_shared>>
        tpu.enqueue_indirect_dma source(%arg8 : memref<80x128xf32, #tpu.memory_space<vmem>>) target(%dma_start3A_84 : memref<10000x128xf32, #tpu.memory_space<vmem_shared>>) offsets(%dma_start3A_81 : memref<80xi32, #tpu.memory_space<vmem>>) semaphore(%run_scoped3A : memref<!tpu.dma_semaphore, #tpu.memory_space<semaphore_mem>>) {add = true}
        %dma_wait3A = arith.constant 0 : i32
        %dma_wait3A_85 = tpu.memref_slice %arg7[%add3A_79, %dma_wait3A] : memref<125x80xi32, #tpu.memory_space<vmem>> -> memref<1x80xi32, #tpu.memory_space<vmem>>
        %dma_wait3A_86 = tpu.memref_squeeze %dma_wait3A_85 : memref<1x80xi32, #tpu.memory_space<vmem>> -> memref<80xi32, #tpu.memory_space<vmem>>
        %dma_wait3A_87 = arith.constant 0 : i32
        %dma_wait3A_88 = arith.constant 0 : i32
        %dma_wait3A_89 = tpu.memref_slice %arg6[%dma_wait3A_87, %dma_wait3A_88] : memref<10000x128xf32, #tpu.memory_space<vmem_shared>> -> memref<10000x128xf32, #tpu.memory_space<vmem_shared>>
        tpu.wait_indirect_dma semaphore(%run_scoped3A : memref<!tpu.dma_semaphore, #tpu.memory_space<semaphore_mem>>) src(%arg8 : memref<80x128xf32, #tpu.memory_space<vmem>>) dst(%dma_wait3A_89 : memref<10000x128xf32, #tpu.memory_space<vmem_shared>>)
        tpu.yield
      }) : () -> ()
    }
    %while3A_29 = arith.constant 1 : i32
    scf.for %while3A_78 = %while3A_27 to %while3A_23 step %while3A_29  : i32 {
      %add3A_79 = arith.addi %mul3A_19, %while3A_78 : i32
      "tpu.region"() ({
        %run_scoped3A = tpu.sem_alloc : memref<!tpu.dma_semaphore, #tpu.memory_space<semaphore_mem>>
        %dma_start3A = arith.constant 0 : i32
        %dma_start3A_80 = tpu.memref_slice %arg7[%add3A_79, %dma_start3A] : memref<125x80xi32, #tpu.memory_space<vmem>> -> memref<1x80xi32, #tpu.memory_space<vmem>>
        %dma_start3A_81 = tpu.memref_squeeze %dma_start3A_80 : memref<1x80xi32, #tpu.memory_space<vmem>> -> memref<80xi32, #tpu.memory_space<vmem>>
        %dma_start3A_82 = arith.constant 0 : i32
        %dma_start3A_83 = arith.constant 0 : i32
        %dma_start3A_84 = tpu.memref_slice %arg6[%dma_start3A_82, %dma_start3A_83] : memref<10000x128xf32, #tpu.memory_space<vmem_shared>> -> memref<10000x128xf32, #tpu.memory_space<vmem_shared>>
        tpu.enqueue_indirect_dma source(%arg8 : memref<80x128xf32, #tpu.memory_space<vmem>>) target(%dma_start3A_84 : memref<10000x128xf32, #tpu.memory_space<vmem_shared>>) offsets(%dma_start3A_81 : memref<80xi32, #tpu.memory_space<vmem>>) semaphore(%run_scoped3A : memref<!tpu.dma_semaphore, #tpu.memory_space<semaphore_mem>>) {add = true}
        %dma_wait3A = arith.constant 0 : i32
        %dma_wait3A_85 = tpu.memref_slice %arg7[%add3A_79, %dma_wait3A] : memref<125x80xi32, #tpu.memory_space<vmem>> -> memref<1x80xi32, #tpu.memory_space<vmem>>
        %dma_wait3A_86 = tpu.memref_squeeze %dma_wait3A_85 : memref<1x80xi32, #tpu.memory_space<vmem>> -> memref<80xi32, #tpu.memory_space<vmem>>
        %dma_wait3A_87 = arith.constant 0 : i32
        %dma_wait3A_88 = arith.constant 0 : i32
        %dma_wait3A_89 = tpu.memref_slice %arg6[%dma_wait3A_87, %dma_wait3A_88] : memref<10000x128xf32, #tpu.memory_space<vmem_shared>> -> memref<10000x128xf32, #tpu.memory_space<vmem_shared>>
        tpu.wait_indirect_dma semaphore(%run_scoped3A : memref<!tpu.dma_semaphore, #tpu.memory_space<semaphore_mem>>) src(%arg8 : memref<80x128xf32, #tpu.memory_space<vmem>>) dst(%dma_wait3A_89 : memref<10000x128xf32, #tpu.memory_space<vmem_shared>>)
        tpu.yield
      }) : () -> ()
    }
    %barrier3A_30 = arith.constant 0 : index
    tpu.barrier barrier_id(%barrier3A_30)
    %mul3A_31 = arith.constant 10000 : i32
    %mul3A_32 = arith.muli %arg0, %mul3A_31 : i32
    %add3A_33 = arith.constant 0 : i32
    %add3A_34 = arith.addi %mul3A_0, %add3A_33 : i32
    "tpu.region"() ({
      %run_scoped3A = tpu.sem_alloc : memref<!tpu.dma_semaphore, #tpu.memory_space<semaphore_mem>>
      %dma_start3A = arith.constant 0 : i32
      %dma_start3A_78 = tpu.memref_slice %arg6[%add3A_34, %dma_start3A] : memref<10000x128xf32, #tpu.memory_space<vmem_shared>> -> memref<80x128xf32, #tpu.memory_space<vmem_shared>>
      %dma_start3A_79 = arith.constant 0 : i32
      %dma_start3A_80 = tpu.memref_slice %arg6[%add3A_34, %dma_start3A_79] : memref<10000x128xf32, #tpu.memory_space<vmem_shared>> -> memref<80x128xf32, #tpu.memory_space<vmem_shared>>
      tpu.enqueue_dma source(%dma_start3A_80 : memref<80x128xf32, #tpu.memory_space<vmem_shared>>) target(%arg8 : memref<80x128xf32, #tpu.memory_space<vmem>>) target_semaphore(%run_scoped3A : memref<!tpu.dma_semaphore, #tpu.memory_space<semaphore_mem>>)
      %dma_wait3A = arith.constant 0 : i32
      %dma_wait3A_81 = tpu.memref_slice %arg6[%add3A_34, %dma_wait3A] : memref<10000x128xf32, #tpu.memory_space<vmem_shared>> -> memref<80x128xf32, #tpu.memory_space<vmem_shared>>
      %dma_wait3A_82 = arith.constant 0 : i32
      %dma_wait3A_83 = tpu.memref_slice %arg6[%add3A_34, %dma_wait3A_82] : memref<10000x128xf32, #tpu.memory_space<vmem_shared>> -> memref<80x128xf32, #tpu.memory_space<vmem_shared>>
      tpu.wait_dma2 semaphore(%run_scoped3A : memref<!tpu.dma_semaphore, #tpu.memory_space<semaphore_mem>>) src(%dma_wait3A_83 : memref<80x128xf32, #tpu.memory_space<vmem_shared>>) dst(%arg8 : memref<80x128xf32, #tpu.memory_space<vmem>>)
      tpu.yield
    }) : () -> ()
    %add3A_35 = arith.addi %mul3A_32, %mul3A_0 : i32
    %add3A_36 = arith.constant 0 : i32
    %add3A_37 = arith.addi %add3A_35, %add3A_36 : i32
    "tpu.region"() ({
      %run_scoped3A = tpu.sem_alloc : memref<!tpu.dma_semaphore, #tpu.memory_space<semaphore_mem>>
      %dma_start3A = arith.constant 0 : i32
      %dma_start3A_78 = tpu.memref_slice %arg5[%add3A_37, %dma_start3A] : memref<20000x128xf32, #tpu.memory_space<hbm>> -> memref<80x128xf32, #tpu.memory_space<hbm>>
      %dma_start3A_79 = arith.constant 0 : i32
      %dma_start3A_80 = tpu.memref_slice %arg5[%add3A_37, %dma_start3A_79] : memref<20000x128xf32, #tpu.memory_space<hbm>> -> memref<80x128xf32, #tpu.memory_space<hbm>>
      tpu.enqueue_dma source(%arg8 : memref<80x128xf32, #tpu.memory_space<vmem>>) target(%dma_start3A_80 : memref<80x128xf32, #tpu.memory_space<hbm>>) target_semaphore(%run_scoped3A : memref<!tpu.dma_semaphore, #tpu.memory_space<semaphore_mem>>)
      %dma_wait3A = arith.constant 0 : i32
      %dma_wait3A_81 = tpu.memref_slice %arg5[%add3A_37, %dma_wait3A] : memref<20000x128xf32, #tpu.memory_space<hbm>> -> memref<80x128xf32, #tpu.memory_space<hbm>>
      %dma_wait3A_82 = arith.constant 0 : i32
      %dma_wait3A_83 = tpu.memref_slice %arg5[%add3A_37, %dma_wait3A_82] : memref<20000x128xf32, #tpu.memory_space<hbm>> -> memref<80x128xf32, #tpu.memory_space<hbm>>
      tpu.wait_dma2 semaphore(%run_scoped3A : memref<!tpu.dma_semaphore, #tpu.memory_space<semaphore_mem>>) src(%arg8 : memref<80x128xf32, #tpu.memory_space<vmem>>) dst(%dma_wait3A_83 : memref<80x128xf32, #tpu.memory_space<hbm>>)
      tpu.yield
    }) : () -> ()
    %add3A_38 = arith.constant 80 : i32
    %add3A_39 = arith.addi %mul3A_0, %add3A_38 : i32
    "tpu.region"() ({
      %run_scoped3A = tpu.sem_alloc : memref<!tpu.dma_semaphore, #tpu.memory_space<semaphore_mem>>
      %dma_start3A = arith.constant 0 : i32
      %dma_start3A_78 = tpu.memref_slice %arg6[%add3A_39, %dma_start3A] : memref<10000x128xf32, #tpu.memory_space<vmem_shared>> -> memref<80x128xf32, #tpu.memory_space<vmem_shared>>
      %dma_start3A_79 = arith.constant 0 : i32
      %dma_start3A_80 = tpu.memref_slice %arg6[%add3A_39, %dma_start3A_79] : memref<10000x128xf32, #tpu.memory_space<vmem_shared>> -> memref<80x128xf32, #tpu.memory_space<vmem_shared>>
      tpu.enqueue_dma source(%dma_start3A_80 : memref<80x128xf32, #tpu.memory_space<vmem_shared>>) target(%arg8 : memref<80x128xf32, #tpu.memory_space<vmem>>) target_semaphore(%run_scoped3A : memref<!tpu.dma_semaphore, #tpu.memory_space<semaphore_mem>>)
      %dma_wait3A = arith.constant 0 : i32
      %dma_wait3A_81 = tpu.memref_slice %arg6[%add3A_39, %dma_wait3A] : memref<10000x128xf32, #tpu.memory_space<vmem_shared>> -> memref<80x128xf32, #tpu.memory_space<vmem_shared>>
      %dma_wait3A_82 = arith.constant 0 : i32
      %dma_wait3A_83 = tpu.memref_slice %arg6[%add3A_39, %dma_wait3A_82] : memref<10000x128xf32, #tpu.memory_space<vmem_shared>> -> memref<80x128xf32, #tpu.memory_space<vmem_shared>>
      tpu.wait_dma2 semaphore(%run_scoped3A : memref<!tpu.dma_semaphore, #tpu.memory_space<semaphore_mem>>) src(%dma_wait3A_83 : memref<80x128xf32, #tpu.memory_space<vmem_shared>>) dst(%arg8 : memref<80x128xf32, #tpu.memory_space<vmem>>)
      tpu.yield
    }) : () -> ()
    %add3A_40 = arith.addi %mul3A_32, %mul3A_0 : i32
    %add3A_41 = arith.constant 80 : i32
    %add3A_42 = arith.addi %add3A_40, %add3A_41 : i32
    "tpu.region"() ({
      %run_scoped3A = tpu.sem_alloc : memref<!tpu.dma_semaphore, #tpu.memory_space<semaphore_mem>>
      %dma_start3A = arith.constant 0 : i32
      %dma_start3A_78 = tpu.memref_slice %arg5[%add3A_42, %dma_start3A] : memref<20000x128xf32, #tpu.memory_space<hbm>> -> memref<80x128xf32, #tpu.memory_space<hbm>>
      %dma_start3A_79 = arith.constant 0 : i32
      %dma_start3A_80 = tpu.memref_slice %arg5[%add3A_42, %dma_start3A_79] : memref<20000x128xf32, #tpu.memory_space<hbm>> -> memref<80x128xf32, #tpu.memory_space<hbm>>
      tpu.enqueue_dma source(%arg8 : memref<80x128xf32, #tpu.memory_space<vmem>>) target(%dma_start3A_80 : memref<80x128xf32, #tpu.memory_space<hbm>>) target_semaphore(%run_scoped3A : memref<!tpu.dma_semaphore, #tpu.memory_space<semaphore_mem>>)
      %dma_wait3A = arith.constant 0 : i32
      %dma_wait3A_81 = tpu.memref_slice %arg5[%add3A_42, %dma_wait3A] : memref<20000x128xf32, #tpu.memory_space<hbm>> -> memref<80x128xf32, #tpu.memory_space<hbm>>
      %dma_wait3A_82 = arith.constant 0 : i32
      %dma_wait3A_83 = tpu.memref_slice %arg5[%add3A_42, %dma_wait3A_82] : memref<20000x128xf32, #tpu.memory_space<hbm>> -> memref<80x128xf32, #tpu.memory_space<hbm>>
      tpu.wait_dma2 semaphore(%run_scoped3A : memref<!tpu.dma_semaphore, #tpu.memory_space<semaphore_mem>>) src(%arg8 : memref<80x128xf32, #tpu.memory_space<vmem>>) dst(%dma_wait3A_83 : memref<80x128xf32, #tpu.memory_space<hbm>>)
      tpu.yield
    }) : () -> ()
    %add3A_43 = arith.constant 160 : i32
    %add3A_44 = arith.addi %mul3A_0, %add3A_43 : i32
    "tpu.region"() ({
      %run_scoped3A = tpu.sem_alloc : memref<!tpu.dma_semaphore, #tpu.memory_space<semaphore_mem>>
      %dma_start3A = arith.constant 0 : i32
      %dma_start3A_78 = tpu.memref_slice %arg6[%add3A_44, %dma_start3A] : memref<10000x128xf32, #tpu.memory_space<vmem_shared>> -> memref<80x128xf32, #tpu.memory_space<vmem_shared>>
      %dma_start3A_79 = arith.constant 0 : i32
      %dma_start3A_80 = tpu.memref_slice %arg6[%add3A_44, %dma_start3A_79] : memref<10000x128xf32, #tpu.memory_space<vmem_shared>> -> memref<80x128xf32, #tpu.memory_space<vmem_shared>>
      tpu.enqueue_dma source(%dma_start3A_80 : memref<80x128xf32, #tpu.memory_space<vmem_shared>>) target(%arg8 : memref<80x128xf32, #tpu.memory_space<vmem>>) target_semaphore(%run_scoped3A : memref<!tpu.dma_semaphore, #tpu.memory_space<semaphore_mem>>)
      %dma_wait3A = arith.constant 0 : i32
      %dma_wait3A_81 = tpu.memref_slice %arg6[%add3A_44, %dma_wait3A] : memref<10000x128xf32, #tpu.memory_space<vmem_shared>> -> memref<80x128xf32, #tpu.memory_space<vmem_shared>>
      %dma_wait3A_82 = arith.constant 0 : i32
      %dma_wait3A_83 = tpu.memref_slice %arg6[%add3A_44, %dma_wait3A_82] : memref<10000x128xf32, #tpu.memory_space<vmem_shared>> -> memref<80x128xf32, #tpu.memory_space<vmem_shared>>
      tpu.wait_dma2 semaphore(%run_scoped3A : memref<!tpu.dma_semaphore, #tpu.memory_space<semaphore_mem>>) src(%dma_wait3A_83 : memref<80x128xf32, #tpu.memory_space<vmem_shared>>) dst(%arg8 : memref<80x128xf32, #tpu.memory_space<vmem>>)
      tpu.yield
    }) : () -> ()
    %add3A_45 = arith.addi %mul3A_32, %mul3A_0 : i32
    %add3A_46 = arith.constant 160 : i32
    %add3A_47 = arith.addi %add3A_45, %add3A_46 : i32
    "tpu.region"() ({
      %run_scoped3A = tpu.sem_alloc : memref<!tpu.dma_semaphore, #tpu.memory_space<semaphore_mem>>
      %dma_start3A = arith.constant 0 : i32
      %dma_start3A_78 = tpu.memref_slice %arg5[%add3A_47, %dma_start3A] : memref<20000x128xf32, #tpu.memory_space<hbm>> -> memref<80x128xf32, #tpu.memory_space<hbm>>
      %dma_start3A_79 = arith.constant 0 : i32
      %dma_start3A_80 = tpu.memref_slice %arg5[%add3A_47, %dma_start3A_79] : memref<20000x128xf32, #tpu.memory_space<hbm>> -> memref<80x128xf32, #tpu.memory_space<hbm>>
      tpu.enqueue_dma source(%arg8 : memref<80x128xf32, #tpu.memory_space<vmem>>) target(%dma_start3A_80 : memref<80x128xf32, #tpu.memory_space<hbm>>) target_semaphore(%run_scoped3A : memref<!tpu.dma_semaphore, #tpu.memory_space<semaphore_mem>>)
      %dma_wait3A = arith.constant 0 : i32
      %dma_wait3A_81 = tpu.memref_slice %arg5[%add3A_47, %dma_wait3A] : memref<20000x128xf32, #tpu.memory_space<hbm>> -> memref<80x128xf32, #tpu.memory_space<hbm>>
      %dma_wait3A_82 = arith.constant 0 : i32
      %dma_wait3A_83 = tpu.memref_slice %arg5[%add3A_47, %dma_wait3A_82] : memref<20000x128xf32, #tpu.memory_space<hbm>> -> memref<80x128xf32, #tpu.memory_space<hbm>>
      tpu.wait_dma2 semaphore(%run_scoped3A : memref<!tpu.dma_semaphore, #tpu.memory_space<semaphore_mem>>) src(%arg8 : memref<80x128xf32, #tpu.memory_space<vmem>>) dst(%dma_wait3A_83 : memref<80x128xf32, #tpu.memory_space<hbm>>)
      tpu.yield
    }) : () -> ()
    %add3A_48 = arith.constant 240 : i32
    %add3A_49 = arith.addi %mul3A_0, %add3A_48 : i32
    "tpu.region"() ({
      %run_scoped3A = tpu.sem_alloc : memref<!tpu.dma_semaphore, #tpu.memory_space<semaphore_mem>>
      %dma_start3A = arith.constant 0 : i32
      %dma_start3A_78 = tpu.memref_slice %arg6[%add3A_49, %dma_start3A] : memref<10000x128xf32, #tpu.memory_space<vmem_shared>> -> memref<80x128xf32, #tpu.memory_space<vmem_shared>>
      %dma_start3A_79 = arith.constant 0 : i32
      %dma_start3A_80 = tpu.memref_slice %arg6[%add3A_49, %dma_start3A_79] : memref<10000x128xf32, #tpu.memory_space<vmem_shared>> -> memref<80x128xf32, #tpu.memory_space<vmem_shared>>
      tpu.enqueue_dma source(%dma_start3A_80 : memref<80x128xf32, #tpu.memory_space<vmem_shared>>) target(%arg8 : memref<80x128xf32, #tpu.memory_space<vmem>>) target_semaphore(%run_scoped3A : memref<!tpu.dma_semaphore, #tpu.memory_space<semaphore_mem>>)
      %dma_wait3A = arith.constant 0 : i32
      %dma_wait3A_81 = tpu.memref_slice %arg6[%add3A_49, %dma_wait3A] : memref<10000x128xf32, #tpu.memory_space<vmem_shared>> -> memref<80x128xf32, #tpu.memory_space<vmem_shared>>
      %dma_wait3A_82 = arith.constant 0 : i32
      %dma_wait3A_83 = tpu.memref_slice %arg6[%add3A_49, %dma_wait3A_82] : memref<10000x128xf32, #tpu.memory_space<vmem_shared>> -> memref<80x128xf32, #tpu.memory_space<vmem_shared>>
      tpu.wait_dma2 semaphore(%run_scoped3A : memref<!tpu.dma_semaphore, #tpu.memory_space<semaphore_mem>>) src(%dma_wait3A_83 : memref<80x128xf32, #tpu.memory_space<vmem_shared>>) dst(%arg8 : memref<80x128xf32, #tpu.memory_space<vmem>>)
      tpu.yield
    }) : () -> ()
    %add3A_50 = arith.addi %mul3A_32, %mul3A_0 : i32
    %add3A_51 = arith.constant 240 : i32
    %add3A_52 = arith.addi %add3A_50, %add3A_51 : i32
    "tpu.region"() ({
      %run_scoped3A = tpu.sem_alloc : memref<!tpu.dma_semaphore, #tpu.memory_space<semaphore_mem>>
      %dma_start3A = arith.constant 0 : i32
      %dma_start3A_78 = tpu.memref_slice %arg5[%add3A_52, %dma_start3A] : memref<20000x128xf32, #tpu.memory_space<hbm>> -> memref<80x128xf32, #tpu.memory_space<hbm>>
      %dma_start3A_79 = arith.constant 0 : i32
      %dma_start3A_80 = tpu.memref_slice %arg5[%add3A_52, %dma_start3A_79] : memref<20000x128xf32, #tpu.memory_space<hbm>> -> memref<80x128xf32, #tpu.memory_space<hbm>>
      tpu.enqueue_dma source(%arg8 : memref<80x128xf32, #tpu.memory_space<vmem>>) target(%dma_start3A_80 : memref<80x128xf32, #tpu.memory_space<hbm>>) target_semaphore(%run_scoped3A : memref<!tpu.dma_semaphore, #tpu.memory_space<semaphore_mem>>)
      %dma_wait3A = arith.constant 0 : i32
      %dma_wait3A_81 = tpu.memref_slice %arg5[%add3A_52, %dma_wait3A] : memref<20000x128xf32, #tpu.memory_space<hbm>> -> memref<80x128xf32, #tpu.memory_space<hbm>>
      %dma_wait3A_82 = arith.constant 0 : i32
      %dma_wait3A_83 = tpu.memref_slice %arg5[%add3A_52, %dma_wait3A_82] : memref<20000x128xf32, #tpu.memory_space<hbm>> -> memref<80x128xf32, #tpu.memory_space<hbm>>
      tpu.wait_dma2 semaphore(%run_scoped3A : memref<!tpu.dma_semaphore, #tpu.memory_space<semaphore_mem>>) src(%arg8 : memref<80x128xf32, #tpu.memory_space<vmem>>) dst(%dma_wait3A_83 : memref<80x128xf32, #tpu.memory_space<hbm>>)
      tpu.yield
    }) : () -> ()
    %add3A_53 = arith.constant 320 : i32
    %add3A_54 = arith.addi %mul3A_0, %add3A_53 : i32
    "tpu.region"() ({
      %run_scoped3A = tpu.sem_alloc : memref<!tpu.dma_semaphore, #tpu.memory_space<semaphore_mem>>
      %dma_start3A = arith.constant 0 : i32
      %dma_start3A_78 = tpu.memref_slice %arg6[%add3A_54, %dma_start3A] : memref<10000x128xf32, #tpu.memory_space<vmem_shared>> -> memref<80x128xf32, #tpu.memory_space<vmem_shared>>
      %dma_start3A_79 = arith.constant 0 : i32
      %dma_start3A_80 = tpu.memref_slice %arg6[%add3A_54, %dma_start3A_79] : memref<10000x128xf32, #tpu.memory_space<vmem_shared>> -> memref<80x128xf32, #tpu.memory_space<vmem_shared>>
      tpu.enqueue_dma source(%dma_start3A_80 : memref<80x128xf32, #tpu.memory_space<vmem_shared>>) target(%arg8 : memref<80x128xf32, #tpu.memory_space<vmem>>) target_semaphore(%run_scoped3A : memref<!tpu.dma_semaphore, #tpu.memory_space<semaphore_mem>>)
      %dma_wait3A = arith.constant 0 : i32
      %dma_wait3A_81 = tpu.memref_slice %arg6[%add3A_54, %dma_wait3A] : memref<10000x128xf32, #tpu.memory_space<vmem_shared>> -> memref<80x128xf32, #tpu.memory_space<vmem_shared>>
      %dma_wait3A_82 = arith.constant 0 : i32
      %dma_wait3A_83 = tpu.memref_slice %arg6[%add3A_54, %dma_wait3A_82] : memref<10000x128xf32, #tpu.memory_space<vmem_shared>> -> memref<80x128xf32, #tpu.memory_space<vmem_shared>>
      tpu.wait_dma2 semaphore(%run_scoped3A : memref<!tpu.dma_semaphore, #tpu.memory_space<semaphore_mem>>) src(%dma_wait3A_83 : memref<80x128xf32, #tpu.memory_space<vmem_shared>>) dst(%arg8 : memref<80x128xf32, #tpu.memory_space<vmem>>)
      tpu.yield
    }) : () -> ()
    %add3A_55 = arith.addi %mul3A_32, %mul3A_0 : i32
    %add3A_56 = arith.constant 320 : i32
    %add3A_57 = arith.addi %add3A_55, %add3A_56 : i32
    "tpu.region"() ({
      %run_scoped3A = tpu.sem_alloc : memref<!tpu.dma_semaphore, #tpu.memory_space<semaphore_mem>>
      %dma_start3A = arith.constant 0 : i32
      %dma_start3A_78 = tpu.memref_slice %arg5[%add3A_57, %dma_start3A] : memref<20000x128xf32, #tpu.memory_space<hbm>> -> memref<80x128xf32, #tpu.memory_space<hbm>>
      %dma_start3A_79 = arith.constant 0 : i32
      %dma_start3A_80 = tpu.memref_slice %arg5[%add3A_57, %dma_start3A_79] : memref<20000x128xf32, #tpu.memory_space<hbm>> -> memref<80x128xf32, #tpu.memory_space<hbm>>
      tpu.enqueue_dma source(%arg8 : memref<80x128xf32, #tpu.memory_space<vmem>>) target(%dma_start3A_80 : memref<80x128xf32, #tpu.memory_space<hbm>>) target_semaphore(%run_scoped3A : memref<!tpu.dma_semaphore, #tpu.memory_space<semaphore_mem>>)
      %dma_wait3A = arith.constant 0 : i32
      %dma_wait3A_81 = tpu.memref_slice %arg5[%add3A_57, %dma_wait3A] : memref<20000x128xf32, #tpu.memory_space<hbm>> -> memref<80x128xf32, #tpu.memory_space<hbm>>
      %dma_wait3A_82 = arith.constant 0 : i32
      %dma_wait3A_83 = tpu.memref_slice %arg5[%add3A_57, %dma_wait3A_82] : memref<20000x128xf32, #tpu.memory_space<hbm>> -> memref<80x128xf32, #tpu.memory_space<hbm>>
      tpu.wait_dma2 semaphore(%run_scoped3A : memref<!tpu.dma_semaphore, #tpu.memory_space<semaphore_mem>>) src(%arg8 : memref<80x128xf32, #tpu.memory_space<vmem>>) dst(%dma_wait3A_83 : memref<80x128xf32, #tpu.memory_space<hbm>>)
      tpu.yield
    }) : () -> ()
    %add3A_58 = arith.constant 400 : i32
    %add3A_59 = arith.addi %mul3A_0, %add3A_58 : i32
    "tpu.region"() ({
      %run_scoped3A = tpu.sem_alloc : memref<!tpu.dma_semaphore, #tpu.memory_space<semaphore_mem>>
      %dma_start3A = arith.constant 0 : i32
      %dma_start3A_78 = tpu.memref_slice %arg6[%add3A_59, %dma_start3A] : memref<10000x128xf32, #tpu.memory_space<vmem_shared>> -> memref<80x128xf32, #tpu.memory_space<vmem_shared>>
      %dma_start3A_79 = arith.constant 0 : i32
      %dma_start3A_80 = tpu.memref_slice %arg6[%add3A_59, %dma_start3A_79] : memref<10000x128xf32, #tpu.memory_space<vmem_shared>> -> memref<80x128xf32, #tpu.memory_space<vmem_shared>>
      tpu.enqueue_dma source(%dma_start3A_80 : memref<80x128xf32, #tpu.memory_space<vmem_shared>>) target(%arg8 : memref<80x128xf32, #tpu.memory_space<vmem>>) target_semaphore(%run_scoped3A : memref<!tpu.dma_semaphore, #tpu.memory_space<semaphore_mem>>)
      %dma_wait3A = arith.constant 0 : i32
      %dma_wait3A_81 = tpu.memref_slice %arg6[%add3A_59, %dma_wait3A] : memref<10000x128xf32, #tpu.memory_space<vmem_shared>> -> memref<80x128xf32, #tpu.memory_space<vmem_shared>>
      %dma_wait3A_82 = arith.constant 0 : i32
      %dma_wait3A_83 = tpu.memref_slice %arg6[%add3A_59, %dma_wait3A_82] : memref<10000x128xf32, #tpu.memory_space<vmem_shared>> -> memref<80x128xf32, #tpu.memory_space<vmem_shared>>
      tpu.wait_dma2 semaphore(%run_scoped3A : memref<!tpu.dma_semaphore, #tpu.memory_space<semaphore_mem>>) src(%dma_wait3A_83 : memref<80x128xf32, #tpu.memory_space<vmem_shared>>) dst(%arg8 : memref<80x128xf32, #tpu.memory_space<vmem>>)
      tpu.yield
    }) : () -> ()
    %add3A_60 = arith.addi %mul3A_32, %mul3A_0 : i32
    %add3A_61 = arith.constant 400 : i32
    %add3A_62 = arith.addi %add3A_60, %add3A_61 : i32
    "tpu.region"() ({
      %run_scoped3A = tpu.sem_alloc : memref<!tpu.dma_semaphore, #tpu.memory_space<semaphore_mem>>
      %dma_start3A = arith.constant 0 : i32
      %dma_start3A_78 = tpu.memref_slice %arg5[%add3A_62, %dma_start3A] : memref<20000x128xf32, #tpu.memory_space<hbm>> -> memref<80x128xf32, #tpu.memory_space<hbm>>
      %dma_start3A_79 = arith.constant 0 : i32
      %dma_start3A_80 = tpu.memref_slice %arg5[%add3A_62, %dma_start3A_79] : memref<20000x128xf32, #tpu.memory_space<hbm>> -> memref<80x128xf32, #tpu.memory_space<hbm>>
      tpu.enqueue_dma source(%arg8 : memref<80x128xf32, #tpu.memory_space<vmem>>) target(%dma_start3A_80 : memref<80x128xf32, #tpu.memory_space<hbm>>) target_semaphore(%run_scoped3A : memref<!tpu.dma_semaphore, #tpu.memory_space<semaphore_mem>>)
      %dma_wait3A = arith.constant 0 : i32
      %dma_wait3A_81 = tpu.memref_slice %arg5[%add3A_62, %dma_wait3A] : memref<20000x128xf32, #tpu.memory_space<hbm>> -> memref<80x128xf32, #tpu.memory_space<hbm>>
      %dma_wait3A_82 = arith.constant 0 : i32
      %dma_wait3A_83 = tpu.memref_slice %arg5[%add3A_62, %dma_wait3A_82] : memref<20000x128xf32, #tpu.memory_space<hbm>> -> memref<80x128xf32, #tpu.memory_space<hbm>>
      tpu.wait_dma2 semaphore(%run_scoped3A : memref<!tpu.dma_semaphore, #tpu.memory_space<semaphore_mem>>) src(%arg8 : memref<80x128xf32, #tpu.memory_space<vmem>>) dst(%dma_wait3A_83 : memref<80x128xf32, #tpu.memory_space<hbm>>)
      tpu.yield
    }) : () -> ()
    %add3A_63 = arith.constant 480 : i32
    %add3A_64 = arith.addi %mul3A_0, %add3A_63 : i32
    "tpu.region"() ({
      %run_scoped3A = tpu.sem_alloc : memref<!tpu.dma_semaphore, #tpu.memory_space<semaphore_mem>>
      %dma_start3A = arith.constant 0 : i32
      %dma_start3A_78 = tpu.memref_slice %arg6[%add3A_64, %dma_start3A] : memref<10000x128xf32, #tpu.memory_space<vmem_shared>> -> memref<80x128xf32, #tpu.memory_space<vmem_shared>>
      %dma_start3A_79 = arith.constant 0 : i32
      %dma_start3A_80 = tpu.memref_slice %arg6[%add3A_64, %dma_start3A_79] : memref<10000x128xf32, #tpu.memory_space<vmem_shared>> -> memref<80x128xf32, #tpu.memory_space<vmem_shared>>
      tpu.enqueue_dma source(%dma_start3A_80 : memref<80x128xf32, #tpu.memory_space<vmem_shared>>) target(%arg8 : memref<80x128xf32, #tpu.memory_space<vmem>>) target_semaphore(%run_scoped3A : memref<!tpu.dma_semaphore, #tpu.memory_space<semaphore_mem>>)
      %dma_wait3A = arith.constant 0 : i32
      %dma_wait3A_81 = tpu.memref_slice %arg6[%add3A_64, %dma_wait3A] : memref<10000x128xf32, #tpu.memory_space<vmem_shared>> -> memref<80x128xf32, #tpu.memory_space<vmem_shared>>
      %dma_wait3A_82 = arith.constant 0 : i32
      %dma_wait3A_83 = tpu.memref_slice %arg6[%add3A_64, %dma_wait3A_82] : memref<10000x128xf32, #tpu.memory_space<vmem_shared>> -> memref<80x128xf32, #tpu.memory_space<vmem_shared>>
      tpu.wait_dma2 semaphore(%run_scoped3A : memref<!tpu.dma_semaphore, #tpu.memory_space<semaphore_mem>>) src(%dma_wait3A_83 : memref<80x128xf32, #tpu.memory_space<vmem_shared>>) dst(%arg8 : memref<80x128xf32, #tpu.memory_space<vmem>>)
      tpu.yield
    }) : () -> ()
    %add3A_65 = arith.addi %mul3A_32, %mul3A_0 : i32
    %add3A_66 = arith.constant 480 : i32
    %add3A_67 = arith.addi %add3A_65, %add3A_66 : i32
    "tpu.region"() ({
      %run_scoped3A = tpu.sem_alloc : memref<!tpu.dma_semaphore, #tpu.memory_space<semaphore_mem>>
      %dma_start3A = arith.constant 0 : i32
      %dma_start3A_78 = tpu.memref_slice %arg5[%add3A_67, %dma_start3A] : memref<20000x128xf32, #tpu.memory_space<hbm>> -> memref<80x128xf32, #tpu.memory_space<hbm>>
      %dma_start3A_79 = arith.constant 0 : i32
      %dma_start3A_80 = tpu.memref_slice %arg5[%add3A_67, %dma_start3A_79] : memref<20000x128xf32, #tpu.memory_space<hbm>> -> memref<80x128xf32, #tpu.memory_space<hbm>>
      tpu.enqueue_dma source(%arg8 : memref<80x128xf32, #tpu.memory_space<vmem>>) target(%dma_start3A_80 : memref<80x128xf32, #tpu.memory_space<hbm>>) target_semaphore(%run_scoped3A : memref<!tpu.dma_semaphore, #tpu.memory_space<semaphore_mem>>)
      %dma_wait3A = arith.constant 0 : i32
      %dma_wait3A_81 = tpu.memref_slice %arg5[%add3A_67, %dma_wait3A] : memref<20000x128xf32, #tpu.memory_space<hbm>> -> memref<80x128xf32, #tpu.memory_space<hbm>>
      %dma_wait3A_82 = arith.constant 0 : i32
      %dma_wait3A_83 = tpu.memref_slice %arg5[%add3A_67, %dma_wait3A_82] : memref<20000x128xf32, #tpu.memory_space<hbm>> -> memref<80x128xf32, #tpu.memory_space<hbm>>
      tpu.wait_dma2 semaphore(%run_scoped3A : memref<!tpu.dma_semaphore, #tpu.memory_space<semaphore_mem>>) src(%arg8 : memref<80x128xf32, #tpu.memory_space<vmem>>) dst(%dma_wait3A_83 : memref<80x128xf32, #tpu.memory_space<hbm>>)
      tpu.yield
    }) : () -> ()
    %add3A_68 = arith.constant 560 : i32
    %add3A_69 = arith.addi %mul3A_0, %add3A_68 : i32
    "tpu.region"() ({
      %run_scoped3A = tpu.sem_alloc : memref<!tpu.dma_semaphore, #tpu.memory_space<semaphore_mem>>
      %dma_start3A = arith.constant 0 : i32
      %dma_start3A_78 = arith.constant 0 : i32
      %dma_start3A_79 = tpu.memref_slice %arg8[%dma_start3A, %dma_start3A_78] : memref<80x128xf32, #tpu.memory_space<vmem>> -> memref<64x128xf32, #tpu.memory_space<vmem>>
      %dma_start3A_80 = arith.constant 0 : i32
      %dma_start3A_81 = tpu.memref_slice %arg6[%add3A_69, %dma_start3A_80] : memref<10000x128xf32, #tpu.memory_space<vmem_shared>> -> memref<64x128xf32, #tpu.memory_space<vmem_shared>>
      %dma_start3A_82 = arith.constant 0 : i32
      %dma_start3A_83 = arith.constant 0 : i32
      %dma_start3A_84 = tpu.memref_slice %arg8[%dma_start3A_82, %dma_start3A_83] : memref<80x128xf32, #tpu.memory_space<vmem>> -> memref<64x128xf32, #tpu.memory_space<vmem>>
      %dma_start3A_85 = arith.constant 0 : i32
      %dma_start3A_86 = tpu.memref_slice %arg6[%add3A_69, %dma_start3A_85] : memref<10000x128xf32, #tpu.memory_space<vmem_shared>> -> memref<64x128xf32, #tpu.memory_space<vmem_shared>>
      tpu.enqueue_dma source(%dma_start3A_86 : memref<64x128xf32, #tpu.memory_space<vmem_shared>>) target(%dma_start3A_84 : memref<64x128xf32, #tpu.memory_space<vmem>>) target_semaphore(%run_scoped3A : memref<!tpu.dma_semaphore, #tpu.memory_space<semaphore_mem>>)
      %dma_wait3A = arith.constant 0 : i32
      %dma_wait3A_87 = arith.constant 0 : i32
      %dma_wait3A_88 = tpu.memref_slice %arg8[%dma_wait3A, %dma_wait3A_87] : memref<80x128xf32, #tpu.memory_space<vmem>> -> memref<64x128xf32, #tpu.memory_space<vmem>>
      %dma_wait3A_89 = arith.constant 0 : i32
      %dma_wait3A_90 = tpu.memref_slice %arg6[%add3A_69, %dma_wait3A_89] : memref<10000x128xf32, #tpu.memory_space<vmem_shared>> -> memref<64x128xf32, #tpu.memory_space<vmem_shared>>
      %dma_wait3A_91 = arith.constant 0 : i32
      %dma_wait3A_92 = arith.constant 0 : i32
      %dma_wait3A_93 = tpu.memref_slice %arg8[%dma_wait3A_91, %dma_wait3A_92] : memref<80x128xf32, #tpu.memory_space<vmem>> -> memref<64x128xf32, #tpu.memory_space<vmem>>
      %dma_wait3A_94 = arith.constant 0 : i32
      %dma_wait3A_95 = tpu.memref_slice %arg6[%add3A_69, %dma_wait3A_94] : memref<10000x128xf32, #tpu.memory_space<vmem_shared>> -> memref<64x128xf32, #tpu.memory_space<vmem_shared>>
      tpu.wait_dma2 semaphore(%run_scoped3A : memref<!tpu.dma_semaphore, #tpu.memory_space<semaphore_mem>>) src(%dma_wait3A_95 : memref<64x128xf32, #tpu.memory_space<vmem_shared>>) dst(%dma_wait3A_93 : memref<64x128xf32, #tpu.memory_space<vmem>>)
      tpu.yield
    }) : () -> ()
    %add3A_70 = arith.addi %mul3A_32, %mul3A_0 : i32
    %add3A_71 = arith.constant 560 : i32
    %add3A_72 = arith.addi %add3A_70, %add3A_71 : i32
    "tpu.region"() ({
      %run_scoped3A = tpu.sem_alloc : memref<!tpu.dma_semaphore, #tpu.memory_space<semaphore_mem>>
      %dma_start3A = arith.constant 0 : i32
      %dma_start3A_78 = arith.constant 0 : i32
      %dma_start3A_79 = tpu.memref_slice %arg8[%dma_start3A, %dma_start3A_78] : memref<80x128xf32, #tpu.memory_space<vmem>> -> memref<64x128xf32, #tpu.memory_space<vmem>>
      %dma_start3A_80 = arith.constant 0 : i32
      %dma_start3A_81 = tpu.memref_slice %arg5[%add3A_72, %dma_start3A_80] : memref<20000x128xf32, #tpu.memory_space<hbm>> -> memref<64x128xf32, #tpu.memory_space<hbm>>
      %dma_start3A_82 = arith.constant 0 : i32
      %dma_start3A_83 = tpu.memref_slice %arg5[%add3A_72, %dma_start3A_82] : memref<20000x128xf32, #tpu.memory_space<hbm>> -> memref<64x128xf32, #tpu.memory_space<hbm>>
      %dma_start3A_84 = arith.constant 0 : i32
      %dma_start3A_85 = arith.constant 0 : i32
      %dma_start3A_86 = tpu.memref_slice %arg8[%dma_start3A_84, %dma_start3A_85] : memref<80x128xf32, #tpu.memory_space<vmem>> -> memref<64x128xf32, #tpu.memory_space<vmem>>
      tpu.enqueue_dma source(%dma_start3A_86 : memref<64x128xf32, #tpu.memory_space<vmem>>) target(%dma_start3A_83 : memref<64x128xf32, #tpu.memory_space<hbm>>) target_semaphore(%run_scoped3A : memref<!tpu.dma_semaphore, #tpu.memory_space<semaphore_mem>>)
      %dma_wait3A = arith.constant 0 : i32
      %dma_wait3A_87 = arith.constant 0 : i32
      %dma_wait3A_88 = tpu.memref_slice %arg8[%dma_wait3A, %dma_wait3A_87] : memref<80x128xf32, #tpu.memory_space<vmem>> -> memref<64x128xf32, #tpu.memory_space<vmem>>
      %dma_wait3A_89 = arith.constant 0 : i32
      %dma_wait3A_90 = tpu.memref_slice %arg5[%add3A_72, %dma_wait3A_89] : memref<20000x128xf32, #tpu.memory_space<hbm>> -> memref<64x128xf32, #tpu.memory_space<hbm>>
      %dma_wait3A_91 = arith.constant 0 : i32
      %dma_wait3A_92 = tpu.memref_slice %arg5[%add3A_72, %dma_wait3A_91] : memref<20000x128xf32, #tpu.memory_space<hbm>> -> memref<64x128xf32, #tpu.memory_space<hbm>>
      %dma_wait3A_93 = arith.constant 0 : i32
      %dma_wait3A_94 = arith.constant 0 : i32
      %dma_wait3A_95 = tpu.memref_slice %arg8[%dma_wait3A_93, %dma_wait3A_94] : memref<80x128xf32, #tpu.memory_space<vmem>> -> memref<64x128xf32, #tpu.memory_space<vmem>>
      tpu.wait_dma2 semaphore(%run_scoped3A : memref<!tpu.dma_semaphore, #tpu.memory_space<semaphore_mem>>) src(%dma_wait3A_95 : memref<64x128xf32, #tpu.memory_space<vmem>>) dst(%dma_wait3A_92 : memref<64x128xf32, #tpu.memory_space<hbm>>)
      tpu.yield
    }) : () -> ()
    %eq3A_73 = arith.constant 15 : i32
    %eq3A_74 = arith.cmpi eq, %arg1, %eq3A_73 : i32
    %convert_element_type3A_75 = arith.extui %eq3A_74 : i1 to i32
    %cond3A_76 = arith.constant 0 : i32
    %cond3A_77 = arith.cmpi ne, %convert_element_type3A_75, %cond3A_76 : i32
    scf.if %cond3A_77 {
      "tpu.region"() ({
        %run_scoped3A = tpu.sem_alloc : memref<!tpu.dma_semaphore, #tpu.memory_space<semaphore_mem>>
        %dma_start3A = arith.constant 0 : i32
        %dma_start3A_80 = arith.constant 0 : i32
        %dma_start3A_81 = tpu.memref_slice %arg8[%dma_start3A, %dma_start3A_80] : memref<80x128xf32, #tpu.memory_space<vmem>> -> memref<16x128xf32, #tpu.memory_space<vmem>>
        %dma_start3A_82 = arith.constant 9984 : i32
        %dma_start3A_83 = arith.constant 0 : i32
        %dma_start3A_84 = tpu.memref_slice %arg6[%dma_start3A_82, %dma_start3A_83] : memref<10000x128xf32, #tpu.memory_space<vmem_shared>> -> memref<16x128xf32, #tpu.memory_space<vmem_shared>>
        %dma_start3A_85 = arith.constant 0 : i32
        %dma_start3A_86 = arith.constant 0 : i32
        %dma_start3A_87 = tpu.memref_slice %arg8[%dma_start3A_85, %dma_start3A_86] : memref<80x128xf32, #tpu.memory_space<vmem>> -> memref<16x128xf32, #tpu.memory_space<vmem>>
        %dma_start3A_88 = arith.constant 9984 : i32
        %dma_start3A_89 = arith.constant 0 : i32
        %dma_start3A_90 = tpu.memref_slice %arg6[%dma_start3A_88, %dma_start3A_89] : memref<10000x128xf32, #tpu.memory_space<vmem_shared>> -> memref<16x128xf32, #tpu.memory_space<vmem_shared>>
        tpu.enqueue_dma source(%dma_start3A_90 : memref<16x128xf32, #tpu.memory_space<vmem_shared>>) target(%dma_start3A_87 : memref<16x128xf32, #tpu.memory_space<vmem>>) target_semaphore(%run_scoped3A : memref<!tpu.dma_semaphore, #tpu.memory_space<semaphore_mem>>)
        %dma_wait3A = arith.constant 0 : i32
        %dma_wait3A_91 = arith.constant 0 : i32
        %dma_wait3A_92 = tpu.memref_slice %arg8[%dma_wait3A, %dma_wait3A_91] : memref<80x128xf32, #tpu.memory_space<vmem>> -> memref<16x128xf32, #tpu.memory_space<vmem>>
        %dma_wait3A_93 = arith.constant 9984 : i32
        %dma_wait3A_94 = arith.constant 0 : i32
        %dma_wait3A_95 = tpu.memref_slice %arg6[%dma_wait3A_93, %dma_wait3A_94] : memref<10000x128xf32, #tpu.memory_space<vmem_shared>> -> memref<16x128xf32, #tpu.memory_space<vmem_shared>>
        %dma_wait3A_96 = arith.constant 0 : i32
        %dma_wait3A_97 = arith.constant 0 : i32
        %dma_wait3A_98 = tpu.memref_slice %arg8[%dma_wait3A_96, %dma_wait3A_97] : memref<80x128xf32, #tpu.memory_space<vmem>> -> memref<16x128xf32, #tpu.memory_space<vmem>>
        %dma_wait3A_99 = arith.constant 9984 : i32
        %dma_wait3A_100 = arith.constant 0 : i32
        %dma_wait3A_101 = tpu.memref_slice %arg6[%dma_wait3A_99, %dma_wait3A_100] : memref<10000x128xf32, #tpu.memory_space<vmem_shared>> -> memref<16x128xf32, #tpu.memory_space<vmem_shared>>
        tpu.wait_dma2 semaphore(%run_scoped3A : memref<!tpu.dma_semaphore, #tpu.memory_space<semaphore_mem>>) src(%dma_wait3A_101 : memref<16x128xf32, #tpu.memory_space<vmem_shared>>) dst(%dma_wait3A_98 : memref<16x128xf32, #tpu.memory_space<vmem>>)
        tpu.yield
      }) : () -> ()
      %add3A_78 = arith.constant 9984 : i32
      %add3A_79 = arith.addi %mul3A_32, %add3A_78 : i32
      "tpu.region"() ({
        %run_scoped3A = tpu.sem_alloc : memref<!tpu.dma_semaphore, #tpu.memory_space<semaphore_mem>>
        %dma_start3A = arith.constant 0 : i32
        %dma_start3A_80 = arith.constant 0 : i32
        %dma_start3A_81 = tpu.memref_slice %arg8[%dma_start3A, %dma_start3A_80] : memref<80x128xf32, #tpu.memory_space<vmem>> -> memref<16x128xf32, #tpu.memory_space<vmem>>
        %dma_start3A_82 = arith.constant 0 : i32
        %dma_start3A_83 = tpu.memref_slice %arg5[%add3A_79, %dma_start3A_82] : memref<20000x128xf32, #tpu.memory_space<hbm>> -> memref<16x128xf32, #tpu.memory_space<hbm>>
        %dma_start3A_84 = arith.constant 0 : i32
        %dma_start3A_85 = tpu.memref_slice %arg5[%add3A_79, %dma_start3A_84] : memref<20000x128xf32, #tpu.memory_space<hbm>> -> memref<16x128xf32, #tpu.memory_space<hbm>>
        %dma_start3A_86 = arith.constant 0 : i32
        %dma_start3A_87 = arith.constant 0 : i32
        %dma_start3A_88 = tpu.memref_slice %arg8[%dma_start3A_86, %dma_start3A_87] : memref<80x128xf32, #tpu.memory_space<vmem>> -> memref<16x128xf32, #tpu.memory_space<vmem>>
        tpu.enqueue_dma source(%dma_start3A_88 : memref<16x128xf32, #tpu.memory_space<vmem>>) target(%dma_start3A_85 : memref<16x128xf32, #tpu.memory_space<hbm>>) target_semaphore(%run_scoped3A : memref<!tpu.dma_semaphore, #tpu.memory_space<semaphore_mem>>)
        %dma_wait3A = arith.constant 0 : i32
        %dma_wait3A_89 = arith.constant 0 : i32
        %dma_wait3A_90 = tpu.memref_slice %arg8[%dma_wait3A, %dma_wait3A_89] : memref<80x128xf32, #tpu.memory_space<vmem>> -> memref<16x128xf32, #tpu.memory_space<vmem>>
        %dma_wait3A_91 = arith.constant 0 : i32
        %dma_wait3A_92 = tpu.memref_slice %arg5[%add3A_79, %dma_wait3A_91] : memref<20000x128xf32, #tpu.memory_space<hbm>> -> memref<16x128xf32, #tpu.memory_space<hbm>>
        %dma_wait3A_93 = arith.constant 0 : i32
        %dma_wait3A_94 = tpu.memref_slice %arg5[%add3A_79, %dma_wait3A_93] : memref<20000x128xf32, #tpu.memory_space<hbm>> -> memref<16x128xf32, #tpu.memory_space<hbm>>
        %dma_wait3A_95 = arith.constant 0 : i32
        %dma_wait3A_96 = arith.constant 0 : i32
        %dma_wait3A_97 = tpu.memref_slice %arg8[%dma_wait3A_95, %dma_wait3A_96] : memref<80x128xf32, #tpu.memory_space<vmem>> -> memref<16x128xf32, #tpu.memory_space<vmem>>
        tpu.wait_dma2 semaphore(%run_scoped3A : memref<!tpu.dma_semaphore, #tpu.memory_space<semaphore_mem>>) src(%dma_wait3A_97 : memref<16x128xf32, #tpu.memory_space<vmem>>) dst(%dma_wait3A_94 : memref<16x128xf32, #tpu.memory_space<hbm>>)
        tpu.yield
      }) : () -> ()
    } else {
    }
    return
  }
}

#map = affine_map<(d0, d1) -> (0, 0)>
#map1 = affine_map<(d0, d1) -> (0)>
#map2 = affine_map<(d0, d1) -> (0, 0, 0)>
module attributes {stable_mosaic.version = 14 : i64} {
  func.func @body(%arg0: i32, %arg1: i32, %arg2: memref<20000x128xf32, #tpu.memory_space<hbm>>, %arg3: memref<320000xi32, #tpu.memory_space<hbm>>, %arg4: memref<16x125x80xi32, #tpu.memory_space<hbm>>, %arg5: memref<10000x128xf32, #tpu.memory_space<hbm>>, %arg6: memref<20000x128xf32, #tpu.memory_space<hbm>>, %arg7: memref<10000x128xf32, #tpu.memory_space<vmem_shared>>, %arg8: memref<10000xi32, #tpu.memory_space<vmem>>, %arg9: memref<125x80xi32, #tpu.memory_space<vmem>>, %arg10: memref<80x128xf32, #tpu.memory_space<vmem>>, %arg11: memref<80x128xf32, #tpu.memory_space<vmem>>, %arg12: memref<!tpu.dma_semaphore, #tpu.memory_space<semaphore_mem>>, %arg13: memref<!tpu.dma_semaphore, #tpu.memory_space<semaphore_mem>>) attributes {dimension_semantics = [#tpu.dimension_semantics<core_parallel>, #tpu.dimension_semantics<subcore_parallel>], iteration_bounds = array<i64: 2, 16>, scalar_prefetch = 0 : i64, scratch_operands = 7 : i64, tpu.core_type = #tpu.core_type<sc_vector_subcore>, window_params = [{transform_indices = #map}, {transform_indices = #map1}, {transform_indices = #map2}, {transform_indices = #map}, {transform_indices = #map}]} {
    %mul3A = arith.constant 624 : i32
    %mul3A_0 = arith.muli %arg1, %mul3A : i32
    "tpu.region"() ({
      %run_scoped3A_84 = tpu.sem_alloc : memref<!tpu.dma_semaphore, #tpu.memory_space<semaphore_mem>>
      %dma_start3A_85 = arith.constant 0 : i32
      %dma_start3A_86 = arith.constant 0 : i32
      %dma_start3A_87 = tpu.memref_slice %arg5[%dma_start3A_85, %dma_start3A_86] : memref<10000x128xf32, #tpu.memory_space<hbm>> -> memref<80x128xf32, #tpu.memory_space<hbm>>
      %dma_start3A_88 = arith.constant 0 : i32
      %dma_start3A_89 = arith.constant 0 : i32
      %dma_start3A_90 = tpu.memref_slice %arg5[%dma_start3A_88, %dma_start3A_89] : memref<10000x128xf32, #tpu.memory_space<hbm>> -> memref<80x128xf32, #tpu.memory_space<hbm>>
      tpu.enqueue_dma source(%dma_start3A_90 : memref<80x128xf32, #tpu.memory_space<hbm>>) target(%arg10 : memref<80x128xf32, #tpu.memory_space<vmem>>) target_semaphore(%run_scoped3A_84 : memref<!tpu.dma_semaphore, #tpu.memory_space<semaphore_mem>>)
      %dma_wait3A_91 = arith.constant 0 : i32
      %dma_wait3A_92 = arith.constant 0 : i32
      %dma_wait3A_93 = tpu.memref_slice %arg5[%dma_wait3A_91, %dma_wait3A_92] : memref<10000x128xf32, #tpu.memory_space<hbm>> -> memref<80x128xf32, #tpu.memory_space<hbm>>
      %dma_wait3A_94 = arith.constant 0 : i32
      %dma_wait3A_95 = arith.constant 0 : i32
      %dma_wait3A_96 = tpu.memref_slice %arg5[%dma_wait3A_94, %dma_wait3A_95] : memref<10000x128xf32, #tpu.memory_space<hbm>> -> memref<80x128xf32, #tpu.memory_space<hbm>>
      tpu.wait_dma2 semaphore(%run_scoped3A_84 : memref<!tpu.dma_semaphore, #tpu.memory_space<semaphore_mem>>) src(%dma_wait3A_96 : memref<80x128xf32, #tpu.memory_space<hbm>>) dst(%arg10 : memref<80x128xf32, #tpu.memory_space<vmem>>)
      tpu.yield
    }) : () -> ()
    %add3A = arith.constant 0 : i32
    %add3A_1 = arith.addi %mul3A_0, %add3A : i32
    "tpu.region"() ({
      %run_scoped3A_84 = tpu.sem_alloc : memref<!tpu.dma_semaphore, #tpu.memory_space<semaphore_mem>>
      %dma_start3A_85 = arith.constant 0 : i32
      %dma_start3A_86 = tpu.memref_slice %arg7[%add3A_1, %dma_start3A_85] : memref<10000x128xf32, #tpu.memory_space<vmem_shared>> -> memref<80x128xf32, #tpu.memory_space<vmem_shared>>
      %dma_start3A_87 = arith.constant 0 : i32
      %dma_start3A_88 = tpu.memref_slice %arg7[%add3A_1, %dma_start3A_87] : memref<10000x128xf32, #tpu.memory_space<vmem_shared>> -> memref<80x128xf32, #tpu.memory_space<vmem_shared>>
      tpu.enqueue_dma source(%arg10 : memref<80x128xf32, #tpu.memory_space<vmem>>) target(%dma_start3A_88 : memref<80x128xf32, #tpu.memory_space<vmem_shared>>) target_semaphore(%run_scoped3A_84 : memref<!tpu.dma_semaphore, #tpu.memory_space<semaphore_mem>>)
      %dma_wait3A_89 = arith.constant 0 : i32
      %dma_wait3A_90 = tpu.memref_slice %arg7[%add3A_1, %dma_wait3A_89] : memref<10000x128xf32, #tpu.memory_space<vmem_shared>> -> memref<80x128xf32, #tpu.memory_space<vmem_shared>>
      %dma_wait3A_91 = arith.constant 0 : i32
      %dma_wait3A_92 = tpu.memref_slice %arg7[%add3A_1, %dma_wait3A_91] : memref<10000x128xf32, #tpu.memory_space<vmem_shared>> -> memref<80x128xf32, #tpu.memory_space<vmem_shared>>
      tpu.wait_dma2 semaphore(%run_scoped3A_84 : memref<!tpu.dma_semaphore, #tpu.memory_space<semaphore_mem>>) src(%arg10 : memref<80x128xf32, #tpu.memory_space<vmem>>) dst(%dma_wait3A_92 : memref<80x128xf32, #tpu.memory_space<vmem_shared>>)
      tpu.yield
    }) : () -> ()
    %add3A_2 = arith.constant 80 : i32
    %add3A_3 = arith.addi %mul3A_0, %add3A_2 : i32
    "tpu.region"() ({
      %run_scoped3A_84 = tpu.sem_alloc : memref<!tpu.dma_semaphore, #tpu.memory_space<semaphore_mem>>
      %dma_start3A_85 = arith.constant 0 : i32
      %dma_start3A_86 = tpu.memref_slice %arg7[%add3A_3, %dma_start3A_85] : memref<10000x128xf32, #tpu.memory_space<vmem_shared>> -> memref<80x128xf32, #tpu.memory_space<vmem_shared>>
      %dma_start3A_87 = arith.constant 0 : i32
      %dma_start3A_88 = tpu.memref_slice %arg7[%add3A_3, %dma_start3A_87] : memref<10000x128xf32, #tpu.memory_space<vmem_shared>> -> memref<80x128xf32, #tpu.memory_space<vmem_shared>>
      tpu.enqueue_dma source(%arg10 : memref<80x128xf32, #tpu.memory_space<vmem>>) target(%dma_start3A_88 : memref<80x128xf32, #tpu.memory_space<vmem_shared>>) target_semaphore(%run_scoped3A_84 : memref<!tpu.dma_semaphore, #tpu.memory_space<semaphore_mem>>)
      %dma_wait3A_89 = arith.constant 0 : i32
      %dma_wait3A_90 = tpu.memref_slice %arg7[%add3A_3, %dma_wait3A_89] : memref<10000x128xf32, #tpu.memory_space<vmem_shared>> -> memref<80x128xf32, #tpu.memory_space<vmem_shared>>
      %dma_wait3A_91 = arith.constant 0 : i32
      %dma_wait3A_92 = tpu.memref_slice %arg7[%add3A_3, %dma_wait3A_91] : memref<10000x128xf32, #tpu.memory_space<vmem_shared>> -> memref<80x128xf32, #tpu.memory_space<vmem_shared>>
      tpu.wait_dma2 semaphore(%run_scoped3A_84 : memref<!tpu.dma_semaphore, #tpu.memory_space<semaphore_mem>>) src(%arg10 : memref<80x128xf32, #tpu.memory_space<vmem>>) dst(%dma_wait3A_92 : memref<80x128xf32, #tpu.memory_space<vmem_shared>>)
      tpu.yield
    }) : () -> ()
    %add3A_4 = arith.constant 160 : i32
    %add3A_5 = arith.addi %mul3A_0, %add3A_4 : i32
    "tpu.region"() ({
      %run_scoped3A_84 = tpu.sem_alloc : memref<!tpu.dma_semaphore, #tpu.memory_space<semaphore_mem>>
      %dma_start3A_85 = arith.constant 0 : i32
      %dma_start3A_86 = tpu.memref_slice %arg7[%add3A_5, %dma_start3A_85] : memref<10000x128xf32, #tpu.memory_space<vmem_shared>> -> memref<80x128xf32, #tpu.memory_space<vmem_shared>>
      %dma_start3A_87 = arith.constant 0 : i32
      %dma_start3A_88 = tpu.memref_slice %arg7[%add3A_5, %dma_start3A_87] : memref<10000x128xf32, #tpu.memory_space<vmem_shared>> -> memref<80x128xf32, #tpu.memory_space<vmem_shared>>
      tpu.enqueue_dma source(%arg10 : memref<80x128xf32, #tpu.memory_space<vmem>>) target(%dma_start3A_88 : memref<80x128xf32, #tpu.memory_space<vmem_shared>>) target_semaphore(%run_scoped3A_84 : memref<!tpu.dma_semaphore, #tpu.memory_space<semaphore_mem>>)
      %dma_wait3A_89 = arith.constant 0 : i32
      %dma_wait3A_90 = tpu.memref_slice %arg7[%add3A_5, %dma_wait3A_89] : memref<10000x128xf32, #tpu.memory_space<vmem_shared>> -> memref<80x128xf32, #tpu.memory_space<vmem_shared>>
      %dma_wait3A_91 = arith.constant 0 : i32
      %dma_wait3A_92 = tpu.memref_slice %arg7[%add3A_5, %dma_wait3A_91] : memref<10000x128xf32, #tpu.memory_space<vmem_shared>> -> memref<80x128xf32, #tpu.memory_space<vmem_shared>>
      tpu.wait_dma2 semaphore(%run_scoped3A_84 : memref<!tpu.dma_semaphore, #tpu.memory_space<semaphore_mem>>) src(%arg10 : memref<80x128xf32, #tpu.memory_space<vmem>>) dst(%dma_wait3A_92 : memref<80x128xf32, #tpu.memory_space<vmem_shared>>)
      tpu.yield
    }) : () -> ()
    %add3A_6 = arith.constant 240 : i32
    %add3A_7 = arith.addi %mul3A_0, %add3A_6 : i32
    "tpu.region"() ({
      %run_scoped3A_84 = tpu.sem_alloc : memref<!tpu.dma_semaphore, #tpu.memory_space<semaphore_mem>>
      %dma_start3A_85 = arith.constant 0 : i32
      %dma_start3A_86 = tpu.memref_slice %arg7[%add3A_7, %dma_start3A_85] : memref<10000x128xf32, #tpu.memory_space<vmem_shared>> -> memref<80x128xf32, #tpu.memory_space<vmem_shared>>
      %dma_start3A_87 = arith.constant 0 : i32
      %dma_start3A_88 = tpu.memref_slice %arg7[%add3A_7, %dma_start3A_87] : memref<10000x128xf32, #tpu.memory_space<vmem_shared>> -> memref<80x128xf32, #tpu.memory_space<vmem_shared>>
      tpu.enqueue_dma source(%arg10 : memref<80x128xf32, #tpu.memory_space<vmem>>) target(%dma_start3A_88 : memref<80x128xf32, #tpu.memory_space<vmem_shared>>) target_semaphore(%run_scoped3A_84 : memref<!tpu.dma_semaphore, #tpu.memory_space<semaphore_mem>>)
      %dma_wait3A_89 = arith.constant 0 : i32
      %dma_wait3A_90 = tpu.memref_slice %arg7[%add3A_7, %dma_wait3A_89] : memref<10000x128xf32, #tpu.memory_space<vmem_shared>> -> memref<80x128xf32, #tpu.memory_space<vmem_shared>>
      %dma_wait3A_91 = arith.constant 0 : i32
      %dma_wait3A_92 = tpu.memref_slice %arg7[%add3A_7, %dma_wait3A_91] : memref<10000x128xf32, #tpu.memory_space<vmem_shared>> -> memref<80x128xf32, #tpu.memory_space<vmem_shared>>
      tpu.wait_dma2 semaphore(%run_scoped3A_84 : memref<!tpu.dma_semaphore, #tpu.memory_space<semaphore_mem>>) src(%arg10 : memref<80x128xf32, #tpu.memory_space<vmem>>) dst(%dma_wait3A_92 : memref<80x128xf32, #tpu.memory_space<vmem_shared>>)
      tpu.yield
    }) : () -> ()
    %add3A_8 = arith.constant 320 : i32
    %add3A_9 = arith.addi %mul3A_0, %add3A_8 : i32
    "tpu.region"() ({
      %run_scoped3A_84 = tpu.sem_alloc : memref<!tpu.dma_semaphore, #tpu.memory_space<semaphore_mem>>
      %dma_start3A_85 = arith.constant 0 : i32
      %dma_start3A_86 = tpu.memref_slice %arg7[%add3A_9, %dma_start3A_85] : memref<10000x128xf32, #tpu.memory_space<vmem_shared>> -> memref<80x128xf32, #tpu.memory_space<vmem_shared>>
      %dma_start3A_87 = arith.constant 0 : i32
      %dma_start3A_88 = tpu.memref_slice %arg7[%add3A_9, %dma_start3A_87] : memref<10000x128xf32, #tpu.memory_space<vmem_shared>> -> memref<80x128xf32, #tpu.memory_space<vmem_shared>>
      tpu.enqueue_dma source(%arg10 : memref<80x128xf32, #tpu.memory_space<vmem>>) target(%dma_start3A_88 : memref<80x128xf32, #tpu.memory_space<vmem_shared>>) target_semaphore(%run_scoped3A_84 : memref<!tpu.dma_semaphore, #tpu.memory_space<semaphore_mem>>)
      %dma_wait3A_89 = arith.constant 0 : i32
      %dma_wait3A_90 = tpu.memref_slice %arg7[%add3A_9, %dma_wait3A_89] : memref<10000x128xf32, #tpu.memory_space<vmem_shared>> -> memref<80x128xf32, #tpu.memory_space<vmem_shared>>
      %dma_wait3A_91 = arith.constant 0 : i32
      %dma_wait3A_92 = tpu.memref_slice %arg7[%add3A_9, %dma_wait3A_91] : memref<10000x128xf32, #tpu.memory_space<vmem_shared>> -> memref<80x128xf32, #tpu.memory_space<vmem_shared>>
      tpu.wait_dma2 semaphore(%run_scoped3A_84 : memref<!tpu.dma_semaphore, #tpu.memory_space<semaphore_mem>>) src(%arg10 : memref<80x128xf32, #tpu.memory_space<vmem>>) dst(%dma_wait3A_92 : memref<80x128xf32, #tpu.memory_space<vmem_shared>>)
      tpu.yield
    }) : () -> ()
    %add3A_10 = arith.constant 400 : i32
    %add3A_11 = arith.addi %mul3A_0, %add3A_10 : i32
    "tpu.region"() ({
      %run_scoped3A_84 = tpu.sem_alloc : memref<!tpu.dma_semaphore, #tpu.memory_space<semaphore_mem>>
      %dma_start3A_85 = arith.constant 0 : i32
      %dma_start3A_86 = tpu.memref_slice %arg7[%add3A_11, %dma_start3A_85] : memref<10000x128xf32, #tpu.memory_space<vmem_shared>> -> memref<80x128xf32, #tpu.memory_space<vmem_shared>>
      %dma_start3A_87 = arith.constant 0 : i32
      %dma_start3A_88 = tpu.memref_slice %arg7[%add3A_11, %dma_start3A_87] : memref<10000x128xf32, #tpu.memory_space<vmem_shared>> -> memref<80x128xf32, #tpu.memory_space<vmem_shared>>
      tpu.enqueue_dma source(%arg10 : memref<80x128xf32, #tpu.memory_space<vmem>>) target(%dma_start3A_88 : memref<80x128xf32, #tpu.memory_space<vmem_shared>>) target_semaphore(%run_scoped3A_84 : memref<!tpu.dma_semaphore, #tpu.memory_space<semaphore_mem>>)
      %dma_wait3A_89 = arith.constant 0 : i32
      %dma_wait3A_90 = tpu.memref_slice %arg7[%add3A_11, %dma_wait3A_89] : memref<10000x128xf32, #tpu.memory_space<vmem_shared>> -> memref<80x128xf32, #tpu.memory_space<vmem_shared>>
      %dma_wait3A_91 = arith.constant 0 : i32
      %dma_wait3A_92 = tpu.memref_slice %arg7[%add3A_11, %dma_wait3A_91] : memref<10000x128xf32, #tpu.memory_space<vmem_shared>> -> memref<80x128xf32, #tpu.memory_space<vmem_shared>>
      tpu.wait_dma2 semaphore(%run_scoped3A_84 : memref<!tpu.dma_semaphore, #tpu.memory_space<semaphore_mem>>) src(%arg10 : memref<80x128xf32, #tpu.memory_space<vmem>>) dst(%dma_wait3A_92 : memref<80x128xf32, #tpu.memory_space<vmem_shared>>)
      tpu.yield
    }) : () -> ()
    %add3A_12 = arith.constant 480 : i32
    %add3A_13 = arith.addi %mul3A_0, %add3A_12 : i32
    "tpu.region"() ({
      %run_scoped3A_84 = tpu.sem_alloc : memref<!tpu.dma_semaphore, #tpu.memory_space<semaphore_mem>>
      %dma_start3A_85 = arith.constant 0 : i32
      %dma_start3A_86 = tpu.memref_slice %arg7[%add3A_13, %dma_start3A_85] : memref<10000x128xf32, #tpu.memory_space<vmem_shared>> -> memref<80x128xf32, #tpu.memory_space<vmem_shared>>
      %dma_start3A_87 = arith.constant 0 : i32
      %dma_start3A_88 = tpu.memref_slice %arg7[%add3A_13, %dma_start3A_87] : memref<10000x128xf32, #tpu.memory_space<vmem_shared>> -> memref<80x128xf32, #tpu.memory_space<vmem_shared>>
      tpu.enqueue_dma source(%arg10 : memref<80x128xf32, #tpu.memory_space<vmem>>) target(%dma_start3A_88 : memref<80x128xf32, #tpu.memory_space<vmem_shared>>) target_semaphore(%run_scoped3A_84 : memref<!tpu.dma_semaphore, #tpu.memory_space<semaphore_mem>>)
      %dma_wait3A_89 = arith.constant 0 : i32
      %dma_wait3A_90 = tpu.memref_slice %arg7[%add3A_13, %dma_wait3A_89] : memref<10000x128xf32, #tpu.memory_space<vmem_shared>> -> memref<80x128xf32, #tpu.memory_space<vmem_shared>>
      %dma_wait3A_91 = arith.constant 0 : i32
      %dma_wait3A_92 = tpu.memref_slice %arg7[%add3A_13, %dma_wait3A_91] : memref<10000x128xf32, #tpu.memory_space<vmem_shared>> -> memref<80x128xf32, #tpu.memory_space<vmem_shared>>
      tpu.wait_dma2 semaphore(%run_scoped3A_84 : memref<!tpu.dma_semaphore, #tpu.memory_space<semaphore_mem>>) src(%arg10 : memref<80x128xf32, #tpu.memory_space<vmem>>) dst(%dma_wait3A_92 : memref<80x128xf32, #tpu.memory_space<vmem_shared>>)
      tpu.yield
    }) : () -> ()
    %add3A_14 = arith.constant 560 : i32
    %add3A_15 = arith.addi %mul3A_0, %add3A_14 : i32
    "tpu.region"() ({
      %run_scoped3A_84 = tpu.sem_alloc : memref<!tpu.dma_semaphore, #tpu.memory_space<semaphore_mem>>
      %dma_start3A_85 = arith.constant 0 : i32
      %dma_start3A_86 = arith.constant 0 : i32
      %dma_start3A_87 = tpu.memref_slice %arg10[%dma_start3A_85, %dma_start3A_86] : memref<80x128xf32, #tpu.memory_space<vmem>> -> memref<64x128xf32, #tpu.memory_space<vmem>>
      %dma_start3A_88 = arith.constant 0 : i32
      %dma_start3A_89 = tpu.memref_slice %arg7[%add3A_15, %dma_start3A_88] : memref<10000x128xf32, #tpu.memory_space<vmem_shared>> -> memref<64x128xf32, #tpu.memory_space<vmem_shared>>
      %dma_start3A_90 = arith.constant 0 : i32
      %dma_start3A_91 = tpu.memref_slice %arg7[%add3A_15, %dma_start3A_90] : memref<10000x128xf32, #tpu.memory_space<vmem_shared>> -> memref<64x128xf32, #tpu.memory_space<vmem_shared>>
      %dma_start3A_92 = arith.constant 0 : i32
      %dma_start3A_93 = arith.constant 0 : i32
      %dma_start3A_94 = tpu.memref_slice %arg10[%dma_start3A_92, %dma_start3A_93] : memref<80x128xf32, #tpu.memory_space<vmem>> -> memref<64x128xf32, #tpu.memory_space<vmem>>
      tpu.enqueue_dma source(%dma_start3A_94 : memref<64x128xf32, #tpu.memory_space<vmem>>) target(%dma_start3A_91 : memref<64x128xf32, #tpu.memory_space<vmem_shared>>) target_semaphore(%run_scoped3A_84 : memref<!tpu.dma_semaphore, #tpu.memory_space<semaphore_mem>>)
      %dma_wait3A_95 = arith.constant 0 : i32
      %dma_wait3A_96 = arith.constant 0 : i32
      %dma_wait3A_97 = tpu.memref_slice %arg10[%dma_wait3A_95, %dma_wait3A_96] : memref<80x128xf32, #tpu.memory_space<vmem>> -> memref<64x128xf32, #tpu.memory_space<vmem>>
      %dma_wait3A_98 = arith.constant 0 : i32
      %dma_wait3A_99 = tpu.memref_slice %arg7[%add3A_15, %dma_wait3A_98] : memref<10000x128xf32, #tpu.memory_space<vmem_shared>> -> memref<64x128xf32, #tpu.memory_space<vmem_shared>>
      %dma_wait3A_100 = arith.constant 0 : i32
      %dma_wait3A_101 = tpu.memref_slice %arg7[%add3A_15, %dma_wait3A_100] : memref<10000x128xf32, #tpu.memory_space<vmem_shared>> -> memref<64x128xf32, #tpu.memory_space<vmem_shared>>
      %dma_wait3A_102 = arith.constant 0 : i32
      %dma_wait3A_103 = arith.constant 0 : i32
      %dma_wait3A_104 = tpu.memref_slice %arg10[%dma_wait3A_102, %dma_wait3A_103] : memref<80x128xf32, #tpu.memory_space<vmem>> -> memref<64x128xf32, #tpu.memory_space<vmem>>
      tpu.wait_dma2 semaphore(%run_scoped3A_84 : memref<!tpu.dma_semaphore, #tpu.memory_space<semaphore_mem>>) src(%dma_wait3A_104 : memref<64x128xf32, #tpu.memory_space<vmem>>) dst(%dma_wait3A_101 : memref<64x128xf32, #tpu.memory_space<vmem_shared>>)
      tpu.yield
    }) : () -> ()
    %eq3A = arith.constant 15 : i32
    %eq3A_16 = arith.cmpi eq, %arg1, %eq3A : i32
    %convert_element_type3A = arith.extui %eq3A_16 : i1 to i32
    %cond3A = arith.constant 0 : i32
    %cond3A_17 = arith.cmpi ne, %convert_element_type3A, %cond3A : i32
    scf.if %cond3A_17 {
      "tpu.region"() ({
        %run_scoped3A_84 = tpu.sem_alloc : memref<!tpu.dma_semaphore, #tpu.memory_space<semaphore_mem>>
        %dma_start3A_85 = arith.constant 0 : i32
        %dma_start3A_86 = arith.constant 0 : i32
        %dma_start3A_87 = tpu.memref_slice %arg10[%dma_start3A_85, %dma_start3A_86] : memref<80x128xf32, #tpu.memory_space<vmem>> -> memref<16x128xf32, #tpu.memory_space<vmem>>
        %dma_start3A_88 = arith.constant 9984 : i32
        %dma_start3A_89 = arith.constant 0 : i32
        %dma_start3A_90 = tpu.memref_slice %arg7[%dma_start3A_88, %dma_start3A_89] : memref<10000x128xf32, #tpu.memory_space<vmem_shared>> -> memref<16x128xf32, #tpu.memory_space<vmem_shared>>
        %dma_start3A_91 = arith.constant 9984 : i32
        %dma_start3A_92 = arith.constant 0 : i32
        %dma_start3A_93 = tpu.memref_slice %arg7[%dma_start3A_91, %dma_start3A_92] : memref<10000x128xf32, #tpu.memory_space<vmem_shared>> -> memref<16x128xf32, #tpu.memory_space<vmem_shared>>
        %dma_start3A_94 = arith.constant 0 : i32
        %dma_start3A_95 = arith.constant 0 : i32
        %dma_start3A_96 = tpu.memref_slice %arg10[%dma_start3A_94, %dma_start3A_95] : memref<80x128xf32, #tpu.memory_space<vmem>> -> memref<16x128xf32, #tpu.memory_space<vmem>>
        tpu.enqueue_dma source(%dma_start3A_96 : memref<16x128xf32, #tpu.memory_space<vmem>>) target(%dma_start3A_93 : memref<16x128xf32, #tpu.memory_space<vmem_shared>>) target_semaphore(%run_scoped3A_84 : memref<!tpu.dma_semaphore, #tpu.memory_space<semaphore_mem>>)
        %dma_wait3A_97 = arith.constant 0 : i32
        %dma_wait3A_98 = arith.constant 0 : i32
        %dma_wait3A_99 = tpu.memref_slice %arg10[%dma_wait3A_97, %dma_wait3A_98] : memref<80x128xf32, #tpu.memory_space<vmem>> -> memref<16x128xf32, #tpu.memory_space<vmem>>
        %dma_wait3A_100 = arith.constant 9984 : i32
        %dma_wait3A_101 = arith.constant 0 : i32
        %dma_wait3A_102 = tpu.memref_slice %arg7[%dma_wait3A_100, %dma_wait3A_101] : memref<10000x128xf32, #tpu.memory_space<vmem_shared>> -> memref<16x128xf32, #tpu.memory_space<vmem_shared>>
        %dma_wait3A_103 = arith.constant 9984 : i32
        %dma_wait3A_104 = arith.constant 0 : i32
        %dma_wait3A_105 = tpu.memref_slice %arg7[%dma_wait3A_103, %dma_wait3A_104] : memref<10000x128xf32, #tpu.memory_space<vmem_shared>> -> memref<16x128xf32, #tpu.memory_space<vmem_shared>>
        %dma_wait3A_106 = arith.constant 0 : i32
        %dma_wait3A_107 = arith.constant 0 : i32
        %dma_wait3A_108 = tpu.memref_slice %arg10[%dma_wait3A_106, %dma_wait3A_107] : memref<80x128xf32, #tpu.memory_space<vmem>> -> memref<16x128xf32, #tpu.memory_space<vmem>>
        tpu.wait_dma2 semaphore(%run_scoped3A_84 : memref<!tpu.dma_semaphore, #tpu.memory_space<semaphore_mem>>) src(%dma_wait3A_108 : memref<16x128xf32, #tpu.memory_space<vmem>>) dst(%dma_wait3A_105 : memref<16x128xf32, #tpu.memory_space<vmem_shared>>)
        tpu.yield
      }) : () -> ()
    } else {
    }
    %mul3A_18 = arith.constant 160000 : i32
    %mul3A_19 = arith.muli %arg0, %mul3A_18 : i32
    %mul3A_20 = arith.constant 10000 : i32
    %mul3A_21 = arith.muli %arg1, %mul3A_20 : i32
    %add3A_22 = arith.addi %mul3A_19, %mul3A_21 : i32
    "tpu.region"() ({
      %run_scoped3A_84 = tpu.sem_alloc : memref<!tpu.dma_semaphore, #tpu.memory_space<semaphore_mem>>
      %dma_start3A_85 = tpu.memref_slice %arg3[%add3A_22] : memref<320000xi32, #tpu.memory_space<hbm>> -> memref<10000xi32, #tpu.memory_space<hbm>>
      %dma_start3A_86 = tpu.memref_slice %arg3[%add3A_22] : memref<320000xi32, #tpu.memory_space<hbm>> -> memref<10000xi32, #tpu.memory_space<hbm>>
      tpu.enqueue_dma source(%dma_start3A_86 : memref<10000xi32, #tpu.memory_space<hbm>>) target(%arg8 : memref<10000xi32, #tpu.memory_space<vmem>>) target_semaphore(%run_scoped3A_84 : memref<!tpu.dma_semaphore, #tpu.memory_space<semaphore_mem>>)
      %dma_wait3A_87 = tpu.memref_slice %arg3[%add3A_22] : memref<320000xi32, #tpu.memory_space<hbm>> -> memref<10000xi32, #tpu.memory_space<hbm>>
      %dma_wait3A_88 = tpu.memref_slice %arg3[%add3A_22] : memref<320000xi32, #tpu.memory_space<hbm>> -> memref<10000xi32, #tpu.memory_space<hbm>>
      tpu.wait_dma2 semaphore(%run_scoped3A_84 : memref<!tpu.dma_semaphore, #tpu.memory_space<semaphore_mem>>) src(%dma_wait3A_88 : memref<10000xi32, #tpu.memory_space<hbm>>) dst(%arg8 : memref<10000xi32, #tpu.memory_space<vmem>>)
      tpu.yield
    }) : () -> ()
    "tpu.region"() ({
      %run_scoped3A_84 = tpu.sem_alloc : memref<!tpu.dma_semaphore, #tpu.memory_space<semaphore_mem>>
      %dma_start3A_85 = arith.constant 0 : i32
      %dma_start3A_86 = arith.constant 0 : i32
      %dma_start3A_87 = tpu.memref_slice %arg4[%arg1, %dma_start3A_85, %dma_start3A_86] : memref<16x125x80xi32, #tpu.memory_space<hbm>> -> memref<1x125x80xi32, #tpu.memory_space<hbm>>
      %dma_start3A_88 = tpu.memref_squeeze %dma_start3A_87 : memref<1x125x80xi32, #tpu.memory_space<hbm>> -> memref<125x80xi32, #tpu.memory_space<hbm>>
      %dma_start3A_89 = arith.constant 0 : i32
      %dma_start3A_90 = arith.constant 0 : i32
      %dma_start3A_91 = tpu.memref_slice %arg4[%arg1, %dma_start3A_89, %dma_start3A_90] : memref<16x125x80xi32, #tpu.memory_space<hbm>> -> memref<1x125x80xi32, #tpu.memory_space<hbm>>
      %dma_start3A_92 = tpu.memref_squeeze %dma_start3A_91 : memref<1x125x80xi32, #tpu.memory_space<hbm>> -> memref<125x80xi32, #tpu.memory_space<hbm>>
      tpu.enqueue_dma source(%dma_start3A_92 : memref<125x80xi32, #tpu.memory_space<hbm>>) target(%arg9 : memref<125x80xi32, #tpu.memory_space<vmem>>) target_semaphore(%run_scoped3A_84 : memref<!tpu.dma_semaphore, #tpu.memory_space<semaphore_mem>>)
      %dma_wait3A_93 = arith.constant 0 : i32
      %dma_wait3A_94 = arith.constant 0 : i32
      %dma_wait3A_95 = tpu.memref_slice %arg4[%arg1, %dma_wait3A_93, %dma_wait3A_94] : memref<16x125x80xi32, #tpu.memory_space<hbm>> -> memref<1x125x80xi32, #tpu.memory_space<hbm>>
      %dma_wait3A_96 = tpu.memref_squeeze %dma_wait3A_95 : memref<1x125x80xi32, #tpu.memory_space<hbm>> -> memref<125x80xi32, #tpu.memory_space<hbm>>
      %dma_wait3A_97 = arith.constant 0 : i32
      %dma_wait3A_98 = arith.constant 0 : i32
      %dma_wait3A_99 = tpu.memref_slice %arg4[%arg1, %dma_wait3A_97, %dma_wait3A_98] : memref<16x125x80xi32, #tpu.memory_space<hbm>> -> memref<1x125x80xi32, #tpu.memory_space<hbm>>
      %dma_wait3A_100 = tpu.memref_squeeze %dma_wait3A_99 : memref<1x125x80xi32, #tpu.memory_space<hbm>> -> memref<125x80xi32, #tpu.memory_space<hbm>>
      tpu.wait_dma2 semaphore(%run_scoped3A_84 : memref<!tpu.dma_semaphore, #tpu.memory_space<semaphore_mem>>) src(%dma_wait3A_100 : memref<125x80xi32, #tpu.memory_space<hbm>>) dst(%arg9 : memref<125x80xi32, #tpu.memory_space<vmem>>)
      tpu.yield
    }) : () -> ()
    %barrier3A = arith.constant 0 : index
    tpu.barrier barrier_id(%barrier3A)
    %dma_start3A = arith.constant 0 : i32
    %dma_start3A_23 = tpu.memref_slice %arg8[%dma_start3A] : memref<10000xi32, #tpu.memory_space<vmem>> -> memref<80xi32, #tpu.memory_space<vmem>>
    %dma_start3A_24 = arith.constant 0 : i32
    %dma_start3A_25 = arith.constant 0 : i32
    %dma_start3A_26 = tpu.memref_slice %arg2[%dma_start3A_24, %dma_start3A_25] : memref<20000x128xf32, #tpu.memory_space<hbm>> -> memref<20000x128xf32, #tpu.memory_space<hbm>>
    tpu.enqueue_indirect_dma source(%dma_start3A_26 : memref<20000x128xf32, #tpu.memory_space<hbm>>) target(%arg10 : memref<80x128xf32, #tpu.memory_space<vmem>>) offsets(%dma_start3A_23 : memref<80xi32, #tpu.memory_space<vmem>>) semaphore(%arg12 : memref<!tpu.dma_semaphore, #tpu.memory_space<semaphore_mem>>)
    %scan3A = arith.constant 0 : i32
    %scan3A_27 = arith.constant 0 : i32
    %scan3A_28 = arith.constant 62 : i32
    %scan3A_29 = arith.addi %scan3A_27, %scan3A_28 : i32
    %scan3A_30 = arith.constant 1 : i32
    scf.for %scan3A_84 = %scan3A_27 to %scan3A_29 step %scan3A_30  : i32 {
      %mul3A_85 = arith.constant 2 : i32
      %mul3A_86 = arith.muli %mul3A_85, %scan3A_84 : i32
      %add3A_87 = arith.constant 1 : i32
      %add3A_88 = arith.addi %mul3A_86, %add3A_87 : i32
      %mul3A_89 = arith.constant 80 : i32
      %mul3A_90 = arith.muli %add3A_88, %mul3A_89 : i32
      %dma_start3A_91 = tpu.memref_slice %arg8[%mul3A_90] : memref<10000xi32, #tpu.memory_space<vmem>> -> memref<80xi32, #tpu.memory_space<vmem>>
      %dma_start3A_92 = arith.constant 0 : i32
      %dma_start3A_93 = arith.constant 0 : i32
      %dma_start3A_94 = tpu.memref_slice %arg2[%dma_start3A_92, %dma_start3A_93] : memref<20000x128xf32, #tpu.memory_space<hbm>> -> memref<20000x128xf32, #tpu.memory_space<hbm>>
      tpu.enqueue_indirect_dma source(%dma_start3A_94 : memref<20000x128xf32, #tpu.memory_space<hbm>>) target(%arg11 : memref<80x128xf32, #tpu.memory_space<vmem>>) offsets(%dma_start3A_91 : memref<80xi32, #tpu.memory_space<vmem>>) semaphore(%arg13 : memref<!tpu.dma_semaphore, #tpu.memory_space<semaphore_mem>>)
      %mul3A_95 = arith.constant 80 : i32
      %mul3A_96 = arith.muli %mul3A_86, %mul3A_95 : i32
      %dma_wait3A_97 = tpu.memref_slice %arg8[%mul3A_96] : memref<10000xi32, #tpu.memory_space<vmem>> -> memref<80xi32, #tpu.memory_space<vmem>>
      %dma_wait3A_98 = arith.constant 0 : i32
      %dma_wait3A_99 = arith.constant 0 : i32
      %dma_wait3A_100 = tpu.memref_slice %arg2[%dma_wait3A_98, %dma_wait3A_99] : memref<20000x128xf32, #tpu.memory_space<hbm>> -> memref<20000x128xf32, #tpu.memory_space<hbm>>
      tpu.wait_indirect_dma semaphore(%arg12 : memref<!tpu.dma_semaphore, #tpu.memory_space<semaphore_mem>>) src(%dma_wait3A_100 : memref<20000x128xf32, #tpu.memory_space<hbm>>) dst(%arg10 : memref<80x128xf32, #tpu.memory_space<vmem>>)
      "tpu.region"() ({
        %run_scoped3A_119 = tpu.sem_alloc : memref<!tpu.dma_semaphore, #tpu.memory_space<semaphore_mem>>
        %dma_start3A_120 = arith.constant 0 : i32
        %dma_start3A_121 = tpu.memref_slice %arg9[%mul3A_86, %dma_start3A_120] : memref<125x80xi32, #tpu.memory_space<vmem>> -> memref<1x80xi32, #tpu.memory_space<vmem>>
        %dma_start3A_122 = tpu.memref_squeeze %dma_start3A_121 : memref<1x80xi32, #tpu.memory_space<vmem>> -> memref<80xi32, #tpu.memory_space<vmem>>
        %dma_start3A_123 = arith.constant 0 : i32
        %dma_start3A_124 = arith.constant 0 : i32
        %dma_start3A_125 = tpu.memref_slice %arg7[%dma_start3A_123, %dma_start3A_124] : memref<10000x128xf32, #tpu.memory_space<vmem_shared>> -> memref<10000x128xf32, #tpu.memory_space<vmem_shared>>
        tpu.enqueue_indirect_dma source(%arg10 : memref<80x128xf32, #tpu.memory_space<vmem>>) target(%dma_start3A_125 : memref<10000x128xf32, #tpu.memory_space<vmem_shared>>) offsets(%dma_start3A_122 : memref<80xi32, #tpu.memory_space<vmem>>) semaphore(%run_scoped3A_119 : memref<!tpu.dma_semaphore, #tpu.memory_space<semaphore_mem>>) {add = true}
        %dma_wait3A_126 = arith.constant 0 : i32
        %dma_wait3A_127 = tpu.memref_slice %arg9[%mul3A_86, %dma_wait3A_126] : memref<125x80xi32, #tpu.memory_space<vmem>> -> memref<1x80xi32, #tpu.memory_space<vmem>>
        %dma_wait3A_128 = tpu.memref_squeeze %dma_wait3A_127 : memref<1x80xi32, #tpu.memory_space<vmem>> -> memref<80xi32, #tpu.memory_space<vmem>>
        %dma_wait3A_129 = arith.constant 0 : i32
        %dma_wait3A_130 = arith.constant 0 : i32
        %dma_wait3A_131 = tpu.memref_slice %arg7[%dma_wait3A_129, %dma_wait3A_130] : memref<10000x128xf32, #tpu.memory_space<vmem_shared>> -> memref<10000x128xf32, #tpu.memory_space<vmem_shared>>
        tpu.wait_indirect_dma semaphore(%run_scoped3A_119 : memref<!tpu.dma_semaphore, #tpu.memory_space<semaphore_mem>>) src(%arg10 : memref<80x128xf32, #tpu.memory_space<vmem>>) dst(%dma_wait3A_131 : memref<10000x128xf32, #tpu.memory_space<vmem_shared>>)
        tpu.yield
      }) : () -> ()
      %add3A_101 = arith.constant 2 : i32
      %add3A_102 = arith.addi %mul3A_86, %add3A_101 : i32
      %mul3A_103 = arith.constant 80 : i32
      %mul3A_104 = arith.muli %add3A_102, %mul3A_103 : i32
      %dma_start3A_105 = tpu.memref_slice %arg8[%mul3A_104] : memref<10000xi32, #tpu.memory_space<vmem>> -> memref<80xi32, #tpu.memory_space<vmem>>
      %dma_start3A_106 = arith.constant 0 : i32
      %dma_start3A_107 = arith.constant 0 : i32
      %dma_start3A_108 = tpu.memref_slice %arg2[%dma_start3A_106, %dma_start3A_107] : memref<20000x128xf32, #tpu.memory_space<hbm>> -> memref<20000x128xf32, #tpu.memory_space<hbm>>
      tpu.enqueue_indirect_dma source(%dma_start3A_108 : memref<20000x128xf32, #tpu.memory_space<hbm>>) target(%arg10 : memref<80x128xf32, #tpu.memory_space<vmem>>) offsets(%dma_start3A_105 : memref<80xi32, #tpu.memory_space<vmem>>) semaphore(%arg12 : memref<!tpu.dma_semaphore, #tpu.memory_space<semaphore_mem>>)
      %add3A_109 = arith.constant 1 : i32
      %add3A_110 = arith.addi %mul3A_86, %add3A_109 : i32
      %mul3A_111 = arith.constant 80 : i32
      %mul3A_112 = arith.muli %add3A_110, %mul3A_111 : i32
      %dma_wait3A_113 = tpu.memref_slice %arg8[%mul3A_112] : memref<10000xi32, #tpu.memory_space<vmem>> -> memref<80xi32, #tpu.memory_space<vmem>>
      %dma_wait3A_114 = arith.constant 0 : i32
      %dma_wait3A_115 = arith.constant 0 : i32
      %dma_wait3A_116 = tpu.memref_slice %arg2[%dma_wait3A_114, %dma_wait3A_115] : memref<20000x128xf32, #tpu.memory_space<hbm>> -> memref<20000x128xf32, #tpu.memory_space<hbm>>
      tpu.wait_indirect_dma semaphore(%arg13 : memref<!tpu.dma_semaphore, #tpu.memory_space<semaphore_mem>>) src(%dma_wait3A_116 : memref<20000x128xf32, #tpu.memory_space<hbm>>) dst(%arg11 : memref<80x128xf32, #tpu.memory_space<vmem>>)
      %add3A_117 = arith.constant 1 : i32
      %add3A_118 = arith.addi %mul3A_86, %add3A_117 : i32
      "tpu.region"() ({
        %run_scoped3A_119 = tpu.sem_alloc : memref<!tpu.dma_semaphore, #tpu.memory_space<semaphore_mem>>
        %dma_start3A_120 = arith.constant 0 : i32
        %dma_start3A_121 = tpu.memref_slice %arg9[%add3A_118, %dma_start3A_120] : memref<125x80xi32, #tpu.memory_space<vmem>> -> memref<1x80xi32, #tpu.memory_space<vmem>>
        %dma_start3A_122 = tpu.memref_squeeze %dma_start3A_121 : memref<1x80xi32, #tpu.memory_space<vmem>> -> memref<80xi32, #tpu.memory_space<vmem>>
        %dma_start3A_123 = arith.constant 0 : i32
        %dma_start3A_124 = arith.constant 0 : i32
        %dma_start3A_125 = tpu.memref_slice %arg7[%dma_start3A_123, %dma_start3A_124] : memref<10000x128xf32, #tpu.memory_space<vmem_shared>> -> memref<10000x128xf32, #tpu.memory_space<vmem_shared>>
        tpu.enqueue_indirect_dma source(%arg11 : memref<80x128xf32, #tpu.memory_space<vmem>>) target(%dma_start3A_125 : memref<10000x128xf32, #tpu.memory_space<vmem_shared>>) offsets(%dma_start3A_122 : memref<80xi32, #tpu.memory_space<vmem>>) semaphore(%run_scoped3A_119 : memref<!tpu.dma_semaphore, #tpu.memory_space<semaphore_mem>>) {add = true}
        %dma_wait3A_126 = arith.constant 0 : i32
        %dma_wait3A_127 = tpu.memref_slice %arg9[%add3A_118, %dma_wait3A_126] : memref<125x80xi32, #tpu.memory_space<vmem>> -> memref<1x80xi32, #tpu.memory_space<vmem>>
        %dma_wait3A_128 = tpu.memref_squeeze %dma_wait3A_127 : memref<1x80xi32, #tpu.memory_space<vmem>> -> memref<80xi32, #tpu.memory_space<vmem>>
        %dma_wait3A_129 = arith.constant 0 : i32
        %dma_wait3A_130 = arith.constant 0 : i32
        %dma_wait3A_131 = tpu.memref_slice %arg7[%dma_wait3A_129, %dma_wait3A_130] : memref<10000x128xf32, #tpu.memory_space<vmem_shared>> -> memref<10000x128xf32, #tpu.memory_space<vmem_shared>>
        tpu.wait_indirect_dma semaphore(%run_scoped3A_119 : memref<!tpu.dma_semaphore, #tpu.memory_space<semaphore_mem>>) src(%arg11 : memref<80x128xf32, #tpu.memory_space<vmem>>) dst(%dma_wait3A_131 : memref<10000x128xf32, #tpu.memory_space<vmem_shared>>)
        tpu.yield
      }) : () -> ()
    }
    %scan3A_31 = arith.constant 62 : i32
    %dma_wait3A = arith.constant 9920 : i32
    %dma_wait3A_32 = tpu.memref_slice %arg8[%dma_wait3A] : memref<10000xi32, #tpu.memory_space<vmem>> -> memref<80xi32, #tpu.memory_space<vmem>>
    %dma_wait3A_33 = arith.constant 0 : i32
    %dma_wait3A_34 = arith.constant 0 : i32
    %dma_wait3A_35 = tpu.memref_slice %arg2[%dma_wait3A_33, %dma_wait3A_34] : memref<20000x128xf32, #tpu.memory_space<hbm>> -> memref<20000x128xf32, #tpu.memory_space<hbm>>
    tpu.wait_indirect_dma semaphore(%arg12 : memref<!tpu.dma_semaphore, #tpu.memory_space<semaphore_mem>>) src(%dma_wait3A_35 : memref<20000x128xf32, #tpu.memory_space<hbm>>) dst(%arg10 : memref<80x128xf32, #tpu.memory_space<vmem>>)
    %run_scoped3A = arith.constant 124 : i32
    "tpu.region"() ({
      %run_scoped3A_84 = tpu.sem_alloc : memref<!tpu.dma_semaphore, #tpu.memory_space<semaphore_mem>>
      %dma_start3A_85 = arith.constant 0 : i32
      %dma_start3A_86 = tpu.memref_slice %arg9[%run_scoped3A, %dma_start3A_85] : memref<125x80xi32, #tpu.memory_space<vmem>> -> memref<1x80xi32, #tpu.memory_space<vmem>>
      %dma_start3A_87 = tpu.memref_squeeze %dma_start3A_86 : memref<1x80xi32, #tpu.memory_space<vmem>> -> memref<80xi32, #tpu.memory_space<vmem>>
      %dma_start3A_88 = arith.constant 0 : i32
      %dma_start3A_89 = arith.constant 0 : i32
      %dma_start3A_90 = tpu.memref_slice %arg7[%dma_start3A_88, %dma_start3A_89] : memref<10000x128xf32, #tpu.memory_space<vmem_shared>> -> memref<10000x128xf32, #tpu.memory_space<vmem_shared>>
      tpu.enqueue_indirect_dma source(%arg10 : memref<80x128xf32, #tpu.memory_space<vmem>>) target(%dma_start3A_90 : memref<10000x128xf32, #tpu.memory_space<vmem_shared>>) offsets(%dma_start3A_87 : memref<80xi32, #tpu.memory_space<vmem>>) semaphore(%run_scoped3A_84 : memref<!tpu.dma_semaphore, #tpu.memory_space<semaphore_mem>>) {add = true}
      %dma_wait3A_91 = arith.constant 0 : i32
      %dma_wait3A_92 = tpu.memref_slice %arg9[%run_scoped3A, %dma_wait3A_91] : memref<125x80xi32, #tpu.memory_space<vmem>> -> memref<1x80xi32, #tpu.memory_space<vmem>>
      %dma_wait3A_93 = tpu.memref_squeeze %dma_wait3A_92 : memref<1x80xi32, #tpu.memory_space<vmem>> -> memref<80xi32, #tpu.memory_space<vmem>>
      %dma_wait3A_94 = arith.constant 0 : i32
      %dma_wait3A_95 = arith.constant 0 : i32
      %dma_wait3A_96 = tpu.memref_slice %arg7[%dma_wait3A_94, %dma_wait3A_95] : memref<10000x128xf32, #tpu.memory_space<vmem_shared>> -> memref<10000x128xf32, #tpu.memory_space<vmem_shared>>
      tpu.wait_indirect_dma semaphore(%run_scoped3A_84 : memref<!tpu.dma_semaphore, #tpu.memory_space<semaphore_mem>>) src(%arg10 : memref<80x128xf32, #tpu.memory_space<vmem>>) dst(%dma_wait3A_96 : memref<10000x128xf32, #tpu.memory_space<vmem_shared>>)
      tpu.yield
    }) : () -> ()
    %barrier3A_36 = arith.constant 0 : index
    tpu.barrier barrier_id(%barrier3A_36)
    %mul3A_37 = arith.constant 10000 : i32
    %mul3A_38 = arith.muli %arg0, %mul3A_37 : i32
    %add3A_39 = arith.constant 0 : i32
    %add3A_40 = arith.addi %mul3A_0, %add3A_39 : i32
    "tpu.region"() ({
      %run_scoped3A_84 = tpu.sem_alloc : memref<!tpu.dma_semaphore, #tpu.memory_space<semaphore_mem>>
      %dma_start3A_85 = arith.constant 0 : i32
      %dma_start3A_86 = tpu.memref_slice %arg7[%add3A_40, %dma_start3A_85] : memref<10000x128xf32, #tpu.memory_space<vmem_shared>> -> memref<80x128xf32, #tpu.memory_space<vmem_shared>>
      %dma_start3A_87 = arith.constant 0 : i32
      %dma_start3A_88 = tpu.memref_slice %arg7[%add3A_40, %dma_start3A_87] : memref<10000x128xf32, #tpu.memory_space<vmem_shared>> -> memref<80x128xf32, #tpu.memory_space<vmem_shared>>
      tpu.enqueue_dma source(%dma_start3A_88 : memref<80x128xf32, #tpu.memory_space<vmem_shared>>) target(%arg10 : memref<80x128xf32, #tpu.memory_space<vmem>>) target_semaphore(%run_scoped3A_84 : memref<!tpu.dma_semaphore, #tpu.memory_space<semaphore_mem>>)
      %dma_wait3A_89 = arith.constant 0 : i32
      %dma_wait3A_90 = tpu.memref_slice %arg7[%add3A_40, %dma_wait3A_89] : memref<10000x128xf32, #tpu.memory_space<vmem_shared>> -> memref<80x128xf32, #tpu.memory_space<vmem_shared>>
      %dma_wait3A_91 = arith.constant 0 : i32
      %dma_wait3A_92 = tpu.memref_slice %arg7[%add3A_40, %dma_wait3A_91] : memref<10000x128xf32, #tpu.memory_space<vmem_shared>> -> memref<80x128xf32, #tpu.memory_space<vmem_shared>>
      tpu.wait_dma2 semaphore(%run_scoped3A_84 : memref<!tpu.dma_semaphore, #tpu.memory_space<semaphore_mem>>) src(%dma_wait3A_92 : memref<80x128xf32, #tpu.memory_space<vmem_shared>>) dst(%arg10 : memref<80x128xf32, #tpu.memory_space<vmem>>)
      tpu.yield
    }) : () -> ()
    %add3A_41 = arith.addi %mul3A_38, %mul3A_0 : i32
    %add3A_42 = arith.constant 0 : i32
    %add3A_43 = arith.addi %add3A_41, %add3A_42 : i32
    "tpu.region"() ({
      %run_scoped3A_84 = tpu.sem_alloc : memref<!tpu.dma_semaphore, #tpu.memory_space<semaphore_mem>>
      %dma_start3A_85 = arith.constant 0 : i32
      %dma_start3A_86 = tpu.memref_slice %arg6[%add3A_43, %dma_start3A_85] : memref<20000x128xf32, #tpu.memory_space<hbm>> -> memref<80x128xf32, #tpu.memory_space<hbm>>
      %dma_start3A_87 = arith.constant 0 : i32
      %dma_start3A_88 = tpu.memref_slice %arg6[%add3A_43, %dma_start3A_87] : memref<20000x128xf32, #tpu.memory_space<hbm>> -> memref<80x128xf32, #tpu.memory_space<hbm>>
      tpu.enqueue_dma source(%arg10 : memref<80x128xf32, #tpu.memory_space<vmem>>) target(%dma_start3A_88 : memref<80x128xf32, #tpu.memory_space<hbm>>) target_semaphore(%run_scoped3A_84 : memref<!tpu.dma_semaphore, #tpu.memory_space<semaphore_mem>>)
      %dma_wait3A_89 = arith.constant 0 : i32
      %dma_wait3A_90 = tpu.memref_slice %arg6[%add3A_43, %dma_wait3A_89] : memref<20000x128xf32, #tpu.memory_space<hbm>> -> memref<80x128xf32, #tpu.memory_space<hbm>>
      %dma_wait3A_91 = arith.constant 0 : i32
      %dma_wait3A_92 = tpu.memref_slice %arg6[%add3A_43, %dma_wait3A_91] : memref<20000x128xf32, #tpu.memory_space<hbm>> -> memref<80x128xf32, #tpu.memory_space<hbm>>
      tpu.wait_dma2 semaphore(%run_scoped3A_84 : memref<!tpu.dma_semaphore, #tpu.memory_space<semaphore_mem>>) src(%arg10 : memref<80x128xf32, #tpu.memory_space<vmem>>) dst(%dma_wait3A_92 : memref<80x128xf32, #tpu.memory_space<hbm>>)
      tpu.yield
    }) : () -> ()
    %add3A_44 = arith.constant 80 : i32
    %add3A_45 = arith.addi %mul3A_0, %add3A_44 : i32
    "tpu.region"() ({
      %run_scoped3A_84 = tpu.sem_alloc : memref<!tpu.dma_semaphore, #tpu.memory_space<semaphore_mem>>
      %dma_start3A_85 = arith.constant 0 : i32
      %dma_start3A_86 = tpu.memref_slice %arg7[%add3A_45, %dma_start3A_85] : memref<10000x128xf32, #tpu.memory_space<vmem_shared>> -> memref<80x128xf32, #tpu.memory_space<vmem_shared>>
      %dma_start3A_87 = arith.constant 0 : i32
      %dma_start3A_88 = tpu.memref_slice %arg7[%add3A_45, %dma_start3A_87] : memref<10000x128xf32, #tpu.memory_space<vmem_shared>> -> memref<80x128xf32, #tpu.memory_space<vmem_shared>>
      tpu.enqueue_dma source(%dma_start3A_88 : memref<80x128xf32, #tpu.memory_space<vmem_shared>>) target(%arg10 : memref<80x128xf32, #tpu.memory_space<vmem>>) target_semaphore(%run_scoped3A_84 : memref<!tpu.dma_semaphore, #tpu.memory_space<semaphore_mem>>)
      %dma_wait3A_89 = arith.constant 0 : i32
      %dma_wait3A_90 = tpu.memref_slice %arg7[%add3A_45, %dma_wait3A_89] : memref<10000x128xf32, #tpu.memory_space<vmem_shared>> -> memref<80x128xf32, #tpu.memory_space<vmem_shared>>
      %dma_wait3A_91 = arith.constant 0 : i32
      %dma_wait3A_92 = tpu.memref_slice %arg7[%add3A_45, %dma_wait3A_91] : memref<10000x128xf32, #tpu.memory_space<vmem_shared>> -> memref<80x128xf32, #tpu.memory_space<vmem_shared>>
      tpu.wait_dma2 semaphore(%run_scoped3A_84 : memref<!tpu.dma_semaphore, #tpu.memory_space<semaphore_mem>>) src(%dma_wait3A_92 : memref<80x128xf32, #tpu.memory_space<vmem_shared>>) dst(%arg10 : memref<80x128xf32, #tpu.memory_space<vmem>>)
      tpu.yield
    }) : () -> ()
    %add3A_46 = arith.addi %mul3A_38, %mul3A_0 : i32
    %add3A_47 = arith.constant 80 : i32
    %add3A_48 = arith.addi %add3A_46, %add3A_47 : i32
    "tpu.region"() ({
      %run_scoped3A_84 = tpu.sem_alloc : memref<!tpu.dma_semaphore, #tpu.memory_space<semaphore_mem>>
      %dma_start3A_85 = arith.constant 0 : i32
      %dma_start3A_86 = tpu.memref_slice %arg6[%add3A_48, %dma_start3A_85] : memref<20000x128xf32, #tpu.memory_space<hbm>> -> memref<80x128xf32, #tpu.memory_space<hbm>>
      %dma_start3A_87 = arith.constant 0 : i32
      %dma_start3A_88 = tpu.memref_slice %arg6[%add3A_48, %dma_start3A_87] : memref<20000x128xf32, #tpu.memory_space<hbm>> -> memref<80x128xf32, #tpu.memory_space<hbm>>
      tpu.enqueue_dma source(%arg10 : memref<80x128xf32, #tpu.memory_space<vmem>>) target(%dma_start3A_88 : memref<80x128xf32, #tpu.memory_space<hbm>>) target_semaphore(%run_scoped3A_84 : memref<!tpu.dma_semaphore, #tpu.memory_space<semaphore_mem>>)
      %dma_wait3A_89 = arith.constant 0 : i32
      %dma_wait3A_90 = tpu.memref_slice %arg6[%add3A_48, %dma_wait3A_89] : memref<20000x128xf32, #tpu.memory_space<hbm>> -> memref<80x128xf32, #tpu.memory_space<hbm>>
      %dma_wait3A_91 = arith.constant 0 : i32
      %dma_wait3A_92 = tpu.memref_slice %arg6[%add3A_48, %dma_wait3A_91] : memref<20000x128xf32, #tpu.memory_space<hbm>> -> memref<80x128xf32, #tpu.memory_space<hbm>>
      tpu.wait_dma2 semaphore(%run_scoped3A_84 : memref<!tpu.dma_semaphore, #tpu.memory_space<semaphore_mem>>) src(%arg10 : memref<80x128xf32, #tpu.memory_space<vmem>>) dst(%dma_wait3A_92 : memref<80x128xf32, #tpu.memory_space<hbm>>)
      tpu.yield
    }) : () -> ()
    %add3A_49 = arith.constant 160 : i32
    %add3A_50 = arith.addi %mul3A_0, %add3A_49 : i32
    "tpu.region"() ({
      %run_scoped3A_84 = tpu.sem_alloc : memref<!tpu.dma_semaphore, #tpu.memory_space<semaphore_mem>>
      %dma_start3A_85 = arith.constant 0 : i32
      %dma_start3A_86 = tpu.memref_slice %arg7[%add3A_50, %dma_start3A_85] : memref<10000x128xf32, #tpu.memory_space<vmem_shared>> -> memref<80x128xf32, #tpu.memory_space<vmem_shared>>
      %dma_start3A_87 = arith.constant 0 : i32
      %dma_start3A_88 = tpu.memref_slice %arg7[%add3A_50, %dma_start3A_87] : memref<10000x128xf32, #tpu.memory_space<vmem_shared>> -> memref<80x128xf32, #tpu.memory_space<vmem_shared>>
      tpu.enqueue_dma source(%dma_start3A_88 : memref<80x128xf32, #tpu.memory_space<vmem_shared>>) target(%arg10 : memref<80x128xf32, #tpu.memory_space<vmem>>) target_semaphore(%run_scoped3A_84 : memref<!tpu.dma_semaphore, #tpu.memory_space<semaphore_mem>>)
      %dma_wait3A_89 = arith.constant 0 : i32
      %dma_wait3A_90 = tpu.memref_slice %arg7[%add3A_50, %dma_wait3A_89] : memref<10000x128xf32, #tpu.memory_space<vmem_shared>> -> memref<80x128xf32, #tpu.memory_space<vmem_shared>>
      %dma_wait3A_91 = arith.constant 0 : i32
      %dma_wait3A_92 = tpu.memref_slice %arg7[%add3A_50, %dma_wait3A_91] : memref<10000x128xf32, #tpu.memory_space<vmem_shared>> -> memref<80x128xf32, #tpu.memory_space<vmem_shared>>
      tpu.wait_dma2 semaphore(%run_scoped3A_84 : memref<!tpu.dma_semaphore, #tpu.memory_space<semaphore_mem>>) src(%dma_wait3A_92 : memref<80x128xf32, #tpu.memory_space<vmem_shared>>) dst(%arg10 : memref<80x128xf32, #tpu.memory_space<vmem>>)
      tpu.yield
    }) : () -> ()
    %add3A_51 = arith.addi %mul3A_38, %mul3A_0 : i32
    %add3A_52 = arith.constant 160 : i32
    %add3A_53 = arith.addi %add3A_51, %add3A_52 : i32
    "tpu.region"() ({
      %run_scoped3A_84 = tpu.sem_alloc : memref<!tpu.dma_semaphore, #tpu.memory_space<semaphore_mem>>
      %dma_start3A_85 = arith.constant 0 : i32
      %dma_start3A_86 = tpu.memref_slice %arg6[%add3A_53, %dma_start3A_85] : memref<20000x128xf32, #tpu.memory_space<hbm>> -> memref<80x128xf32, #tpu.memory_space<hbm>>
      %dma_start3A_87 = arith.constant 0 : i32
      %dma_start3A_88 = tpu.memref_slice %arg6[%add3A_53, %dma_start3A_87] : memref<20000x128xf32, #tpu.memory_space<hbm>> -> memref<80x128xf32, #tpu.memory_space<hbm>>
      tpu.enqueue_dma source(%arg10 : memref<80x128xf32, #tpu.memory_space<vmem>>) target(%dma_start3A_88 : memref<80x128xf32, #tpu.memory_space<hbm>>) target_semaphore(%run_scoped3A_84 : memref<!tpu.dma_semaphore, #tpu.memory_space<semaphore_mem>>)
      %dma_wait3A_89 = arith.constant 0 : i32
      %dma_wait3A_90 = tpu.memref_slice %arg6[%add3A_53, %dma_wait3A_89] : memref<20000x128xf32, #tpu.memory_space<hbm>> -> memref<80x128xf32, #tpu.memory_space<hbm>>
      %dma_wait3A_91 = arith.constant 0 : i32
      %dma_wait3A_92 = tpu.memref_slice %arg6[%add3A_53, %dma_wait3A_91] : memref<20000x128xf32, #tpu.memory_space<hbm>> -> memref<80x128xf32, #tpu.memory_space<hbm>>
      tpu.wait_dma2 semaphore(%run_scoped3A_84 : memref<!tpu.dma_semaphore, #tpu.memory_space<semaphore_mem>>) src(%arg10 : memref<80x128xf32, #tpu.memory_space<vmem>>) dst(%dma_wait3A_92 : memref<80x128xf32, #tpu.memory_space<hbm>>)
      tpu.yield
    }) : () -> ()
    %add3A_54 = arith.constant 240 : i32
    %add3A_55 = arith.addi %mul3A_0, %add3A_54 : i32
    "tpu.region"() ({
      %run_scoped3A_84 = tpu.sem_alloc : memref<!tpu.dma_semaphore, #tpu.memory_space<semaphore_mem>>
      %dma_start3A_85 = arith.constant 0 : i32
      %dma_start3A_86 = tpu.memref_slice %arg7[%add3A_55, %dma_start3A_85] : memref<10000x128xf32, #tpu.memory_space<vmem_shared>> -> memref<80x128xf32, #tpu.memory_space<vmem_shared>>
      %dma_start3A_87 = arith.constant 0 : i32
      %dma_start3A_88 = tpu.memref_slice %arg7[%add3A_55, %dma_start3A_87] : memref<10000x128xf32, #tpu.memory_space<vmem_shared>> -> memref<80x128xf32, #tpu.memory_space<vmem_shared>>
      tpu.enqueue_dma source(%dma_start3A_88 : memref<80x128xf32, #tpu.memory_space<vmem_shared>>) target(%arg10 : memref<80x128xf32, #tpu.memory_space<vmem>>) target_semaphore(%run_scoped3A_84 : memref<!tpu.dma_semaphore, #tpu.memory_space<semaphore_mem>>)
      %dma_wait3A_89 = arith.constant 0 : i32
      %dma_wait3A_90 = tpu.memref_slice %arg7[%add3A_55, %dma_wait3A_89] : memref<10000x128xf32, #tpu.memory_space<vmem_shared>> -> memref<80x128xf32, #tpu.memory_space<vmem_shared>>
      %dma_wait3A_91 = arith.constant 0 : i32
      %dma_wait3A_92 = tpu.memref_slice %arg7[%add3A_55, %dma_wait3A_91] : memref<10000x128xf32, #tpu.memory_space<vmem_shared>> -> memref<80x128xf32, #tpu.memory_space<vmem_shared>>
      tpu.wait_dma2 semaphore(%run_scoped3A_84 : memref<!tpu.dma_semaphore, #tpu.memory_space<semaphore_mem>>) src(%dma_wait3A_92 : memref<80x128xf32, #tpu.memory_space<vmem_shared>>) dst(%arg10 : memref<80x128xf32, #tpu.memory_space<vmem>>)
      tpu.yield
    }) : () -> ()
    %add3A_56 = arith.addi %mul3A_38, %mul3A_0 : i32
    %add3A_57 = arith.constant 240 : i32
    %add3A_58 = arith.addi %add3A_56, %add3A_57 : i32
    "tpu.region"() ({
      %run_scoped3A_84 = tpu.sem_alloc : memref<!tpu.dma_semaphore, #tpu.memory_space<semaphore_mem>>
      %dma_start3A_85 = arith.constant 0 : i32
      %dma_start3A_86 = tpu.memref_slice %arg6[%add3A_58, %dma_start3A_85] : memref<20000x128xf32, #tpu.memory_space<hbm>> -> memref<80x128xf32, #tpu.memory_space<hbm>>
      %dma_start3A_87 = arith.constant 0 : i32
      %dma_start3A_88 = tpu.memref_slice %arg6[%add3A_58, %dma_start3A_87] : memref<20000x128xf32, #tpu.memory_space<hbm>> -> memref<80x128xf32, #tpu.memory_space<hbm>>
      tpu.enqueue_dma source(%arg10 : memref<80x128xf32, #tpu.memory_space<vmem>>) target(%dma_start3A_88 : memref<80x128xf32, #tpu.memory_space<hbm>>) target_semaphore(%run_scoped3A_84 : memref<!tpu.dma_semaphore, #tpu.memory_space<semaphore_mem>>)
      %dma_wait3A_89 = arith.constant 0 : i32
      %dma_wait3A_90 = tpu.memref_slice %arg6[%add3A_58, %dma_wait3A_89] : memref<20000x128xf32, #tpu.memory_space<hbm>> -> memref<80x128xf32, #tpu.memory_space<hbm>>
      %dma_wait3A_91 = arith.constant 0 : i32
      %dma_wait3A_92 = tpu.memref_slice %arg6[%add3A_58, %dma_wait3A_91] : memref<20000x128xf32, #tpu.memory_space<hbm>> -> memref<80x128xf32, #tpu.memory_space<hbm>>
      tpu.wait_dma2 semaphore(%run_scoped3A_84 : memref<!tpu.dma_semaphore, #tpu.memory_space<semaphore_mem>>) src(%arg10 : memref<80x128xf32, #tpu.memory_space<vmem>>) dst(%dma_wait3A_92 : memref<80x128xf32, #tpu.memory_space<hbm>>)
      tpu.yield
    }) : () -> ()
    %add3A_59 = arith.constant 320 : i32
    %add3A_60 = arith.addi %mul3A_0, %add3A_59 : i32
    "tpu.region"() ({
      %run_scoped3A_84 = tpu.sem_alloc : memref<!tpu.dma_semaphore, #tpu.memory_space<semaphore_mem>>
      %dma_start3A_85 = arith.constant 0 : i32
      %dma_start3A_86 = tpu.memref_slice %arg7[%add3A_60, %dma_start3A_85] : memref<10000x128xf32, #tpu.memory_space<vmem_shared>> -> memref<80x128xf32, #tpu.memory_space<vmem_shared>>
      %dma_start3A_87 = arith.constant 0 : i32
      %dma_start3A_88 = tpu.memref_slice %arg7[%add3A_60, %dma_start3A_87] : memref<10000x128xf32, #tpu.memory_space<vmem_shared>> -> memref<80x128xf32, #tpu.memory_space<vmem_shared>>
      tpu.enqueue_dma source(%dma_start3A_88 : memref<80x128xf32, #tpu.memory_space<vmem_shared>>) target(%arg10 : memref<80x128xf32, #tpu.memory_space<vmem>>) target_semaphore(%run_scoped3A_84 : memref<!tpu.dma_semaphore, #tpu.memory_space<semaphore_mem>>)
      %dma_wait3A_89 = arith.constant 0 : i32
      %dma_wait3A_90 = tpu.memref_slice %arg7[%add3A_60, %dma_wait3A_89] : memref<10000x128xf32, #tpu.memory_space<vmem_shared>> -> memref<80x128xf32, #tpu.memory_space<vmem_shared>>
      %dma_wait3A_91 = arith.constant 0 : i32
      %dma_wait3A_92 = tpu.memref_slice %arg7[%add3A_60, %dma_wait3A_91] : memref<10000x128xf32, #tpu.memory_space<vmem_shared>> -> memref<80x128xf32, #tpu.memory_space<vmem_shared>>
      tpu.wait_dma2 semaphore(%run_scoped3A_84 : memref<!tpu.dma_semaphore, #tpu.memory_space<semaphore_mem>>) src(%dma_wait3A_92 : memref<80x128xf32, #tpu.memory_space<vmem_shared>>) dst(%arg10 : memref<80x128xf32, #tpu.memory_space<vmem>>)
      tpu.yield
    }) : () -> ()
    %add3A_61 = arith.addi %mul3A_38, %mul3A_0 : i32
    %add3A_62 = arith.constant 320 : i32
    %add3A_63 = arith.addi %add3A_61, %add3A_62 : i32
    "tpu.region"() ({
      %run_scoped3A_84 = tpu.sem_alloc : memref<!tpu.dma_semaphore, #tpu.memory_space<semaphore_mem>>
      %dma_start3A_85 = arith.constant 0 : i32
      %dma_start3A_86 = tpu.memref_slice %arg6[%add3A_63, %dma_start3A_85] : memref<20000x128xf32, #tpu.memory_space<hbm>> -> memref<80x128xf32, #tpu.memory_space<hbm>>
      %dma_start3A_87 = arith.constant 0 : i32
      %dma_start3A_88 = tpu.memref_slice %arg6[%add3A_63, %dma_start3A_87] : memref<20000x128xf32, #tpu.memory_space<hbm>> -> memref<80x128xf32, #tpu.memory_space<hbm>>
      tpu.enqueue_dma source(%arg10 : memref<80x128xf32, #tpu.memory_space<vmem>>) target(%dma_start3A_88 : memref<80x128xf32, #tpu.memory_space<hbm>>) target_semaphore(%run_scoped3A_84 : memref<!tpu.dma_semaphore, #tpu.memory_space<semaphore_mem>>)
      %dma_wait3A_89 = arith.constant 0 : i32
      %dma_wait3A_90 = tpu.memref_slice %arg6[%add3A_63, %dma_wait3A_89] : memref<20000x128xf32, #tpu.memory_space<hbm>> -> memref<80x128xf32, #tpu.memory_space<hbm>>
      %dma_wait3A_91 = arith.constant 0 : i32
      %dma_wait3A_92 = tpu.memref_slice %arg6[%add3A_63, %dma_wait3A_91] : memref<20000x128xf32, #tpu.memory_space<hbm>> -> memref<80x128xf32, #tpu.memory_space<hbm>>
      tpu.wait_dma2 semaphore(%run_scoped3A_84 : memref<!tpu.dma_semaphore, #tpu.memory_space<semaphore_mem>>) src(%arg10 : memref<80x128xf32, #tpu.memory_space<vmem>>) dst(%dma_wait3A_92 : memref<80x128xf32, #tpu.memory_space<hbm>>)
      tpu.yield
    }) : () -> ()
    %add3A_64 = arith.constant 400 : i32
    %add3A_65 = arith.addi %mul3A_0, %add3A_64 : i32
    "tpu.region"() ({
      %run_scoped3A_84 = tpu.sem_alloc : memref<!tpu.dma_semaphore, #tpu.memory_space<semaphore_mem>>
      %dma_start3A_85 = arith.constant 0 : i32
      %dma_start3A_86 = tpu.memref_slice %arg7[%add3A_65, %dma_start3A_85] : memref<10000x128xf32, #tpu.memory_space<vmem_shared>> -> memref<80x128xf32, #tpu.memory_space<vmem_shared>>
      %dma_start3A_87 = arith.constant 0 : i32
      %dma_start3A_88 = tpu.memref_slice %arg7[%add3A_65, %dma_start3A_87] : memref<10000x128xf32, #tpu.memory_space<vmem_shared>> -> memref<80x128xf32, #tpu.memory_space<vmem_shared>>
      tpu.enqueue_dma source(%dma_start3A_88 : memref<80x128xf32, #tpu.memory_space<vmem_shared>>) target(%arg10 : memref<80x128xf32, #tpu.memory_space<vmem>>) target_semaphore(%run_scoped3A_84 : memref<!tpu.dma_semaphore, #tpu.memory_space<semaphore_mem>>)
      %dma_wait3A_89 = arith.constant 0 : i32
      %dma_wait3A_90 = tpu.memref_slice %arg7[%add3A_65, %dma_wait3A_89] : memref<10000x128xf32, #tpu.memory_space<vmem_shared>> -> memref<80x128xf32, #tpu.memory_space<vmem_shared>>
      %dma_wait3A_91 = arith.constant 0 : i32
      %dma_wait3A_92 = tpu.memref_slice %arg7[%add3A_65, %dma_wait3A_91] : memref<10000x128xf32, #tpu.memory_space<vmem_shared>> -> memref<80x128xf32, #tpu.memory_space<vmem_shared>>
      tpu.wait_dma2 semaphore(%run_scoped3A_84 : memref<!tpu.dma_semaphore, #tpu.memory_space<semaphore_mem>>) src(%dma_wait3A_92 : memref<80x128xf32, #tpu.memory_space<vmem_shared>>) dst(%arg10 : memref<80x128xf32, #tpu.memory_space<vmem>>)
      tpu.yield
    }) : () -> ()
    %add3A_66 = arith.addi %mul3A_38, %mul3A_0 : i32
    %add3A_67 = arith.constant 400 : i32
    %add3A_68 = arith.addi %add3A_66, %add3A_67 : i32
    "tpu.region"() ({
      %run_scoped3A_84 = tpu.sem_alloc : memref<!tpu.dma_semaphore, #tpu.memory_space<semaphore_mem>>
      %dma_start3A_85 = arith.constant 0 : i32
      %dma_start3A_86 = tpu.memref_slice %arg6[%add3A_68, %dma_start3A_85] : memref<20000x128xf32, #tpu.memory_space<hbm>> -> memref<80x128xf32, #tpu.memory_space<hbm>>
      %dma_start3A_87 = arith.constant 0 : i32
      %dma_start3A_88 = tpu.memref_slice %arg6[%add3A_68, %dma_start3A_87] : memref<20000x128xf32, #tpu.memory_space<hbm>> -> memref<80x128xf32, #tpu.memory_space<hbm>>
      tpu.enqueue_dma source(%arg10 : memref<80x128xf32, #tpu.memory_space<vmem>>) target(%dma_start3A_88 : memref<80x128xf32, #tpu.memory_space<hbm>>) target_semaphore(%run_scoped3A_84 : memref<!tpu.dma_semaphore, #tpu.memory_space<semaphore_mem>>)
      %dma_wait3A_89 = arith.constant 0 : i32
      %dma_wait3A_90 = tpu.memref_slice %arg6[%add3A_68, %dma_wait3A_89] : memref<20000x128xf32, #tpu.memory_space<hbm>> -> memref<80x128xf32, #tpu.memory_space<hbm>>
      %dma_wait3A_91 = arith.constant 0 : i32
      %dma_wait3A_92 = tpu.memref_slice %arg6[%add3A_68, %dma_wait3A_91] : memref<20000x128xf32, #tpu.memory_space<hbm>> -> memref<80x128xf32, #tpu.memory_space<hbm>>
      tpu.wait_dma2 semaphore(%run_scoped3A_84 : memref<!tpu.dma_semaphore, #tpu.memory_space<semaphore_mem>>) src(%arg10 : memref<80x128xf32, #tpu.memory_space<vmem>>) dst(%dma_wait3A_92 : memref<80x128xf32, #tpu.memory_space<hbm>>)
      tpu.yield
    }) : () -> ()
    %add3A_69 = arith.constant 480 : i32
    %add3A_70 = arith.addi %mul3A_0, %add3A_69 : i32
    "tpu.region"() ({
      %run_scoped3A_84 = tpu.sem_alloc : memref<!tpu.dma_semaphore, #tpu.memory_space<semaphore_mem>>
      %dma_start3A_85 = arith.constant 0 : i32
      %dma_start3A_86 = tpu.memref_slice %arg7[%add3A_70, %dma_start3A_85] : memref<10000x128xf32, #tpu.memory_space<vmem_shared>> -> memref<80x128xf32, #tpu.memory_space<vmem_shared>>
      %dma_start3A_87 = arith.constant 0 : i32
      %dma_start3A_88 = tpu.memref_slice %arg7[%add3A_70, %dma_start3A_87] : memref<10000x128xf32, #tpu.memory_space<vmem_shared>> -> memref<80x128xf32, #tpu.memory_space<vmem_shared>>
      tpu.enqueue_dma source(%dma_start3A_88 : memref<80x128xf32, #tpu.memory_space<vmem_shared>>) target(%arg10 : memref<80x128xf32, #tpu.memory_space<vmem>>) target_semaphore(%run_scoped3A_84 : memref<!tpu.dma_semaphore, #tpu.memory_space<semaphore_mem>>)
      %dma_wait3A_89 = arith.constant 0 : i32
      %dma_wait3A_90 = tpu.memref_slice %arg7[%add3A_70, %dma_wait3A_89] : memref<10000x128xf32, #tpu.memory_space<vmem_shared>> -> memref<80x128xf32, #tpu.memory_space<vmem_shared>>
      %dma_wait3A_91 = arith.constant 0 : i32
      %dma_wait3A_92 = tpu.memref_slice %arg7[%add3A_70, %dma_wait3A_91] : memref<10000x128xf32, #tpu.memory_space<vmem_shared>> -> memref<80x128xf32, #tpu.memory_space<vmem_shared>>
      tpu.wait_dma2 semaphore(%run_scoped3A_84 : memref<!tpu.dma_semaphore, #tpu.memory_space<semaphore_mem>>) src(%dma_wait3A_92 : memref<80x128xf32, #tpu.memory_space<vmem_shared>>) dst(%arg10 : memref<80x128xf32, #tpu.memory_space<vmem>>)
      tpu.yield
    }) : () -> ()
    %add3A_71 = arith.addi %mul3A_38, %mul3A_0 : i32
    %add3A_72 = arith.constant 480 : i32
    %add3A_73 = arith.addi %add3A_71, %add3A_72 : i32
    "tpu.region"() ({
      %run_scoped3A_84 = tpu.sem_alloc : memref<!tpu.dma_semaphore, #tpu.memory_space<semaphore_mem>>
      %dma_start3A_85 = arith.constant 0 : i32
      %dma_start3A_86 = tpu.memref_slice %arg6[%add3A_73, %dma_start3A_85] : memref<20000x128xf32, #tpu.memory_space<hbm>> -> memref<80x128xf32, #tpu.memory_space<hbm>>
      %dma_start3A_87 = arith.constant 0 : i32
      %dma_start3A_88 = tpu.memref_slice %arg6[%add3A_73, %dma_start3A_87] : memref<20000x128xf32, #tpu.memory_space<hbm>> -> memref<80x128xf32, #tpu.memory_space<hbm>>
      tpu.enqueue_dma source(%arg10 : memref<80x128xf32, #tpu.memory_space<vmem>>) target(%dma_start3A_88 : memref<80x128xf32, #tpu.memory_space<hbm>>) target_semaphore(%run_scoped3A_84 : memref<!tpu.dma_semaphore, #tpu.memory_space<semaphore_mem>>)
      %dma_wait3A_89 = arith.constant 0 : i32
      %dma_wait3A_90 = tpu.memref_slice %arg6[%add3A_73, %dma_wait3A_89] : memref<20000x128xf32, #tpu.memory_space<hbm>> -> memref<80x128xf32, #tpu.memory_space<hbm>>
      %dma_wait3A_91 = arith.constant 0 : i32
      %dma_wait3A_92 = tpu.memref_slice %arg6[%add3A_73, %dma_wait3A_91] : memref<20000x128xf32, #tpu.memory_space<hbm>> -> memref<80x128xf32, #tpu.memory_space<hbm>>
      tpu.wait_dma2 semaphore(%run_scoped3A_84 : memref<!tpu.dma_semaphore, #tpu.memory_space<semaphore_mem>>) src(%arg10 : memref<80x128xf32, #tpu.memory_space<vmem>>) dst(%dma_wait3A_92 : memref<80x128xf32, #tpu.memory_space<hbm>>)
      tpu.yield
    }) : () -> ()
    %add3A_74 = arith.constant 560 : i32
    %add3A_75 = arith.addi %mul3A_0, %add3A_74 : i32
    "tpu.region"() ({
      %run_scoped3A_84 = tpu.sem_alloc : memref<!tpu.dma_semaphore, #tpu.memory_space<semaphore_mem>>
      %dma_start3A_85 = arith.constant 0 : i32
      %dma_start3A_86 = arith.constant 0 : i32
      %dma_start3A_87 = tpu.memref_slice %arg10[%dma_start3A_85, %dma_start3A_86] : memref<80x128xf32, #tpu.memory_space<vmem>> -> memref<64x128xf32, #tpu.memory_space<vmem>>
      %dma_start3A_88 = arith.constant 0 : i32
      %dma_start3A_89 = tpu.memref_slice %arg7[%add3A_75, %dma_start3A_88] : memref<10000x128xf32, #tpu.memory_space<vmem_shared>> -> memref<64x128xf32, #tpu.memory_space<vmem_shared>>
      %dma_start3A_90 = arith.constant 0 : i32
      %dma_start3A_91 = arith.constant 0 : i32
      %dma_start3A_92 = tpu.memref_slice %arg10[%dma_start3A_90, %dma_start3A_91] : memref<80x128xf32, #tpu.memory_space<vmem>> -> memref<64x128xf32, #tpu.memory_space<vmem>>
      %dma_start3A_93 = arith.constant 0 : i32
      %dma_start3A_94 = tpu.memref_slice %arg7[%add3A_75, %dma_start3A_93] : memref<10000x128xf32, #tpu.memory_space<vmem_shared>> -> memref<64x128xf32, #tpu.memory_space<vmem_shared>>
      tpu.enqueue_dma source(%dma_start3A_94 : memref<64x128xf32, #tpu.memory_space<vmem_shared>>) target(%dma_start3A_92 : memref<64x128xf32, #tpu.memory_space<vmem>>) target_semaphore(%run_scoped3A_84 : memref<!tpu.dma_semaphore, #tpu.memory_space<semaphore_mem>>)
      %dma_wait3A_95 = arith.constant 0 : i32
      %dma_wait3A_96 = arith.constant 0 : i32
      %dma_wait3A_97 = tpu.memref_slice %arg10[%dma_wait3A_95, %dma_wait3A_96] : memref<80x128xf32, #tpu.memory_space<vmem>> -> memref<64x128xf32, #tpu.memory_space<vmem>>
      %dma_wait3A_98 = arith.constant 0 : i32
      %dma_wait3A_99 = tpu.memref_slice %arg7[%add3A_75, %dma_wait3A_98] : memref<10000x128xf32, #tpu.memory_space<vmem_shared>> -> memref<64x128xf32, #tpu.memory_space<vmem_shared>>
      %dma_wait3A_100 = arith.constant 0 : i32
      %dma_wait3A_101 = arith.constant 0 : i32
      %dma_wait3A_102 = tpu.memref_slice %arg10[%dma_wait3A_100, %dma_wait3A_101] : memref<80x128xf32, #tpu.memory_space<vmem>> -> memref<64x128xf32, #tpu.memory_space<vmem>>
      %dma_wait3A_103 = arith.constant 0 : i32
      %dma_wait3A_104 = tpu.memref_slice %arg7[%add3A_75, %dma_wait3A_103] : memref<10000x128xf32, #tpu.memory_space<vmem_shared>> -> memref<64x128xf32, #tpu.memory_space<vmem_shared>>
      tpu.wait_dma2 semaphore(%run_scoped3A_84 : memref<!tpu.dma_semaphore, #tpu.memory_space<semaphore_mem>>) src(%dma_wait3A_104 : memref<64x128xf32, #tpu.memory_space<vmem_shared>>) dst(%dma_wait3A_102 : memref<64x128xf32, #tpu.memory_space<vmem>>)
      tpu.yield
    }) : () -> ()
    %add3A_76 = arith.addi %mul3A_38, %mul3A_0 : i32
    %add3A_77 = arith.constant 560 : i32
    %add3A_78 = arith.addi %add3A_76, %add3A_77 : i32
    "tpu.region"() ({
      %run_scoped3A_84 = tpu.sem_alloc : memref<!tpu.dma_semaphore, #tpu.memory_space<semaphore_mem>>
      %dma_start3A_85 = arith.constant 0 : i32
      %dma_start3A_86 = arith.constant 0 : i32
      %dma_start3A_87 = tpu.memref_slice %arg10[%dma_start3A_85, %dma_start3A_86] : memref<80x128xf32, #tpu.memory_space<vmem>> -> memref<64x128xf32, #tpu.memory_space<vmem>>
      %dma_start3A_88 = arith.constant 0 : i32
      %dma_start3A_89 = tpu.memref_slice %arg6[%add3A_78, %dma_start3A_88] : memref<20000x128xf32, #tpu.memory_space<hbm>> -> memref<64x128xf32, #tpu.memory_space<hbm>>
      %dma_start3A_90 = arith.constant 0 : i32
      %dma_start3A_91 = tpu.memref_slice %arg6[%add3A_78, %dma_start3A_90] : memref<20000x128xf32, #tpu.memory_space<hbm>> -> memref<64x128xf32, #tpu.memory_space<hbm>>
      %dma_start3A_92 = arith.constant 0 : i32
      %dma_start3A_93 = arith.constant 0 : i32
      %dma_start3A_94 = tpu.memref_slice %arg10[%dma_start3A_92, %dma_start3A_93] : memref<80x128xf32, #tpu.memory_space<vmem>> -> memref<64x128xf32, #tpu.memory_space<vmem>>
      tpu.enqueue_dma source(%dma_start3A_94 : memref<64x128xf32, #tpu.memory_space<vmem>>) target(%dma_start3A_91 : memref<64x128xf32, #tpu.memory_space<hbm>>) target_semaphore(%run_scoped3A_84 : memref<!tpu.dma_semaphore, #tpu.memory_space<semaphore_mem>>)
      %dma_wait3A_95 = arith.constant 0 : i32
      %dma_wait3A_96 = arith.constant 0 : i32
      %dma_wait3A_97 = tpu.memref_slice %arg10[%dma_wait3A_95, %dma_wait3A_96] : memref<80x128xf32, #tpu.memory_space<vmem>> -> memref<64x128xf32, #tpu.memory_space<vmem>>
      %dma_wait3A_98 = arith.constant 0 : i32
      %dma_wait3A_99 = tpu.memref_slice %arg6[%add3A_78, %dma_wait3A_98] : memref<20000x128xf32, #tpu.memory_space<hbm>> -> memref<64x128xf32, #tpu.memory_space<hbm>>
      %dma_wait3A_100 = arith.constant 0 : i32
      %dma_wait3A_101 = tpu.memref_slice %arg6[%add3A_78, %dma_wait3A_100] : memref<20000x128xf32, #tpu.memory_space<hbm>> -> memref<64x128xf32, #tpu.memory_space<hbm>>
      %dma_wait3A_102 = arith.constant 0 : i32
      %dma_wait3A_103 = arith.constant 0 : i32
      %dma_wait3A_104 = tpu.memref_slice %arg10[%dma_wait3A_102, %dma_wait3A_103] : memref<80x128xf32, #tpu.memory_space<vmem>> -> memref<64x128xf32, #tpu.memory_space<vmem>>
      tpu.wait_dma2 semaphore(%run_scoped3A_84 : memref<!tpu.dma_semaphore, #tpu.memory_space<semaphore_mem>>) src(%dma_wait3A_104 : memref<64x128xf32, #tpu.memory_space<vmem>>) dst(%dma_wait3A_101 : memref<64x128xf32, #tpu.memory_space<hbm>>)
      tpu.yield
    }) : () -> ()
    %eq3A_79 = arith.constant 15 : i32
    %eq3A_80 = arith.cmpi eq, %arg1, %eq3A_79 : i32
    %convert_element_type3A_81 = arith.extui %eq3A_80 : i1 to i32
    %cond3A_82 = arith.constant 0 : i32
    %cond3A_83 = arith.cmpi ne, %convert_element_type3A_81, %cond3A_82 : i32
    scf.if %cond3A_83 {
      "tpu.region"() ({
        %run_scoped3A_86 = tpu.sem_alloc : memref<!tpu.dma_semaphore, #tpu.memory_space<semaphore_mem>>
        %dma_start3A_87 = arith.constant 0 : i32
        %dma_start3A_88 = arith.constant 0 : i32
        %dma_start3A_89 = tpu.memref_slice %arg10[%dma_start3A_87, %dma_start3A_88] : memref<80x128xf32, #tpu.memory_space<vmem>> -> memref<16x128xf32, #tpu.memory_space<vmem>>
        %dma_start3A_90 = arith.constant 9984 : i32
        %dma_start3A_91 = arith.constant 0 : i32
        %dma_start3A_92 = tpu.memref_slice %arg7[%dma_start3A_90, %dma_start3A_91] : memref<10000x128xf32, #tpu.memory_space<vmem_shared>> -> memref<16x128xf32, #tpu.memory_space<vmem_shared>>
        %dma_start3A_93 = arith.constant 0 : i32
        %dma_start3A_94 = arith.constant 0 : i32
        %dma_start3A_95 = tpu.memref_slice %arg10[%dma_start3A_93, %dma_start3A_94] : memref<80x128xf32, #tpu.memory_space<vmem>> -> memref<16x128xf32, #tpu.memory_space<vmem>>
        %dma_start3A_96 = arith.constant 9984 : i32
        %dma_start3A_97 = arith.constant 0 : i32
        %dma_start3A_98 = tpu.memref_slice %arg7[%dma_start3A_96, %dma_start3A_97] : memref<10000x128xf32, #tpu.memory_space<vmem_shared>> -> memref<16x128xf32, #tpu.memory_space<vmem_shared>>
        tpu.enqueue_dma source(%dma_start3A_98 : memref<16x128xf32, #tpu.memory_space<vmem_shared>>) target(%dma_start3A_95 : memref<16x128xf32, #tpu.memory_space<vmem>>) target_semaphore(%run_scoped3A_86 : memref<!tpu.dma_semaphore, #tpu.memory_space<semaphore_mem>>)
        %dma_wait3A_99 = arith.constant 0 : i32
        %dma_wait3A_100 = arith.constant 0 : i32
        %dma_wait3A_101 = tpu.memref_slice %arg10[%dma_wait3A_99, %dma_wait3A_100] : memref<80x128xf32, #tpu.memory_space<vmem>> -> memref<16x128xf32, #tpu.memory_space<vmem>>
        %dma_wait3A_102 = arith.constant 9984 : i32
        %dma_wait3A_103 = arith.constant 0 : i32
        %dma_wait3A_104 = tpu.memref_slice %arg7[%dma_wait3A_102, %dma_wait3A_103] : memref<10000x128xf32, #tpu.memory_space<vmem_shared>> -> memref<16x128xf32, #tpu.memory_space<vmem_shared>>
        %dma_wait3A_105 = arith.constant 0 : i32
        %dma_wait3A_106 = arith.constant 0 : i32
        %dma_wait3A_107 = tpu.memref_slice %arg10[%dma_wait3A_105, %dma_wait3A_106] : memref<80x128xf32, #tpu.memory_space<vmem>> -> memref<16x128xf32, #tpu.memory_space<vmem>>
        %dma_wait3A_108 = arith.constant 9984 : i32
        %dma_wait3A_109 = arith.constant 0 : i32
        %dma_wait3A_110 = tpu.memref_slice %arg7[%dma_wait3A_108, %dma_wait3A_109] : memref<10000x128xf32, #tpu.memory_space<vmem_shared>> -> memref<16x128xf32, #tpu.memory_space<vmem_shared>>
        tpu.wait_dma2 semaphore(%run_scoped3A_86 : memref<!tpu.dma_semaphore, #tpu.memory_space<semaphore_mem>>) src(%dma_wait3A_110 : memref<16x128xf32, #tpu.memory_space<vmem_shared>>) dst(%dma_wait3A_107 : memref<16x128xf32, #tpu.memory_space<vmem>>)
        tpu.yield
      }) : () -> ()
      %add3A_84 = arith.constant 9984 : i32
      %add3A_85 = arith.addi %mul3A_38, %add3A_84 : i32
      "tpu.region"() ({
        %run_scoped3A_86 = tpu.sem_alloc : memref<!tpu.dma_semaphore, #tpu.memory_space<semaphore_mem>>
        %dma_start3A_87 = arith.constant 0 : i32
        %dma_start3A_88 = arith.constant 0 : i32
        %dma_start3A_89 = tpu.memref_slice %arg10[%dma_start3A_87, %dma_start3A_88] : memref<80x128xf32, #tpu.memory_space<vmem>> -> memref<16x128xf32, #tpu.memory_space<vmem>>
        %dma_start3A_90 = arith.constant 0 : i32
        %dma_start3A_91 = tpu.memref_slice %arg6[%add3A_85, %dma_start3A_90] : memref<20000x128xf32, #tpu.memory_space<hbm>> -> memref<16x128xf32, #tpu.memory_space<hbm>>
        %dma_start3A_92 = arith.constant 0 : i32
        %dma_start3A_93 = tpu.memref_slice %arg6[%add3A_85, %dma_start3A_92] : memref<20000x128xf32, #tpu.memory_space<hbm>> -> memref<16x128xf32, #tpu.memory_space<hbm>>
        %dma_start3A_94 = arith.constant 0 : i32
        %dma_start3A_95 = arith.constant 0 : i32
        %dma_start3A_96 = tpu.memref_slice %arg10[%dma_start3A_94, %dma_start3A_95] : memref<80x128xf32, #tpu.memory_space<vmem>> -> memref<16x128xf32, #tpu.memory_space<vmem>>
        tpu.enqueue_dma source(%dma_start3A_96 : memref<16x128xf32, #tpu.memory_space<vmem>>) target(%dma_start3A_93 : memref<16x128xf32, #tpu.memory_space<hbm>>) target_semaphore(%run_scoped3A_86 : memref<!tpu.dma_semaphore, #tpu.memory_space<semaphore_mem>>)
        %dma_wait3A_97 = arith.constant 0 : i32
        %dma_wait3A_98 = arith.constant 0 : i32
        %dma_wait3A_99 = tpu.memref_slice %arg10[%dma_wait3A_97, %dma_wait3A_98] : memref<80x128xf32, #tpu.memory_space<vmem>> -> memref<16x128xf32, #tpu.memory_space<vmem>>
        %dma_wait3A_100 = arith.constant 0 : i32
        %dma_wait3A_101 = tpu.memref_slice %arg6[%add3A_85, %dma_wait3A_100] : memref<20000x128xf32, #tpu.memory_space<hbm>> -> memref<16x128xf32, #tpu.memory_space<hbm>>
        %dma_wait3A_102 = arith.constant 0 : i32
        %dma_wait3A_103 = tpu.memref_slice %arg6[%add3A_85, %dma_wait3A_102] : memref<20000x128xf32, #tpu.memory_space<hbm>> -> memref<16x128xf32, #tpu.memory_space<hbm>>
        %dma_wait3A_104 = arith.constant 0 : i32
        %dma_wait3A_105 = arith.constant 0 : i32
        %dma_wait3A_106 = tpu.memref_slice %arg10[%dma_wait3A_104, %dma_wait3A_105] : memref<80x128xf32, #tpu.memory_space<vmem>> -> memref<16x128xf32, #tpu.memory_space<vmem>>
        tpu.wait_dma2 semaphore(%run_scoped3A_86 : memref<!tpu.dma_semaphore, #tpu.memory_space<semaphore_mem>>) src(%dma_wait3A_106 : memref<16x128xf32, #tpu.memory_space<vmem>>) dst(%dma_wait3A_103 : memref<16x128xf32, #tpu.memory_space<hbm>>)
        tpu.yield
      }) : () -> ()
    } else {
    }
    return
  }
}

#map = affine_map<(d0, d1) -> (0, 0)>
#map1 = affine_map<(d0, d1) -> (0)>
#map2 = affine_map<(d0, d1) -> (0, 0, 0)>
module attributes {stable_mosaic.version = 14 : i64} {
  func.func @body(%arg0: i32, %arg1: i32, %arg2: memref<20000x128xf32, #tpu.memory_space<hbm>>, %arg3: memref<320000xi32, #tpu.memory_space<hbm>>, %arg4: memref<16x125x80xi32, #tpu.memory_space<hbm>>, %arg5: memref<10000x128xf32, #tpu.memory_space<hbm>>, %arg6: memref<20000x128xf32, #tpu.memory_space<hbm>>, %arg7: memref<10000x128xf32, #tpu.memory_space<vmem_shared>>, %arg8: memref<10000xi32, #tpu.memory_space<vmem>>, %arg9: memref<125x80xi32, #tpu.memory_space<vmem>>, %arg10: memref<80x128xf32, #tpu.memory_space<vmem>>, %arg11: memref<80x128xf32, #tpu.memory_space<vmem>>, %arg12: memref<!tpu.dma_semaphore, #tpu.memory_space<semaphore_mem>>, %arg13: memref<!tpu.dma_semaphore, #tpu.memory_space<semaphore_mem>>) attributes {dimension_semantics = [#tpu.dimension_semantics<core_parallel>, #tpu.dimension_semantics<subcore_parallel>], iteration_bounds = array<i64: 2, 16>, scalar_prefetch = 0 : i64, scratch_operands = 7 : i64, tpu.core_type = #tpu.core_type<sc_vector_subcore>, window_params = [{transform_indices = #map}, {transform_indices = #map1}, {transform_indices = #map2}, {transform_indices = #map}, {transform_indices = #map}]} {
    %mul3A = arith.constant 624 : i32
    %mul3A_0 = arith.muli %arg1, %mul3A : i32
    "tpu.region"() ({
      %run_scoped3A_84 = tpu.sem_alloc : memref<!tpu.dma_semaphore, #tpu.memory_space<semaphore_mem>>
      %dma_start3A_85 = arith.constant 0 : i32
      %dma_start3A_86 = arith.constant 0 : i32
      %dma_start3A_87 = tpu.memref_slice %arg5[%dma_start3A_85, %dma_start3A_86] : memref<10000x128xf32, #tpu.memory_space<hbm>> -> memref<80x128xf32, #tpu.memory_space<hbm>>
      %dma_start3A_88 = arith.constant 0 : i32
      %dma_start3A_89 = arith.constant 0 : i32
      %dma_start3A_90 = tpu.memref_slice %arg5[%dma_start3A_88, %dma_start3A_89] : memref<10000x128xf32, #tpu.memory_space<hbm>> -> memref<80x128xf32, #tpu.memory_space<hbm>>
      tpu.enqueue_dma source(%dma_start3A_90 : memref<80x128xf32, #tpu.memory_space<hbm>>) target(%arg10 : memref<80x128xf32, #tpu.memory_space<vmem>>) target_semaphore(%run_scoped3A_84 : memref<!tpu.dma_semaphore, #tpu.memory_space<semaphore_mem>>)
      %dma_wait3A_91 = arith.constant 0 : i32
      %dma_wait3A_92 = arith.constant 0 : i32
      %dma_wait3A_93 = tpu.memref_slice %arg5[%dma_wait3A_91, %dma_wait3A_92] : memref<10000x128xf32, #tpu.memory_space<hbm>> -> memref<80x128xf32, #tpu.memory_space<hbm>>
      %dma_wait3A_94 = arith.constant 0 : i32
      %dma_wait3A_95 = arith.constant 0 : i32
      %dma_wait3A_96 = tpu.memref_slice %arg5[%dma_wait3A_94, %dma_wait3A_95] : memref<10000x128xf32, #tpu.memory_space<hbm>> -> memref<80x128xf32, #tpu.memory_space<hbm>>
      tpu.wait_dma2 semaphore(%run_scoped3A_84 : memref<!tpu.dma_semaphore, #tpu.memory_space<semaphore_mem>>) src(%dma_wait3A_96 : memref<80x128xf32, #tpu.memory_space<hbm>>) dst(%arg10 : memref<80x128xf32, #tpu.memory_space<vmem>>)
      tpu.yield
    }) : () -> ()
    %add3A = arith.constant 0 : i32
    %add3A_1 = arith.addi %mul3A_0, %add3A : i32
    "tpu.region"() ({
      %run_scoped3A_84 = tpu.sem_alloc : memref<!tpu.dma_semaphore, #tpu.memory_space<semaphore_mem>>
      %dma_start3A_85 = arith.constant 0 : i32
      %dma_start3A_86 = tpu.memref_slice %arg7[%add3A_1, %dma_start3A_85] : memref<10000x128xf32, #tpu.memory_space<vmem_shared>> -> memref<80x128xf32, #tpu.memory_space<vmem_shared>>
      %dma_start3A_87 = arith.constant 0 : i32
      %dma_start3A_88 = tpu.memref_slice %arg7[%add3A_1, %dma_start3A_87] : memref<10000x128xf32, #tpu.memory_space<vmem_shared>> -> memref<80x128xf32, #tpu.memory_space<vmem_shared>>
      tpu.enqueue_dma source(%arg10 : memref<80x128xf32, #tpu.memory_space<vmem>>) target(%dma_start3A_88 : memref<80x128xf32, #tpu.memory_space<vmem_shared>>) target_semaphore(%run_scoped3A_84 : memref<!tpu.dma_semaphore, #tpu.memory_space<semaphore_mem>>)
      %dma_wait3A_89 = arith.constant 0 : i32
      %dma_wait3A_90 = tpu.memref_slice %arg7[%add3A_1, %dma_wait3A_89] : memref<10000x128xf32, #tpu.memory_space<vmem_shared>> -> memref<80x128xf32, #tpu.memory_space<vmem_shared>>
      %dma_wait3A_91 = arith.constant 0 : i32
      %dma_wait3A_92 = tpu.memref_slice %arg7[%add3A_1, %dma_wait3A_91] : memref<10000x128xf32, #tpu.memory_space<vmem_shared>> -> memref<80x128xf32, #tpu.memory_space<vmem_shared>>
      tpu.wait_dma2 semaphore(%run_scoped3A_84 : memref<!tpu.dma_semaphore, #tpu.memory_space<semaphore_mem>>) src(%arg10 : memref<80x128xf32, #tpu.memory_space<vmem>>) dst(%dma_wait3A_92 : memref<80x128xf32, #tpu.memory_space<vmem_shared>>)
      tpu.yield
    }) : () -> ()
    %add3A_2 = arith.constant 80 : i32
    %add3A_3 = arith.addi %mul3A_0, %add3A_2 : i32
    "tpu.region"() ({
      %run_scoped3A_84 = tpu.sem_alloc : memref<!tpu.dma_semaphore, #tpu.memory_space<semaphore_mem>>
      %dma_start3A_85 = arith.constant 0 : i32
      %dma_start3A_86 = tpu.memref_slice %arg7[%add3A_3, %dma_start3A_85] : memref<10000x128xf32, #tpu.memory_space<vmem_shared>> -> memref<80x128xf32, #tpu.memory_space<vmem_shared>>
      %dma_start3A_87 = arith.constant 0 : i32
      %dma_start3A_88 = tpu.memref_slice %arg7[%add3A_3, %dma_start3A_87] : memref<10000x128xf32, #tpu.memory_space<vmem_shared>> -> memref<80x128xf32, #tpu.memory_space<vmem_shared>>
      tpu.enqueue_dma source(%arg10 : memref<80x128xf32, #tpu.memory_space<vmem>>) target(%dma_start3A_88 : memref<80x128xf32, #tpu.memory_space<vmem_shared>>) target_semaphore(%run_scoped3A_84 : memref<!tpu.dma_semaphore, #tpu.memory_space<semaphore_mem>>)
      %dma_wait3A_89 = arith.constant 0 : i32
      %dma_wait3A_90 = tpu.memref_slice %arg7[%add3A_3, %dma_wait3A_89] : memref<10000x128xf32, #tpu.memory_space<vmem_shared>> -> memref<80x128xf32, #tpu.memory_space<vmem_shared>>
      %dma_wait3A_91 = arith.constant 0 : i32
      %dma_wait3A_92 = tpu.memref_slice %arg7[%add3A_3, %dma_wait3A_91] : memref<10000x128xf32, #tpu.memory_space<vmem_shared>> -> memref<80x128xf32, #tpu.memory_space<vmem_shared>>
      tpu.wait_dma2 semaphore(%run_scoped3A_84 : memref<!tpu.dma_semaphore, #tpu.memory_space<semaphore_mem>>) src(%arg10 : memref<80x128xf32, #tpu.memory_space<vmem>>) dst(%dma_wait3A_92 : memref<80x128xf32, #tpu.memory_space<vmem_shared>>)
      tpu.yield
    }) : () -> ()
    %add3A_4 = arith.constant 160 : i32
    %add3A_5 = arith.addi %mul3A_0, %add3A_4 : i32
    "tpu.region"() ({
      %run_scoped3A_84 = tpu.sem_alloc : memref<!tpu.dma_semaphore, #tpu.memory_space<semaphore_mem>>
      %dma_start3A_85 = arith.constant 0 : i32
      %dma_start3A_86 = tpu.memref_slice %arg7[%add3A_5, %dma_start3A_85] : memref<10000x128xf32, #tpu.memory_space<vmem_shared>> -> memref<80x128xf32, #tpu.memory_space<vmem_shared>>
      %dma_start3A_87 = arith.constant 0 : i32
      %dma_start3A_88 = tpu.memref_slice %arg7[%add3A_5, %dma_start3A_87] : memref<10000x128xf32, #tpu.memory_space<vmem_shared>> -> memref<80x128xf32, #tpu.memory_space<vmem_shared>>
      tpu.enqueue_dma source(%arg10 : memref<80x128xf32, #tpu.memory_space<vmem>>) target(%dma_start3A_88 : memref<80x128xf32, #tpu.memory_space<vmem_shared>>) target_semaphore(%run_scoped3A_84 : memref<!tpu.dma_semaphore, #tpu.memory_space<semaphore_mem>>)
      %dma_wait3A_89 = arith.constant 0 : i32
      %dma_wait3A_90 = tpu.memref_slice %arg7[%add3A_5, %dma_wait3A_89] : memref<10000x128xf32, #tpu.memory_space<vmem_shared>> -> memref<80x128xf32, #tpu.memory_space<vmem_shared>>
      %dma_wait3A_91 = arith.constant 0 : i32
      %dma_wait3A_92 = tpu.memref_slice %arg7[%add3A_5, %dma_wait3A_91] : memref<10000x128xf32, #tpu.memory_space<vmem_shared>> -> memref<80x128xf32, #tpu.memory_space<vmem_shared>>
      tpu.wait_dma2 semaphore(%run_scoped3A_84 : memref<!tpu.dma_semaphore, #tpu.memory_space<semaphore_mem>>) src(%arg10 : memref<80x128xf32, #tpu.memory_space<vmem>>) dst(%dma_wait3A_92 : memref<80x128xf32, #tpu.memory_space<vmem_shared>>)
      tpu.yield
    }) : () -> ()
    %add3A_6 = arith.constant 240 : i32
    %add3A_7 = arith.addi %mul3A_0, %add3A_6 : i32
    "tpu.region"() ({
      %run_scoped3A_84 = tpu.sem_alloc : memref<!tpu.dma_semaphore, #tpu.memory_space<semaphore_mem>>
      %dma_start3A_85 = arith.constant 0 : i32
      %dma_start3A_86 = tpu.memref_slice %arg7[%add3A_7, %dma_start3A_85] : memref<10000x128xf32, #tpu.memory_space<vmem_shared>> -> memref<80x128xf32, #tpu.memory_space<vmem_shared>>
      %dma_start3A_87 = arith.constant 0 : i32
      %dma_start3A_88 = tpu.memref_slice %arg7[%add3A_7, %dma_start3A_87] : memref<10000x128xf32, #tpu.memory_space<vmem_shared>> -> memref<80x128xf32, #tpu.memory_space<vmem_shared>>
      tpu.enqueue_dma source(%arg10 : memref<80x128xf32, #tpu.memory_space<vmem>>) target(%dma_start3A_88 : memref<80x128xf32, #tpu.memory_space<vmem_shared>>) target_semaphore(%run_scoped3A_84 : memref<!tpu.dma_semaphore, #tpu.memory_space<semaphore_mem>>)
      %dma_wait3A_89 = arith.constant 0 : i32
      %dma_wait3A_90 = tpu.memref_slice %arg7[%add3A_7, %dma_wait3A_89] : memref<10000x128xf32, #tpu.memory_space<vmem_shared>> -> memref<80x128xf32, #tpu.memory_space<vmem_shared>>
      %dma_wait3A_91 = arith.constant 0 : i32
      %dma_wait3A_92 = tpu.memref_slice %arg7[%add3A_7, %dma_wait3A_91] : memref<10000x128xf32, #tpu.memory_space<vmem_shared>> -> memref<80x128xf32, #tpu.memory_space<vmem_shared>>
      tpu.wait_dma2 semaphore(%run_scoped3A_84 : memref<!tpu.dma_semaphore, #tpu.memory_space<semaphore_mem>>) src(%arg10 : memref<80x128xf32, #tpu.memory_space<vmem>>) dst(%dma_wait3A_92 : memref<80x128xf32, #tpu.memory_space<vmem_shared>>)
      tpu.yield
    }) : () -> ()
    %add3A_8 = arith.constant 320 : i32
    %add3A_9 = arith.addi %mul3A_0, %add3A_8 : i32
    "tpu.region"() ({
      %run_scoped3A_84 = tpu.sem_alloc : memref<!tpu.dma_semaphore, #tpu.memory_space<semaphore_mem>>
      %dma_start3A_85 = arith.constant 0 : i32
      %dma_start3A_86 = tpu.memref_slice %arg7[%add3A_9, %dma_start3A_85] : memref<10000x128xf32, #tpu.memory_space<vmem_shared>> -> memref<80x128xf32, #tpu.memory_space<vmem_shared>>
      %dma_start3A_87 = arith.constant 0 : i32
      %dma_start3A_88 = tpu.memref_slice %arg7[%add3A_9, %dma_start3A_87] : memref<10000x128xf32, #tpu.memory_space<vmem_shared>> -> memref<80x128xf32, #tpu.memory_space<vmem_shared>>
      tpu.enqueue_dma source(%arg10 : memref<80x128xf32, #tpu.memory_space<vmem>>) target(%dma_start3A_88 : memref<80x128xf32, #tpu.memory_space<vmem_shared>>) target_semaphore(%run_scoped3A_84 : memref<!tpu.dma_semaphore, #tpu.memory_space<semaphore_mem>>)
      %dma_wait3A_89 = arith.constant 0 : i32
      %dma_wait3A_90 = tpu.memref_slice %arg7[%add3A_9, %dma_wait3A_89] : memref<10000x128xf32, #tpu.memory_space<vmem_shared>> -> memref<80x128xf32, #tpu.memory_space<vmem_shared>>
      %dma_wait3A_91 = arith.constant 0 : i32
      %dma_wait3A_92 = tpu.memref_slice %arg7[%add3A_9, %dma_wait3A_91] : memref<10000x128xf32, #tpu.memory_space<vmem_shared>> -> memref<80x128xf32, #tpu.memory_space<vmem_shared>>
      tpu.wait_dma2 semaphore(%run_scoped3A_84 : memref<!tpu.dma_semaphore, #tpu.memory_space<semaphore_mem>>) src(%arg10 : memref<80x128xf32, #tpu.memory_space<vmem>>) dst(%dma_wait3A_92 : memref<80x128xf32, #tpu.memory_space<vmem_shared>>)
      tpu.yield
    }) : () -> ()
    %add3A_10 = arith.constant 400 : i32
    %add3A_11 = arith.addi %mul3A_0, %add3A_10 : i32
    "tpu.region"() ({
      %run_scoped3A_84 = tpu.sem_alloc : memref<!tpu.dma_semaphore, #tpu.memory_space<semaphore_mem>>
      %dma_start3A_85 = arith.constant 0 : i32
      %dma_start3A_86 = tpu.memref_slice %arg7[%add3A_11, %dma_start3A_85] : memref<10000x128xf32, #tpu.memory_space<vmem_shared>> -> memref<80x128xf32, #tpu.memory_space<vmem_shared>>
      %dma_start3A_87 = arith.constant 0 : i32
      %dma_start3A_88 = tpu.memref_slice %arg7[%add3A_11, %dma_start3A_87] : memref<10000x128xf32, #tpu.memory_space<vmem_shared>> -> memref<80x128xf32, #tpu.memory_space<vmem_shared>>
      tpu.enqueue_dma source(%arg10 : memref<80x128xf32, #tpu.memory_space<vmem>>) target(%dma_start3A_88 : memref<80x128xf32, #tpu.memory_space<vmem_shared>>) target_semaphore(%run_scoped3A_84 : memref<!tpu.dma_semaphore, #tpu.memory_space<semaphore_mem>>)
      %dma_wait3A_89 = arith.constant 0 : i32
      %dma_wait3A_90 = tpu.memref_slice %arg7[%add3A_11, %dma_wait3A_89] : memref<10000x128xf32, #tpu.memory_space<vmem_shared>> -> memref<80x128xf32, #tpu.memory_space<vmem_shared>>
      %dma_wait3A_91 = arith.constant 0 : i32
      %dma_wait3A_92 = tpu.memref_slice %arg7[%add3A_11, %dma_wait3A_91] : memref<10000x128xf32, #tpu.memory_space<vmem_shared>> -> memref<80x128xf32, #tpu.memory_space<vmem_shared>>
      tpu.wait_dma2 semaphore(%run_scoped3A_84 : memref<!tpu.dma_semaphore, #tpu.memory_space<semaphore_mem>>) src(%arg10 : memref<80x128xf32, #tpu.memory_space<vmem>>) dst(%dma_wait3A_92 : memref<80x128xf32, #tpu.memory_space<vmem_shared>>)
      tpu.yield
    }) : () -> ()
    %add3A_12 = arith.constant 480 : i32
    %add3A_13 = arith.addi %mul3A_0, %add3A_12 : i32
    "tpu.region"() ({
      %run_scoped3A_84 = tpu.sem_alloc : memref<!tpu.dma_semaphore, #tpu.memory_space<semaphore_mem>>
      %dma_start3A_85 = arith.constant 0 : i32
      %dma_start3A_86 = tpu.memref_slice %arg7[%add3A_13, %dma_start3A_85] : memref<10000x128xf32, #tpu.memory_space<vmem_shared>> -> memref<80x128xf32, #tpu.memory_space<vmem_shared>>
      %dma_start3A_87 = arith.constant 0 : i32
      %dma_start3A_88 = tpu.memref_slice %arg7[%add3A_13, %dma_start3A_87] : memref<10000x128xf32, #tpu.memory_space<vmem_shared>> -> memref<80x128xf32, #tpu.memory_space<vmem_shared>>
      tpu.enqueue_dma source(%arg10 : memref<80x128xf32, #tpu.memory_space<vmem>>) target(%dma_start3A_88 : memref<80x128xf32, #tpu.memory_space<vmem_shared>>) target_semaphore(%run_scoped3A_84 : memref<!tpu.dma_semaphore, #tpu.memory_space<semaphore_mem>>)
      %dma_wait3A_89 = arith.constant 0 : i32
      %dma_wait3A_90 = tpu.memref_slice %arg7[%add3A_13, %dma_wait3A_89] : memref<10000x128xf32, #tpu.memory_space<vmem_shared>> -> memref<80x128xf32, #tpu.memory_space<vmem_shared>>
      %dma_wait3A_91 = arith.constant 0 : i32
      %dma_wait3A_92 = tpu.memref_slice %arg7[%add3A_13, %dma_wait3A_91] : memref<10000x128xf32, #tpu.memory_space<vmem_shared>> -> memref<80x128xf32, #tpu.memory_space<vmem_shared>>
      tpu.wait_dma2 semaphore(%run_scoped3A_84 : memref<!tpu.dma_semaphore, #tpu.memory_space<semaphore_mem>>) src(%arg10 : memref<80x128xf32, #tpu.memory_space<vmem>>) dst(%dma_wait3A_92 : memref<80x128xf32, #tpu.memory_space<vmem_shared>>)
      tpu.yield
    }) : () -> ()
    %add3A_14 = arith.constant 560 : i32
    %add3A_15 = arith.addi %mul3A_0, %add3A_14 : i32
    "tpu.region"() ({
      %run_scoped3A_84 = tpu.sem_alloc : memref<!tpu.dma_semaphore, #tpu.memory_space<semaphore_mem>>
      %dma_start3A_85 = arith.constant 0 : i32
      %dma_start3A_86 = arith.constant 0 : i32
      %dma_start3A_87 = tpu.memref_slice %arg10[%dma_start3A_85, %dma_start3A_86] : memref<80x128xf32, #tpu.memory_space<vmem>> -> memref<64x128xf32, #tpu.memory_space<vmem>>
      %dma_start3A_88 = arith.constant 0 : i32
      %dma_start3A_89 = tpu.memref_slice %arg7[%add3A_15, %dma_start3A_88] : memref<10000x128xf32, #tpu.memory_space<vmem_shared>> -> memref<64x128xf32, #tpu.memory_space<vmem_shared>>
      %dma_start3A_90 = arith.constant 0 : i32
      %dma_start3A_91 = tpu.memref_slice %arg7[%add3A_15, %dma_start3A_90] : memref<10000x128xf32, #tpu.memory_space<vmem_shared>> -> memref<64x128xf32, #tpu.memory_space<vmem_shared>>
      %dma_start3A_92 = arith.constant 0 : i32
      %dma_start3A_93 = arith.constant 0 : i32
      %dma_start3A_94 = tpu.memref_slice %arg10[%dma_start3A_92, %dma_start3A_93] : memref<80x128xf32, #tpu.memory_space<vmem>> -> memref<64x128xf32, #tpu.memory_space<vmem>>
      tpu.enqueue_dma source(%dma_start3A_94 : memref<64x128xf32, #tpu.memory_space<vmem>>) target(%dma_start3A_91 : memref<64x128xf32, #tpu.memory_space<vmem_shared>>) target_semaphore(%run_scoped3A_84 : memref<!tpu.dma_semaphore, #tpu.memory_space<semaphore_mem>>)
      %dma_wait3A_95 = arith.constant 0 : i32
      %dma_wait3A_96 = arith.constant 0 : i32
      %dma_wait3A_97 = tpu.memref_slice %arg10[%dma_wait3A_95, %dma_wait3A_96] : memref<80x128xf32, #tpu.memory_space<vmem>> -> memref<64x128xf32, #tpu.memory_space<vmem>>
      %dma_wait3A_98 = arith.constant 0 : i32
      %dma_wait3A_99 = tpu.memref_slice %arg7[%add3A_15, %dma_wait3A_98] : memref<10000x128xf32, #tpu.memory_space<vmem_shared>> -> memref<64x128xf32, #tpu.memory_space<vmem_shared>>
      %dma_wait3A_100 = arith.constant 0 : i32
      %dma_wait3A_101 = tpu.memref_slice %arg7[%add3A_15, %dma_wait3A_100] : memref<10000x128xf32, #tpu.memory_space<vmem_shared>> -> memref<64x128xf32, #tpu.memory_space<vmem_shared>>
      %dma_wait3A_102 = arith.constant 0 : i32
      %dma_wait3A_103 = arith.constant 0 : i32
      %dma_wait3A_104 = tpu.memref_slice %arg10[%dma_wait3A_102, %dma_wait3A_103] : memref<80x128xf32, #tpu.memory_space<vmem>> -> memref<64x128xf32, #tpu.memory_space<vmem>>
      tpu.wait_dma2 semaphore(%run_scoped3A_84 : memref<!tpu.dma_semaphore, #tpu.memory_space<semaphore_mem>>) src(%dma_wait3A_104 : memref<64x128xf32, #tpu.memory_space<vmem>>) dst(%dma_wait3A_101 : memref<64x128xf32, #tpu.memory_space<vmem_shared>>)
      tpu.yield
    }) : () -> ()
    %eq3A = arith.constant 15 : i32
    %eq3A_16 = arith.cmpi eq, %arg1, %eq3A : i32
    %convert_element_type3A = arith.extui %eq3A_16 : i1 to i32
    %cond3A = arith.constant 0 : i32
    %cond3A_17 = arith.cmpi ne, %convert_element_type3A, %cond3A : i32
    scf.if %cond3A_17 {
      "tpu.region"() ({
        %run_scoped3A_84 = tpu.sem_alloc : memref<!tpu.dma_semaphore, #tpu.memory_space<semaphore_mem>>
        %dma_start3A_85 = arith.constant 0 : i32
        %dma_start3A_86 = arith.constant 0 : i32
        %dma_start3A_87 = tpu.memref_slice %arg10[%dma_start3A_85, %dma_start3A_86] : memref<80x128xf32, #tpu.memory_space<vmem>> -> memref<16x128xf32, #tpu.memory_space<vmem>>
        %dma_start3A_88 = arith.constant 9984 : i32
        %dma_start3A_89 = arith.constant 0 : i32
        %dma_start3A_90 = tpu.memref_slice %arg7[%dma_start3A_88, %dma_start3A_89] : memref<10000x128xf32, #tpu.memory_space<vmem_shared>> -> memref<16x128xf32, #tpu.memory_space<vmem_shared>>
        %dma_start3A_91 = arith.constant 9984 : i32
        %dma_start3A_92 = arith.constant 0 : i32
        %dma_start3A_93 = tpu.memref_slice %arg7[%dma_start3A_91, %dma_start3A_92] : memref<10000x128xf32, #tpu.memory_space<vmem_shared>> -> memref<16x128xf32, #tpu.memory_space<vmem_shared>>
        %dma_start3A_94 = arith.constant 0 : i32
        %dma_start3A_95 = arith.constant 0 : i32
        %dma_start3A_96 = tpu.memref_slice %arg10[%dma_start3A_94, %dma_start3A_95] : memref<80x128xf32, #tpu.memory_space<vmem>> -> memref<16x128xf32, #tpu.memory_space<vmem>>
        tpu.enqueue_dma source(%dma_start3A_96 : memref<16x128xf32, #tpu.memory_space<vmem>>) target(%dma_start3A_93 : memref<16x128xf32, #tpu.memory_space<vmem_shared>>) target_semaphore(%run_scoped3A_84 : memref<!tpu.dma_semaphore, #tpu.memory_space<semaphore_mem>>)
        %dma_wait3A_97 = arith.constant 0 : i32
        %dma_wait3A_98 = arith.constant 0 : i32
        %dma_wait3A_99 = tpu.memref_slice %arg10[%dma_wait3A_97, %dma_wait3A_98] : memref<80x128xf32, #tpu.memory_space<vmem>> -> memref<16x128xf32, #tpu.memory_space<vmem>>
        %dma_wait3A_100 = arith.constant 9984 : i32
        %dma_wait3A_101 = arith.constant 0 : i32
        %dma_wait3A_102 = tpu.memref_slice %arg7[%dma_wait3A_100, %dma_wait3A_101] : memref<10000x128xf32, #tpu.memory_space<vmem_shared>> -> memref<16x128xf32, #tpu.memory_space<vmem_shared>>
        %dma_wait3A_103 = arith.constant 9984 : i32
        %dma_wait3A_104 = arith.constant 0 : i32
        %dma_wait3A_105 = tpu.memref_slice %arg7[%dma_wait3A_103, %dma_wait3A_104] : memref<10000x128xf32, #tpu.memory_space<vmem_shared>> -> memref<16x128xf32, #tpu.memory_space<vmem_shared>>
        %dma_wait3A_106 = arith.constant 0 : i32
        %dma_wait3A_107 = arith.constant 0 : i32
        %dma_wait3A_108 = tpu.memref_slice %arg10[%dma_wait3A_106, %dma_wait3A_107] : memref<80x128xf32, #tpu.memory_space<vmem>> -> memref<16x128xf32, #tpu.memory_space<vmem>>
        tpu.wait_dma2 semaphore(%run_scoped3A_84 : memref<!tpu.dma_semaphore, #tpu.memory_space<semaphore_mem>>) src(%dma_wait3A_108 : memref<16x128xf32, #tpu.memory_space<vmem>>) dst(%dma_wait3A_105 : memref<16x128xf32, #tpu.memory_space<vmem_shared>>)
        tpu.yield
      }) : () -> ()
    } else {
    }
    %mul3A_18 = arith.constant 160000 : i32
    %mul3A_19 = arith.muli %arg0, %mul3A_18 : i32
    %mul3A_20 = arith.constant 10000 : i32
    %mul3A_21 = arith.muli %arg1, %mul3A_20 : i32
    %add3A_22 = arith.addi %mul3A_19, %mul3A_21 : i32
    "tpu.region"() ({
      %run_scoped3A_84 = tpu.sem_alloc : memref<!tpu.dma_semaphore, #tpu.memory_space<semaphore_mem>>
      %dma_start3A_85 = tpu.memref_slice %arg3[%add3A_22] : memref<320000xi32, #tpu.memory_space<hbm>> -> memref<10000xi32, #tpu.memory_space<hbm>>
      %dma_start3A_86 = tpu.memref_slice %arg3[%add3A_22] : memref<320000xi32, #tpu.memory_space<hbm>> -> memref<10000xi32, #tpu.memory_space<hbm>>
      tpu.enqueue_dma source(%dma_start3A_86 : memref<10000xi32, #tpu.memory_space<hbm>>) target(%arg8 : memref<10000xi32, #tpu.memory_space<vmem>>) target_semaphore(%run_scoped3A_84 : memref<!tpu.dma_semaphore, #tpu.memory_space<semaphore_mem>>)
      %dma_wait3A_87 = tpu.memref_slice %arg3[%add3A_22] : memref<320000xi32, #tpu.memory_space<hbm>> -> memref<10000xi32, #tpu.memory_space<hbm>>
      %dma_wait3A_88 = tpu.memref_slice %arg3[%add3A_22] : memref<320000xi32, #tpu.memory_space<hbm>> -> memref<10000xi32, #tpu.memory_space<hbm>>
      tpu.wait_dma2 semaphore(%run_scoped3A_84 : memref<!tpu.dma_semaphore, #tpu.memory_space<semaphore_mem>>) src(%dma_wait3A_88 : memref<10000xi32, #tpu.memory_space<hbm>>) dst(%arg8 : memref<10000xi32, #tpu.memory_space<vmem>>)
      tpu.yield
    }) : () -> ()
    "tpu.region"() ({
      %run_scoped3A_84 = tpu.sem_alloc : memref<!tpu.dma_semaphore, #tpu.memory_space<semaphore_mem>>
      %dma_start3A_85 = arith.constant 0 : i32
      %dma_start3A_86 = arith.constant 0 : i32
      %dma_start3A_87 = tpu.memref_slice %arg4[%arg1, %dma_start3A_85, %dma_start3A_86] : memref<16x125x80xi32, #tpu.memory_space<hbm>> -> memref<1x125x80xi32, #tpu.memory_space<hbm>>
      %dma_start3A_88 = tpu.memref_squeeze %dma_start3A_87 : memref<1x125x80xi32, #tpu.memory_space<hbm>> -> memref<125x80xi32, #tpu.memory_space<hbm>>
      %dma_start3A_89 = arith.constant 0 : i32
      %dma_start3A_90 = arith.constant 0 : i32
      %dma_start3A_91 = tpu.memref_slice %arg4[%arg1, %dma_start3A_89, %dma_start3A_90] : memref<16x125x80xi32, #tpu.memory_space<hbm>> -> memref<1x125x80xi32, #tpu.memory_space<hbm>>
      %dma_start3A_92 = tpu.memref_squeeze %dma_start3A_91 : memref<1x125x80xi32, #tpu.memory_space<hbm>> -> memref<125x80xi32, #tpu.memory_space<hbm>>
      tpu.enqueue_dma source(%dma_start3A_92 : memref<125x80xi32, #tpu.memory_space<hbm>>) target(%arg9 : memref<125x80xi32, #tpu.memory_space<vmem>>) target_semaphore(%run_scoped3A_84 : memref<!tpu.dma_semaphore, #tpu.memory_space<semaphore_mem>>)
      %dma_wait3A_93 = arith.constant 0 : i32
      %dma_wait3A_94 = arith.constant 0 : i32
      %dma_wait3A_95 = tpu.memref_slice %arg4[%arg1, %dma_wait3A_93, %dma_wait3A_94] : memref<16x125x80xi32, #tpu.memory_space<hbm>> -> memref<1x125x80xi32, #tpu.memory_space<hbm>>
      %dma_wait3A_96 = tpu.memref_squeeze %dma_wait3A_95 : memref<1x125x80xi32, #tpu.memory_space<hbm>> -> memref<125x80xi32, #tpu.memory_space<hbm>>
      %dma_wait3A_97 = arith.constant 0 : i32
      %dma_wait3A_98 = arith.constant 0 : i32
      %dma_wait3A_99 = tpu.memref_slice %arg4[%arg1, %dma_wait3A_97, %dma_wait3A_98] : memref<16x125x80xi32, #tpu.memory_space<hbm>> -> memref<1x125x80xi32, #tpu.memory_space<hbm>>
      %dma_wait3A_100 = tpu.memref_squeeze %dma_wait3A_99 : memref<1x125x80xi32, #tpu.memory_space<hbm>> -> memref<125x80xi32, #tpu.memory_space<hbm>>
      tpu.wait_dma2 semaphore(%run_scoped3A_84 : memref<!tpu.dma_semaphore, #tpu.memory_space<semaphore_mem>>) src(%dma_wait3A_100 : memref<125x80xi32, #tpu.memory_space<hbm>>) dst(%arg9 : memref<125x80xi32, #tpu.memory_space<vmem>>)
      tpu.yield
    }) : () -> ()
    %barrier3A = arith.constant 0 : index
    tpu.barrier barrier_id(%barrier3A)
    %dma_start3A = arith.constant 0 : i32
    %dma_start3A_23 = tpu.memref_slice %arg8[%dma_start3A] : memref<10000xi32, #tpu.memory_space<vmem>> -> memref<80xi32, #tpu.memory_space<vmem>>
    %dma_start3A_24 = arith.constant 0 : i32
    %dma_start3A_25 = arith.constant 0 : i32
    %dma_start3A_26 = tpu.memref_slice %arg2[%dma_start3A_24, %dma_start3A_25] : memref<20000x128xf32, #tpu.memory_space<hbm>> -> memref<20000x128xf32, #tpu.memory_space<hbm>>
    tpu.enqueue_indirect_dma source(%dma_start3A_26 : memref<20000x128xf32, #tpu.memory_space<hbm>>) target(%arg10 : memref<80x128xf32, #tpu.memory_space<vmem>>) offsets(%dma_start3A_23 : memref<80xi32, #tpu.memory_space<vmem>>) semaphore(%arg12 : memref<!tpu.dma_semaphore, #tpu.memory_space<semaphore_mem>>)
    %scan3A = arith.constant 0 : i32
    %scan3A_27 = arith.constant 0 : i32
    %scan3A_28 = arith.constant 62 : i32
    %scan3A_29 = arith.addi %scan3A_27, %scan3A_28 : i32
    %scan3A_30 = arith.constant 1 : i32
    scf.for %scan3A_84 = %scan3A_27 to %scan3A_29 step %scan3A_30  : i32 {
      %mul3A_85 = arith.constant 2 : i32
      %mul3A_86 = arith.muli %mul3A_85, %scan3A_84 : i32
      %add3A_87 = arith.constant 1 : i32
      %add3A_88 = arith.addi %mul3A_86, %add3A_87 : i32
      %mul3A_89 = arith.constant 80 : i32
      %mul3A_90 = arith.muli %add3A_88, %mul3A_89 : i32
      %dma_start3A_91 = tpu.memref_slice %arg8[%mul3A_90] : memref<10000xi32, #tpu.memory_space<vmem>> -> memref<80xi32, #tpu.memory_space<vmem>>
      %dma_start3A_92 = arith.constant 0 : i32
      %dma_start3A_93 = arith.constant 0 : i32
      %dma_start3A_94 = tpu.memref_slice %arg2[%dma_start3A_92, %dma_start3A_93] : memref<20000x128xf32, #tpu.memory_space<hbm>> -> memref<20000x128xf32, #tpu.memory_space<hbm>>
      tpu.enqueue_indirect_dma source(%dma_start3A_94 : memref<20000x128xf32, #tpu.memory_space<hbm>>) target(%arg11 : memref<80x128xf32, #tpu.memory_space<vmem>>) offsets(%dma_start3A_91 : memref<80xi32, #tpu.memory_space<vmem>>) semaphore(%arg13 : memref<!tpu.dma_semaphore, #tpu.memory_space<semaphore_mem>>)
      %mul3A_95 = arith.constant 80 : i32
      %mul3A_96 = arith.muli %mul3A_86, %mul3A_95 : i32
      %dma_wait3A_97 = tpu.memref_slice %arg8[%mul3A_96] : memref<10000xi32, #tpu.memory_space<vmem>> -> memref<80xi32, #tpu.memory_space<vmem>>
      %dma_wait3A_98 = arith.constant 0 : i32
      %dma_wait3A_99 = arith.constant 0 : i32
      %dma_wait3A_100 = tpu.memref_slice %arg2[%dma_wait3A_98, %dma_wait3A_99] : memref<20000x128xf32, #tpu.memory_space<hbm>> -> memref<20000x128xf32, #tpu.memory_space<hbm>>
      tpu.wait_indirect_dma semaphore(%arg12 : memref<!tpu.dma_semaphore, #tpu.memory_space<semaphore_mem>>) src(%dma_wait3A_100 : memref<20000x128xf32, #tpu.memory_space<hbm>>) dst(%arg10 : memref<80x128xf32, #tpu.memory_space<vmem>>)
      "tpu.region"() ({
        %run_scoped3A_119 = tpu.sem_alloc : memref<!tpu.dma_semaphore, #tpu.memory_space<semaphore_mem>>
        %dma_start3A_120 = arith.constant 0 : i32
        %dma_start3A_121 = tpu.memref_slice %arg9[%mul3A_86, %dma_start3A_120] : memref<125x80xi32, #tpu.memory_space<vmem>> -> memref<1x80xi32, #tpu.memory_space<vmem>>
        %dma_start3A_122 = tpu.memref_squeeze %dma_start3A_121 : memref<1x80xi32, #tpu.memory_space<vmem>> -> memref<80xi32, #tpu.memory_space<vmem>>
        %dma_start3A_123 = arith.constant 0 : i32
        %dma_start3A_124 = arith.constant 0 : i32
        %dma_start3A_125 = tpu.memref_slice %arg7[%dma_start3A_123, %dma_start3A_124] : memref<10000x128xf32, #tpu.memory_space<vmem_shared>> -> memref<10000x128xf32, #tpu.memory_space<vmem_shared>>
        tpu.enqueue_indirect_dma source(%arg10 : memref<80x128xf32, #tpu.memory_space<vmem>>) target(%dma_start3A_125 : memref<10000x128xf32, #tpu.memory_space<vmem_shared>>) offsets(%dma_start3A_122 : memref<80xi32, #tpu.memory_space<vmem>>) semaphore(%run_scoped3A_119 : memref<!tpu.dma_semaphore, #tpu.memory_space<semaphore_mem>>) {add = true}
        %dma_wait3A_126 = arith.constant 0 : i32
        %dma_wait3A_127 = tpu.memref_slice %arg9[%mul3A_86, %dma_wait3A_126] : memref<125x80xi32, #tpu.memory_space<vmem>> -> memref<1x80xi32, #tpu.memory_space<vmem>>
        %dma_wait3A_128 = tpu.memref_squeeze %dma_wait3A_127 : memref<1x80xi32, #tpu.memory_space<vmem>> -> memref<80xi32, #tpu.memory_space<vmem>>
        %dma_wait3A_129 = arith.constant 0 : i32
        %dma_wait3A_130 = arith.constant 0 : i32
        %dma_wait3A_131 = tpu.memref_slice %arg7[%dma_wait3A_129, %dma_wait3A_130] : memref<10000x128xf32, #tpu.memory_space<vmem_shared>> -> memref<10000x128xf32, #tpu.memory_space<vmem_shared>>
        tpu.wait_indirect_dma semaphore(%run_scoped3A_119 : memref<!tpu.dma_semaphore, #tpu.memory_space<semaphore_mem>>) src(%arg10 : memref<80x128xf32, #tpu.memory_space<vmem>>) dst(%dma_wait3A_131 : memref<10000x128xf32, #tpu.memory_space<vmem_shared>>)
        tpu.yield
      }) : () -> ()
      %add3A_101 = arith.constant 2 : i32
      %add3A_102 = arith.addi %mul3A_86, %add3A_101 : i32
      %mul3A_103 = arith.constant 80 : i32
      %mul3A_104 = arith.muli %add3A_102, %mul3A_103 : i32
      %dma_start3A_105 = tpu.memref_slice %arg8[%mul3A_104] : memref<10000xi32, #tpu.memory_space<vmem>> -> memref<80xi32, #tpu.memory_space<vmem>>
      %dma_start3A_106 = arith.constant 0 : i32
      %dma_start3A_107 = arith.constant 0 : i32
      %dma_start3A_108 = tpu.memref_slice %arg2[%dma_start3A_106, %dma_start3A_107] : memref<20000x128xf32, #tpu.memory_space<hbm>> -> memref<20000x128xf32, #tpu.memory_space<hbm>>
      tpu.enqueue_indirect_dma source(%dma_start3A_108 : memref<20000x128xf32, #tpu.memory_space<hbm>>) target(%arg10 : memref<80x128xf32, #tpu.memory_space<vmem>>) offsets(%dma_start3A_105 : memref<80xi32, #tpu.memory_space<vmem>>) semaphore(%arg12 : memref<!tpu.dma_semaphore, #tpu.memory_space<semaphore_mem>>)
      %add3A_109 = arith.constant 1 : i32
      %add3A_110 = arith.addi %mul3A_86, %add3A_109 : i32
      %mul3A_111 = arith.constant 80 : i32
      %mul3A_112 = arith.muli %add3A_110, %mul3A_111 : i32
      %dma_wait3A_113 = tpu.memref_slice %arg8[%mul3A_112] : memref<10000xi32, #tpu.memory_space<vmem>> -> memref<80xi32, #tpu.memory_space<vmem>>
      %dma_wait3A_114 = arith.constant 0 : i32
      %dma_wait3A_115 = arith.constant 0 : i32
      %dma_wait3A_116 = tpu.memref_slice %arg2[%dma_wait3A_114, %dma_wait3A_115] : memref<20000x128xf32, #tpu.memory_space<hbm>> -> memref<20000x128xf32, #tpu.memory_space<hbm>>
      tpu.wait_indirect_dma semaphore(%arg13 : memref<!tpu.dma_semaphore, #tpu.memory_space<semaphore_mem>>) src(%dma_wait3A_116 : memref<20000x128xf32, #tpu.memory_space<hbm>>) dst(%arg11 : memref<80x128xf32, #tpu.memory_space<vmem>>)
      %add3A_117 = arith.constant 1 : i32
      %add3A_118 = arith.addi %mul3A_86, %add3A_117 : i32
      "tpu.region"() ({
        %run_scoped3A_119 = tpu.sem_alloc : memref<!tpu.dma_semaphore, #tpu.memory_space<semaphore_mem>>
        %dma_start3A_120 = arith.constant 0 : i32
        %dma_start3A_121 = tpu.memref_slice %arg9[%add3A_118, %dma_start3A_120] : memref<125x80xi32, #tpu.memory_space<vmem>> -> memref<1x80xi32, #tpu.memory_space<vmem>>
        %dma_start3A_122 = tpu.memref_squeeze %dma_start3A_121 : memref<1x80xi32, #tpu.memory_space<vmem>> -> memref<80xi32, #tpu.memory_space<vmem>>
        %dma_start3A_123 = arith.constant 0 : i32
        %dma_start3A_124 = arith.constant 0 : i32
        %dma_start3A_125 = tpu.memref_slice %arg7[%dma_start3A_123, %dma_start3A_124] : memref<10000x128xf32, #tpu.memory_space<vmem_shared>> -> memref<10000x128xf32, #tpu.memory_space<vmem_shared>>
        tpu.enqueue_indirect_dma source(%arg11 : memref<80x128xf32, #tpu.memory_space<vmem>>) target(%dma_start3A_125 : memref<10000x128xf32, #tpu.memory_space<vmem_shared>>) offsets(%dma_start3A_122 : memref<80xi32, #tpu.memory_space<vmem>>) semaphore(%run_scoped3A_119 : memref<!tpu.dma_semaphore, #tpu.memory_space<semaphore_mem>>) {add = true}
        %dma_wait3A_126 = arith.constant 0 : i32
        %dma_wait3A_127 = tpu.memref_slice %arg9[%add3A_118, %dma_wait3A_126] : memref<125x80xi32, #tpu.memory_space<vmem>> -> memref<1x80xi32, #tpu.memory_space<vmem>>
        %dma_wait3A_128 = tpu.memref_squeeze %dma_wait3A_127 : memref<1x80xi32, #tpu.memory_space<vmem>> -> memref<80xi32, #tpu.memory_space<vmem>>
        %dma_wait3A_129 = arith.constant 0 : i32
        %dma_wait3A_130 = arith.constant 0 : i32
        %dma_wait3A_131 = tpu.memref_slice %arg7[%dma_wait3A_129, %dma_wait3A_130] : memref<10000x128xf32, #tpu.memory_space<vmem_shared>> -> memref<10000x128xf32, #tpu.memory_space<vmem_shared>>
        tpu.wait_indirect_dma semaphore(%run_scoped3A_119 : memref<!tpu.dma_semaphore, #tpu.memory_space<semaphore_mem>>) src(%arg11 : memref<80x128xf32, #tpu.memory_space<vmem>>) dst(%dma_wait3A_131 : memref<10000x128xf32, #tpu.memory_space<vmem_shared>>)
        tpu.yield
      }) : () -> ()
    }
    %scan3A_31 = arith.constant 62 : i32
    %dma_wait3A = arith.constant 9920 : i32
    %dma_wait3A_32 = tpu.memref_slice %arg8[%dma_wait3A] : memref<10000xi32, #tpu.memory_space<vmem>> -> memref<80xi32, #tpu.memory_space<vmem>>
    %dma_wait3A_33 = arith.constant 0 : i32
    %dma_wait3A_34 = arith.constant 0 : i32
    %dma_wait3A_35 = tpu.memref_slice %arg2[%dma_wait3A_33, %dma_wait3A_34] : memref<20000x128xf32, #tpu.memory_space<hbm>> -> memref<20000x128xf32, #tpu.memory_space<hbm>>
    tpu.wait_indirect_dma semaphore(%arg12 : memref<!tpu.dma_semaphore, #tpu.memory_space<semaphore_mem>>) src(%dma_wait3A_35 : memref<20000x128xf32, #tpu.memory_space<hbm>>) dst(%arg10 : memref<80x128xf32, #tpu.memory_space<vmem>>)
    %run_scoped3A = arith.constant 124 : i32
    "tpu.region"() ({
      %run_scoped3A_84 = tpu.sem_alloc : memref<!tpu.dma_semaphore, #tpu.memory_space<semaphore_mem>>
      %dma_start3A_85 = arith.constant 0 : i32
      %dma_start3A_86 = tpu.memref_slice %arg9[%run_scoped3A, %dma_start3A_85] : memref<125x80xi32, #tpu.memory_space<vmem>> -> memref<1x80xi32, #tpu.memory_space<vmem>>
      %dma_start3A_87 = tpu.memref_squeeze %dma_start3A_86 : memref<1x80xi32, #tpu.memory_space<vmem>> -> memref<80xi32, #tpu.memory_space<vmem>>
      %dma_start3A_88 = arith.constant 0 : i32
      %dma_start3A_89 = arith.constant 0 : i32
      %dma_start3A_90 = tpu.memref_slice %arg7[%dma_start3A_88, %dma_start3A_89] : memref<10000x128xf32, #tpu.memory_space<vmem_shared>> -> memref<10000x128xf32, #tpu.memory_space<vmem_shared>>
      tpu.enqueue_indirect_dma source(%arg10 : memref<80x128xf32, #tpu.memory_space<vmem>>) target(%dma_start3A_90 : memref<10000x128xf32, #tpu.memory_space<vmem_shared>>) offsets(%dma_start3A_87 : memref<80xi32, #tpu.memory_space<vmem>>) semaphore(%run_scoped3A_84 : memref<!tpu.dma_semaphore, #tpu.memory_space<semaphore_mem>>) {add = true}
      %dma_wait3A_91 = arith.constant 0 : i32
      %dma_wait3A_92 = tpu.memref_slice %arg9[%run_scoped3A, %dma_wait3A_91] : memref<125x80xi32, #tpu.memory_space<vmem>> -> memref<1x80xi32, #tpu.memory_space<vmem>>
      %dma_wait3A_93 = tpu.memref_squeeze %dma_wait3A_92 : memref<1x80xi32, #tpu.memory_space<vmem>> -> memref<80xi32, #tpu.memory_space<vmem>>
      %dma_wait3A_94 = arith.constant 0 : i32
      %dma_wait3A_95 = arith.constant 0 : i32
      %dma_wait3A_96 = tpu.memref_slice %arg7[%dma_wait3A_94, %dma_wait3A_95] : memref<10000x128xf32, #tpu.memory_space<vmem_shared>> -> memref<10000x128xf32, #tpu.memory_space<vmem_shared>>
      tpu.wait_indirect_dma semaphore(%run_scoped3A_84 : memref<!tpu.dma_semaphore, #tpu.memory_space<semaphore_mem>>) src(%arg10 : memref<80x128xf32, #tpu.memory_space<vmem>>) dst(%dma_wait3A_96 : memref<10000x128xf32, #tpu.memory_space<vmem_shared>>)
      tpu.yield
    }) : () -> ()
    %barrier3A_36 = arith.constant 0 : index
    tpu.barrier barrier_id(%barrier3A_36)
    %mul3A_37 = arith.constant 10000 : i32
    %mul3A_38 = arith.muli %arg0, %mul3A_37 : i32
    %add3A_39 = arith.constant 0 : i32
    %add3A_40 = arith.addi %mul3A_0, %add3A_39 : i32
    "tpu.region"() ({
      %run_scoped3A_84 = tpu.sem_alloc : memref<!tpu.dma_semaphore, #tpu.memory_space<semaphore_mem>>
      %dma_start3A_85 = arith.constant 0 : i32
      %dma_start3A_86 = tpu.memref_slice %arg7[%add3A_40, %dma_start3A_85] : memref<10000x128xf32, #tpu.memory_space<vmem_shared>> -> memref<80x128xf32, #tpu.memory_space<vmem_shared>>
      %dma_start3A_87 = arith.constant 0 : i32
      %dma_start3A_88 = tpu.memref_slice %arg7[%add3A_40, %dma_start3A_87] : memref<10000x128xf32, #tpu.memory_space<vmem_shared>> -> memref<80x128xf32, #tpu.memory_space<vmem_shared>>
      tpu.enqueue_dma source(%dma_start3A_88 : memref<80x128xf32, #tpu.memory_space<vmem_shared>>) target(%arg10 : memref<80x128xf32, #tpu.memory_space<vmem>>) target_semaphore(%run_scoped3A_84 : memref<!tpu.dma_semaphore, #tpu.memory_space<semaphore_mem>>)
      %dma_wait3A_89 = arith.constant 0 : i32
      %dma_wait3A_90 = tpu.memref_slice %arg7[%add3A_40, %dma_wait3A_89] : memref<10000x128xf32, #tpu.memory_space<vmem_shared>> -> memref<80x128xf32, #tpu.memory_space<vmem_shared>>
      %dma_wait3A_91 = arith.constant 0 : i32
      %dma_wait3A_92 = tpu.memref_slice %arg7[%add3A_40, %dma_wait3A_91] : memref<10000x128xf32, #tpu.memory_space<vmem_shared>> -> memref<80x128xf32, #tpu.memory_space<vmem_shared>>
      tpu.wait_dma2 semaphore(%run_scoped3A_84 : memref<!tpu.dma_semaphore, #tpu.memory_space<semaphore_mem>>) src(%dma_wait3A_92 : memref<80x128xf32, #tpu.memory_space<vmem_shared>>) dst(%arg10 : memref<80x128xf32, #tpu.memory_space<vmem>>)
      tpu.yield
    }) : () -> ()
    %add3A_41 = arith.addi %mul3A_38, %mul3A_0 : i32
    %add3A_42 = arith.constant 0 : i32
    %add3A_43 = arith.addi %add3A_41, %add3A_42 : i32
    "tpu.region"() ({
      %run_scoped3A_84 = tpu.sem_alloc : memref<!tpu.dma_semaphore, #tpu.memory_space<semaphore_mem>>
      %dma_start3A_85 = arith.constant 0 : i32
      %dma_start3A_86 = tpu.memref_slice %arg6[%add3A_43, %dma_start3A_85] : memref<20000x128xf32, #tpu.memory_space<hbm>> -> memref<80x128xf32, #tpu.memory_space<hbm>>
      %dma_start3A_87 = arith.constant 0 : i32
      %dma_start3A_88 = tpu.memref_slice %arg6[%add3A_43, %dma_start3A_87] : memref<20000x128xf32, #tpu.memory_space<hbm>> -> memref<80x128xf32, #tpu.memory_space<hbm>>
      tpu.enqueue_dma source(%arg10 : memref<80x128xf32, #tpu.memory_space<vmem>>) target(%dma_start3A_88 : memref<80x128xf32, #tpu.memory_space<hbm>>) target_semaphore(%run_scoped3A_84 : memref<!tpu.dma_semaphore, #tpu.memory_space<semaphore_mem>>)
      %dma_wait3A_89 = arith.constant 0 : i32
      %dma_wait3A_90 = tpu.memref_slice %arg6[%add3A_43, %dma_wait3A_89] : memref<20000x128xf32, #tpu.memory_space<hbm>> -> memref<80x128xf32, #tpu.memory_space<hbm>>
      %dma_wait3A_91 = arith.constant 0 : i32
      %dma_wait3A_92 = tpu.memref_slice %arg6[%add3A_43, %dma_wait3A_91] : memref<20000x128xf32, #tpu.memory_space<hbm>> -> memref<80x128xf32, #tpu.memory_space<hbm>>
      tpu.wait_dma2 semaphore(%run_scoped3A_84 : memref<!tpu.dma_semaphore, #tpu.memory_space<semaphore_mem>>) src(%arg10 : memref<80x128xf32, #tpu.memory_space<vmem>>) dst(%dma_wait3A_92 : memref<80x128xf32, #tpu.memory_space<hbm>>)
      tpu.yield
    }) : () -> ()
    %add3A_44 = arith.constant 80 : i32
    %add3A_45 = arith.addi %mul3A_0, %add3A_44 : i32
    "tpu.region"() ({
      %run_scoped3A_84 = tpu.sem_alloc : memref<!tpu.dma_semaphore, #tpu.memory_space<semaphore_mem>>
      %dma_start3A_85 = arith.constant 0 : i32
      %dma_start3A_86 = tpu.memref_slice %arg7[%add3A_45, %dma_start3A_85] : memref<10000x128xf32, #tpu.memory_space<vmem_shared>> -> memref<80x128xf32, #tpu.memory_space<vmem_shared>>
      %dma_start3A_87 = arith.constant 0 : i32
      %dma_start3A_88 = tpu.memref_slice %arg7[%add3A_45, %dma_start3A_87] : memref<10000x128xf32, #tpu.memory_space<vmem_shared>> -> memref<80x128xf32, #tpu.memory_space<vmem_shared>>
      tpu.enqueue_dma source(%dma_start3A_88 : memref<80x128xf32, #tpu.memory_space<vmem_shared>>) target(%arg10 : memref<80x128xf32, #tpu.memory_space<vmem>>) target_semaphore(%run_scoped3A_84 : memref<!tpu.dma_semaphore, #tpu.memory_space<semaphore_mem>>)
      %dma_wait3A_89 = arith.constant 0 : i32
      %dma_wait3A_90 = tpu.memref_slice %arg7[%add3A_45, %dma_wait3A_89] : memref<10000x128xf32, #tpu.memory_space<vmem_shared>> -> memref<80x128xf32, #tpu.memory_space<vmem_shared>>
      %dma_wait3A_91 = arith.constant 0 : i32
      %dma_wait3A_92 = tpu.memref_slice %arg7[%add3A_45, %dma_wait3A_91] : memref<10000x128xf32, #tpu.memory_space<vmem_shared>> -> memref<80x128xf32, #tpu.memory_space<vmem_shared>>
      tpu.wait_dma2 semaphore(%run_scoped3A_84 : memref<!tpu.dma_semaphore, #tpu.memory_space<semaphore_mem>>) src(%dma_wait3A_92 : memref<80x128xf32, #tpu.memory_space<vmem_shared>>) dst(%arg10 : memref<80x128xf32, #tpu.memory_space<vmem>>)
      tpu.yield
    }) : () -> ()
    %add3A_46 = arith.addi %mul3A_38, %mul3A_0 : i32
    %add3A_47 = arith.constant 80 : i32
    %add3A_48 = arith.addi %add3A_46, %add3A_47 : i32
    "tpu.region"() ({
      %run_scoped3A_84 = tpu.sem_alloc : memref<!tpu.dma_semaphore, #tpu.memory_space<semaphore_mem>>
      %dma_start3A_85 = arith.constant 0 : i32
      %dma_start3A_86 = tpu.memref_slice %arg6[%add3A_48, %dma_start3A_85] : memref<20000x128xf32, #tpu.memory_space<hbm>> -> memref<80x128xf32, #tpu.memory_space<hbm>>
      %dma_start3A_87 = arith.constant 0 : i32
      %dma_start3A_88 = tpu.memref_slice %arg6[%add3A_48, %dma_start3A_87] : memref<20000x128xf32, #tpu.memory_space<hbm>> -> memref<80x128xf32, #tpu.memory_space<hbm>>
      tpu.enqueue_dma source(%arg10 : memref<80x128xf32, #tpu.memory_space<vmem>>) target(%dma_start3A_88 : memref<80x128xf32, #tpu.memory_space<hbm>>) target_semaphore(%run_scoped3A_84 : memref<!tpu.dma_semaphore, #tpu.memory_space<semaphore_mem>>)
      %dma_wait3A_89 = arith.constant 0 : i32
      %dma_wait3A_90 = tpu.memref_slice %arg6[%add3A_48, %dma_wait3A_89] : memref<20000x128xf32, #tpu.memory_space<hbm>> -> memref<80x128xf32, #tpu.memory_space<hbm>>
      %dma_wait3A_91 = arith.constant 0 : i32
      %dma_wait3A_92 = tpu.memref_slice %arg6[%add3A_48, %dma_wait3A_91] : memref<20000x128xf32, #tpu.memory_space<hbm>> -> memref<80x128xf32, #tpu.memory_space<hbm>>
      tpu.wait_dma2 semaphore(%run_scoped3A_84 : memref<!tpu.dma_semaphore, #tpu.memory_space<semaphore_mem>>) src(%arg10 : memref<80x128xf32, #tpu.memory_space<vmem>>) dst(%dma_wait3A_92 : memref<80x128xf32, #tpu.memory_space<hbm>>)
      tpu.yield
    }) : () -> ()
    %add3A_49 = arith.constant 160 : i32
    %add3A_50 = arith.addi %mul3A_0, %add3A_49 : i32
    "tpu.region"() ({
      %run_scoped3A_84 = tpu.sem_alloc : memref<!tpu.dma_semaphore, #tpu.memory_space<semaphore_mem>>
      %dma_start3A_85 = arith.constant 0 : i32
      %dma_start3A_86 = tpu.memref_slice %arg7[%add3A_50, %dma_start3A_85] : memref<10000x128xf32, #tpu.memory_space<vmem_shared>> -> memref<80x128xf32, #tpu.memory_space<vmem_shared>>
      %dma_start3A_87 = arith.constant 0 : i32
      %dma_start3A_88 = tpu.memref_slice %arg7[%add3A_50, %dma_start3A_87] : memref<10000x128xf32, #tpu.memory_space<vmem_shared>> -> memref<80x128xf32, #tpu.memory_space<vmem_shared>>
      tpu.enqueue_dma source(%dma_start3A_88 : memref<80x128xf32, #tpu.memory_space<vmem_shared>>) target(%arg10 : memref<80x128xf32, #tpu.memory_space<vmem>>) target_semaphore(%run_scoped3A_84 : memref<!tpu.dma_semaphore, #tpu.memory_space<semaphore_mem>>)
      %dma_wait3A_89 = arith.constant 0 : i32
      %dma_wait3A_90 = tpu.memref_slice %arg7[%add3A_50, %dma_wait3A_89] : memref<10000x128xf32, #tpu.memory_space<vmem_shared>> -> memref<80x128xf32, #tpu.memory_space<vmem_shared>>
      %dma_wait3A_91 = arith.constant 0 : i32
      %dma_wait3A_92 = tpu.memref_slice %arg7[%add3A_50, %dma_wait3A_91] : memref<10000x128xf32, #tpu.memory_space<vmem_shared>> -> memref<80x128xf32, #tpu.memory_space<vmem_shared>>
      tpu.wait_dma2 semaphore(%run_scoped3A_84 : memref<!tpu.dma_semaphore, #tpu.memory_space<semaphore_mem>>) src(%dma_wait3A_92 : memref<80x128xf32, #tpu.memory_space<vmem_shared>>) dst(%arg10 : memref<80x128xf32, #tpu.memory_space<vmem>>)
      tpu.yield
    }) : () -> ()
    %add3A_51 = arith.addi %mul3A_38, %mul3A_0 : i32
    %add3A_52 = arith.constant 160 : i32
    %add3A_53 = arith.addi %add3A_51, %add3A_52 : i32
    "tpu.region"() ({
      %run_scoped3A_84 = tpu.sem_alloc : memref<!tpu.dma_semaphore, #tpu.memory_space<semaphore_mem>>
      %dma_start3A_85 = arith.constant 0 : i32
      %dma_start3A_86 = tpu.memref_slice %arg6[%add3A_53, %dma_start3A_85] : memref<20000x128xf32, #tpu.memory_space<hbm>> -> memref<80x128xf32, #tpu.memory_space<hbm>>
      %dma_start3A_87 = arith.constant 0 : i32
      %dma_start3A_88 = tpu.memref_slice %arg6[%add3A_53, %dma_start3A_87] : memref<20000x128xf32, #tpu.memory_space<hbm>> -> memref<80x128xf32, #tpu.memory_space<hbm>>
      tpu.enqueue_dma source(%arg10 : memref<80x128xf32, #tpu.memory_space<vmem>>) target(%dma_start3A_88 : memref<80x128xf32, #tpu.memory_space<hbm>>) target_semaphore(%run_scoped3A_84 : memref<!tpu.dma_semaphore, #tpu.memory_space<semaphore_mem>>)
      %dma_wait3A_89 = arith.constant 0 : i32
      %dma_wait3A_90 = tpu.memref_slice %arg6[%add3A_53, %dma_wait3A_89] : memref<20000x128xf32, #tpu.memory_space<hbm>> -> memref<80x128xf32, #tpu.memory_space<hbm>>
      %dma_wait3A_91 = arith.constant 0 : i32
      %dma_wait3A_92 = tpu.memref_slice %arg6[%add3A_53, %dma_wait3A_91] : memref<20000x128xf32, #tpu.memory_space<hbm>> -> memref<80x128xf32, #tpu.memory_space<hbm>>
      tpu.wait_dma2 semaphore(%run_scoped3A_84 : memref<!tpu.dma_semaphore, #tpu.memory_space<semaphore_mem>>) src(%arg10 : memref<80x128xf32, #tpu.memory_space<vmem>>) dst(%dma_wait3A_92 : memref<80x128xf32, #tpu.memory_space<hbm>>)
      tpu.yield
    }) : () -> ()
    %add3A_54 = arith.constant 240 : i32
    %add3A_55 = arith.addi %mul3A_0, %add3A_54 : i32
    "tpu.region"() ({
      %run_scoped3A_84 = tpu.sem_alloc : memref<!tpu.dma_semaphore, #tpu.memory_space<semaphore_mem>>
      %dma_start3A_85 = arith.constant 0 : i32
      %dma_start3A_86 = tpu.memref_slice %arg7[%add3A_55, %dma_start3A_85] : memref<10000x128xf32, #tpu.memory_space<vmem_shared>> -> memref<80x128xf32, #tpu.memory_space<vmem_shared>>
      %dma_start3A_87 = arith.constant 0 : i32
      %dma_start3A_88 = tpu.memref_slice %arg7[%add3A_55, %dma_start3A_87] : memref<10000x128xf32, #tpu.memory_space<vmem_shared>> -> memref<80x128xf32, #tpu.memory_space<vmem_shared>>
      tpu.enqueue_dma source(%dma_start3A_88 : memref<80x128xf32, #tpu.memory_space<vmem_shared>>) target(%arg10 : memref<80x128xf32, #tpu.memory_space<vmem>>) target_semaphore(%run_scoped3A_84 : memref<!tpu.dma_semaphore, #tpu.memory_space<semaphore_mem>>)
      %dma_wait3A_89 = arith.constant 0 : i32
      %dma_wait3A_90 = tpu.memref_slice %arg7[%add3A_55, %dma_wait3A_89] : memref<10000x128xf32, #tpu.memory_space<vmem_shared>> -> memref<80x128xf32, #tpu.memory_space<vmem_shared>>
      %dma_wait3A_91 = arith.constant 0 : i32
      %dma_wait3A_92 = tpu.memref_slice %arg7[%add3A_55, %dma_wait3A_91] : memref<10000x128xf32, #tpu.memory_space<vmem_shared>> -> memref<80x128xf32, #tpu.memory_space<vmem_shared>>
      tpu.wait_dma2 semaphore(%run_scoped3A_84 : memref<!tpu.dma_semaphore, #tpu.memory_space<semaphore_mem>>) src(%dma_wait3A_92 : memref<80x128xf32, #tpu.memory_space<vmem_shared>>) dst(%arg10 : memref<80x128xf32, #tpu.memory_space<vmem>>)
      tpu.yield
    }) : () -> ()
    %add3A_56 = arith.addi %mul3A_38, %mul3A_0 : i32
    %add3A_57 = arith.constant 240 : i32
    %add3A_58 = arith.addi %add3A_56, %add3A_57 : i32
    "tpu.region"() ({
      %run_scoped3A_84 = tpu.sem_alloc : memref<!tpu.dma_semaphore, #tpu.memory_space<semaphore_mem>>
      %dma_start3A_85 = arith.constant 0 : i32
      %dma_start3A_86 = tpu.memref_slice %arg6[%add3A_58, %dma_start3A_85] : memref<20000x128xf32, #tpu.memory_space<hbm>> -> memref<80x128xf32, #tpu.memory_space<hbm>>
      %dma_start3A_87 = arith.constant 0 : i32
      %dma_start3A_88 = tpu.memref_slice %arg6[%add3A_58, %dma_start3A_87] : memref<20000x128xf32, #tpu.memory_space<hbm>> -> memref<80x128xf32, #tpu.memory_space<hbm>>
      tpu.enqueue_dma source(%arg10 : memref<80x128xf32, #tpu.memory_space<vmem>>) target(%dma_start3A_88 : memref<80x128xf32, #tpu.memory_space<hbm>>) target_semaphore(%run_scoped3A_84 : memref<!tpu.dma_semaphore, #tpu.memory_space<semaphore_mem>>)
      %dma_wait3A_89 = arith.constant 0 : i32
      %dma_wait3A_90 = tpu.memref_slice %arg6[%add3A_58, %dma_wait3A_89] : memref<20000x128xf32, #tpu.memory_space<hbm>> -> memref<80x128xf32, #tpu.memory_space<hbm>>
      %dma_wait3A_91 = arith.constant 0 : i32
      %dma_wait3A_92 = tpu.memref_slice %arg6[%add3A_58, %dma_wait3A_91] : memref<20000x128xf32, #tpu.memory_space<hbm>> -> memref<80x128xf32, #tpu.memory_space<hbm>>
      tpu.wait_dma2 semaphore(%run_scoped3A_84 : memref<!tpu.dma_semaphore, #tpu.memory_space<semaphore_mem>>) src(%arg10 : memref<80x128xf32, #tpu.memory_space<vmem>>) dst(%dma_wait3A_92 : memref<80x128xf32, #tpu.memory_space<hbm>>)
      tpu.yield
    }) : () -> ()
    %add3A_59 = arith.constant 320 : i32
    %add3A_60 = arith.addi %mul3A_0, %add3A_59 : i32
    "tpu.region"() ({
      %run_scoped3A_84 = tpu.sem_alloc : memref<!tpu.dma_semaphore, #tpu.memory_space<semaphore_mem>>
      %dma_start3A_85 = arith.constant 0 : i32
      %dma_start3A_86 = tpu.memref_slice %arg7[%add3A_60, %dma_start3A_85] : memref<10000x128xf32, #tpu.memory_space<vmem_shared>> -> memref<80x128xf32, #tpu.memory_space<vmem_shared>>
      %dma_start3A_87 = arith.constant 0 : i32
      %dma_start3A_88 = tpu.memref_slice %arg7[%add3A_60, %dma_start3A_87] : memref<10000x128xf32, #tpu.memory_space<vmem_shared>> -> memref<80x128xf32, #tpu.memory_space<vmem_shared>>
      tpu.enqueue_dma source(%dma_start3A_88 : memref<80x128xf32, #tpu.memory_space<vmem_shared>>) target(%arg10 : memref<80x128xf32, #tpu.memory_space<vmem>>) target_semaphore(%run_scoped3A_84 : memref<!tpu.dma_semaphore, #tpu.memory_space<semaphore_mem>>)
      %dma_wait3A_89 = arith.constant 0 : i32
      %dma_wait3A_90 = tpu.memref_slice %arg7[%add3A_60, %dma_wait3A_89] : memref<10000x128xf32, #tpu.memory_space<vmem_shared>> -> memref<80x128xf32, #tpu.memory_space<vmem_shared>>
      %dma_wait3A_91 = arith.constant 0 : i32
      %dma_wait3A_92 = tpu.memref_slice %arg7[%add3A_60, %dma_wait3A_91] : memref<10000x128xf32, #tpu.memory_space<vmem_shared>> -> memref<80x128xf32, #tpu.memory_space<vmem_shared>>
      tpu.wait_dma2 semaphore(%run_scoped3A_84 : memref<!tpu.dma_semaphore, #tpu.memory_space<semaphore_mem>>) src(%dma_wait3A_92 : memref<80x128xf32, #tpu.memory_space<vmem_shared>>) dst(%arg10 : memref<80x128xf32, #tpu.memory_space<vmem>>)
      tpu.yield
    }) : () -> ()
    %add3A_61 = arith.addi %mul3A_38, %mul3A_0 : i32
    %add3A_62 = arith.constant 320 : i32
    %add3A_63 = arith.addi %add3A_61, %add3A_62 : i32
    "tpu.region"() ({
      %run_scoped3A_84 = tpu.sem_alloc : memref<!tpu.dma_semaphore, #tpu.memory_space<semaphore_mem>>
      %dma_start3A_85 = arith.constant 0 : i32
      %dma_start3A_86 = tpu.memref_slice %arg6[%add3A_63, %dma_start3A_85] : memref<20000x128xf32, #tpu.memory_space<hbm>> -> memref<80x128xf32, #tpu.memory_space<hbm>>
      %dma_start3A_87 = arith.constant 0 : i32
      %dma_start3A_88 = tpu.memref_slice %arg6[%add3A_63, %dma_start3A_87] : memref<20000x128xf32, #tpu.memory_space<hbm>> -> memref<80x128xf32, #tpu.memory_space<hbm>>
      tpu.enqueue_dma source(%arg10 : memref<80x128xf32, #tpu.memory_space<vmem>>) target(%dma_start3A_88 : memref<80x128xf32, #tpu.memory_space<hbm>>) target_semaphore(%run_scoped3A_84 : memref<!tpu.dma_semaphore, #tpu.memory_space<semaphore_mem>>)
      %dma_wait3A_89 = arith.constant 0 : i32
      %dma_wait3A_90 = tpu.memref_slice %arg6[%add3A_63, %dma_wait3A_89] : memref<20000x128xf32, #tpu.memory_space<hbm>> -> memref<80x128xf32, #tpu.memory_space<hbm>>
      %dma_wait3A_91 = arith.constant 0 : i32
      %dma_wait3A_92 = tpu.memref_slice %arg6[%add3A_63, %dma_wait3A_91] : memref<20000x128xf32, #tpu.memory_space<hbm>> -> memref<80x128xf32, #tpu.memory_space<hbm>>
      tpu.wait_dma2 semaphore(%run_scoped3A_84 : memref<!tpu.dma_semaphore, #tpu.memory_space<semaphore_mem>>) src(%arg10 : memref<80x128xf32, #tpu.memory_space<vmem>>) dst(%dma_wait3A_92 : memref<80x128xf32, #tpu.memory_space<hbm>>)
      tpu.yield
    }) : () -> ()
    %add3A_64 = arith.constant 400 : i32
    %add3A_65 = arith.addi %mul3A_0, %add3A_64 : i32
    "tpu.region"() ({
      %run_scoped3A_84 = tpu.sem_alloc : memref<!tpu.dma_semaphore, #tpu.memory_space<semaphore_mem>>
      %dma_start3A_85 = arith.constant 0 : i32
      %dma_start3A_86 = tpu.memref_slice %arg7[%add3A_65, %dma_start3A_85] : memref<10000x128xf32, #tpu.memory_space<vmem_shared>> -> memref<80x128xf32, #tpu.memory_space<vmem_shared>>
      %dma_start3A_87 = arith.constant 0 : i32
      %dma_start3A_88 = tpu.memref_slice %arg7[%add3A_65, %dma_start3A_87] : memref<10000x128xf32, #tpu.memory_space<vmem_shared>> -> memref<80x128xf32, #tpu.memory_space<vmem_shared>>
      tpu.enqueue_dma source(%dma_start3A_88 : memref<80x128xf32, #tpu.memory_space<vmem_shared>>) target(%arg10 : memref<80x128xf32, #tpu.memory_space<vmem>>) target_semaphore(%run_scoped3A_84 : memref<!tpu.dma_semaphore, #tpu.memory_space<semaphore_mem>>)
      %dma_wait3A_89 = arith.constant 0 : i32
      %dma_wait3A_90 = tpu.memref_slice %arg7[%add3A_65, %dma_wait3A_89] : memref<10000x128xf32, #tpu.memory_space<vmem_shared>> -> memref<80x128xf32, #tpu.memory_space<vmem_shared>>
      %dma_wait3A_91 = arith.constant 0 : i32
      %dma_wait3A_92 = tpu.memref_slice %arg7[%add3A_65, %dma_wait3A_91] : memref<10000x128xf32, #tpu.memory_space<vmem_shared>> -> memref<80x128xf32, #tpu.memory_space<vmem_shared>>
      tpu.wait_dma2 semaphore(%run_scoped3A_84 : memref<!tpu.dma_semaphore, #tpu.memory_space<semaphore_mem>>) src(%dma_wait3A_92 : memref<80x128xf32, #tpu.memory_space<vmem_shared>>) dst(%arg10 : memref<80x128xf32, #tpu.memory_space<vmem>>)
      tpu.yield
    }) : () -> ()
    %add3A_66 = arith.addi %mul3A_38, %mul3A_0 : i32
    %add3A_67 = arith.constant 400 : i32
    %add3A_68 = arith.addi %add3A_66, %add3A_67 : i32
    "tpu.region"() ({
      %run_scoped3A_84 = tpu.sem_alloc : memref<!tpu.dma_semaphore, #tpu.memory_space<semaphore_mem>>
      %dma_start3A_85 = arith.constant 0 : i32
      %dma_start3A_86 = tpu.memref_slice %arg6[%add3A_68, %dma_start3A_85] : memref<20000x128xf32, #tpu.memory_space<hbm>> -> memref<80x128xf32, #tpu.memory_space<hbm>>
      %dma_start3A_87 = arith.constant 0 : i32
      %dma_start3A_88 = tpu.memref_slice %arg6[%add3A_68, %dma_start3A_87] : memref<20000x128xf32, #tpu.memory_space<hbm>> -> memref<80x128xf32, #tpu.memory_space<hbm>>
      tpu.enqueue_dma source(%arg10 : memref<80x128xf32, #tpu.memory_space<vmem>>) target(%dma_start3A_88 : memref<80x128xf32, #tpu.memory_space<hbm>>) target_semaphore(%run_scoped3A_84 : memref<!tpu.dma_semaphore, #tpu.memory_space<semaphore_mem>>)
      %dma_wait3A_89 = arith.constant 0 : i32
      %dma_wait3A_90 = tpu.memref_slice %arg6[%add3A_68, %dma_wait3A_89] : memref<20000x128xf32, #tpu.memory_space<hbm>> -> memref<80x128xf32, #tpu.memory_space<hbm>>
      %dma_wait3A_91 = arith.constant 0 : i32
      %dma_wait3A_92 = tpu.memref_slice %arg6[%add3A_68, %dma_wait3A_91] : memref<20000x128xf32, #tpu.memory_space<hbm>> -> memref<80x128xf32, #tpu.memory_space<hbm>>
      tpu.wait_dma2 semaphore(%run_scoped3A_84 : memref<!tpu.dma_semaphore, #tpu.memory_space<semaphore_mem>>) src(%arg10 : memref<80x128xf32, #tpu.memory_space<vmem>>) dst(%dma_wait3A_92 : memref<80x128xf32, #tpu.memory_space<hbm>>)
      tpu.yield
    }) : () -> ()
    %add3A_69 = arith.constant 480 : i32
    %add3A_70 = arith.addi %mul3A_0, %add3A_69 : i32
    "tpu.region"() ({
      %run_scoped3A_84 = tpu.sem_alloc : memref<!tpu.dma_semaphore, #tpu.memory_space<semaphore_mem>>
      %dma_start3A_85 = arith.constant 0 : i32
      %dma_start3A_86 = tpu.memref_slice %arg7[%add3A_70, %dma_start3A_85] : memref<10000x128xf32, #tpu.memory_space<vmem_shared>> -> memref<80x128xf32, #tpu.memory_space<vmem_shared>>
      %dma_start3A_87 = arith.constant 0 : i32
      %dma_start3A_88 = tpu.memref_slice %arg7[%add3A_70, %dma_start3A_87] : memref<10000x128xf32, #tpu.memory_space<vmem_shared>> -> memref<80x128xf32, #tpu.memory_space<vmem_shared>>
      tpu.enqueue_dma source(%dma_start3A_88 : memref<80x128xf32, #tpu.memory_space<vmem_shared>>) target(%arg10 : memref<80x128xf32, #tpu.memory_space<vmem>>) target_semaphore(%run_scoped3A_84 : memref<!tpu.dma_semaphore, #tpu.memory_space<semaphore_mem>>)
      %dma_wait3A_89 = arith.constant 0 : i32
      %dma_wait3A_90 = tpu.memref_slice %arg7[%add3A_70, %dma_wait3A_89] : memref<10000x128xf32, #tpu.memory_space<vmem_shared>> -> memref<80x128xf32, #tpu.memory_space<vmem_shared>>
      %dma_wait3A_91 = arith.constant 0 : i32
      %dma_wait3A_92 = tpu.memref_slice %arg7[%add3A_70, %dma_wait3A_91] : memref<10000x128xf32, #tpu.memory_space<vmem_shared>> -> memref<80x128xf32, #tpu.memory_space<vmem_shared>>
      tpu.wait_dma2 semaphore(%run_scoped3A_84 : memref<!tpu.dma_semaphore, #tpu.memory_space<semaphore_mem>>) src(%dma_wait3A_92 : memref<80x128xf32, #tpu.memory_space<vmem_shared>>) dst(%arg10 : memref<80x128xf32, #tpu.memory_space<vmem>>)
      tpu.yield
    }) : () -> ()
    %add3A_71 = arith.addi %mul3A_38, %mul3A_0 : i32
    %add3A_72 = arith.constant 480 : i32
    %add3A_73 = arith.addi %add3A_71, %add3A_72 : i32
    "tpu.region"() ({
      %run_scoped3A_84 = tpu.sem_alloc : memref<!tpu.dma_semaphore, #tpu.memory_space<semaphore_mem>>
      %dma_start3A_85 = arith.constant 0 : i32
      %dma_start3A_86 = tpu.memref_slice %arg6[%add3A_73, %dma_start3A_85] : memref<20000x128xf32, #tpu.memory_space<hbm>> -> memref<80x128xf32, #tpu.memory_space<hbm>>
      %dma_start3A_87 = arith.constant 0 : i32
      %dma_start3A_88 = tpu.memref_slice %arg6[%add3A_73, %dma_start3A_87] : memref<20000x128xf32, #tpu.memory_space<hbm>> -> memref<80x128xf32, #tpu.memory_space<hbm>>
      tpu.enqueue_dma source(%arg10 : memref<80x128xf32, #tpu.memory_space<vmem>>) target(%dma_start3A_88 : memref<80x128xf32, #tpu.memory_space<hbm>>) target_semaphore(%run_scoped3A_84 : memref<!tpu.dma_semaphore, #tpu.memory_space<semaphore_mem>>)
      %dma_wait3A_89 = arith.constant 0 : i32
      %dma_wait3A_90 = tpu.memref_slice %arg6[%add3A_73, %dma_wait3A_89] : memref<20000x128xf32, #tpu.memory_space<hbm>> -> memref<80x128xf32, #tpu.memory_space<hbm>>
      %dma_wait3A_91 = arith.constant 0 : i32
      %dma_wait3A_92 = tpu.memref_slice %arg6[%add3A_73, %dma_wait3A_91] : memref<20000x128xf32, #tpu.memory_space<hbm>> -> memref<80x128xf32, #tpu.memory_space<hbm>>
      tpu.wait_dma2 semaphore(%run_scoped3A_84 : memref<!tpu.dma_semaphore, #tpu.memory_space<semaphore_mem>>) src(%arg10 : memref<80x128xf32, #tpu.memory_space<vmem>>) dst(%dma_wait3A_92 : memref<80x128xf32, #tpu.memory_space<hbm>>)
      tpu.yield
    }) : () -> ()
    %add3A_74 = arith.constant 560 : i32
    %add3A_75 = arith.addi %mul3A_0, %add3A_74 : i32
    "tpu.region"() ({
      %run_scoped3A_84 = tpu.sem_alloc : memref<!tpu.dma_semaphore, #tpu.memory_space<semaphore_mem>>
      %dma_start3A_85 = arith.constant 0 : i32
      %dma_start3A_86 = arith.constant 0 : i32
      %dma_start3A_87 = tpu.memref_slice %arg10[%dma_start3A_85, %dma_start3A_86] : memref<80x128xf32, #tpu.memory_space<vmem>> -> memref<64x128xf32, #tpu.memory_space<vmem>>
      %dma_start3A_88 = arith.constant 0 : i32
      %dma_start3A_89 = tpu.memref_slice %arg7[%add3A_75, %dma_start3A_88] : memref<10000x128xf32, #tpu.memory_space<vmem_shared>> -> memref<64x128xf32, #tpu.memory_space<vmem_shared>>
      %dma_start3A_90 = arith.constant 0 : i32
      %dma_start3A_91 = arith.constant 0 : i32
      %dma_start3A_92 = tpu.memref_slice %arg10[%dma_start3A_90, %dma_start3A_91] : memref<80x128xf32, #tpu.memory_space<vmem>> -> memref<64x128xf32, #tpu.memory_space<vmem>>
      %dma_start3A_93 = arith.constant 0 : i32
      %dma_start3A_94 = tpu.memref_slice %arg7[%add3A_75, %dma_start3A_93] : memref<10000x128xf32, #tpu.memory_space<vmem_shared>> -> memref<64x128xf32, #tpu.memory_space<vmem_shared>>
      tpu.enqueue_dma source(%dma_start3A_94 : memref<64x128xf32, #tpu.memory_space<vmem_shared>>) target(%dma_start3A_92 : memref<64x128xf32, #tpu.memory_space<vmem>>) target_semaphore(%run_scoped3A_84 : memref<!tpu.dma_semaphore, #tpu.memory_space<semaphore_mem>>)
      %dma_wait3A_95 = arith.constant 0 : i32
      %dma_wait3A_96 = arith.constant 0 : i32
      %dma_wait3A_97 = tpu.memref_slice %arg10[%dma_wait3A_95, %dma_wait3A_96] : memref<80x128xf32, #tpu.memory_space<vmem>> -> memref<64x128xf32, #tpu.memory_space<vmem>>
      %dma_wait3A_98 = arith.constant 0 : i32
      %dma_wait3A_99 = tpu.memref_slice %arg7[%add3A_75, %dma_wait3A_98] : memref<10000x128xf32, #tpu.memory_space<vmem_shared>> -> memref<64x128xf32, #tpu.memory_space<vmem_shared>>
      %dma_wait3A_100 = arith.constant 0 : i32
      %dma_wait3A_101 = arith.constant 0 : i32
      %dma_wait3A_102 = tpu.memref_slice %arg10[%dma_wait3A_100, %dma_wait3A_101] : memref<80x128xf32, #tpu.memory_space<vmem>> -> memref<64x128xf32, #tpu.memory_space<vmem>>
      %dma_wait3A_103 = arith.constant 0 : i32
      %dma_wait3A_104 = tpu.memref_slice %arg7[%add3A_75, %dma_wait3A_103] : memref<10000x128xf32, #tpu.memory_space<vmem_shared>> -> memref<64x128xf32, #tpu.memory_space<vmem_shared>>
      tpu.wait_dma2 semaphore(%run_scoped3A_84 : memref<!tpu.dma_semaphore, #tpu.memory_space<semaphore_mem>>) src(%dma_wait3A_104 : memref<64x128xf32, #tpu.memory_space<vmem_shared>>) dst(%dma_wait3A_102 : memref<64x128xf32, #tpu.memory_space<vmem>>)
      tpu.yield
    }) : () -> ()
    %add3A_76 = arith.addi %mul3A_38, %mul3A_0 : i32
    %add3A_77 = arith.constant 560 : i32
    %add3A_78 = arith.addi %add3A_76, %add3A_77 : i32
    "tpu.region"() ({
      %run_scoped3A_84 = tpu.sem_alloc : memref<!tpu.dma_semaphore, #tpu.memory_space<semaphore_mem>>
      %dma_start3A_85 = arith.constant 0 : i32
      %dma_start3A_86 = arith.constant 0 : i32
      %dma_start3A_87 = tpu.memref_slice %arg10[%dma_start3A_85, %dma_start3A_86] : memref<80x128xf32, #tpu.memory_space<vmem>> -> memref<64x128xf32, #tpu.memory_space<vmem>>
      %dma_start3A_88 = arith.constant 0 : i32
      %dma_start3A_89 = tpu.memref_slice %arg6[%add3A_78, %dma_start3A_88] : memref<20000x128xf32, #tpu.memory_space<hbm>> -> memref<64x128xf32, #tpu.memory_space<hbm>>
      %dma_start3A_90 = arith.constant 0 : i32
      %dma_start3A_91 = tpu.memref_slice %arg6[%add3A_78, %dma_start3A_90] : memref<20000x128xf32, #tpu.memory_space<hbm>> -> memref<64x128xf32, #tpu.memory_space<hbm>>
      %dma_start3A_92 = arith.constant 0 : i32
      %dma_start3A_93 = arith.constant 0 : i32
      %dma_start3A_94 = tpu.memref_slice %arg10[%dma_start3A_92, %dma_start3A_93] : memref<80x128xf32, #tpu.memory_space<vmem>> -> memref<64x128xf32, #tpu.memory_space<vmem>>
      tpu.enqueue_dma source(%dma_start3A_94 : memref<64x128xf32, #tpu.memory_space<vmem>>) target(%dma_start3A_91 : memref<64x128xf32, #tpu.memory_space<hbm>>) target_semaphore(%run_scoped3A_84 : memref<!tpu.dma_semaphore, #tpu.memory_space<semaphore_mem>>)
      %dma_wait3A_95 = arith.constant 0 : i32
      %dma_wait3A_96 = arith.constant 0 : i32
      %dma_wait3A_97 = tpu.memref_slice %arg10[%dma_wait3A_95, %dma_wait3A_96] : memref<80x128xf32, #tpu.memory_space<vmem>> -> memref<64x128xf32, #tpu.memory_space<vmem>>
      %dma_wait3A_98 = arith.constant 0 : i32
      %dma_wait3A_99 = tpu.memref_slice %arg6[%add3A_78, %dma_wait3A_98] : memref<20000x128xf32, #tpu.memory_space<hbm>> -> memref<64x128xf32, #tpu.memory_space<hbm>>
      %dma_wait3A_100 = arith.constant 0 : i32
      %dma_wait3A_101 = tpu.memref_slice %arg6[%add3A_78, %dma_wait3A_100] : memref<20000x128xf32, #tpu.memory_space<hbm>> -> memref<64x128xf32, #tpu.memory_space<hbm>>
      %dma_wait3A_102 = arith.constant 0 : i32
      %dma_wait3A_103 = arith.constant 0 : i32
      %dma_wait3A_104 = tpu.memref_slice %arg10[%dma_wait3A_102, %dma_wait3A_103] : memref<80x128xf32, #tpu.memory_space<vmem>> -> memref<64x128xf32, #tpu.memory_space<vmem>>
      tpu.wait_dma2 semaphore(%run_scoped3A_84 : memref<!tpu.dma_semaphore, #tpu.memory_space<semaphore_mem>>) src(%dma_wait3A_104 : memref<64x128xf32, #tpu.memory_space<vmem>>) dst(%dma_wait3A_101 : memref<64x128xf32, #tpu.memory_space<hbm>>)
      tpu.yield
    }) : () -> ()
    %eq3A_79 = arith.constant 15 : i32
    %eq3A_80 = arith.cmpi eq, %arg1, %eq3A_79 : i32
    %convert_element_type3A_81 = arith.extui %eq3A_80 : i1 to i32
    %cond3A_82 = arith.constant 0 : i32
    %cond3A_83 = arith.cmpi ne, %convert_element_type3A_81, %cond3A_82 : i32
    scf.if %cond3A_83 {
      "tpu.region"() ({
        %run_scoped3A_86 = tpu.sem_alloc : memref<!tpu.dma_semaphore, #tpu.memory_space<semaphore_mem>>
        %dma_start3A_87 = arith.constant 0 : i32
        %dma_start3A_88 = arith.constant 0 : i32
        %dma_start3A_89 = tpu.memref_slice %arg10[%dma_start3A_87, %dma_start3A_88] : memref<80x128xf32, #tpu.memory_space<vmem>> -> memref<16x128xf32, #tpu.memory_space<vmem>>
        %dma_start3A_90 = arith.constant 9984 : i32
        %dma_start3A_91 = arith.constant 0 : i32
        %dma_start3A_92 = tpu.memref_slice %arg7[%dma_start3A_90, %dma_start3A_91] : memref<10000x128xf32, #tpu.memory_space<vmem_shared>> -> memref<16x128xf32, #tpu.memory_space<vmem_shared>>
        %dma_start3A_93 = arith.constant 0 : i32
        %dma_start3A_94 = arith.constant 0 : i32
        %dma_start3A_95 = tpu.memref_slice %arg10[%dma_start3A_93, %dma_start3A_94] : memref<80x128xf32, #tpu.memory_space<vmem>> -> memref<16x128xf32, #tpu.memory_space<vmem>>
        %dma_start3A_96 = arith.constant 9984 : i32
        %dma_start3A_97 = arith.constant 0 : i32
        %dma_start3A_98 = tpu.memref_slice %arg7[%dma_start3A_96, %dma_start3A_97] : memref<10000x128xf32, #tpu.memory_space<vmem_shared>> -> memref<16x128xf32, #tpu.memory_space<vmem_shared>>
        tpu.enqueue_dma source(%dma_start3A_98 : memref<16x128xf32, #tpu.memory_space<vmem_shared>>) target(%dma_start3A_95 : memref<16x128xf32, #tpu.memory_space<vmem>>) target_semaphore(%run_scoped3A_86 : memref<!tpu.dma_semaphore, #tpu.memory_space<semaphore_mem>>)
        %dma_wait3A_99 = arith.constant 0 : i32
        %dma_wait3A_100 = arith.constant 0 : i32
        %dma_wait3A_101 = tpu.memref_slice %arg10[%dma_wait3A_99, %dma_wait3A_100] : memref<80x128xf32, #tpu.memory_space<vmem>> -> memref<16x128xf32, #tpu.memory_space<vmem>>
        %dma_wait3A_102 = arith.constant 9984 : i32
        %dma_wait3A_103 = arith.constant 0 : i32
        %dma_wait3A_104 = tpu.memref_slice %arg7[%dma_wait3A_102, %dma_wait3A_103] : memref<10000x128xf32, #tpu.memory_space<vmem_shared>> -> memref<16x128xf32, #tpu.memory_space<vmem_shared>>
        %dma_wait3A_105 = arith.constant 0 : i32
        %dma_wait3A_106 = arith.constant 0 : i32
        %dma_wait3A_107 = tpu.memref_slice %arg10[%dma_wait3A_105, %dma_wait3A_106] : memref<80x128xf32, #tpu.memory_space<vmem>> -> memref<16x128xf32, #tpu.memory_space<vmem>>
        %dma_wait3A_108 = arith.constant 9984 : i32
        %dma_wait3A_109 = arith.constant 0 : i32
        %dma_wait3A_110 = tpu.memref_slice %arg7[%dma_wait3A_108, %dma_wait3A_109] : memref<10000x128xf32, #tpu.memory_space<vmem_shared>> -> memref<16x128xf32, #tpu.memory_space<vmem_shared>>
        tpu.wait_dma2 semaphore(%run_scoped3A_86 : memref<!tpu.dma_semaphore, #tpu.memory_space<semaphore_mem>>) src(%dma_wait3A_110 : memref<16x128xf32, #tpu.memory_space<vmem_shared>>) dst(%dma_wait3A_107 : memref<16x128xf32, #tpu.memory_space<vmem>>)
        tpu.yield
      }) : () -> ()
      %add3A_84 = arith.constant 9984 : i32
      %add3A_85 = arith.addi %mul3A_38, %add3A_84 : i32
      "tpu.region"() ({
        %run_scoped3A_86 = tpu.sem_alloc : memref<!tpu.dma_semaphore, #tpu.memory_space<semaphore_mem>>
        %dma_start3A_87 = arith.constant 0 : i32
        %dma_start3A_88 = arith.constant 0 : i32
        %dma_start3A_89 = tpu.memref_slice %arg10[%dma_start3A_87, %dma_start3A_88] : memref<80x128xf32, #tpu.memory_space<vmem>> -> memref<16x128xf32, #tpu.memory_space<vmem>>
        %dma_start3A_90 = arith.constant 0 : i32
        %dma_start3A_91 = tpu.memref_slice %arg6[%add3A_85, %dma_start3A_90] : memref<20000x128xf32, #tpu.memory_space<hbm>> -> memref<16x128xf32, #tpu.memory_space<hbm>>
        %dma_start3A_92 = arith.constant 0 : i32
        %dma_start3A_93 = tpu.memref_slice %arg6[%add3A_85, %dma_start3A_92] : memref<20000x128xf32, #tpu.memory_space<hbm>> -> memref<16x128xf32, #tpu.memory_space<hbm>>
        %dma_start3A_94 = arith.constant 0 : i32
        %dma_start3A_95 = arith.constant 0 : i32
        %dma_start3A_96 = tpu.memref_slice %arg10[%dma_start3A_94, %dma_start3A_95] : memref<80x128xf32, #tpu.memory_space<vmem>> -> memref<16x128xf32, #tpu.memory_space<vmem>>
        tpu.enqueue_dma source(%dma_start3A_96 : memref<16x128xf32, #tpu.memory_space<vmem>>) target(%dma_start3A_93 : memref<16x128xf32, #tpu.memory_space<hbm>>) target_semaphore(%run_scoped3A_86 : memref<!tpu.dma_semaphore, #tpu.memory_space<semaphore_mem>>)
        %dma_wait3A_97 = arith.constant 0 : i32
        %dma_wait3A_98 = arith.constant 0 : i32
        %dma_wait3A_99 = tpu.memref_slice %arg10[%dma_wait3A_97, %dma_wait3A_98] : memref<80x128xf32, #tpu.memory_space<vmem>> -> memref<16x128xf32, #tpu.memory_space<vmem>>
        %dma_wait3A_100 = arith.constant 0 : i32
        %dma_wait3A_101 = tpu.memref_slice %arg6[%add3A_85, %dma_wait3A_100] : memref<20000x128xf32, #tpu.memory_space<hbm>> -> memref<16x128xf32, #tpu.memory_space<hbm>>
        %dma_wait3A_102 = arith.constant 0 : i32
        %dma_wait3A_103 = tpu.memref_slice %arg6[%add3A_85, %dma_wait3A_102] : memref<20000x128xf32, #tpu.memory_space<hbm>> -> memref<16x128xf32, #tpu.memory_space<hbm>>
        %dma_wait3A_104 = arith.constant 0 : i32
        %dma_wait3A_105 = arith.constant 0 : i32
        %dma_wait3A_106 = tpu.memref_slice %arg10[%dma_wait3A_104, %dma_wait3A_105] : memref<80x128xf32, #tpu.memory_space<vmem>> -> memref<16x128xf32, #tpu.memory_space<vmem>>
        tpu.wait_dma2 semaphore(%run_scoped3A_86 : memref<!tpu.dma_semaphore, #tpu.memory_space<semaphore_mem>>) src(%dma_wait3A_106 : memref<16x128xf32, #tpu.memory_space<vmem>>) dst(%dma_wait3A_103 : memref<16x128xf32, #tpu.memory_space<hbm>>)
        tpu.yield
      }) : () -> ()
    } else {
    }
    return
  }
}

module attributes {stable_mosaic.version = 14 : i64} {
  func.func @body(%arg0: i32, %arg1: memref<1000x256xf32, #tpu.memory_space<vmem>>, %arg2: memref<512x256xf32, #tpu.memory_space<vmem>>, %arg3: memref<1000x512xf32, #tpu.memory_space<vmem>>) attributes {dimension_semantics = [#tpu.dimension_semantics<arbitrary>], iteration_bounds = array<i64: 10>, scalar_prefetch = 0 : i64, scratch_operands = 0 : i64, tpu.core_type = #tpu.core_type<tc>, window_params = [{transform_indices = @transform_0, window_bounds = array<i64: 1000, 256>}, {pipeline_mode = #tpu.pipeline_mode<synchronous>, transform_indices = @transform_1, window_bounds = array<i64: 512, 256>}, {transform_indices = @transform_2, window_bounds = array<i64: 1000, 512>}]} {
    %get3A = arith.constant 0 : index
    %get3A_0 = arith.constant 0 : index
    %get3A_1 = vector.load %arg1[%get3A, %get3A_0] : memref<1000x256xf32, #tpu.memory_space<vmem>>, vector<1000x256xf32>
    %get3A_2 = arith.constant 0 : index
    %get3A_3 = arith.constant 0 : index
    %get3A_4 = vector.load %arg2[%get3A_2, %get3A_3] : memref<512x256xf32, #tpu.memory_space<vmem>>, vector<512x256xf32>
    %dot_general3A = arith.constant dense<0.000000e+00> : vector<1000x512xf32>
    %dot_general3A_5 = tpu.matmul %get3A_1, %get3A_4, %dot_general3A {dimension_numbers = #tpu.dot_dimension_numbers<[1], [1], [0], [0], [0, 0, 1, 0], [], []>, transpose_lhs_hint = false} : vector<1000x256xf32>, vector<512x256xf32>, vector<1000x512xf32> -> vector<1000x512xf32>
    %swap3A = arith.constant 0 : index
    %swap3A_6 = arith.constant 0 : index
    %swap3A_7 = vector.load %arg3[%swap3A, %swap3A_6] : memref<1000x512xf32, #tpu.memory_space<vmem>>, vector<1000x512xf32>
    tpu.vector_store %arg3[%swap3A, %swap3A_6], %dot_general3A_5 {strides = array<i32>} : memref<1000x512xf32, #tpu.memory_space<vmem>>, vector<1000x512xf32>,
    return
  }
  func.func @transform_0(%arg0: i32) -> (i32, i32) {
    %c0_i32 = arith.constant 0 : i32
    %c0_i32_0 = arith.constant 0 : i32
    return %arg0, %c0_i32 : i32, i32
  }
  func.func @transform_1(%arg0: i32) -> (i32, i32) {
    %c0_i32 = arith.constant 0 : i32
    %c0_i32_0 = arith.constant 0 : i32
    %c0_i32_1 = arith.constant 0 : i32
    return %c0_i32, %c0_i32_0 : i32, i32
  }
  func.func @transform_2(%arg0: i32) -> (i32, i32) {
    %c0_i32 = arith.constant 0 : i32
    %c0_i32_0 = arith.constant 0 : i32
    return %arg0, %c0_i32 : i32, i32
  }
}

module attributes {stable_mosaic.version = 14 : i64} {
  func.func @body(%arg0: i32, %arg1: memref<1000x128xf32, #tpu.memory_space<vmem>>, %arg2: memref<1000x128xf32, #tpu.memory_space<vmem>>, %arg3: memref<1000x1xf32, #tpu.memory_space<vmem>>, %arg4: memref<1000x1xf32, #tpu.memory_space<vmem>>, %arg5: memref<1000x512xf32, #tpu.memory_space<vmem>>, %arg6: memref<512x256xf32, #tpu.memory_space<vmem>>, %arg7: memref<1x512xf32, #tpu.memory_space<vmem>>, %arg8: memref<1000x128xf32, #tpu.memory_space<vmem>>, %arg9: memref<1000x128xf32, #tpu.memory_space<vmem>>, %arg10: memref<1000x128xf32, #tpu.memory_space<vmem>>, %arg11: memref<1000x128xf32, #tpu.memory_space<vmem>>) attributes {dimension_semantics = [#tpu.dimension_semantics<arbitrary>], iteration_bounds = array<i64: 10>, scalar_prefetch = 0 : i64, scratch_operands = 0 : i64, tpu.core_type = #tpu.core_type<tc>, window_params = [{transform_indices = @transform_0, window_bounds = array<i64: 1000, 128>}, {transform_indices = @transform_1, window_bounds = array<i64: 1000, 128>}, {transform_indices = @transform_2, window_bounds = array<i64: 1000, 1>}, {transform_indices = @transform_3, window_bounds = array<i64: 1000, 1>}, {transform_indices = @transform_4, window_bounds = array<i64: 1000, 512>}, {pipeline_mode = #tpu.pipeline_mode<synchronous>, transform_indices = @transform_5, window_bounds = array<i64: 512, 256>}, {pipeline_mode = #tpu.pipeline_mode<synchronous>, transform_indices = @transform_6, window_bounds = array<i64: 1, 512>}, {transform_indices = @transform_7, window_bounds = array<i64: 1000, 128>}, {transform_indices = @transform_8, window_bounds = array<i64: 1000, 128>}, {transform_indices = @transform_9, window_bounds = array<i64: 1000, 128>}, {transform_indices = @transform_10, window_bounds = array<i64: 1000, 128>}]} {
    %get3A = arith.constant 0 : index
    %get3A_0 = arith.constant 0 : index
    %get3A_1 = vector.load %arg1[%get3A, %get3A_0] : memref<1000x128xf32, #tpu.memory_space<vmem>>, vector<1000x128xf32>
    %get3A_2 = arith.constant 0 : index
    %get3A_3 = arith.constant 0 : index
    %get3A_4 = vector.load %arg2[%get3A_2, %get3A_3] : memref<1000x128xf32, #tpu.memory_space<vmem>>, vector<1000x128xf32>
    %concatenate3A = tpu.concatenate %get3A_1, %get3A_4 in 1 : vector<1000x128xf32>, vector<1000x128xf32> -> vector<1000x256xf32>
    %get3A_5 = arith.constant 0 : index
    %get3A_6 = arith.constant 0 : index
    %get3A_7 = vector.load %arg3[%get3A_5, %get3A_6] : memref<1000x1xf32, #tpu.memory_space<vmem>>, vector<1000x1xf32>
    %get3A_8 = arith.constant 0 : index
    %get3A_9 = arith.constant 0 : index
    %get3A_10 = vector.load %arg4[%get3A_8, %get3A_9] : memref<1000x1xf32, #tpu.memory_space<vmem>>, vector<1000x1xf32>
    %add3A = arith.addf %get3A_7, %get3A_10 : vector<1000x1xf32>
    %max3A = arith.constant 1.000000e+00 : f32
    %max3A_11 = vector.broadcast %max3A : f32 to vector<1000x1xf32>
    %max3A_12 = arith.maximumf %add3A, %max3A_11 : vector<1000x1xf32>
    %div3A = arith.constant 1.000000e+00 : f32
    %div3A_13 = vector.broadcast %div3A : f32 to vector<1000x1xf32>
    %div3A_14 = arith.divf %div3A_13, %max3A_12 : vector<1000x1xf32>
    %get3A_15 = arith.constant 0 : index
    %get3A_16 = arith.constant 0 : index
    %get3A_17 = vector.load %arg6[%get3A_15, %get3A_16] : memref<512x256xf32, #tpu.memory_space<vmem>>, vector<512x256xf32>
    %dot_general3A = arith.constant dense<0.000000e+00> : vector<1000x512xf32>
    %dot_general3A_18 = tpu.matmul %concatenate3A, %get3A_17, %dot_general3A {dimension_numbers = #tpu.dot_dimension_numbers<[1], [1], [0], [0], [0, 0, 1, 0], [], []>, transpose_lhs_hint = false} : vector<1000x256xf32>, vector<512x256xf32>, vector<1000x512xf32> -> vector<1000x512xf32>
    %mul3A = vector.broadcast %div3A_14 : vector<1000x1xf32> to vector<1000x512xf32>
    %mul3A_19 = arith.mulf %dot_general3A_18, %mul3A : vector<1000x512xf32>
    %get3A_20 = arith.constant 0 : index
    %get3A_21 = arith.constant 0 : index
    %get3A_22 = vector.load %arg5[%get3A_20, %get3A_21] : memref<1000x512xf32, #tpu.memory_space<vmem>>, vector<1000x512xf32>
    %add3A_23 = arith.addf %mul3A_19, %get3A_22 : vector<1000x512xf32>
    %get3A_24 = arith.constant 0 : index
    %get3A_25 = arith.constant 0 : index
    %get3A_26 = vector.load %arg7[%get3A_24, %get3A_25] : memref<1x512xf32, #tpu.memory_space<vmem>>, vector<1x512xf32>
    %add3A_27 = vector.broadcast %get3A_26 : vector<1x512xf32> to vector<1000x512xf32>
    %add3A_28 = arith.addf %add3A_23, %add3A_27 : vector<1000x512xf32>
    %max3A_29 = arith.constant 0.000000e+00 : f32
    %max3A_30 = vector.broadcast %max3A_29 : f32 to vector<1000x512xf32>
    %max3A_31 = arith.maximumf %add3A_28, %max3A_30 : vector<1000x512xf32>
    %slice3A = vector.extract_strided_slice %max3A_31 {offsets = [0, 0], sizes = [1000, 128], strides = [1, 1]} : vector<1000x512xf32> to vector<1000x128xf32>
    %swap3A = arith.constant 0 : index
    %swap3A_32 = arith.constant 0 : index
    %swap3A_33 = vector.load %arg8[%swap3A, %swap3A_32] : memref<1000x128xf32, #tpu.memory_space<vmem>>, vector<1000x128xf32>
    tpu.vector_store %arg8[%swap3A, %swap3A_32], %slice3A {strides = array<i32>} : memref<1000x128xf32, #tpu.memory_space<vmem>>, vector<1000x128xf32>,
    %slice3A_34 = vector.extract_strided_slice %max3A_31 {offsets = [0, 128], sizes = [1000, 128], strides = [1, 1]} : vector<1000x512xf32> to vector<1000x128xf32>
    %swap3A_35 = arith.constant 0 : index
    %swap3A_36 = arith.constant 0 : index
    %swap3A_37 = vector.load %arg9[%swap3A_35, %swap3A_36] : memref<1000x128xf32, #tpu.memory_space<vmem>>, vector<1000x128xf32>
    tpu.vector_store %arg9[%swap3A_35, %swap3A_36], %slice3A_34 {strides = array<i32>} : memref<1000x128xf32, #tpu.memory_space<vmem>>, vector<1000x128xf32>,
    %slice3A_38 = vector.extract_strided_slice %max3A_31 {offsets = [0, 256], sizes = [1000, 128], strides = [1, 1]} : vector<1000x512xf32> to vector<1000x128xf32>
    %swap3A_39 = arith.constant 0 : index
    %swap3A_40 = arith.constant 0 : index
    %swap3A_41 = vector.load %arg10[%swap3A_39, %swap3A_40] : memref<1000x128xf32, #tpu.memory_space<vmem>>, vector<1000x128xf32>
    tpu.vector_store %arg10[%swap3A_39, %swap3A_40], %slice3A_38 {strides = array<i32>} : memref<1000x128xf32, #tpu.memory_space<vmem>>, vector<1000x128xf32>,
    %slice3A_42 = vector.extract_strided_slice %max3A_31 {offsets = [0, 384], sizes = [1000, 128], strides = [1, 1]} : vector<1000x512xf32> to vector<1000x128xf32>
    %swap3A_43 = arith.constant 0 : index
    %swap3A_44 = arith.constant 0 : index
    %swap3A_45 = vector.load %arg11[%swap3A_43, %swap3A_44] : memref<1000x128xf32, #tpu.memory_space<vmem>>, vector<1000x128xf32>
    tpu.vector_store %arg11[%swap3A_43, %swap3A_44], %slice3A_42 {strides = array<i32>} : memref<1000x128xf32, #tpu.memory_space<vmem>>, vector<1000x128xf32>,
    return
  }
  func.func @transform_0(%arg0: i32) -> (i32, i32) {
    %c0_i32 = arith.constant 0 : i32
    %c0_i32_0 = arith.constant 0 : i32
    return %arg0, %c0_i32 : i32, i32
  }
  func.func @transform_1(%arg0: i32) -> (i32, i32) {
    %c0_i32 = arith.constant 0 : i32
    %c0_i32_0 = arith.constant 0 : i32
    return %arg0, %c0_i32 : i32, i32
  }
  func.func @transform_2(%arg0: i32) -> (i32, i32) {
    %c0_i32 = arith.constant 0 : i32
    %c0_i32_0 = arith.constant 0 : i32
    return %arg0, %c0_i32 : i32, i32
  }
  func.func @transform_3(%arg0: i32) -> (i32, i32) {
    %c0_i32 = arith.constant 0 : i32
    %c0_i32_0 = arith.constant 0 : i32
    return %arg0, %c0_i32 : i32, i32
  }
  func.func @transform_4(%arg0: i32) -> (i32, i32) {
    %c0_i32 = arith.constant 0 : i32
    %c0_i32_0 = arith.constant 0 : i32
    return %arg0, %c0_i32 : i32, i32
  }
  func.func @transform_5(%arg0: i32) -> (i32, i32) {
    %c0_i32 = arith.constant 0 : i32
    %c0_i32_0 = arith.constant 0 : i32
    %c0_i32_1 = arith.constant 0 : i32
    return %c0_i32, %c0_i32_0 : i32, i32
  }
  func.func @transform_6(%arg0: i32) -> (i32, i32) {
    %c0_i32 = arith.constant 0 : i32
    %c0_i32_0 = arith.constant 0 : i32
    %c0_i32_1 = arith.constant 0 : i32
    return %c0_i32, %c0_i32_0 : i32, i32
  }
  func.func @transform_7(%arg0: i32) -> (i32, i32) {
    %c0_i32 = arith.constant 0 : i32
    %c0_i32_0 = arith.constant 0 : i32
    return %arg0, %c0_i32 : i32, i32
  }
  func.func @transform_8(%arg0: i32) -> (i32, i32) {
    %c0_i32 = arith.constant 0 : i32
    %c0_i32_0 = arith.constant 0 : i32
    return %arg0, %c0_i32 : i32, i32
  }
  func.func @transform_9(%arg0: i32) -> (i32, i32) {
    %c0_i32 = arith.constant 0 : i32
    %c0_i32_0 = arith.constant 0 : i32
    return %arg0, %c0_i32 : i32, i32
  }
  func.func @transform_10(%arg0: i32) -> (i32, i32) {
    %c0_i32 = arith.constant 0 : i32
    %c0_i32_0 = arith.constant 0 : i32
    return %arg0, %c0_i32 : i32, i32
  }
}

module attributes {stable_mosaic.version = 14 : i64} {
  func.func @body(%arg0: i32, %arg1: memref<1000x128xf32, #tpu.memory_space<vmem>>, %arg2: memref<1000x128xf32, #tpu.memory_space<vmem>>, %arg3: memref<1000x128xf32, #tpu.memory_space<vmem>>, %arg4: memref<1000x128xf32, #tpu.memory_space<vmem>>, %arg5: memref<512x512xf32, #tpu.memory_space<vmem>>, %arg6: memref<1000x512xf32, #tpu.memory_space<vmem>>) attributes {dimension_semantics = [#tpu.dimension_semantics<arbitrary>], iteration_bounds = array<i64: 10>, scalar_prefetch = 0 : i64, scratch_operands = 0 : i64, tpu.core_type = #tpu.core_type<tc>, window_params = [{transform_indices = @transform_0, window_bounds = array<i64: 1000, 128>}, {transform_indices = @transform_1, window_bounds = array<i64: 1000, 128>}, {transform_indices = @transform_2, window_bounds = array<i64: 1000, 128>}, {transform_indices = @transform_3, window_bounds = array<i64: 1000, 128>}, {pipeline_mode = #tpu.pipeline_mode<synchronous>, transform_indices = @transform_4, window_bounds = array<i64: 512, 512>}, {transform_indices = @transform_5, window_bounds = array<i64: 1000, 512>}]} {
    %get3A = arith.constant 0 : index
    %get3A_0 = arith.constant 0 : index
    %get3A_1 = vector.load %arg1[%get3A, %get3A_0] : memref<1000x128xf32, #tpu.memory_space<vmem>>, vector<1000x128xf32>
    %get3A_2 = arith.constant 0 : index
    %get3A_3 = arith.constant 0 : index
    %get3A_4 = vector.load %arg2[%get3A_2, %get3A_3] : memref<1000x128xf32, #tpu.memory_space<vmem>>, vector<1000x128xf32>
    %get3A_5 = arith.constant 0 : index
    %get3A_6 = arith.constant 0 : index
    %get3A_7 = vector.load %arg3[%get3A_5, %get3A_6] : memref<1000x128xf32, #tpu.memory_space<vmem>>, vector<1000x128xf32>
    %get3A_8 = arith.constant 0 : index
    %get3A_9 = arith.constant 0 : index
    %get3A_10 = vector.load %arg4[%get3A_8, %get3A_9] : memref<1000x128xf32, #tpu.memory_space<vmem>>, vector<1000x128xf32>
    %concatenate3A = tpu.concatenate %get3A_1, %get3A_4, %get3A_7, %get3A_10 in 1 : vector<1000x128xf32>, vector<1000x128xf32>, vector<1000x128xf32>, vector<1000x128xf32> -> vector<1000x512xf32>
    %get3A_11 = arith.constant 0 : index
    %get3A_12 = arith.constant 0 : index
    %get3A_13 = vector.load %arg5[%get3A_11, %get3A_12] : memref<512x512xf32, #tpu.memory_space<vmem>>, vector<512x512xf32>
    %dot_general3A = arith.constant dense<0.000000e+00> : vector<1000x512xf32>
    %dot_general3A_14 = tpu.matmul %concatenate3A, %get3A_13, %dot_general3A {dimension_numbers = #tpu.dot_dimension_numbers<[1], [1], [0], [0], [0, 0, 1, 0], [], []>, transpose_lhs_hint = false} : vector<1000x512xf32>, vector<512x512xf32>, vector<1000x512xf32> -> vector<1000x512xf32>
    %swap3A = arith.constant 0 : index
    %swap3A_15 = arith.constant 0 : index
    %swap3A_16 = vector.load %arg6[%swap3A, %swap3A_15] : memref<1000x512xf32, #tpu.memory_space<vmem>>, vector<1000x512xf32>
    tpu.vector_store %arg6[%swap3A, %swap3A_15], %dot_general3A_14 {strides = array<i32>} : memref<1000x512xf32, #tpu.memory_space<vmem>>, vector<1000x512xf32>,
    return
  }
  func.func @transform_0(%arg0: i32) -> (i32, i32) {
    %c0_i32 = arith.constant 0 : i32
    %c0_i32_0 = arith.constant 0 : i32
    return %arg0, %c0_i32 : i32, i32
  }
  func.func @transform_1(%arg0: i32) -> (i32, i32) {
    %c0_i32 = arith.constant 0 : i32
    %c0_i32_0 = arith.constant 0 : i32
    return %arg0, %c0_i32 : i32, i32
  }
  func.func @transform_2(%arg0: i32) -> (i32, i32) {
    %c0_i32 = arith.constant 0 : i32
    %c0_i32_0 = arith.constant 0 : i32
    return %arg0, %c0_i32 : i32, i32
  }
  func.func @transform_3(%arg0: i32) -> (i32, i32) {
    %c0_i32 = arith.constant 0 : i32
    %c0_i32_0 = arith.constant 0 : i32
    return %arg0, %c0_i32 : i32, i32
  }
  func.func @transform_4(%arg0: i32) -> (i32, i32) {
    %c0_i32 = arith.constant 0 : i32
    %c0_i32_0 = arith.constant 0 : i32
    %c0_i32_1 = arith.constant 0 : i32
    return %c0_i32, %c0_i32_0 : i32, i32
  }
  func.func @transform_5(%arg0: i32) -> (i32, i32) {
    %c0_i32 = arith.constant 0 : i32
    %c0_i32_0 = arith.constant 0 : i32
    return %arg0, %c0_i32 : i32, i32
  }
}

module attributes {stable_mosaic.version = 14 : i64} {
  func.func @body(%arg0: i32, %arg1: memref<1000x128xf32, #tpu.memory_space<vmem>>, %arg2: memref<1000x128xf32, #tpu.memory_space<vmem>>, %arg3: memref<1000x128xf32, #tpu.memory_space<vmem>>, %arg4: memref<1000x128xf32, #tpu.memory_space<vmem>>, %arg5: memref<1000x1xf32, #tpu.memory_space<vmem>>, %arg6: memref<1000x1xf32, #tpu.memory_space<vmem>>, %arg7: memref<1000x512xf32, #tpu.memory_space<vmem>>, %arg8: memref<512x512xf32, #tpu.memory_space<vmem>>, %arg9: memref<1x512xf32, #tpu.memory_space<vmem>>, %arg10: memref<128x512xf32, #tpu.memory_space<vmem>>, %arg11: memref<1x1xf32, #tpu.memory_space<smem>>, %arg12: memref<1000x128xf32, #tpu.memory_space<vmem>>) attributes {dimension_semantics = [#tpu.dimension_semantics<arbitrary>], iteration_bounds = array<i64: 10>, scalar_prefetch = 0 : i64, scratch_operands = 0 : i64, tpu.core_type = #tpu.core_type<tc>, window_params = [{transform_indices = @transform_0, window_bounds = array<i64: 1000, 128>}, {transform_indices = @transform_1, window_bounds = array<i64: 1000, 128>}, {transform_indices = @transform_2, window_bounds = array<i64: 1000, 128>}, {transform_indices = @transform_3, window_bounds = array<i64: 1000, 128>}, {transform_indices = @transform_4, window_bounds = array<i64: 1000, 1>}, {transform_indices = @transform_5, window_bounds = array<i64: 1000, 1>}, {transform_indices = @transform_6, window_bounds = array<i64: 1000, 512>}, {pipeline_mode = #tpu.pipeline_mode<synchronous>, transform_indices = @transform_7, window_bounds = array<i64: 512, 512>}, {pipeline_mode = #tpu.pipeline_mode<synchronous>, transform_indices = @transform_8, window_bounds = array<i64: 1, 512>}, {pipeline_mode = #tpu.pipeline_mode<synchronous>, transform_indices = @transform_9, window_bounds = array<i64: 128, 512>}, {transform_indices = @transform_10, window_bounds = array<i64: 1, 1>}, {transform_indices = @transform_11, window_bounds = array<i64: 1000, 128>}]} {
    %get3A = arith.constant 0 : index
    %get3A_0 = arith.constant 0 : index
    %get3A_1 = vector.load %arg1[%get3A, %get3A_0] : memref<1000x128xf32, #tpu.memory_space<vmem>>, vector<1000x128xf32>
    %get3A_2 = arith.constant 0 : index
    %get3A_3 = arith.constant 0 : index
    %get3A_4 = vector.load %arg2[%get3A_2, %get3A_3] : memref<1000x128xf32, #tpu.memory_space<vmem>>, vector<1000x128xf32>
    %get3A_5 = arith.constant 0 : index
    %get3A_6 = arith.constant 0 : index
    %get3A_7 = vector.load %arg3[%get3A_5, %get3A_6] : memref<1000x128xf32, #tpu.memory_space<vmem>>, vector<1000x128xf32>
    %get3A_8 = arith.constant 0 : index
    %get3A_9 = arith.constant 0 : index
    %get3A_10 = vector.load %arg4[%get3A_8, %get3A_9] : memref<1000x128xf32, #tpu.memory_space<vmem>>, vector<1000x128xf32>
    %concatenate3A = tpu.concatenate %get3A_1, %get3A_4, %get3A_7, %get3A_10 in 1 : vector<1000x128xf32>, vector<1000x128xf32>, vector<1000x128xf32>, vector<1000x128xf32> -> vector<1000x512xf32>
    %get3A_11 = arith.constant 0 : index
    %get3A_12 = arith.constant 0 : index
    %get3A_13 = vector.load %arg5[%get3A_11, %get3A_12] : memref<1000x1xf32, #tpu.memory_space<vmem>>, vector<1000x1xf32>
    %get3A_14 = arith.constant 0 : index
    %get3A_15 = arith.constant 0 : index
    %get3A_16 = vector.load %arg6[%get3A_14, %get3A_15] : memref<1000x1xf32, #tpu.memory_space<vmem>>, vector<1000x1xf32>
    %add3A = arith.addf %get3A_13, %get3A_16 : vector<1000x1xf32>
    %max3A = arith.constant 1.000000e+00 : f32
    %max3A_17 = vector.broadcast %max3A : f32 to vector<1000x1xf32>
    %max3A_18 = arith.maximumf %add3A, %max3A_17 : vector<1000x1xf32>
    %div3A = arith.constant 1.000000e+00 : f32
    %div3A_19 = vector.broadcast %div3A : f32 to vector<1000x1xf32>
    %div3A_20 = arith.divf %div3A_19, %max3A_18 : vector<1000x1xf32>
    %get3A_21 = arith.constant 0 : index
    %get3A_22 = arith.constant 0 : index
    %get3A_23 = vector.load %arg8[%get3A_21, %get3A_22] : memref<512x512xf32, #tpu.memory_space<vmem>>, vector<512x512xf32>
    %dot_general3A = arith.constant dense<0.000000e+00> : vector<1000x512xf32>
    %dot_general3A_24 = tpu.matmul %concatenate3A, %get3A_23, %dot_general3A {dimension_numbers = #tpu.dot_dimension_numbers<[1], [1], [0], [0], [0, 0, 1, 0], [], []>, transpose_lhs_hint = false} : vector<1000x512xf32>, vector<512x512xf32>, vector<1000x512xf32> -> vector<1000x512xf32>
    %mul3A = vector.broadcast %div3A_20 : vector<1000x1xf32> to vector<1000x512xf32>
    %mul3A_25 = arith.mulf %dot_general3A_24, %mul3A : vector<1000x512xf32>
    %get3A_26 = arith.constant 0 : index
    %get3A_27 = arith.constant 0 : index
    %get3A_28 = vector.load %arg7[%get3A_26, %get3A_27] : memref<1000x512xf32, #tpu.memory_space<vmem>>, vector<1000x512xf32>
    %add3A_29 = arith.addf %mul3A_25, %get3A_28 : vector<1000x512xf32>
    %get3A_30 = arith.constant 0 : index
    %get3A_31 = arith.constant 0 : index
    %get3A_32 = vector.load %arg9[%get3A_30, %get3A_31] : memref<1x512xf32, #tpu.memory_space<vmem>>, vector<1x512xf32>
    %add3A_33 = vector.broadcast %get3A_32 : vector<1x512xf32> to vector<1000x512xf32>
    %add3A_34 = arith.addf %add3A_29, %add3A_33 : vector<1000x512xf32>
    %max3A_35 = arith.constant 0.000000e+00 : f32
    %max3A_36 = vector.broadcast %max3A_35 : f32 to vector<1000x512xf32>
    %max3A_37 = arith.maximumf %add3A_34, %max3A_36 : vector<1000x512xf32>
    %get3A_38 = arith.constant 0 : index
    %get3A_39 = arith.constant 0 : index
    %get3A_40 = vector.load %arg10[%get3A_38, %get3A_39] : memref<128x512xf32, #tpu.memory_space<vmem>>, vector<128x512xf32>
    %dot_general3A_41 = arith.constant dense<0.000000e+00> : vector<1000x128xf32>
    %dot_general3A_42 = tpu.matmul %max3A_37, %get3A_40, %dot_general3A_41 {dimension_numbers = #tpu.dot_dimension_numbers<[1], [1], [0], [0], [0, 0, 1, 0], [], []>, transpose_lhs_hint = false} : vector<1000x512xf32>, vector<128x512xf32>, vector<1000x128xf32> -> vector<1000x128xf32>
    %get3A_43 = arith.constant 0 : index
    %get3A_44 = arith.constant 0 : index
    %get3A_45 = memref.load %arg11[%get3A_43, %get3A_44] : memref<1x1xf32, #tpu.memory_space<smem>>
    %add3A_46 = vector.broadcast %get3A_45 : f32 to vector<1000x128xf32>
    %add3A_47 = arith.addf %dot_general3A_42, %add3A_46 : vector<1000x128xf32>
    %swap3A = arith.constant 0 : index
    %swap3A_48 = arith.constant 0 : index
    %swap3A_49 = vector.load %arg12[%swap3A, %swap3A_48] : memref<1000x128xf32, #tpu.memory_space<vmem>>, vector<1000x128xf32>
    tpu.vector_store %arg12[%swap3A, %swap3A_48], %add3A_47 {strides = array<i32>} : memref<1000x128xf32, #tpu.memory_space<vmem>>, vector<1000x128xf32>,
    return
  }
  func.func @transform_0(%arg0: i32) -> (i32, i32) {
    %c0_i32 = arith.constant 0 : i32
    %c0_i32_0 = arith.constant 0 : i32
    return %arg0, %c0_i32 : i32, i32
  }
  func.func @transform_1(%arg0: i32) -> (i32, i32) {
    %c0_i32 = arith.constant 0 : i32
    %c0_i32_0 = arith.constant 0 : i32
    return %arg0, %c0_i32 : i32, i32
  }
  func.func @transform_2(%arg0: i32) -> (i32, i32) {
    %c0_i32 = arith.constant 0 : i32
    %c0_i32_0 = arith.constant 0 : i32
    return %arg0, %c0_i32 : i32, i32
  }
  func.func @transform_3(%arg0: i32) -> (i32, i32) {
    %c0_i32 = arith.constant 0 : i32
    %c0_i32_0 = arith.constant 0 : i32
    return %arg0, %c0_i32 : i32, i32
  }
  func.func @transform_4(%arg0: i32) -> (i32, i32) {
    %c0_i32 = arith.constant 0 : i32
    %c0_i32_0 = arith.constant 0 : i32
    return %arg0, %c0_i32 : i32, i32
  }
  func.func @transform_5(%arg0: i32) -> (i32, i32) {
    %c0_i32 = arith.constant 0 : i32
    %c0_i32_0 = arith.constant 0 : i32
    return %arg0, %c0_i32 : i32, i32
  }
  func.func @transform_6(%arg0: i32) -> (i32, i32) {
    %c0_i32 = arith.constant 0 : i32
    %c0_i32_0 = arith.constant 0 : i32
    return %arg0, %c0_i32 : i32, i32
  }
  func.func @transform_7(%arg0: i32) -> (i32, i32) {
    %c0_i32 = arith.constant 0 : i32
    %c0_i32_0 = arith.constant 0 : i32
    %c0_i32_1 = arith.constant 0 : i32
    return %c0_i32, %c0_i32_0 : i32, i32
  }
  func.func @transform_8(%arg0: i32) -> (i32, i32) {
    %c0_i32 = arith.constant 0 : i32
    %c0_i32_0 = arith.constant 0 : i32
    %c0_i32_1 = arith.constant 0 : i32
    return %c0_i32, %c0_i32_0 : i32, i32
  }
  func.func @transform_9(%arg0: i32) -> (i32, i32) {
    %c0_i32 = arith.constant 0 : i32
    %c0_i32_0 = arith.constant 0 : i32
    %c0_i32_1 = arith.constant 0 : i32
    return %c0_i32, %c0_i32_0 : i32, i32
  }
  func.func @transform_10(%arg0: i32) -> (i32, i32) {
    %c0_i32 = arith.constant 0 : i32
    %c0_i32_0 = arith.constant 0 : i32
    %c0_i32_1 = arith.constant 0 : i32
    return %c0_i32, %c0_i32_0 : i32, i32
  }
  func.func @transform_11(%arg0: i32) -> (i32, i32) {
    %c0_i32 = arith.constant 0 : i32
    %c0_i32_0 = arith.constant 0 : i32
    return %arg0, %c0_i32 : i32, i32
  }
}

</mosaic_0001>

<sc_bundles>
// kernel: _run.10.cloned.1.call-start
scs
__scs_entry_jumppad:
0x0: {  	(pc) =	sbr.rel $0x88, $3  }
0x1: {  	(tag) =	ssettag $0x0;
	lr =	simm.s32 $0x1  }
0x2: {  	[smem:$0x3F96] =	sst lr;
	_ =	strace $0xD0000000  }
0x3: {  	_ = 	snop  }
0x4: {  	_ = 	snop  }
0x5: {  	_ = 	snop  }
0x6: {  	_ = 	snop  }
0x7: {  	_ = 	snop  }
__scs_overlays_trampoline_lowered:
0x8: {  	[smem:$0x3FA5] =	sst s0  }
0x9: {  	[smem:$0x3FA6] =	sst s1  }
0xa: {  	[smem:$0x3FA7] =	sst s2  }
0xb: {  	[smem:$0x3FA8] =	sst s3  }
0xc: {  	[smem:$0x3FA9] =	sst s4  }
0xd: {  	[smem:$0x3FAA] =	sst s5  }
0xe: {  	[smem:$0x3FAB] =	sst s6  }
0xf: {  	[smem:$0x3FAC] =	sst s7  }
0x10: {  	[smem:$0x3FAD] =	sst s8  }
0x11: {  	[smem:$0x3FAE] =	sst s9;
	s0 =	simm.s32 @!p0 $0x0  }
0x12: {  	s1 =	sld [smem:$0x3F94];
	s0 =	simm.s32 @p0 $0x1  }
0x13: {  	[smem:$0x3FAF] =	sst s0;
	s0 =	simm.s32 @!p1 $0x0  }
0x14: {  	s2 =	sld [smem:$0x3F93];
	s0 =	simm.s32 @p1 $0x1  }
0x15: {  	[smem:$0x3FB0] =	sst s0;
	s0 =	simm.s32 @!p2 $0x0  }
0x16: {  	s3 =	sld [smem:$0x3FDB];
	s0 =	simm.s32 @p2 $0x1  }
0x17: {  	s4 =	simm.s32 $0x1BF5;
	[smem:$0x3FB2] =	sst s0  }
0x18: {  	s0 =	sld [smem:$0x3F95];
	_ =	swait.ge [sflag:s4], $0x0  }
0x19: {  	s7 =	sld [smem:$0x3F96]  }
0x1a: {  	s8 =	sadd.s32 $0xFFFFE003, lr  }
0x1b: {  	s9 =	sadd.s32 $0xFFFFFEF7, lr;
	s5 =	simm.s32 $0xFFFFFFFF;
	p2 =	slt.u32 s8, $0xFFFFF086  }
0x1c: {  	p1 =	slt.u32 s9, $0xF7A;
	s5 =	simm.s32 @!p2 $0x0  }
0x1d: {  	s5 =	simm.s32 @p1 $0x1;
	p0 =	seq.s32 s7, s2  }
0x1e: {  	s7 =	smul.u32 @!p0 $0xF7A, s2;
	p2 =	seq.s32 @!p0 s5, $0x0  }
0x1f: {  	s9 =	smul.u32 $0xF7A, s1;
	s8 =	simm.s32 @!p0 $0x1BF5;
	p2 =	por !p2, p0  }
0x20: {  	[sflag:s8] =	ssyncset.s32 @!p0 $0xFFFFF086;
	s6 =	sadd.s32 @!p0 s3, s7;
	s7 =	simm.s32 @!p0 $0x108  }
0x21: {  	s3 =	sadd.s32 s3, s9;
	s6 =	sadd.s32 @!p0 $0x88, s6;
	s7 =	simm.s32 @p2 $0x1082  }
0x22: {  	[simem:s7], [sflag:s8] =	dma.local @!p0 [hbm:s6], $0xF7A  }
0x23: {  	s9 =	sor.u32 $0xD0000000, s2;
	s6 =	simm.s32 $0x108;
	_ =	swait.ge @!p0 [sflag:s8], $0x0  }
0x24: {  	s3 =	sadd.s32 $0x88, s3;
	s6 =	simm.s32 @!p1 $0x1082;
	[sflag:s4] =	ssyncset.s32 $0xFFFFF086  }
0x25: {  	[simem:s6], [sflag:s4] =	dma.local [hbm:s3], $0xF7A  }
0x26: {  	[smem:$0x3F96] =	sst s1;
	(tag) =	ssettag s2;
	_ =	strace s9  }
0x27: {  	s1 =	sld [smem:$0x3FA6]  }
0x28: {  	s2 =	sld [smem:$0x3FA7]  }
0x29: {  	s4 =	sld [smem:$0x3FA9]  }
0x2a: {  	p0 =	seq.s32 s5, $0x0;
	s5 =	sld [smem:$0x3FAA]  }
0x2b: {  	s6 =	sld [smem:$0x3FAB]  }
0x2c: {  	s7 =	sld [smem:$0x3FAC]  }
0x2d: {  	s3 =	simm.s32 $0x108;
	s8 =	sld [smem:$0x3FAD]  }
0x2e: {  	s3 =	simm.s32 @!p0 $0x1082;
	s9 =	sld [smem:$0x3FAE]  }
0x2f: {  	lr =	sadd.s32 s0, s3;
	s0 =	sld [smem:$0x3FA5]  }
0x30: {  	s3 =	sld [smem:$0x3FA8]  }
0x31: {  	[smem:$0x3FB1] =	sst s10  }
0x32: {  	s10 =	sld [smem:$0x3FAF];
	_ =	sdelay $0x3  }
0x33: {  	p0 =	seq.s32 s10, $0x1;
	s10 =	sld [smem:$0x3FB1];
	_ =	sdelay $0x3  }
0x34: {  	[smem:$0x3FB1] =	sst s10  }
0x35: {  	s10 =	sld [smem:$0x3FB0];
	_ =	sdelay $0x3  }
0x36: {  	p1 =	seq.s32 s10, $0x1;
	s10 =	sld [smem:$0x3FB1];
	_ =	sdelay $0x3  }
0x37: {  	[smem:$0x3FB1] =	sst s10  }
0x38: {  	s10 =	sld [smem:$0x3FB2]  }
0x39: {  	_ = 	snop;
	(pc) =	sbr.ind lr, $3  }
0x3a: {  	_ = 	snop  }
0x3b: {  	_ = 	snop  }
0x3c: {  	p2 =	seq.s32 s10, $0x1;
	s10 =	sld [smem:$0x3FB1]  }
0x3d: {  	_ =	shalt  }
0x3e: {  	_ =	shalt  }
0x3f: {  	_ =	shalt  }
0x40: {  	_ =	shalt  }
0x41: {  	_ =	shalt  }
0x42: {  	_ =	shalt  }
0x43: {  	_ =	shalt  }
0x44: {  	_ =	shalt  }
0x45: {  	_ =	shalt  }
0x46: {  	_ =	shalt  }
0x47: {  	_ =	shalt  }
0x48: {  	_ =	shalt  }
0x49: {  	_ =	shalt  }
0x4a: {  	_ =	shalt  }
0x4b: {  	_ =	shalt  }
0x4c: {  	_ =	shalt  }
0x4d: {  	_ =	shalt  }
0x4e: {  	_ =	shalt  }
0x4f: {  	_ =	shalt  }
0x50: {  	_ =	shalt  }
0x51: {  	_ =	shalt  }
0x52: {  	_ =	shalt  }
0x53: {  	_ =	shalt  }
0x54: {  	_ =	shalt  }
0x55: {  	_ =	shalt  }
0x56: {  	_ =	shalt  }
0x57: {  	_ =	shalt  }
0x58: {  	_ =	shalt  }
0x59: {  	_ =	shalt  }
0x5a: {  	_ =	shalt  }
0x5b: {  	_ =	shalt  }
0x5c: {  	_ =	shalt  }
0x5d: {  	_ =	shalt  }
0x5e: {  	_ =	shalt  }
0x5f: {  	_ =	shalt  }
0x60: {  	_ =	shalt  }
0x61: {  	_ =	shalt  }
0x62: {  	_ =	shalt  }
0x63: {  	_ =	shalt  }
0x64: {  	_ =	shalt  }
0x65: {  	_ =	shalt  }
0x66: {  	_ =	shalt  }
0x67: {  	_ =	shalt  }
0x68: {  	_ =	shalt  }
0x69: {  	_ =	shalt  }
0x6a: {  	_ =	shalt  }
0x6b: {  	_ =	shalt  }
0x6c: {  	_ =	shalt  }
0x6d: {  	_ =	shalt  }
0x6e: {  	_ =	shalt  }
0x6f: {  	_ =	shalt  }
0x70: {  	_ =	shalt  }
0x71: {  	_ =	shalt  }
0x72: {  	_ =	shalt  }
0x73: {  	_ =	shalt  }
0x74: {  	_ =	shalt  }
0x75: {  	_ =	shalt  }
0x76: {  	_ =	shalt  }
0x77: {  	_ =	shalt  }
0x78: {  	_ =	shalt  }
0x79: {  	_ =	shalt  }
0x7a: {  	_ =	shalt  }
0x7b: {  	_ =	shalt  }
0x7c: {  	_ =	shalt  }
0x7d: {  	_ =	shalt  }
0x7e: {  	_ =	shalt  }
0x7f: {  	_ =	shalt  }
0x80: {  	_ =	shalt  }
0x81: {  	_ =	shalt  }
0x82: {  	_ =	shalt  }
0x83: {  	_ =	shalt  }
0x84: {  	_ =	shalt  }
0x85: {  	_ =	shalt  }
0x86: {  	_ =	shalt  }
0x87: {  	_ =	shalt  }
.Lfunc_end0:
.L_simem_size_0:
called_computation_lowered:
.L_overlay_start_0:
0x88: {  	s2 =	sld [smem:$0x3FD9]  }
0x89: {  	s3 =	sld [smem:$0x3FFE];
	_ =	sdelay $0x1  }
0x8a: {  	s1 =	srdreg.scid  }
0x8b: {  	s0 =	sand.u32 $0x1, s1  }
0x8c: {  	s17 =	sshll.u32 s0, $0xA;
	s2 =	sadd.s32 s3, s2  }
0x8d: {  	s2 =	sadd.s32 s2, s17  }
0x8e: {  	[smem:$0x3FBD] =	sst s2  }
0x8f: {  	_ = 	snop  }
0x90: {  	(tm) =	ssettm $0x1  }
0x91: {  	s18 =	sld [smem:$0x3FFB];
	_ =	sdelay $0x3  }
0x92: {  	_ =	strace s18  }
0x93: {  	s2 =	sld [smem:$0x3FFC];
	_ =	sdelay $0x3  }
0x94: {  	_ =	strace s2  }
0x95: {  	s2 =	sld [smem:$0x3FFD];
	_ =	sdelay $0x3  }
0x96: {  	_ =	strace s2  }
0x97: {  	_ =	strace $0x8FFFFFFF  }
0x98: {  	s19 =	sld [smem:$0x3FDB];
	_ =	sdelay $0x1  }
0x99: {  	s20 =	simm.s32 $_scs_section_size  }
0x9a: {  	s4 =	simm.s32 $_size__tile_overlayer_lowered;
	s5 =	simm.s32 $_tile_overlayer_lowered  }
0x9b: {  	s6 =	simm.s32 $0x1BFF;
	s21 =	sshll.u32 s5, $0x1;
	s3 =	sadd.s32 s20, s19  }
0x9c: {  	s22 =	simm.s32 $0x0;
	s4 =	sshll.u32 s4, $0x1;
	s5 =	sadd.s32 s21, s3  }
0x9d: {  	[timem:s22], [sflag:s6] =	dma.local [hbm:s5], s4  }
0x9e: {  	_ =	swait.ge [sflag:s6], s4  }
0x9f: {  	s4 =	ssub.s32 $0x0, s4;
	[sflag:s6] =	ssyncset.done $0x0  }
0xa0: {  	[sflag:s6] =	ssyncadd.s32 s4;
	_ =	sdelay $0x1  }
0xa1: {  	s23 =	simm.s32 $0x1B8B  }
0xa2: {  	_ =	swait.ge [sflag:s23], $0x1  }
0xa3: {  	[sflag:s23] =	ssyncset.done $0x0  }
0xa4: {  	[sflag:s23] =	ssyncadd.s32 $0xFFFFFFFF  }
0xa5: {  	s4 =	sld [smem:$0x0]  }
0xa6: {  	s5 =	sand.u32 $0xFFFFFFFE, s1  }
0xa7: {  	p0 =	sne.s32 s1, s5  }
0xa8: {  	s5 =	sshll.u32 @p0 s5, $0xE  }
0xa9: {  	s5 =	sadd.s32 @p0 $0x11B8D, s5;
	s6 =	sshll.u32 @p0 s4, $0x11  }
0xaa: {  	s5 =	sor.u32 @p0 s6, s5  }
0xab: {  	[sflag:s5] =	ssyncadd.remote.s32 @p0 $0x1;
	_ =	sdelay $0x1  }
0xac: {  	s5 =	simm.s32 @p0 $0x1B8D  }
0xad: {  	_ =	swait.eq @p0 [sflag:s5], $0x1  }
0xae: {  	[sflag:s5] =	ssyncadd.s32 @p0 $0xFFFFFFFF  }
0xaf: {  	s6 =	sshll.u32 @!p0 s1, $0xE  }
0xb0: {  	s6 =	sor.u32 @!p0 $0x4000, s6;
	s5 =	simm.s32 @!p0 $0x1B8D  }
0xb1: {  	s4 =	sshll.u32 @!p0 s4, $0x11;
	s6 =	sadd.s32 @!p0 $0x11B8D, s6;
	_ =	swait.eq @!p0 [sflag:s5], $0x1  }
0xb2: {  	s4 =	sor.u32 @!p0 s4, s6;
	[sflag:s5] =	ssyncadd.s32 @!p0 $0xFFFFFFFF  }
0xb3: {  	s25 =	simm.s32 $0x1B8E;
	s24 =	sld [smem:$0x3FFE];
	[sflag:s4] =	ssyncadd.remote.s32 @!p0 $0x1  }
0xb4: {  	s26 =	simm.s32 $execute0_lowered;
	[smem:$0x3FD2] =	sst s25  }
0xb5: {  	s5 =	sshll.u32 s26, $0x1;
	_ =	strace $0x80000049;
	[dreg:$0x1] =	wrdreg $0xFFFFFFFF  }
0xb6: {  	s28 =	simm.s32 $_size_execute0_lowered;
	s3 =	sadd.s32 s3, s5;
	[dreg:$0x0] =	wrdreg $0x0  }
0xb7: {  	s5 =	sshll.u32 s28, $0x1;
	[dreg:$0x2] =	wrdreg s3  }
0xb8: {  	[dreg:$0x3] =	wrdreg s5  }
0xb9: {  	[dreg:$0x4] =	wrdreg $0xC0  }
0xba: {  	_ =	task [dreg:s22], $0x5FFFF  }
0xbb: {  	[dreg:$0x1] =	wrdreg $0xFFFFFFFF  }
0xbc: {  	[dreg:$0x0] =	wrdreg $0x60  }
0xbd: {  	[dreg:$0x2] =	wrdreg s24  }
0xbe: {  	[dreg:$0x3] =	wrdreg $0x0  }
0xbf: {  	[dreg:$0x4] =	wrdreg $0x9  }
0xc0: {  	_ =	task.clear_ibuf [dreg:s22], $0x5FFFF;
	_ =	strace $0x90000049  }
0xc1: {  	s29 =	simm.s32 $0x9;
	_ =	strace $0x8000004B  }
0xc2: {  	_ =	swait.ge [sflag:s29], $0x1  }
0xc3: {  	[sflag:s29] =	ssyncadd.s32 $0xFFFFFFFF  }
0xc4: {  	_ =	strace $0x9000004B  }
0xc5: {  	_ =	sfence  }
0xc6: {  	s30 =	sld [smem:$0x0];
	_ =	sdelay $0x2  }
0xc7: {  	s31 =	sshll.u32 s1, $0xD;
	s1 =	sshrl.u32 s1, $0x2  }
0xc8: {  	s4 =	sand.u32 $0x4000, s31;
	s1 =	sadd.s32 s1, s30  }
0xc9: {  	s0 =	sor.u32 s4, s0;
	s1 =	sshll.u32 s1, $0x11  }
0xca: {  	s0 =	sor.u32 s1, s0  }
0xcb: {  	s0 =	sadd.s32 $0x8F2B, s0  }
0xcc: {  	[sflag:s0] =	ssyncadd.remote.s32 $0x1  }
0xcd: {  	_ =	sfence.sel $0xFFFF  }
0xce: {  	[dreg:$0x0] =	wrdreg $0xFFFFFFFF;
	(pc) =	sbr.abs _section_cstart, $3  }
0xcf: {  	[dreg:$0x1] =	wrdreg $0xFFFFFFFF  }
0xd0: {  	_ =	task.clear_ibuf [dreg:s22], $0x2FFFF;
	_ =	strace $0x9FFFFFFF  }
0xd1: {  	(tm) =	ssettm $0x7FFFFFFF  }
tec
execute0_lowered:
.L_overlay_start_1:
0x0: {  	(tag) =	ssettag $0x1  }
0x1: {  	s0 =	rddreg [dreg:$0x0]  }
0x2: {  	s2 =	rddreg [dreg:$0x1];
	s3 =	simm.s32 $0x0;
	s6 =	stileid.u32  }
0x3: {  	s4 =	srdreg.scid;
	s29 =	simm.s32 $0x17880;
	s30 =	simm.s32 $0x1  }
0x4: {  	[smem:$0x7FF] =	sst s3;
	s1 =	sshll.u32 s6, $0xB;
	s19 =	smul.u32 $0x4E000, s6  }
0x5: {  	s5 =	sadd.s32 $0x59C00, s0;
	s7 =	sadd.s32 $0xCF000, s0;
	s13 =	smul.u32 $0x270, s6  }
0x6: {  	s15 =	sadd.s32 $0x138000, s2;
	p0 =	sne.s32 s6, $0xF;
	_ =	strace $0x8000004A  }
0x7: {  	s1 =	sadd.s32 s1, s0;
	[dreg:$0x3] =	wrdreg s5;
	s5 =	sand.u32 $0x1, s4  }
0x8: {  	[dreg:$0x4] =	wrdreg s7;
	s0 =	sadd.s32 $0xCF600, s0;
	s21 =	smul.u32 $0x2710, s5  }
0x9: {  	s20 =	ssub.s32 $0x2, s5;
	s4 =	sshrl.u32 s19, $0x2;
	s22 =	smul.u32 $0x138800, s5  }
0xa: {  	s17 =	sadd.s32 $0x3A00, s1;
	s25 =	smul.u32 $0x7E00, s5;
	s8 =	sshrl.u32 s20, $0x1  }
0xb: {  	s1 =	simm.s32 $0x0;
	s7 =	sadd.s32 s4, s2;
	s24 =	ssub.s32 s20, s8  }
0xc: {  	s8 =	sadd.s32 $0x2800, s7;
	s9 =	sadd.s32 $0x5000, s7;
	s10 =	sadd.s32 $0x7800, s7  }
0xd: {  	s11 =	sadd.s32 $0xA000, s7;
	s12 =	sadd.s32 $0xC800, s7;
	s4 =	sadd.s32 s13, s21  }
0xe: {  	s13 =	sadd.s32 $0xF000, s7;
	s14 =	sadd.s32 $0x11800, s7;
	s23 =	sshrl.u32 s22, $0x3  }
0xf: {  	s26 =	sshrl.u32 s25, $0x2;
	s4 =	sshll.u32 s4, $0x4;
	s24 =	smax.u32 s24, $0x1  }
0x10: {  	s31 =	sadd.s32 $0x13880, s26;
	s16 =	sadd.s32 s0, s4;
	s0 =	sadd.s32 s0, s23  }
0x11: {  	s18 =	sadd.s32 $0x500, s16;
	s19 =	sadd.s32 $0xA00, s16;
	s20 =	sadd.s32 $0xF00, s16  }
0x12: {  	s21 =	sadd.s32 $0x1400, s16;
	s22 =	sadd.s32 $0x1900, s16;
	s23 =	sadd.s32 $0x27000, s0  }
0x13: {  	s26 =	sadd.s32 $0x1E00, s16;
	s28 =	sadd.s32 $0x2300, s16;
	s0 =	simm.s32 $0x50  }
.LBB2_1:
0x14: {  	s4 =	rddreg [dreg:$0x3]  }
0x15: {  	[tilespmem:s29], [sflag:$0x1] =	stream.linear.gather [hbm4b:s4+s3], $0x2800, $0x38;
	[tilespmem:$0x1A080] =	vst v63  }
0x16: {  	_ =	swait.ge [sflag:s30], $0x2800  }
0x17: {  	[sflag:s30] =	ssyncset.done $0x0  }
0x18: {  	[sflag:s30] =	ssyncadd.s32 $0xFFFFD800  }
0x19: {  	[spmem:s7] =	stream.linear.scatter [tilespmem:s29], [sflag:$0x1], $0x2800, $0x38;
	[tilespmem:$0x1A080] =	vst v63  }
0x1a: {  	_ =	swait.ge [sflag:s30], $0x2800  }
0x1b: {  	[sflag:s30] =	ssyncset.done $0x0  }
0x1c: {  	[sflag:s30] =	ssyncadd.s32 $0xFFFFD800  }
0x1d: {  	[spmem:s8] =	stream.linear.scatter [tilespmem:s29], [sflag:$0x1], $0x2800, $0x38;
	[tilespmem:$0x1A080] =	vst v63  }
0x1e: {  	_ =	swait.ge [sflag:s30], $0x2800  }
0x1f: {  	[sflag:s30] =	ssyncset.done $0x0  }
0x20: {  	[sflag:s30] =	ssyncadd.s32 $0xFFFFD800  }
0x21: {  	[spmem:s9] =	stream.linear.scatter [tilespmem:s29], [sflag:$0x1], $0x2800, $0x38;
	[tilespmem:$0x1A080] =	vst v63  }
0x22: {  	_ =	swait.ge [sflag:s30], $0x2800  }
0x23: {  	[sflag:s30] =	ssyncset.done $0x0  }
0x24: {  	[sflag:s30] =	ssyncadd.s32 $0xFFFFD800  }
0x25: {  	[spmem:s10] =	stream.linear.scatter [tilespmem:s29], [sflag:$0x1], $0x2800, $0x38;
	[tilespmem:$0x1A080] =	vst v63  }
0x26: {  	_ =	swait.ge [sflag:s30], $0x2800  }
0x27: {  	[sflag:s30] =	ssyncset.done $0x0  }
0x28: {  	[sflag:s30] =	ssyncadd.s32 $0xFFFFD800  }
0x29: {  	[spmem:s11] =	stream.linear.scatter [tilespmem:s29], [sflag:$0x1], $0x2800, $0x38;
	[tilespmem:$0x1A080] =	vst v63  }
0x2a: {  	_ =	swait.ge [sflag:s30], $0x2800  }
0x2b: {  	[sflag:s30] =	ssyncset.done $0x0  }
0x2c: {  	[sflag:s30] =	ssyncadd.s32 $0xFFFFD800  }
0x2d: {  	[spmem:s12] =	stream.linear.scatter [tilespmem:s29], [sflag:$0x1], $0x2800, $0x38;
	[tilespmem:$0x1A080] =	vst v63  }
0x2e: {  	_ =	swait.ge [sflag:s30], $0x2800  }
0x2f: {  	[sflag:s30] =	ssyncset.done $0x0  }
0x30: {  	[sflag:s30] =	ssyncadd.s32 $0xFFFFD800  }
0x31: {  	[spmem:s13] =	stream.linear.scatter [tilespmem:s29], [sflag:$0x1], $0x2800, $0x38;
	[tilespmem:$0x1A080] =	vst v63  }
0x32: {  	_ =	swait.ge [sflag:s30], $0x2800  }
0x33: {  	[sflag:s30] =	ssyncset.done $0x0  }
0x34: {  	[sflag:s30] =	ssyncadd.s32 $0xFFFFD800  }
0x35: {  	[spmem:s14] =	stream.linear.scatter [tilespmem:s29], [sflag:$0x1], $0x2000, $0x38;
	[tilespmem:$0x1A080] =	vst v63  }
0x36: {  	_ =	swait.ge [sflag:s30], $0x2000  }
0x37: {  	[sflag:s30] =	ssyncset.done $0x0  }
0x38: {  	s4 =	simm.s32 @!p0 $0x17880;
	[sflag:s30] =	ssyncadd.s32 $0xFFFFE000  }
0x39: {  	[spmem:s15] =	stream.linear.scatter @!p0 [tilespmem:s4], [sflag:$0x1], $0x800, $0x38;
	[tilespmem:$0x1A080] =	vst v63  }
0x3a: {  	s4 =	simm.s32 @!p0 $0x1  }
0x3b: {  	_ =	swait.ge @!p0 [sflag:s4], $0x800  }
0x3c: {  	[sflag:s4] =	ssyncset.done @!p0 $0x0  }
0x3d: {  	s6 =	simm.s32 $0x13880;
	[sflag:s4] =	ssyncadd.s32 @!p0 $0xFFFFF800  }
0x3e: {  	[tilespmem:s6], [sflag:$0x1] =	stream.linear.gather [hbm4b:s17+s3], $0x3E80, $0x38;
	[tilespmem:$0x1A080] =	vst v63  }
0x3f: {  	_ =	swait.ge [sflag:s30], $0x3E80  }
0x40: {  	[sflag:s30] =	ssyncset.done $0x0  }
0x41: {  	s25 =	rddreg [dreg:$0x4];
	[sflag:s30] =	ssyncadd.s32 $0xFFFFC180  }
0x42: {  	[tilespmem:s29], [sflag:$0x1] =	stream.linear.gather [hbm4b:s25+s3], $0x2800, $0x38;
	[tilespmem:$0x1A080] =	vst v63  }
0x43: {  	_ =	swait.ge [sflag:s30], $0x2800  }
0x44: {  	[sflag:s30] =	ssyncset.done $0x0  }
0x45: {  	[sflag:s30] =	ssyncadd.s32 $0xFFFFD800  }
0x46: {  	s4 =	simm.s32 $0x1;
	s25 =	smov.u32 s31;
	[bflag:$0x0] =	sbarrier.arrive $0xFFFF  }
.LBB2_2:
0x47: {  	s6 =	sxor.u32 s4, s5  }
0x48: {  	p1 =	sne.s32 s6, $0x3F  }
.Ltmp0:
0x49: {  	_ = 	snop;
	(pc) =	sbr.rel @p1 .LBB2_2-.Ltmp0, $4  }
0x4a: {  	[spmem:s2] =	stream.indirect.scatter.add.f32 [tilespmem:s29], [sflag:$0x1], $0x80, s25, s0, $0xb8;
	[tilespmem:$0x1A080] =	vst v63  }
0x4b: {  	_ =	swait.ge [sflag:s30], $0x2800  }
0x4c: {  	[sflag:s30] =	ssyncset.done $0x0  }
0x4d: {  	s4 =	sadd.s32 $0x1, s4;
	s25 =	sadd.s32 $0x80, s25;
	[sflag:s30] =	ssyncadd.s32 $0xFFFFD800  }
0x4e: {  	[bflag:$0x0] =	sbarrier.arrive $0xFFFF  }
0x4f: {  	[tilespmem:s29], [sflag:$0x1] =	stream.linear.gather [spmem:s7], $0x2800, $0x38;
	[tilespmem:$0x1A080] =	vst v63  }
0x50: {  	_ =	swait.ge [sflag:s30], $0x2800  }
0x51: {  	[sflag:s30] =	ssyncset.done $0x0  }
0x52: {  	[sflag:s30] =	ssyncadd.s32 $0xFFFFD800  }
0x53: {  	[hbm4b:s16+s3] =	stream.linear.scatter [tilespmem:s29], [sflag:$0x1], $0x2800, $0x38;
	[tilespmem:$0x1A080] =	vst v63  }
0x54: {  	_ =	swait.ge [sflag:s30], $0x2800  }
0x55: {  	[sflag:s30] =	ssyncset.done $0x0  }
0x56: {  	[sflag:s30] =	ssyncadd.s32 $0xFFFFD800  }
0x57: {  	[tilespmem:s29], [sflag:$0x1] =	stream.linear.gather [spmem:s8], $0x2800, $0x38;
	[tilespmem:$0x1A080] =	vst v63  }
0x58: {  	_ =	swait.ge [sflag:s30], $0x2800  }
0x59: {  	[sflag:s30] =	ssyncset.done $0x0  }
0x5a: {  	[sflag:s30] =	ssyncadd.s32 $0xFFFFD800  }
0x5b: {  	[hbm4b:s18+s3] =	stream.linear.scatter [tilespmem:s29], [sflag:$0x1], $0x2800, $0x38;
	[tilespmem:$0x1A080] =	vst v63  }
0x5c: {  	_ =	swait.ge [sflag:s30], $0x2800  }
0x5d: {  	[sflag:s30] =	ssyncset.done $0x0  }
0x5e: {  	[sflag:s30] =	ssyncadd.s32 $0xFFFFD800  }
0x5f: {  	[tilespmem:s29], [sflag:$0x1] =	stream.linear.gather [spmem:s9], $0x2800, $0x38;
	[tilespmem:$0x1A080] =	vst v63  }
0x60: {  	_ =	swait.ge [sflag:s30], $0x2800  }
0x61: {  	[sflag:s30] =	ssyncset.done $0x0  }
0x62: {  	[sflag:s30] =	ssyncadd.s32 $0xFFFFD800  }
0x63: {  	[hbm4b:s19+s3] =	stream.linear.scatter [tilespmem:s29], [sflag:$0x1], $0x2800, $0x38;
	[tilespmem:$0x1A080] =	vst v63  }
0x64: {  	_ =	swait.ge [sflag:s30], $0x2800  }
0x65: {  	[sflag:s30] =	ssyncset.done $0x0  }
0x66: {  	[sflag:s30] =	ssyncadd.s32 $0xFFFFD800  }
0x67: {  	[tilespmem:s29], [sflag:$0x1] =	stream.linear.gather [spmem:s10], $0x2800, $0x38;
	[tilespmem:$0x1A080] =	vst v63  }
0x68: {  	_ =	swait.ge [sflag:s30], $0x2800  }
0x69: {  	[sflag:s30] =	ssyncset.done $0x0  }
0x6a: {  	[sflag:s30] =	ssyncadd.s32 $0xFFFFD800  }
0x6b: {  	[hbm4b:s20+s3] =	stream.linear.scatter [tilespmem:s29], [sflag:$0x1], $0x2800, $0x38;
	[tilespmem:$0x1A080] =	vst v63  }
0x6c: {  	_ =	swait.ge [sflag:s30], $0x2800  }
0x6d: {  	[sflag:s30] =	ssyncset.done $0x0  }
0x6e: {  	[sflag:s30] =	ssyncadd.s32 $0xFFFFD800  }
0x6f: {  	[tilespmem:s29], [sflag:$0x1] =	stream.linear.gather [spmem:s11], $0x2800, $0x38;
	[tilespmem:$0x1A080] =	vst v63  }
0x70: {  	_ =	swait.ge [sflag:s30], $0x2800  }
0x71: {  	[sflag:s30] =	ssyncset.done $0x0  }
0x72: {  	[sflag:s30] =	ssyncadd.s32 $0xFFFFD800  }
0x73: {  	[hbm4b:s21+s3] =	stream.linear.scatter [tilespmem:s29], [sflag:$0x1], $0x2800, $0x38;
	[tilespmem:$0x1A080] =	vst v63  }
0x74: {  	_ =	swait.ge [sflag:s30], $0x2800  }
0x75: {  	[sflag:s30] =	ssyncset.done $0x0  }
0x76: {  	[sflag:s30] =	ssyncadd.s32 $0xFFFFD800  }
0x77: {  	[tilespmem:s29], [sflag:$0x1] =	stream.linear.gather [spmem:s12], $0x2800, $0x38;
	[tilespmem:$0x1A080] =	vst v63  }
0x78: {  	_ =	swait.ge [sflag:s30], $0x2800  }
0x79: {  	[sflag:s30] =	ssyncset.done $0x0  }
0x7a: {  	[sflag:s30] =	ssyncadd.s32 $0xFFFFD800  }
0x7b: {  	[hbm4b:s22+s3] =	stream.linear.scatter [tilespmem:s29], [sflag:$0x1], $0x2800, $0x38;
	[tilespmem:$0x1A080] =	vst v63  }
0x7c: {  	_ =	swait.ge [sflag:s30], $0x2800  }
0x7d: {  	[sflag:s30] =	ssyncset.done $0x0  }
0x7e: {  	[sflag:s30] =	ssyncadd.s32 $0xFFFFD800  }
0x7f: {  	[tilespmem:s29], [sflag:$0x1] =	stream.linear.gather [spmem:s13], $0x2800, $0x38;
	[tilespmem:$0x1A080] =	vst v63  }
0x80: {  	_ =	swait.ge [sflag:s30], $0x2800  }
0x81: {  	[sflag:s30] =	ssyncset.done $0x0  }
0x82: {  	[sflag:s30] =	ssyncadd.s32 $0xFFFFD800  }
0x83: {  	[hbm4b:s26+s3] =	stream.linear.scatter [tilespmem:s29], [sflag:$0x1], $0x2800, $0x38;
	[tilespmem:$0x1A080] =	vst v63  }
0x84: {  	_ =	swait.ge [sflag:s30], $0x2800  }
0x85: {  	[sflag:s30] =	ssyncset.done $0x0  }
0x86: {  	[sflag:s30] =	ssyncadd.s32 $0xFFFFD800  }
0x87: {  	[tilespmem:s29], [sflag:$0x1] =	stream.linear.gather [spmem:s14], $0x2000, $0x38;
	[tilespmem:$0x1A080] =	vst v63  }
0x88: {  	_ =	swait.ge [sflag:s30], $0x2000  }
0x89: {  	[sflag:s30] =	ssyncset.done $0x0  }
0x8a: {  	[sflag:s30] =	ssyncadd.s32 $0xFFFFE000  }
0x8b: {  	[hbm4b:s28+s3] =	stream.linear.scatter [tilespmem:s29], [sflag:$0x1], $0x2000, $0x38;
	[tilespmem:$0x1A080] =	vst v63  }
0x8c: {  	_ =	swait.ge [sflag:s30], $0x2000  }
0x8d: {  	[sflag:s30] =	ssyncset.done $0x0  }
0x8e: {  	s4 =	simm.s32 @!p0 $0x17880;
	s6 =	simm.s32 @!p0 $0x1;
	[sflag:s30] =	ssyncadd.s32 $0xFFFFE000  }
0x8f: {  	[tilespmem:s4], [sflag:$0x1] =	stream.linear.gather @!p0 [spmem:s15], $0x800, $0x38;
	[tilespmem:$0x1A080] =	vst v63  }
0x90: {  	s1 =	sadd.s32 $0x1, s1;
	_ =	swait.ge @!p0 [sflag:s6], $0x800  }
0x91: {  	p1 =	sne.s32 s1, s24;
	[sflag:s6] =	ssyncset.done @!p0 $0x0  }
.Ltmp1:
0x92: {  	s25 =	simm.s32 @!p0 $0x0;
	[sflag:s6] =	ssyncadd.s32 @!p0 $0xFFFFF800;
	(pc) =	sbr.rel @p1 .LBB2_1-.Ltmp1, $4  }
0x93: {  	[hbm4b:s23+s25] =	stream.linear.scatter @!p0 [tilespmem:s4], [sflag:$0x1], $0x800, $0x38;
	[tilespmem:$0x1A080] =	vst v63  }
0x94: {  	_ =	swait.ge @!p0 [sflag:s6], $0x800  }
0x95: {  	[sflag:s6] =	ssyncset.done @!p0 $0x0  }
0x96: {  	[sflag:s6] =	ssyncadd.s32 @!p0 $0xFFFFF800  }
0x97: {  	_ =	sfence.sel $0x180000  }
0x98: {  	[bflag:$0x0] =	sbarrier.arrive $0xFFFF  }
0x99: {  	_ =	strace $0x9000004A  }
0x9a: {  	s0 =	stileid.u32;
	[bflag:$0x2] =	sbarrier.arrive $0xFFFF  }
0x9b: {  	p0 =	sne.s32 s0, $0x0;
	s0 =	rddreg [dreg:$0x2]  }
0x9c: {  	s0 =	sadd.s32 @!p0 $0x100000, s0  }
0x9d: {  	[sflag:s0] =	ssyncadd.tile.s32 @!p0 $0x1;
	_ =	shalt  }
.Lfunc_end2:
_tile_overlayer_lowered:
.L_overlay_start_2:
0x9e: {  	(tag) =	ssettag $0x2  }
0x9f: {  	s0 =	rddreg [dreg:$0x0];
	s2 =	stileid.u32  }
0xa0: {  	s1 =	rddreg [dreg:$0x1];
	p0 =	sne.s32 s2, $0x0  }
0xa1: {  	s3 =	rddreg [dreg:$0x2];
	[bflag:$0x3] =	sbarrier.arrive $0xFFFF;
	s2 =	simm.s32 @!p0 $0x1C01  }
0xa2: {  	[timem:s3], [sflag:s2] =	dma.local @!p0 [hbm:s0], s1  }
0xa3: {  	s0 =	simm.s32 @!p0 $0x1  }
0xa4: {  	_ =	swait.ge @!p0 [sflag:s0], s1  }
0xa5: {  	s1 =	ssub.s32 @!p0 $0x0, s1;
	[sflag:s0] =	ssyncset.done @!p0 $0x0  }
0xa6: {  	[sflag:s0] =	ssyncadd.s32 @!p0 s1  }
0xa7: {  	[bflag:$0x3] =	sbarrier.arrive $0xFFFF  }
0xa8: {  	_ =	shalt  }

// kernel: _run.13.cloned.1.call-start
scs
__scs_entry_jumppad:
0x0: {  	(pc) =	sbr.rel $0x88, $3  }
0x1: {  	(tag) =	ssettag $0x0;
	lr =	simm.s32 $0x1  }
0x2: {  	[smem:$0x3F96] =	sst lr;
	_ =	strace $0xD0000000  }
0x3: {  	_ = 	snop  }
0x4: {  	_ = 	snop  }
0x5: {  	_ = 	snop  }
0x6: {  	_ = 	snop  }
0x7: {  	_ = 	snop  }
__scs_overlays_trampoline_lowered:
0x8: {  	[smem:$0x3FA5] =	sst s0  }
0x9: {  	[smem:$0x3FA6] =	sst s1  }
0xa: {  	[smem:$0x3FA7] =	sst s2  }
0xb: {  	[smem:$0x3FA8] =	sst s3  }
0xc: {  	[smem:$0x3FA9] =	sst s4  }
0xd: {  	[smem:$0x3FAA] =	sst s5  }
0xe: {  	[smem:$0x3FAB] =	sst s6  }
0xf: {  	[smem:$0x3FAC] =	sst s7  }
0x10: {  	[smem:$0x3FAD] =	sst s8  }
0x11: {  	[smem:$0x3FAE] =	sst s9;
	s0 =	simm.s32 @!p0 $0x0  }
0x12: {  	s1 =	sld [smem:$0x3F94];
	s0 =	simm.s32 @p0 $0x1  }
0x13: {  	[smem:$0x3FAF] =	sst s0;
	s0 =	simm.s32 @!p1 $0x0  }
0x14: {  	s2 =	sld [smem:$0x3F93];
	s0 =	simm.s32 @p1 $0x1  }
0x15: {  	[smem:$0x3FB0] =	sst s0;
	s0 =	simm.s32 @!p2 $0x0  }
0x16: {  	s3 =	sld [smem:$0x3FDB];
	s0 =	simm.s32 @p2 $0x1  }
0x17: {  	s4 =	simm.s32 $0x1BF5;
	[smem:$0x3FB2] =	sst s0  }
0x18: {  	s0 =	sld [smem:$0x3F95];
	_ =	swait.ge [sflag:s4], $0x0  }
0x19: {  	s7 =	sld [smem:$0x3F96]  }
0x1a: {  	s8 =	sadd.s32 $0xFFFFE003, lr  }
0x1b: {  	s9 =	sadd.s32 $0xFFFFFEF7, lr;
	s5 =	simm.s32 $0xFFFFFFFF;
	p2 =	slt.u32 s8, $0xFFFFF086  }
0x1c: {  	p1 =	slt.u32 s9, $0xF7A;
	s5 =	simm.s32 @!p2 $0x0  }
0x1d: {  	s5 =	simm.s32 @p1 $0x1;
	p0 =	seq.s32 s7, s2  }
0x1e: {  	s7 =	smul.u32 @!p0 $0xF7A, s2;
	p2 =	seq.s32 @!p0 s5, $0x0  }
0x1f: {  	s9 =	smul.u32 $0xF7A, s1;
	s8 =	simm.s32 @!p0 $0x1BF5;
	p2 =	por !p2, p0  }
0x20: {  	[sflag:s8] =	ssyncset.s32 @!p0 $0xFFFFF086;
	s6 =	sadd.s32 @!p0 s3, s7;
	s7 =	simm.s32 @!p0 $0x108  }
0x21: {  	s3 =	sadd.s32 s3, s9;
	s6 =	sadd.s32 @!p0 $0x88, s6;
	s7 =	simm.s32 @p2 $0x1082  }
0x22: {  	[simem:s7], [sflag:s8] =	dma.local @!p0 [hbm:s6], $0xF7A  }
0x23: {  	s9 =	sor.u32 $0xD0000000, s2;
	s6 =	simm.s32 $0x108;
	_ =	swait.ge @!p0 [sflag:s8], $0x0  }
0x24: {  	s3 =	sadd.s32 $0x88, s3;
	s6 =	simm.s32 @!p1 $0x1082;
	[sflag:s4] =	ssyncset.s32 $0xFFFFF086  }
0x25: {  	[simem:s6], [sflag:s4] =	dma.local [hbm:s3], $0xF7A  }
0x26: {  	[smem:$0x3F96] =	sst s1;
	(tag) =	ssettag s2;
	_ =	strace s9  }
0x27: {  	s1 =	sld [smem:$0x3FA6]  }
0x28: {  	s2 =	sld [smem:$0x3FA7]  }
0x29: {  	s4 =	sld [smem:$0x3FA9]  }
0x2a: {  	p0 =	seq.s32 s5, $0x0;
	s5 =	sld [smem:$0x3FAA]  }
0x2b: {  	s6 =	sld [smem:$0x3FAB]  }
0x2c: {  	s7 =	sld [smem:$0x3FAC]  }
0x2d: {  	s3 =	simm.s32 $0x108;
	s8 =	sld [smem:$0x3FAD]  }
0x2e: {  	s3 =	simm.s32 @!p0 $0x1082;
	s9 =	sld [smem:$0x3FAE]  }
0x2f: {  	lr =	sadd.s32 s0, s3;
	s0 =	sld [smem:$0x3FA5]  }
0x30: {  	s3 =	sld [smem:$0x3FA8]  }
0x31: {  	[smem:$0x3FB1] =	sst s10  }
0x32: {  	s10 =	sld [smem:$0x3FAF];
	_ =	sdelay $0x3  }
0x33: {  	p0 =	seq.s32 s10, $0x1;
	s10 =	sld [smem:$0x3FB1];
	_ =	sdelay $0x3  }
0x34: {  	[smem:$0x3FB1] =	sst s10  }
0x35: {  	s10 =	sld [smem:$0x3FB0];
	_ =	sdelay $0x3  }
0x36: {  	p1 =	seq.s32 s10, $0x1;
	s10 =	sld [smem:$0x3FB1];
	_ =	sdelay $0x3  }
0x37: {  	[smem:$0x3FB1] =	sst s10  }
0x38: {  	s10 =	sld [smem:$0x3FB2]  }
0x39: {  	_ = 	snop;
	(pc) =	sbr.ind lr, $3  }
0x3a: {  	_ = 	snop  }
0x3b: {  	_ = 	snop  }
0x3c: {  	p2 =	seq.s32 s10, $0x1;
	s10 =	sld [smem:$0x3FB1]  }
0x3d: {  	_ =	shalt  }
0x3e: {  	_ =	shalt  }
0x3f: {  	_ =	shalt  }
0x40: {  	_ =	shalt  }
0x41: {  	_ =	shalt  }
0x42: {  	_ =	shalt  }
0x43: {  	_ =	shalt  }
0x44: {  	_ =	shalt  }
0x45: {  	_ =	shalt  }
0x46: {  	_ =	shalt  }
0x47: {  	_ =	shalt  }
0x48: {  	_ =	shalt  }
0x49: {  	_ =	shalt  }
0x4a: {  	_ =	shalt  }
0x4b: {  	_ =	shalt  }
0x4c: {  	_ =	shalt  }
0x4d: {  	_ =	shalt  }
0x4e: {  	_ =	shalt  }
0x4f: {  	_ =	shalt  }
0x50: {  	_ =	shalt  }
0x51: {  	_ =	shalt  }
0x52: {  	_ =	shalt  }
0x53: {  	_ =	shalt  }
0x54: {  	_ =	shalt  }
0x55: {  	_ =	shalt  }
0x56: {  	_ =	shalt  }
0x57: {  	_ =	shalt  }
0x58: {  	_ =	shalt  }
0x59: {  	_ =	shalt  }
0x5a: {  	_ =	shalt  }
0x5b: {  	_ =	shalt  }
0x5c: {  	_ =	shalt  }
0x5d: {  	_ =	shalt  }
0x5e: {  	_ =	shalt  }
0x5f: {  	_ =	shalt  }
0x60: {  	_ =	shalt  }
0x61: {  	_ =	shalt  }
0x62: {  	_ =	shalt  }
0x63: {  	_ =	shalt  }
0x64: {  	_ =	shalt  }
0x65: {  	_ =	shalt  }
0x66: {  	_ =	shalt  }
0x67: {  	_ =	shalt  }
0x68: {  	_ =	shalt  }
0x69: {  	_ =	shalt  }
0x6a: {  	_ =	shalt  }
0x6b: {  	_ =	shalt  }
0x6c: {  	_ =	shalt  }
0x6d: {  	_ =	shalt  }
0x6e: {  	_ =	shalt  }
0x6f: {  	_ =	shalt  }
0x70: {  	_ =	shalt  }
0x71: {  	_ =	shalt  }
0x72: {  	_ =	shalt  }
0x73: {  	_ =	shalt  }
0x74: {  	_ =	shalt  }
0x75: {  	_ =	shalt  }
0x76: {  	_ =	shalt  }
0x77: {  	_ =	shalt  }
0x78: {  	_ =	shalt  }
0x79: {  	_ =	shalt  }
0x7a: {  	_ =	shalt  }
0x7b: {  	_ =	shalt  }
0x7c: {  	_ =	shalt  }
0x7d: {  	_ =	shalt  }
0x7e: {  	_ =	shalt  }
0x7f: {  	_ =	shalt  }
0x80: {  	_ =	shalt  }
0x81: {  	_ =	shalt  }
0x82: {  	_ =	shalt  }
0x83: {  	_ =	shalt  }
0x84: {  	_ =	shalt  }
0x85: {  	_ =	shalt  }
0x86: {  	_ =	shalt  }
0x87: {  	_ =	shalt  }
.Lfunc_end0:
.L_simem_size_0:
called_computation.1_lowered:
.L_overlay_start_0:
0x88: {  	s2 =	sld [smem:$0x3FD9]  }
0x89: {  	s3 =	sld [smem:$0x3FFE];
	_ =	sdelay $0x1  }
0x8a: {  	s1 =	srdreg.scid  }
0x8b: {  	s0 =	sand.u32 $0x1, s1  }
0x8c: {  	s17 =	sshll.u32 s0, $0xA;
	s2 =	sadd.s32 s3, s2  }
0x8d: {  	s2 =	sadd.s32 s2, s17  }
0x8e: {  	[smem:$0x3FBD] =	sst s2  }
0x8f: {  	_ = 	snop  }
0x90: {  	s2 =	sld [smem:$0x3FC8];
	(tm) =	ssettm $0x1  }
0x91: {  	s18 =	sld [smem:$0x3FFB];
	_ =	sdelay $0x3  }
0x92: {  	_ =	strace s18  }
0x93: {  	s3 =	sld [smem:$0x3FFC];
	_ =	sdelay $0x3  }
0x94: {  	_ =	strace s3  }
0x95: {  	s3 =	sld [smem:$0x3FFD];
	_ =	sdelay $0x3  }
0x96: {  	_ =	strace s3  }
0x97: {  	_ =	strace $0x8FFFFFFF  }
0x98: {  	s19 =	sld [smem:$0x3FDB];
	_ =	sdelay $0x1  }
0x99: {  	s4 =	simm.s32 $_scs_section_size  }
0x9a: {  	s5 =	simm.s32 $_size__tile_overlayer_lowered;
	s6 =	simm.s32 $_tile_overlayer_lowered  }
0x9b: {  	s22 =	simm.s32 $0x1BFF;
	s21 =	sshll.u32 s6, $0x1;
	s3 =	sadd.s32 s4, s19  }
0x9c: {  	s7 =	simm.s32 $0x0;
	s20 =	sshll.u32 s5, $0x1;
	s5 =	sadd.s32 s21, s3  }
0x9d: {  	[timem:s7], [sflag:s22] =	dma.local [hbm:s5], s20  }
0x9e: {  	_ =	swait.ge [sflag:s22], s20  }
0x9f: {  	s4 =	ssub.s32 $0x0, s20;
	[sflag:s22] =	ssyncset.done $0x0  }
0xa0: {  	[sflag:s22] =	ssyncadd.s32 s4;
	_ =	sdelay $0x1  }
0xa1: {  	s23 =	simm.s32 $0x1B8B  }
0xa2: {  	_ =	swait.ge [sflag:s23], $0x1  }
0xa3: {  	[sflag:s23] =	ssyncset.done $0x0  }
0xa4: {  	s25 =	simm.s32 $0x1B8E;
	s24 =	sld [smem:$0x3FFE];
	[sflag:s23] =	ssyncadd.s32 $0xFFFFFFFF  }
0xa5: {  	s26 =	simm.s32 $execute0_lowered;
	[smem:$0x3FD2] =	sst s25  }
0xa6: {  	s5 =	sshll.u32 s26, $0x1;
	_ =	strace $0x80000046;
	[dreg:$0x1] =	wrdreg $0xFFFFFFFF  }
0xa7: {  	s28 =	simm.s32 $_size_execute0_lowered;
	s3 =	sadd.s32 s3, s5;
	[dreg:$0x0] =	wrdreg $0x0  }
0xa8: {  	s5 =	sshll.u32 s28, $0x1;
	[dreg:$0x2] =	wrdreg s3  }
0xa9: {  	[dreg:$0x3] =	wrdreg s5  }
0xaa: {  	[dreg:$0x4] =	wrdreg $0xC0  }
0xab: {  	_ =	task [dreg:s7], $0x5FFFF  }
0xac: {  	[dreg:$0x1] =	wrdreg $0xFFFFFFFF  }
0xad: {  	[dreg:$0x0] =	wrdreg $0x60  }
0xae: {  	[dreg:$0x2] =	wrdreg s24  }
0xaf: {  	[dreg:$0x3] =	wrdreg s2  }
0xb0: {  	[dreg:$0x4] =	wrdreg $0x0  }
0xb1: {  	[dreg:$0x5] =	wrdreg $0xA  }
0xb2: {  	_ =	task.clear_ibuf [dreg:s7], $0x6FFFF;
	_ =	strace $0x90000046  }
0xb3: {  	s29 =	simm.s32 $0xA;
	_ =	strace $0x80000048  }
0xb4: {  	_ =	swait.ge [sflag:s29], $0x1  }
0xb5: {  	[sflag:s29] =	ssyncadd.s32 $0xFFFFFFFF  }
0xb6: {  	_ =	strace $0x90000048  }
0xb7: {  	_ =	sfence  }
0xb8: {  	s30 =	sld [smem:$0x0];
	_ =	sdelay $0x2  }
0xb9: {  	s31 =	sshll.u32 s1, $0xD;
	s1 =	sshrl.u32 s1, $0x2  }
0xba: {  	s3 =	sand.u32 $0x4000, s31;
	s1 =	sadd.s32 s1, s30  }
0xbb: {  	s0 =	sor.u32 s3, s0;
	s1 =	sshll.u32 s1, $0x11  }
0xbc: {  	s0 =	sor.u32 s1, s0  }
0xbd: {  	s0 =	sadd.s32 $0x8F2B, s0  }
0xbe: {  	[sflag:s0] =	ssyncadd.remote.s32 $0x1  }
0xbf: {  	_ =	sfence.sel $0xFFFF  }
0xc0: {  	[dreg:$0x0] =	wrdreg $0xFFFFFFFF;
	(pc) =	sbr.abs _section_cstart, $3  }
0xc1: {  	[dreg:$0x1] =	wrdreg $0xFFFFFFFF  }
0xc2: {  	_ =	task.clear_ibuf [dreg:s7], $0x2FFFF;
	_ =	strace $0x9FFFFFFF  }
0xc3: {  	(tm) =	ssettm $0x7FFFFFFF  }
tec
execute0_lowered:
.L_overlay_start_1:
0x0: {  	(tag) =	ssettag $0x1  }
0x1: {  	s0 =	rddreg [dreg:$0x0]  }
0x2: {  	s2 =	rddreg [dreg:$0x1]  }
0x3: {  	s1 =	rddreg [dreg:$0x2];
	s3 =	simm.s32 $0x0  }
0x4: {  	s20 =	stileid.u32;
	s6 =	srdreg.scid;
	s28 =	simm.s32 $0x1A000  }
0x5: {  	s29 =	simm.s32 $0x3;
	s30 =	simm.s32 $0x13880;
	s31 =	simm.s32 $0x1  }
0x6: {  	[smem:$0x7FF] =	sst s3;
	s4 =	sadd.s32 $0xBA00, s0;
	s5 =	sshll.u32 s20, $0xB  }
0x7: {  	s7 =	smul.u32 $0x4E000, s20;
	s8 =	sadd.s32 $0x59C00, s0;
	s16 =	sand.u32 $0x1, s6  }
0x8: {  	s14 =	smul.u32 $0x270, s20;
	p0 =	sne.s32 s20, $0xF;
	_ =	strace $0x80000047  }
0x9: {  	s5 =	sadd.s32 s5, s0;
	[dreg:$0x4] =	wrdreg s8;
	s0 =	sadd.s32 $0x80E00, s0  }
0xa: {  	s17 =	ssub.s32 $0x2, s16;
	s15 =	smul.u32 $0x27100, s16;
	s18 =	sshrl.u32 s7, $0x2  }
0xb: {  	s19 =	sshrl.u32 s17, $0x1;
	s6 =	sadd.s32 s18, s1;
	s18 =	smul.u32 $0x2710, s16  }
0xc: {  	s21 =	sadd.s32 $0x3A00, s5;
	s17 =	ssub.s32 s17, s19;
	s19 =	smul.u32 $0x2710, s20  }
0xd: {  	s5 =	simm.s32 $0x2;
	s16 =	smul.u32 $0x138800, s16;
	[dreg:$0x6] =	wrdreg s21  }
0xe: {  	s7 =	sadd.s32 $0x2800, s6;
	s8 =	sadd.s32 $0x5000, s6;
	s9 =	sadd.s32 $0x7800, s6  }
0xf: {  	s10 =	sadd.s32 $0xA000, s6;
	s11 =	sadd.s32 $0xC800, s6;
	s12 =	sadd.s32 $0xF000, s6  }
0x10: {  	s13 =	sadd.s32 $0x11800, s6;
	s18 =	sadd.s32 s14, s18;
	s15 =	sadd.s32 s19, s15  }
0x11: {  	s14 =	sadd.s32 $0x138000, s1;
	s18 =	sshll.u32 s18, $0x4;
	s19 =	sshrl.u32 s15, $0x3  }
0x12: {  	s25 =	sshrl.u32 s16, $0x3;
	s15 =	sadd.s32 s0, s18;
	s2 =	sadd.s32 s2, s19  }
0x13: {  	s16 =	simm.s32 $0x0;
	[dreg:$0x5] =	wrdreg s2;
	s22 =	sadd.s32 $0x500, s15  }
0x14: {  	s0 =	sadd.s32 s0, s25;
	s23 =	sadd.s32 $0xA00, s15;
	[dreg:$0x7] =	wrdreg s22  }
0x15: {  	s25 =	smax.u32 s17, $0x1;
	s24 =	sadd.s32 $0xF00, s15;
	[dreg:$0x8] =	wrdreg s23  }
0x16: {  	s26 =	sadd.s32 $0x1400, s15;
	s2 =	simm.s32 $0x1C800;
	[dreg:$0x9] =	wrdreg s24  }
0x17: {  	[dreg:$0xa] =	wrdreg s26;
	s22 =	sadd.s32 $0x1900, s15;
	s23 =	sadd.s32 $0x1E00, s15  }
0x18: {  	s24 =	sadd.s32 $0x27000, s0;
	s26 =	sadd.s32 $0x2300, s15;
	s0 =	simm.s32 $0x50  }
.LBB2_1:
0x19: {  	s17 =	rddreg [dreg:$0x4]  }
0x1a: {  	[tilespmem:s28], [sflag:$0x3] =	stream.linear.gather [hbm4b:s17+s3], $0x2800, $0x38;
	[tilespmem:$0x1F000] =	vst v63  }
0x1b: {  	_ =	swait.ge [sflag:s29], $0x2800  }
0x1c: {  	[sflag:s29] =	ssyncset.done $0x0  }
0x1d: {  	[sflag:s29] =	ssyncadd.s32 $0xFFFFD800  }
0x1e: {  	[spmem:s6] =	stream.linear.scatter [tilespmem:s28], [sflag:$0x3], $0x2800, $0x38;
	[tilespmem:$0x1F000] =	vst v63  }
0x1f: {  	_ =	swait.ge [sflag:s29], $0x2800  }
0x20: {  	[sflag:s29] =	ssyncset.done $0x0  }
0x21: {  	[sflag:s29] =	ssyncadd.s32 $0xFFFFD800  }
0x22: {  	[spmem:s7] =	stream.linear.scatter [tilespmem:s28], [sflag:$0x3], $0x2800, $0x38;
	[tilespmem:$0x1F000] =	vst v63  }
0x23: {  	_ =	swait.ge [sflag:s29], $0x2800  }
0x24: {  	[sflag:s29] =	ssyncset.done $0x0  }
0x25: {  	[sflag:s29] =	ssyncadd.s32 $0xFFFFD800  }
0x26: {  	[spmem:s8] =	stream.linear.scatter [tilespmem:s28], [sflag:$0x3], $0x2800, $0x38;
	[tilespmem:$0x1F000] =	vst v63  }
0x27: {  	_ =	swait.ge [sflag:s29], $0x2800  }
0x28: {  	[sflag:s29] =	ssyncset.done $0x0  }
0x29: {  	[sflag:s29] =	ssyncadd.s32 $0xFFFFD800  }
0x2a: {  	[spmem:s9] =	stream.linear.scatter [tilespmem:s28], [sflag:$0x3], $0x2800, $0x38;
	[tilespmem:$0x1F000] =	vst v63  }
0x2b: {  	_ =	swait.ge [sflag:s29], $0x2800  }
0x2c: {  	[sflag:s29] =	ssyncset.done $0x0  }
0x2d: {  	[sflag:s29] =	ssyncadd.s32 $0xFFFFD800  }
0x2e: {  	[spmem:s10] =	stream.linear.scatter [tilespmem:s28], [sflag:$0x3], $0x2800, $0x38;
	[tilespmem:$0x1F000] =	vst v63  }
0x2f: {  	_ =	swait.ge [sflag:s29], $0x2800  }
0x30: {  	[sflag:s29] =	ssyncset.done $0x0  }
0x31: {  	[sflag:s29] =	ssyncadd.s32 $0xFFFFD800  }
0x32: {  	[spmem:s11] =	stream.linear.scatter [tilespmem:s28], [sflag:$0x3], $0x2800, $0x38;
	[tilespmem:$0x1F000] =	vst v63  }
0x33: {  	_ =	swait.ge [sflag:s29], $0x2800  }
0x34: {  	[sflag:s29] =	ssyncset.done $0x0  }
0x35: {  	[sflag:s29] =	ssyncadd.s32 $0xFFFFD800  }
0x36: {  	[spmem:s12] =	stream.linear.scatter [tilespmem:s28], [sflag:$0x3], $0x2800, $0x38;
	[tilespmem:$0x1F000] =	vst v63  }
0x37: {  	_ =	swait.ge [sflag:s29], $0x2800  }
0x38: {  	[sflag:s29] =	ssyncset.done $0x0  }
0x39: {  	[sflag:s29] =	ssyncadd.s32 $0xFFFFD800  }
0x3a: {  	[spmem:s13] =	stream.linear.scatter [tilespmem:s28], [sflag:$0x3], $0x2000, $0x38;
	[tilespmem:$0x1F000] =	vst v63  }
0x3b: {  	_ =	swait.ge [sflag:s29], $0x2000  }
0x3c: {  	[sflag:s29] =	ssyncset.done $0x0  }
0x3d: {  	s17 =	simm.s32 @!p0 $0x1A000;
	[sflag:s29] =	ssyncadd.s32 $0xFFFFE000  }
0x3e: {  	[spmem:s14] =	stream.linear.scatter @!p0 [tilespmem:s17], [sflag:$0x3], $0x800, $0x38;
	[tilespmem:$0x1F000] =	vst v63  }
0x3f: {  	s17 =	simm.s32 @!p0 $0x3  }
0x40: {  	_ =	swait.ge @!p0 [sflag:s17], $0x800  }
0x41: {  	[sflag:s17] =	ssyncset.done @!p0 $0x0  }
0x42: {  	s20 =	rddreg [dreg:$0x5];
	[sflag:s17] =	ssyncadd.s32 @!p0 $0xFFFFF800  }
0x43: {  	[tilespmem:s30], [sflag:$0x3] =	stream.linear.gather [hbm4b:s20+s3], $0x2710, $0x38;
	[tilespmem:$0x1F000] =	vst v63  }
0x44: {  	_ =	swait.ge [sflag:s29], $0x2710  }
0x45: {  	[sflag:s29] =	ssyncset.done $0x0  }
0x46: {  	s18 =	simm.s32 $0x16000;
	s21 =	rddreg [dreg:$0x6];
	[sflag:s29] =	ssyncadd.s32 $0xFFFFD8F0  }
0x47: {  	[tilespmem:s18], [sflag:$0x3] =	stream.linear.gather [hbm4b:s21+s3], $0x3E80, $0x38;
	[tilespmem:$0x1F000] =	vst v63  }
0x48: {  	_ =	swait.ge [sflag:s29], $0x3E80  }
0x49: {  	[sflag:s29] =	ssyncset.done $0x0  }
0x4a: {  	[sflag:s29] =	ssyncadd.s32 $0xFFFFC180  }
0x4b: {  	[bflag:$0x0] =	sbarrier.arrive $0xFFFF  }
0x4c: {  	[tilespmem:s28], [sflag:$0x1] =	stream.indirect.gather [hbm4b:s4+s0], $0x80, s30, s0, $0xb8;
	[tilespmem:$0x1F000] =	vst v63  }
0x4d: {  	s18 =	simm.s32 $0x138D0  }
0x4e: {  	[tilespmem:s2], [sflag:$0x2] =	stream.indirect.gather [hbm4b:s4+s0], $0x80, s18, s0, $0xb8;
	[tilespmem:$0x1F000] =	vst v63  }
0x4f: {  	_ =	swait.ge [sflag:s31], $0x2800  }
0x50: {  	[sflag:s31] =	ssyncset.done $0x0  }
0x51: {  	s19 =	simm.s32 $0x16000;
	[sflag:s31] =	ssyncadd.s32 $0xFFFFD800  }
0x52: {  	[spmem:s1] =	stream.indirect.scatter.add.f32 [tilespmem:s28], [sflag:$0x3], $0x80, s19, s0, $0xb8;
	[tilespmem:$0x1F000] =	vst v63  }
0x53: {  	_ =	swait.ge [sflag:s29], $0x2800  }
0x54: {  	[sflag:s29] =	ssyncset.done $0x0  }
0x55: {  	s20 =	simm.s32 $0x13920;
	[sflag:s29] =	ssyncadd.s32 $0xFFFFD800  }
0x56: {  	[tilespmem:s28], [sflag:$0x1] =	stream.indirect.gather [hbm4b:s4+s0], $0x80, s20, s0, $0xb8;
	[tilespmem:$0x1F000] =	vst v63  }
0x57: {  	_ =	swait.ge [sflag:s5], $0x2800  }
0x58: {  	[sflag:s5] =	ssyncset.done $0x0  }
0x59: {  	s21 =	simm.s32 $0x16080;
	[sflag:s5] =	ssyncadd.s32 $0xFFFFD800  }
0x5a: {  	[spmem:s1] =	stream.indirect.scatter.add.f32 [tilespmem:s2], [sflag:$0x3], $0x80, s21, s0, $0xb8;
	[tilespmem:$0x1F000] =	vst v63  }
0x5b: {  	s17 =	simm.s32 $0x139C0;
	_ =	swait.ge [sflag:s29], $0x2800  }
0x5c: {  	s18 =	simm.s32 $0x400;
	s19 =	simm.s32 $0x800;
	[sflag:s29] =	ssyncset.done $0x0  }
.LBB2_2:
0x5d: {  	p1 =	sne.s32 s19, $0xF400;
	s20 =	sadd.s32 $0xFFFFFFB0, s17;
	[sflag:s29] =	ssyncadd.s32 $0xFFFFD800  }
0x5e: {  	[tilespmem:s2], [sflag:$0x2] =	stream.indirect.gather [hbm4b:s4+s0], $0x80, s20, s0, $0xb8;
	[tilespmem:$0x1F000] =	vst v63  }
0x5f: {  	s20 =	smov.u32 s19;
	s19 =	sadd.s32 $0x400, s19;
	_ =	swait.ge [sflag:s31], $0x2800  }
0x60: {  	s21 =	sshra.s32 s18, $0x2;
	s18 =	smov.u32 s20;
	[sflag:s31] =	ssyncset.done $0x0  }
0x61: {  	s20 =	sadd.s32 $0x16000, s21;
	[sflag:s31] =	ssyncadd.s32 $0xFFFFD800  }
0x62: {  	[spmem:s1] =	stream.indirect.scatter.add.f32 [tilespmem:s28], [sflag:$0x3], $0x80, s20, s0, $0xb8;
	[tilespmem:$0x1F000] =	vst v63  }
0x63: {  	_ =	swait.ge [sflag:s29], $0x2800  }
0x64: {  	[sflag:s29] =	ssyncset.done $0x0  }
0x65: {  	[sflag:s29] =	ssyncadd.s32 $0xFFFFD800  }
0x66: {  	[tilespmem:s28], [sflag:$0x1] =	stream.indirect.gather [hbm4b:s4+s0], $0x80, s17, s0, $0xb8;
	[tilespmem:$0x1F000] =	vst v63  }
0x67: {  	_ =	swait.ge [sflag:s5], $0x2800  }
.Ltmp0:
0x68: {  	[sflag:s5] =	ssyncset.done $0x0;
	(pc) =	sbr.rel @p1 .LBB2_2-.Ltmp0, $4  }
0x69: {  	s20 =	sadd.s32 $0x16080, s21;
	[sflag:s5] =	ssyncadd.s32 $0xFFFFD800  }
0x6a: {  	[spmem:s1] =	stream.indirect.scatter.add.f32 [tilespmem:s2], [sflag:$0x3], $0x80, s20, s0, $0xb8;
	[tilespmem:$0x1F000] =	vst v63  }
0x6b: {  	_ =	swait.ge [sflag:s29], $0x2800  }
0x6c: {  	s17 =	sadd.s32 $0xA0, s17;
	[sflag:s29] =	ssyncset.done $0x0  }
0x6d: {  	s19 =	sadd.s32 $0xFFFFFFB0, s17;
	[sflag:s29] =	ssyncadd.s32 $0xFFFFD800  }
0x6e: {  	[tilespmem:s2], [sflag:$0x2] =	stream.indirect.gather [hbm4b:s4+s0], $0x80, s19, s0, $0xb8;
	[tilespmem:$0x1F000] =	vst v63  }
0x6f: {  	_ =	swait.ge [sflag:s31], $0x2800  }
0x70: {  	s18 =	sshra.s32 s18, $0x2;
	[sflag:s31] =	ssyncset.done $0x0  }
0x71: {  	s21 =	sadd.s32 $0x16000, s18;
	[sflag:s31] =	ssyncadd.s32 $0xFFFFD800  }
0x72: {  	[spmem:s1] =	stream.indirect.scatter.add.f32 [tilespmem:s28], [sflag:$0x3], $0x80, s21, s0, $0xb8;
	[tilespmem:$0x1F000] =	vst v63  }
0x73: {  	_ =	swait.ge [sflag:s29], $0x2800  }
0x74: {  	[sflag:s29] =	ssyncset.done $0x0  }
0x75: {  	[sflag:s29] =	ssyncadd.s32 $0xFFFFD800  }
0x76: {  	[tilespmem:s28], [sflag:$0x1] =	stream.indirect.gather [hbm4b:s4+s0], $0x80, s17, s0, $0xb8;
	[tilespmem:$0x1F000] =	vst v63  }
0x77: {  	_ =	swait.ge [sflag:s5], $0x2800  }
0x78: {  	[sflag:s5] =	ssyncset.done $0x0  }
0x79: {  	s20 =	sadd.s32 $0x16080, s18;
	[sflag:s5] =	ssyncadd.s32 $0xFFFFD800  }
0x7a: {  	[spmem:s1] =	stream.indirect.scatter.add.f32 [tilespmem:s2], [sflag:$0x3], $0x80, s20, s0, $0xb8;
	[tilespmem:$0x1F000] =	vst v63  }
0x7b: {  	_ =	swait.ge [sflag:s29], $0x2800  }
0x7c: {  	[sflag:s29] =	ssyncset.done $0x0  }
0x7d: {  	[sflag:s29] =	ssyncadd.s32 $0xFFFFD800  }
0x7e: {  	_ =	swait.ge [sflag:s31], $0x2800  }
0x7f: {  	[sflag:s31] =	ssyncset.done $0x0  }
0x80: {  	s21 =	simm.s32 $0x19E00;
	[sflag:s31] =	ssyncadd.s32 $0xFFFFD800  }
0x81: {  	[spmem:s1] =	stream.indirect.scatter.add.f32 [tilespmem:s28], [sflag:$0x3], $0x80, s21, s0, $0xb8;
	[tilespmem:$0x1F000] =	vst v63  }
0x82: {  	_ =	swait.ge [sflag:s29], $0x2800  }
0x83: {  	[sflag:s29] =	ssyncset.done $0x0  }
0x84: {  	[sflag:s29] =	ssyncadd.s32 $0xFFFFD800  }
0x85: {  	[bflag:$0x0] =	sbarrier.arrive $0xFFFF  }
0x86: {  	[tilespmem:s28], [sflag:$0x3] =	stream.linear.gather [spmem:s6], $0x2800, $0x38;
	[tilespmem:$0x1F000] =	vst v63  }
0x87: {  	_ =	swait.ge [sflag:s29], $0x2800  }
0x88: {  	[sflag:s29] =	ssyncset.done $0x0  }
0x89: {  	[sflag:s29] =	ssyncadd.s32 $0xFFFFD800  }
0x8a: {  	[hbm4b:s15+s3] =	stream.linear.scatter [tilespmem:s28], [sflag:$0x3], $0x2800, $0x38;
	[tilespmem:$0x1F000] =	vst v63  }
0x8b: {  	_ =	swait.ge [sflag:s29], $0x2800  }
0x8c: {  	[sflag:s29] =	ssyncset.done $0x0  }
0x8d: {  	[sflag:s29] =	ssyncadd.s32 $0xFFFFD800  }
0x8e: {  	[tilespmem:s28], [sflag:$0x3] =	stream.linear.gather [spmem:s7], $0x2800, $0x38;
	[tilespmem:$0x1F000] =	vst v63  }
0x8f: {  	_ =	swait.ge [sflag:s29], $0x2800  }
0x90: {  	[sflag:s29] =	ssyncset.done $0x0  }
0x91: {  	s18 =	rddreg [dreg:$0x7];
	[sflag:s29] =	ssyncadd.s32 $0xFFFFD800  }
0x92: {  	[hbm4b:s18+s3] =	stream.linear.scatter [tilespmem:s28], [sflag:$0x3], $0x2800, $0x38;
	[tilespmem:$0x1F000] =	vst v63  }
0x93: {  	_ =	swait.ge [sflag:s29], $0x2800  }
0x94: {  	[sflag:s29] =	ssyncset.done $0x0  }
0x95: {  	[sflag:s29] =	ssyncadd.s32 $0xFFFFD800  }
0x96: {  	[tilespmem:s28], [sflag:$0x3] =	stream.linear.gather [spmem:s8], $0x2800, $0x38;
	[tilespmem:$0x1F000] =	vst v63  }
0x97: {  	_ =	swait.ge [sflag:s29], $0x2800  }
0x98: {  	[sflag:s29] =	ssyncset.done $0x0  }
0x99: {  	s19 =	rddreg [dreg:$0x8];
	[sflag:s29] =	ssyncadd.s32 $0xFFFFD800  }
0x9a: {  	[hbm4b:s19+s3] =	stream.linear.scatter [tilespmem:s28], [sflag:$0x3], $0x2800, $0x38;
	[tilespmem:$0x1F000] =	vst v63  }
0x9b: {  	_ =	swait.ge [sflag:s29], $0x2800  }
0x9c: {  	[sflag:s29] =	ssyncset.done $0x0  }
0x9d: {  	[sflag:s29] =	ssyncadd.s32 $0xFFFFD800  }
0x9e: {  	[tilespmem:s28], [sflag:$0x3] =	stream.linear.gather [spmem:s9], $0x2800, $0x38;
	[tilespmem:$0x1F000] =	vst v63  }
0x9f: {  	_ =	swait.ge [sflag:s29], $0x2800  }
0xa0: {  	[sflag:s29] =	ssyncset.done $0x0  }
0xa1: {  	s20 =	rddreg [dreg:$0x9];
	[sflag:s29] =	ssyncadd.s32 $0xFFFFD800  }
0xa2: {  	[hbm4b:s20+s3] =	stream.linear.scatter [tilespmem:s28], [sflag:$0x3], $0x2800, $0x38;
	[tilespmem:$0x1F000] =	vst v63  }
0xa3: {  	_ =	swait.ge [sflag:s29], $0x2800  }
0xa4: {  	[sflag:s29] =	ssyncset.done $0x0  }
0xa5: {  	[sflag:s29] =	ssyncadd.s32 $0xFFFFD800  }
0xa6: {  	[tilespmem:s28], [sflag:$0x3] =	stream.linear.gather [spmem:s10], $0x2800, $0x38;
	[tilespmem:$0x1F000] =	vst v63  }
0xa7: {  	_ =	swait.ge [sflag:s29], $0x2800  }
0xa8: {  	[sflag:s29] =	ssyncset.done $0x0  }
0xa9: {  	s21 =	rddreg [dreg:$0xa];
	[sflag:s29] =	ssyncadd.s32 $0xFFFFD800  }
0xaa: {  	[hbm4b:s21+s3] =	stream.linear.scatter [tilespmem:s28], [sflag:$0x3], $0x2800, $0x38;
	[tilespmem:$0x1F000] =	vst v63  }
0xab: {  	_ =	swait.ge [sflag:s29], $0x2800  }
0xac: {  	[sflag:s29] =	ssyncset.done $0x0  }
0xad: {  	[sflag:s29] =	ssyncadd.s32 $0xFFFFD800  }
0xae: {  	[tilespmem:s28], [sflag:$0x3] =	stream.linear.gather [spmem:s11], $0x2800, $0x38;
	[tilespmem:$0x1F000] =	vst v63  }
0xaf: {  	_ =	swait.ge [sflag:s29], $0x2800  }
0xb0: {  	[sflag:s29] =	ssyncset.done $0x0  }
0xb1: {  	[sflag:s29] =	ssyncadd.s32 $0xFFFFD800  }
0xb2: {  	[hbm4b:s22+s3] =	stream.linear.scatter [tilespmem:s28], [sflag:$0x3], $0x2800, $0x38;
	[tilespmem:$0x1F000] =	vst v63  }
0xb3: {  	_ =	swait.ge [sflag:s29], $0x2800  }
0xb4: {  	[sflag:s29] =	ssyncset.done $0x0  }
0xb5: {  	[sflag:s29] =	ssyncadd.s32 $0xFFFFD800  }
0xb6: {  	[tilespmem:s28], [sflag:$0x3] =	stream.linear.gather [spmem:s12], $0x2800, $0x38;
	[tilespmem:$0x1F000] =	vst v63  }
0xb7: {  	_ =	swait.ge [sflag:s29], $0x2800  }
0xb8: {  	[sflag:s29] =	ssyncset.done $0x0  }
0xb9: {  	[sflag:s29] =	ssyncadd.s32 $0xFFFFD800  }
0xba: {  	[hbm4b:s23+s3] =	stream.linear.scatter [tilespmem:s28], [sflag:$0x3], $0x2800, $0x38;
	[tilespmem:$0x1F000] =	vst v63  }
0xbb: {  	_ =	swait.ge [sflag:s29], $0x2800  }
0xbc: {  	[sflag:s29] =	ssyncset.done $0x0  }
0xbd: {  	[sflag:s29] =	ssyncadd.s32 $0xFFFFD800  }
0xbe: {  	[tilespmem:s28], [sflag:$0x3] =	stream.linear.gather [spmem:s13], $0x2000, $0x38;
	[tilespmem:$0x1F000] =	vst v63  }
0xbf: {  	_ =	swait.ge [sflag:s29], $0x2000  }
0xc0: {  	[sflag:s29] =	ssyncset.done $0x0  }
0xc1: {  	[sflag:s29] =	ssyncadd.s32 $0xFFFFE000  }
0xc2: {  	[hbm4b:s26+s3] =	stream.linear.scatter [tilespmem:s28], [sflag:$0x3], $0x2000, $0x38;
	[tilespmem:$0x1F000] =	vst v63  }
0xc3: {  	_ =	swait.ge [sflag:s29], $0x2000  }
0xc4: {  	[sflag:s29] =	ssyncset.done $0x0  }
0xc5: {  	s17 =	simm.s32 @!p0 $0x1A000;
	s18 =	simm.s32 @!p0 $0x3;
	[sflag:s29] =	ssyncadd.s32 $0xFFFFE000  }
0xc6: {  	[tilespmem:s17], [sflag:$0x3] =	stream.linear.gather @!p0 [spmem:s14], $0x800, $0x38;
	[tilespmem:$0x1F000] =	vst v63  }
0xc7: {  	s16 =	sadd.s32 $0x1, s16;
	_ =	swait.ge @!p0 [sflag:s18], $0x800  }
0xc8: {  	p1 =	sne.s32 s16, s25;
	[sflag:s18] =	ssyncset.done @!p0 $0x0  }
.Ltmp1:
0xc9: {  	s19 =	simm.s32 @!p0 $0x0;
	[sflag:s18] =	ssyncadd.s32 @!p0 $0xFFFFF800;
	(pc) =	sbr.rel @p1 .LBB2_1-.Ltmp1, $4  }
0xca: {  	[hbm4b:s24+s19] =	stream.linear.scatter @!p0 [tilespmem:s17], [sflag:$0x3], $0x800, $0x38;
	[tilespmem:$0x1F000] =	vst v63  }
0xcb: {  	_ =	swait.ge @!p0 [sflag:s18], $0x800  }
0xcc: {  	[sflag:s18] =	ssyncset.done @!p0 $0x0  }
0xcd: {  	[sflag:s18] =	ssyncadd.s32 @!p0 $0xFFFFF800  }
0xce: {  	_ =	sfence.sel $0x180000  }
0xcf: {  	[bflag:$0x0] =	sbarrier.arrive $0xFFFF  }
0xd0: {  	_ =	strace $0x90000047  }
0xd1: {  	s0 =	stileid.u32;
	[bflag:$0x2] =	sbarrier.arrive $0xFFFF  }
0xd2: {  	p0 =	sne.s32 s0, $0x0;
	s0 =	rddreg [dreg:$0x3]  }
0xd3: {  	s0 =	sadd.s32 @!p0 $0x100000, s0  }
0xd4: {  	[sflag:s0] =	ssyncadd.tile.s32 @!p0 $0x1;
	_ =	shalt  }
.Lfunc_end2:
_tile_overlayer_lowered:
.L_overlay_start_2:
0xd5: {  	(tag) =	ssettag $0x2  }
0xd6: {  	s0 =	rddreg [dreg:$0x0];
	s2 =	stileid.u32  }
0xd7: {  	s1 =	rddreg [dreg:$0x1];
	p0 =	sne.s32 s2, $0x0  }
0xd8: {  	s3 =	rddreg [dreg:$0x2];
	[bflag:$0x3] =	sbarrier.arrive $0xFFFF;
	s2 =	simm.s32 @!p0 $0x1C03  }
0xd9: {  	[timem:s3], [sflag:s2] =	dma.local @!p0 [hbm:s0], s1  }
0xda: {  	s0 =	simm.s32 @!p0 $0x3  }
0xdb: {  	_ =	swait.ge @!p0 [sflag:s0], s1  }
0xdc: {  	s1 =	ssub.s32 @!p0 $0x0, s1;
	[sflag:s0] =	ssyncset.done @!p0 $0x0  }
0xdd: {  	[sflag:s0] =	ssyncadd.s32 @!p0 s1  }
0xde: {  	[bflag:$0x3] =	sbarrier.arrive $0xFFFF  }
0xdf: {  	_ =	shalt  }

// kernel: _run.16.cloned.1.call-start
scs
__scs_entry_jumppad:
0x0: {  	(pc) =	sbr.rel $0x88, $3  }
0x1: {  	(tag) =	ssettag $0x0;
	lr =	simm.s32 $0x1  }
0x2: {  	[smem:$0x3F96] =	sst lr;
	_ =	strace $0xD0000000  }
0x3: {  	_ = 	snop  }
0x4: {  	_ = 	snop  }
0x5: {  	_ = 	snop  }
0x6: {  	_ = 	snop  }
0x7: {  	_ = 	snop  }
__scs_overlays_trampoline_lowered:
0x8: {  	[smem:$0x3FA5] =	sst s0  }
0x9: {  	[smem:$0x3FA6] =	sst s1  }
0xa: {  	[smem:$0x3FA7] =	sst s2  }
0xb: {  	[smem:$0x3FA8] =	sst s3  }
0xc: {  	[smem:$0x3FA9] =	sst s4  }
0xd: {  	[smem:$0x3FAA] =	sst s5  }
0xe: {  	[smem:$0x3FAB] =	sst s6  }
0xf: {  	[smem:$0x3FAC] =	sst s7  }
0x10: {  	[smem:$0x3FAD] =	sst s8  }
0x11: {  	[smem:$0x3FAE] =	sst s9;
	s0 =	simm.s32 @!p0 $0x0  }
0x12: {  	s1 =	sld [smem:$0x3F94];
	s0 =	simm.s32 @p0 $0x1  }
0x13: {  	[smem:$0x3FAF] =	sst s0;
	s0 =	simm.s32 @!p1 $0x0  }
0x14: {  	s2 =	sld [smem:$0x3F93];
	s0 =	simm.s32 @p1 $0x1  }
0x15: {  	[smem:$0x3FB0] =	sst s0;
	s0 =	simm.s32 @!p2 $0x0  }
0x16: {  	s3 =	sld [smem:$0x3FDB];
	s0 =	simm.s32 @p2 $0x1  }
0x17: {  	s4 =	simm.s32 $0x1BF5;
	[smem:$0x3FB2] =	sst s0  }
0x18: {  	s0 =	sld [smem:$0x3F95];
	_ =	swait.ge [sflag:s4], $0x0  }
0x19: {  	s7 =	sld [smem:$0x3F96]  }
0x1a: {  	s8 =	sadd.s32 $0xFFFFE003, lr  }
0x1b: {  	s9 =	sadd.s32 $0xFFFFFEF7, lr;
	s5 =	simm.s32 $0xFFFFFFFF;
	p2 =	slt.u32 s8, $0xFFFFF086  }
0x1c: {  	p1 =	slt.u32 s9, $0xF7A;
	s5 =	simm.s32 @!p2 $0x0  }
0x1d: {  	s5 =	simm.s32 @p1 $0x1;
	p0 =	seq.s32 s7, s2  }
0x1e: {  	s7 =	smul.u32 @!p0 $0xF7A, s2;
	p2 =	seq.s32 @!p0 s5, $0x0  }
0x1f: {  	s9 =	smul.u32 $0xF7A, s1;
	s8 =	simm.s32 @!p0 $0x1BF5;
	p2 =	por !p2, p0  }
0x20: {  	[sflag:s8] =	ssyncset.s32 @!p0 $0xFFFFF086;
	s6 =	sadd.s32 @!p0 s3, s7;
	s7 =	simm.s32 @!p0 $0x108  }
0x21: {  	s3 =	sadd.s32 s3, s9;
	s6 =	sadd.s32 @!p0 $0x88, s6;
	s7 =	simm.s32 @p2 $0x1082  }
0x22: {  	[simem:s7], [sflag:s8] =	dma.local @!p0 [hbm:s6], $0xF7A  }
0x23: {  	s9 =	sor.u32 $0xD0000000, s2;
	s6 =	simm.s32 $0x108;
	_ =	swait.ge @!p0 [sflag:s8], $0x0  }
0x24: {  	s3 =	sadd.s32 $0x88, s3;
	s6 =	simm.s32 @!p1 $0x1082;
	[sflag:s4] =	ssyncset.s32 $0xFFFFF086  }
0x25: {  	[simem:s6], [sflag:s4] =	dma.local [hbm:s3], $0xF7A  }
0x26: {  	[smem:$0x3F96] =	sst s1;
	(tag) =	ssettag s2;
	_ =	strace s9  }
0x27: {  	s1 =	sld [smem:$0x3FA6]  }
0x28: {  	s2 =	sld [smem:$0x3FA7]  }
0x29: {  	s4 =	sld [smem:$0x3FA9]  }
0x2a: {  	p0 =	seq.s32 s5, $0x0;
	s5 =	sld [smem:$0x3FAA]  }
0x2b: {  	s6 =	sld [smem:$0x3FAB]  }
0x2c: {  	s7 =	sld [smem:$0x3FAC]  }
0x2d: {  	s3 =	simm.s32 $0x108;
	s8 =	sld [smem:$0x3FAD]  }
0x2e: {  	s3 =	simm.s32 @!p0 $0x1082;
	s9 =	sld [smem:$0x3FAE]  }
0x2f: {  	lr =	sadd.s32 s0, s3;
	s0 =	sld [smem:$0x3FA5]  }
0x30: {  	s3 =	sld [smem:$0x3FA8]  }
0x31: {  	[smem:$0x3FB1] =	sst s10  }
0x32: {  	s10 =	sld [smem:$0x3FAF];
	_ =	sdelay $0x3  }
0x33: {  	p0 =	seq.s32 s10, $0x1;
	s10 =	sld [smem:$0x3FB1];
	_ =	sdelay $0x3  }
0x34: {  	[smem:$0x3FB1] =	sst s10  }
0x35: {  	s10 =	sld [smem:$0x3FB0];
	_ =	sdelay $0x3  }
0x36: {  	p1 =	seq.s32 s10, $0x1;
	s10 =	sld [smem:$0x3FB1];
	_ =	sdelay $0x3  }
0x37: {  	[smem:$0x3FB1] =	sst s10  }
0x38: {  	s10 =	sld [smem:$0x3FB2]  }
0x39: {  	_ = 	snop;
	(pc) =	sbr.ind lr, $3  }
0x3a: {  	_ = 	snop  }
0x3b: {  	_ = 	snop  }
0x3c: {  	p2 =	seq.s32 s10, $0x1;
	s10 =	sld [smem:$0x3FB1]  }
0x3d: {  	_ =	shalt  }
0x3e: {  	_ =	shalt  }
0x3f: {  	_ =	shalt  }
0x40: {  	_ =	shalt  }
0x41: {  	_ =	shalt  }
0x42: {  	_ =	shalt  }
0x43: {  	_ =	shalt  }
0x44: {  	_ =	shalt  }
0x45: {  	_ =	shalt  }
0x46: {  	_ =	shalt  }
0x47: {  	_ =	shalt  }
0x48: {  	_ =	shalt  }
0x49: {  	_ =	shalt  }
0x4a: {  	_ =	shalt  }
0x4b: {  	_ =	shalt  }
0x4c: {  	_ =	shalt  }
0x4d: {  	_ =	shalt  }
0x4e: {  	_ =	shalt  }
0x4f: {  	_ =	shalt  }
0x50: {  	_ =	shalt  }
0x51: {  	_ =	shalt  }
0x52: {  	_ =	shalt  }
0x53: {  	_ =	shalt  }
0x54: {  	_ =	shalt  }
0x55: {  	_ =	shalt  }
0x56: {  	_ =	shalt  }
0x57: {  	_ =	shalt  }
0x58: {  	_ =	shalt  }
0x59: {  	_ =	shalt  }
0x5a: {  	_ =	shalt  }
0x5b: {  	_ =	shalt  }
0x5c: {  	_ =	shalt  }
0x5d: {  	_ =	shalt  }
0x5e: {  	_ =	shalt  }
0x5f: {  	_ =	shalt  }
0x60: {  	_ =	shalt  }
0x61: {  	_ =	shalt  }
0x62: {  	_ =	shalt  }
0x63: {  	_ =	shalt  }
0x64: {  	_ =	shalt  }
0x65: {  	_ =	shalt  }
0x66: {  	_ =	shalt  }
0x67: {  	_ =	shalt  }
0x68: {  	_ =	shalt  }
0x69: {  	_ =	shalt  }
0x6a: {  	_ =	shalt  }
0x6b: {  	_ =	shalt  }
0x6c: {  	_ =	shalt  }
0x6d: {  	_ =	shalt  }
0x6e: {  	_ =	shalt  }
0x6f: {  	_ =	shalt  }
0x70: {  	_ =	shalt  }
0x71: {  	_ =	shalt  }
0x72: {  	_ =	shalt  }
0x73: {  	_ =	shalt  }
0x74: {  	_ =	shalt  }
0x75: {  	_ =	shalt  }
0x76: {  	_ =	shalt  }
0x77: {  	_ =	shalt  }
0x78: {  	_ =	shalt  }
0x79: {  	_ =	shalt  }
0x7a: {  	_ =	shalt  }
0x7b: {  	_ =	shalt  }
0x7c: {  	_ =	shalt  }
0x7d: {  	_ =	shalt  }
0x7e: {  	_ =	shalt  }
0x7f: {  	_ =	shalt  }
0x80: {  	_ =	shalt  }
0x81: {  	_ =	shalt  }
0x82: {  	_ =	shalt  }
0x83: {  	_ =	shalt  }
0x84: {  	_ =	shalt  }
0x85: {  	_ =	shalt  }
0x86: {  	_ =	shalt  }
0x87: {  	_ =	shalt  }
.Lfunc_end0:
.L_simem_size_0:
called_computation.2_lowered:
.L_overlay_start_0:
0x88: {  	s2 =	sld [smem:$0x3FD9]  }
0x89: {  	s3 =	sld [smem:$0x3FFE];
	_ =	sdelay $0x1  }
0x8a: {  	s1 =	srdreg.scid  }
0x8b: {  	s0 =	sand.u32 $0x1, s1  }
0x8c: {  	s17 =	sshll.u32 s0, $0xA;
	s2 =	sadd.s32 s3, s2  }
0x8d: {  	s2 =	sadd.s32 s2, s17  }
0x8e: {  	[smem:$0x3FBD] =	sst s2  }
0x8f: {  	_ = 	snop  }
0x90: {  	s2 =	sld [smem:$0x3FC8];
	(tm) =	ssettm $0x1  }
0x91: {  	s18 =	sld [smem:$0x3FFB];
	_ =	sdelay $0x3  }
0x92: {  	_ =	strace s18  }
0x93: {  	s3 =	sld [smem:$0x3FFC];
	_ =	sdelay $0x3  }
0x94: {  	_ =	strace s3  }
0x95: {  	s3 =	sld [smem:$0x3FFD];
	_ =	sdelay $0x3  }
0x96: {  	_ =	strace s3  }
0x97: {  	_ =	strace $0x8FFFFFFF  }
0x98: {  	s19 =	sld [smem:$0x3FDB];
	_ =	sdelay $0x1  }
0x99: {  	s4 =	simm.s32 $_scs_section_size  }
0x9a: {  	s5 =	simm.s32 $_size__tile_overlayer_lowered;
	s6 =	simm.s32 $_tile_overlayer_lowered  }
0x9b: {  	s22 =	simm.s32 $0x1BFF;
	s21 =	sshll.u32 s6, $0x1;
	s3 =	sadd.s32 s4, s19  }
0x9c: {  	s7 =	simm.s32 $0x0;
	s20 =	sshll.u32 s5, $0x1;
	s5 =	sadd.s32 s21, s3  }
0x9d: {  	[timem:s7], [sflag:s22] =	dma.local [hbm:s5], s20  }
0x9e: {  	_ =	swait.ge [sflag:s22], s20  }
0x9f: {  	s4 =	ssub.s32 $0x0, s20;
	[sflag:s22] =	ssyncset.done $0x0  }
0xa0: {  	[sflag:s22] =	ssyncadd.s32 s4;
	_ =	sdelay $0x1  }
0xa1: {  	s23 =	simm.s32 $0x1B8B  }
0xa2: {  	_ =	swait.ge [sflag:s23], $0x1  }
0xa3: {  	[sflag:s23] =	ssyncset.done $0x0  }
0xa4: {  	s25 =	simm.s32 $0x1B8E;
	s24 =	sld [smem:$0x3FFE];
	[sflag:s23] =	ssyncadd.s32 $0xFFFFFFFF  }
0xa5: {  	s26 =	simm.s32 $execute0_lowered;
	[smem:$0x3FD2] =	sst s25  }
0xa6: {  	s5 =	sshll.u32 s26, $0x1;
	_ =	strace $0x8000004C;
	[dreg:$0x1] =	wrdreg $0xFFFFFFFF  }
0xa7: {  	s28 =	simm.s32 $_size_execute0_lowered;
	s3 =	sadd.s32 s3, s5;
	[dreg:$0x0] =	wrdreg $0x0  }
0xa8: {  	s5 =	sshll.u32 s28, $0x1;
	[dreg:$0x2] =	wrdreg s3  }
0xa9: {  	[dreg:$0x3] =	wrdreg s5  }
0xaa: {  	[dreg:$0x4] =	wrdreg $0xC0  }
0xab: {  	_ =	task [dreg:s7], $0x5FFFF  }
0xac: {  	[dreg:$0x1] =	wrdreg $0xFFFFFFFF  }
0xad: {  	[dreg:$0x0] =	wrdreg $0x60  }
0xae: {  	[dreg:$0x2] =	wrdreg s24  }
0xaf: {  	[dreg:$0x3] =	wrdreg s2  }
0xb0: {  	[dreg:$0x4] =	wrdreg $0x0  }
0xb1: {  	[dreg:$0x5] =	wrdreg $0x9  }
0xb2: {  	_ =	task.clear_ibuf [dreg:s7], $0x6FFFF;
	_ =	strace $0x9000004C  }
0xb3: {  	s29 =	simm.s32 $0x9;
	_ =	strace $0x8000004E  }
0xb4: {  	_ =	swait.ge [sflag:s29], $0x1  }
0xb5: {  	[sflag:s29] =	ssyncadd.s32 $0xFFFFFFFF  }
0xb6: {  	_ =	strace $0x9000004E  }
0xb7: {  	_ =	sfence  }
0xb8: {  	s30 =	sld [smem:$0x0];
	_ =	sdelay $0x2  }
0xb9: {  	s31 =	sshll.u32 s1, $0xD;
	s1 =	sshrl.u32 s1, $0x2  }
0xba: {  	s3 =	sand.u32 $0x4000, s31;
	s1 =	sadd.s32 s1, s30  }
0xbb: {  	s0 =	sor.u32 s3, s0;
	s1 =	sshll.u32 s1, $0x11  }
0xbc: {  	s0 =	sor.u32 s1, s0  }
0xbd: {  	s0 =	sadd.s32 $0x8F2B, s0  }
0xbe: {  	[sflag:s0] =	ssyncadd.remote.s32 $0x1  }
0xbf: {  	_ =	sfence.sel $0xFFFF  }
0xc0: {  	[dreg:$0x0] =	wrdreg $0xFFFFFFFF;
	(pc) =	sbr.abs _section_cstart, $3  }
0xc1: {  	[dreg:$0x1] =	wrdreg $0xFFFFFFFF  }
0xc2: {  	_ =	task.clear_ibuf [dreg:s7], $0x2FFFF;
	_ =	strace $0x9FFFFFFF  }
0xc3: {  	(tm) =	ssettm $0x7FFFFFFF  }
tec
execute0_lowered:
.L_overlay_start_1:
0x0: {  	(tag) =	ssettag $0x1  }
0x1: {  	s0 =	rddreg [dreg:$0x0]  }
0x2: {  	s2 =	rddreg [dreg:$0x1]  }
0x3: {  	s1 =	rddreg [dreg:$0x2];
	s3 =	simm.s32 $0x0  }
0x4: {  	s20 =	stileid.u32;
	s6 =	srdreg.scid;
	s28 =	simm.s32 $0x1A000  }
0x5: {  	s29 =	simm.s32 $0x3;
	s30 =	simm.s32 $0x13880;
	s31 =	simm.s32 $0x1  }
0x6: {  	[smem:$0x7FF] =	sst s3;
	s4 =	sadd.s32 $0xBA00, s0;
	s5 =	sshll.u32 s20, $0xB  }
0x7: {  	s7 =	smul.u32 $0x4E000, s20;
	s8 =	sadd.s32 $0x59C00, s0;
	s16 =	sand.u32 $0x1, s6  }
0x8: {  	s14 =	smul.u32 $0x270, s20;
	p0 =	sne.s32 s20, $0xF;
	_ =	strace $0x8000004D  }
0x9: {  	s5 =	sadd.s32 s5, s0;
	[dreg:$0x4] =	wrdreg s8;
	s0 =	sadd.s32 $0x11D400, s0  }
0xa: {  	s17 =	ssub.s32 $0x2, s16;
	s15 =	smul.u32 $0x27100, s16;
	s18 =	sshrl.u32 s7, $0x2  }
0xb: {  	s19 =	sshrl.u32 s17, $0x1;
	s6 =	sadd.s32 s18, s1;
	s18 =	smul.u32 $0x2710, s16  }
0xc: {  	s21 =	sadd.s32 $0x3A00, s5;
	s17 =	ssub.s32 s17, s19;
	s19 =	smul.u32 $0x2710, s20  }
0xd: {  	s5 =	simm.s32 $0x2;
	s16 =	smul.u32 $0x138800, s16;
	[dreg:$0x6] =	wrdreg s21  }
0xe: {  	s7 =	sadd.s32 $0x2800, s6;
	s8 =	sadd.s32 $0x5000, s6;
	s9 =	sadd.s32 $0x7800, s6  }
0xf: {  	s10 =	sadd.s32 $0xA000, s6;
	s11 =	sadd.s32 $0xC800, s6;
	s12 =	sadd.s32 $0xF000, s6  }
0x10: {  	s13 =	sadd.s32 $0x11800, s6;
	s18 =	sadd.s32 s14, s18;
	s15 =	sadd.s32 s19, s15  }
0x11: {  	s14 =	sadd.s32 $0x138000, s1;
	s18 =	sshll.u32 s18, $0x4;
	s19 =	sshrl.u32 s15, $0x3  }
0x12: {  	s25 =	sshrl.u32 s16, $0x3;
	s15 =	sadd.s32 s0, s18;
	s2 =	sadd.s32 s2, s19  }
0x13: {  	s16 =	simm.s32 $0x0;
	[dreg:$0x5] =	wrdreg s2;
	s22 =	sadd.s32 $0x500, s15  }
0x14: {  	s0 =	sadd.s32 s0, s25;
	s23 =	sadd.s32 $0xA00, s15;
	[dreg:$0x7] =	wrdreg s22  }
0x15: {  	s25 =	smax.u32 s17, $0x1;
	s24 =	sadd.s32 $0xF00, s15;
	[dreg:$0x8] =	wrdreg s23  }
0x16: {  	s26 =	sadd.s32 $0x1400, s15;
	s2 =	simm.s32 $0x1C800;
	[dreg:$0x9] =	wrdreg s24  }
0x17: {  	[dreg:$0xa] =	wrdreg s26;
	s22 =	sadd.s32 $0x1900, s15;
	s23 =	sadd.s32 $0x1E00, s15  }
0x18: {  	s24 =	sadd.s32 $0x27000, s0;
	s26 =	sadd.s32 $0x2300, s15;
	s0 =	simm.s32 $0x50  }
.LBB2_1:
0x19: {  	s17 =	rddreg [dreg:$0x4]  }
0x1a: {  	[tilespmem:s28], [sflag:$0x3] =	stream.linear.gather [hbm4b:s17+s3], $0x2800, $0x38;
	[tilespmem:$0x1F000] =	vst v63  }
0x1b: {  	_ =	swait.ge [sflag:s29], $0x2800  }
0x1c: {  	[sflag:s29] =	ssyncset.done $0x0  }
0x1d: {  	[sflag:s29] =	ssyncadd.s32 $0xFFFFD800  }
0x1e: {  	[spmem:s6] =	stream.linear.scatter [tilespmem:s28], [sflag:$0x3], $0x2800, $0x38;
	[tilespmem:$0x1F000] =	vst v63  }
0x1f: {  	_ =	swait.ge [sflag:s29], $0x2800  }
0x20: {  	[sflag:s29] =	ssyncset.done $0x0  }
0x21: {  	[sflag:s29] =	ssyncadd.s32 $0xFFFFD800  }
0x22: {  	[spmem:s7] =	stream.linear.scatter [tilespmem:s28], [sflag:$0x3], $0x2800, $0x38;
	[tilespmem:$0x1F000] =	vst v63  }
0x23: {  	_ =	swait.ge [sflag:s29], $0x2800  }
0x24: {  	[sflag:s29] =	ssyncset.done $0x0  }
0x25: {  	[sflag:s29] =	ssyncadd.s32 $0xFFFFD800  }
0x26: {  	[spmem:s8] =	stream.linear.scatter [tilespmem:s28], [sflag:$0x3], $0x2800, $0x38;
	[tilespmem:$0x1F000] =	vst v63  }
0x27: {  	_ =	swait.ge [sflag:s29], $0x2800  }
0x28: {  	[sflag:s29] =	ssyncset.done $0x0  }
0x29: {  	[sflag:s29] =	ssyncadd.s32 $0xFFFFD800  }
0x2a: {  	[spmem:s9] =	stream.linear.scatter [tilespmem:s28], [sflag:$0x3], $0x2800, $0x38;
	[tilespmem:$0x1F000] =	vst v63  }
0x2b: {  	_ =	swait.ge [sflag:s29], $0x2800  }
0x2c: {  	[sflag:s29] =	ssyncset.done $0x0  }
0x2d: {  	[sflag:s29] =	ssyncadd.s32 $0xFFFFD800  }
0x2e: {  	[spmem:s10] =	stream.linear.scatter [tilespmem:s28], [sflag:$0x3], $0x2800, $0x38;
	[tilespmem:$0x1F000] =	vst v63  }
0x2f: {  	_ =	swait.ge [sflag:s29], $0x2800  }
0x30: {  	[sflag:s29] =	ssyncset.done $0x0  }
0x31: {  	[sflag:s29] =	ssyncadd.s32 $0xFFFFD800  }
0x32: {  	[spmem:s11] =	stream.linear.scatter [tilespmem:s28], [sflag:$0x3], $0x2800, $0x38;
	[tilespmem:$0x1F000] =	vst v63  }
0x33: {  	_ =	swait.ge [sflag:s29], $0x2800  }
0x34: {  	[sflag:s29] =	ssyncset.done $0x0  }
0x35: {  	[sflag:s29] =	ssyncadd.s32 $0xFFFFD800  }
0x36: {  	[spmem:s12] =	stream.linear.scatter [tilespmem:s28], [sflag:$0x3], $0x2800, $0x38;
	[tilespmem:$0x1F000] =	vst v63  }
0x37: {  	_ =	swait.ge [sflag:s29], $0x2800  }
0x38: {  	[sflag:s29] =	ssyncset.done $0x0  }
0x39: {  	[sflag:s29] =	ssyncadd.s32 $0xFFFFD800  }
0x3a: {  	[spmem:s13] =	stream.linear.scatter [tilespmem:s28], [sflag:$0x3], $0x2000, $0x38;
	[tilespmem:$0x1F000] =	vst v63  }
0x3b: {  	_ =	swait.ge [sflag:s29], $0x2000  }
0x3c: {  	[sflag:s29] =	ssyncset.done $0x0  }
0x3d: {  	s17 =	simm.s32 @!p0 $0x1A000;
	[sflag:s29] =	ssyncadd.s32 $0xFFFFE000  }
0x3e: {  	[spmem:s14] =	stream.linear.scatter @!p0 [tilespmem:s17], [sflag:$0x3], $0x800, $0x38;
	[tilespmem:$0x1F000] =	vst v63  }
0x3f: {  	s17 =	simm.s32 @!p0 $0x3  }
0x40: {  	_ =	swait.ge @!p0 [sflag:s17], $0x800  }
0x41: {  	[sflag:s17] =	ssyncset.done @!p0 $0x0  }
0x42: {  	s20 =	rddreg [dreg:$0x5];
	[sflag:s17] =	ssyncadd.s32 @!p0 $0xFFFFF800  }
0x43: {  	[tilespmem:s30], [sflag:$0x3] =	stream.linear.gather [hbm4b:s20+s3], $0x2710, $0x38;
	[tilespmem:$0x1F000] =	vst v63  }
0x44: {  	_ =	swait.ge [sflag:s29], $0x2710  }
0x45: {  	[sflag:s29] =	ssyncset.done $0x0  }
0x46: {  	s18 =	simm.s32 $0x16000;
	s21 =	rddreg [dreg:$0x6];
	[sflag:s29] =	ssyncadd.s32 $0xFFFFD8F0  }
0x47: {  	[tilespmem:s18], [sflag:$0x3] =	stream.linear.gather [hbm4b:s21+s3], $0x3E80, $0x38;
	[tilespmem:$0x1F000] =	vst v63  }
0x48: {  	_ =	swait.ge [sflag:s29], $0x3E80  }
0x49: {  	[sflag:s29] =	ssyncset.done $0x0  }
0x4a: {  	[sflag:s29] =	ssyncadd.s32 $0xFFFFC180  }
0x4b: {  	[bflag:$0x0] =	sbarrier.arrive $0xFFFF  }
0x4c: {  	[tilespmem:s28], [sflag:$0x1] =	stream.indirect.gather [hbm4b:s4+s0], $0x80, s30, s0, $0xb8;
	[tilespmem:$0x1F000] =	vst v63  }
0x4d: {  	s18 =	simm.s32 $0x138D0  }
0x4e: {  	[tilespmem:s2], [sflag:$0x2] =	stream.indirect.gather [hbm4b:s4+s0], $0x80, s18, s0, $0xb8;
	[tilespmem:$0x1F000] =	vst v63  }
0x4f: {  	_ =	swait.ge [sflag:s31], $0x2800  }
0x50: {  	[sflag:s31] =	ssyncset.done $0x0  }
0x51: {  	s19 =	simm.s32 $0x16000;
	[sflag:s31] =	ssyncadd.s32 $0xFFFFD800  }
0x52: {  	[spmem:s1] =	stream.indirect.scatter.add.f32 [tilespmem:s28], [sflag:$0x3], $0x80, s19, s0, $0xb8;
	[tilespmem:$0x1F000] =	vst v63  }
0x53: {  	_ =	swait.ge [sflag:s29], $0x2800  }
0x54: {  	[sflag:s29] =	ssyncset.done $0x0  }
0x55: {  	s20 =	simm.s32 $0x13920;
	[sflag:s29] =	ssyncadd.s32 $0xFFFFD800  }
0x56: {  	[tilespmem:s28], [sflag:$0x1] =	stream.indirect.gather [hbm4b:s4+s0], $0x80, s20, s0, $0xb8;
	[tilespmem:$0x1F000] =	vst v63  }
0x57: {  	_ =	swait.ge [sflag:s5], $0x2800  }
0x58: {  	[sflag:s5] =	ssyncset.done $0x0  }
0x59: {  	s21 =	simm.s32 $0x16080;
	[sflag:s5] =	ssyncadd.s32 $0xFFFFD800  }
0x5a: {  	[spmem:s1] =	stream.indirect.scatter.add.f32 [tilespmem:s2], [sflag:$0x3], $0x80, s21, s0, $0xb8;
	[tilespmem:$0x1F000] =	vst v63  }
0x5b: {  	s17 =	simm.s32 $0x139C0;
	_ =	swait.ge [sflag:s29], $0x2800  }
0x5c: {  	s18 =	simm.s32 $0x400;
	s19 =	simm.s32 $0x800;
	[sflag:s29] =	ssyncset.done $0x0  }
.LBB2_2:
0x5d: {  	p1 =	sne.s32 s19, $0xF400;
	s20 =	sadd.s32 $0xFFFFFFB0, s17;
	[sflag:s29] =	ssyncadd.s32 $0xFFFFD800  }
0x5e: {  	[tilespmem:s2], [sflag:$0x2] =	stream.indirect.gather [hbm4b:s4+s0], $0x80, s20, s0, $0xb8;
	[tilespmem:$0x1F000] =	vst v63  }
0x5f: {  	s20 =	smov.u32 s19;
	s19 =	sadd.s32 $0x400, s19;
	_ =	swait.ge [sflag:s31], $0x2800  }
0x60: {  	s21 =	sshra.s32 s18, $0x2;
	s18 =	smov.u32 s20;
	[sflag:s31] =	ssyncset.done $0x0  }
0x61: {  	s20 =	sadd.s32 $0x16000, s21;
	[sflag:s31] =	ssyncadd.s32 $0xFFFFD800  }
0x62: {  	[spmem:s1] =	stream.indirect.scatter.add.f32 [tilespmem:s28], [sflag:$0x3], $0x80, s20, s0, $0xb8;
	[tilespmem:$0x1F000] =	vst v63  }
0x63: {  	_ =	swait.ge [sflag:s29], $0x2800  }
0x64: {  	[sflag:s29] =	ssyncset.done $0x0  }
0x65: {  	[sflag:s29] =	ssyncadd.s32 $0xFFFFD800  }
0x66: {  	[tilespmem:s28], [sflag:$0x1] =	stream.indirect.gather [hbm4b:s4+s0], $0x80, s17, s0, $0xb8;
	[tilespmem:$0x1F000] =	vst v63  }
0x67: {  	_ =	swait.ge [sflag:s5], $0x2800  }
.Ltmp0:
0x68: {  	[sflag:s5] =	ssyncset.done $0x0;
	(pc) =	sbr.rel @p1 .LBB2_2-.Ltmp0, $4  }
0x69: {  	s20 =	sadd.s32 $0x16080, s21;
	[sflag:s5] =	ssyncadd.s32 $0xFFFFD800  }
0x6a: {  	[spmem:s1] =	stream.indirect.scatter.add.f32 [tilespmem:s2], [sflag:$0x3], $0x80, s20, s0, $0xb8;
	[tilespmem:$0x1F000] =	vst v63  }
0x6b: {  	_ =	swait.ge [sflag:s29], $0x2800  }
0x6c: {  	s17 =	sadd.s32 $0xA0, s17;
	[sflag:s29] =	ssyncset.done $0x0  }
0x6d: {  	s19 =	sadd.s32 $0xFFFFFFB0, s17;
	[sflag:s29] =	ssyncadd.s32 $0xFFFFD800  }
0x6e: {  	[tilespmem:s2], [sflag:$0x2] =	stream.indirect.gather [hbm4b:s4+s0], $0x80, s19, s0, $0xb8;
	[tilespmem:$0x1F000] =	vst v63  }
0x6f: {  	_ =	swait.ge [sflag:s31], $0x2800  }
0x70: {  	s18 =	sshra.s32 s18, $0x2;
	[sflag:s31] =	ssyncset.done $0x0  }
0x71: {  	s21 =	sadd.s32 $0x16000, s18;
	[sflag:s31] =	ssyncadd.s32 $0xFFFFD800  }
0x72: {  	[spmem:s1] =	stream.indirect.scatter.add.f32 [tilespmem:s28], [sflag:$0x3], $0x80, s21, s0, $0xb8;
	[tilespmem:$0x1F000] =	vst v63  }
0x73: {  	_ =	swait.ge [sflag:s29], $0x2800  }
0x74: {  	[sflag:s29] =	ssyncset.done $0x0  }
0x75: {  	[sflag:s29] =	ssyncadd.s32 $0xFFFFD800  }
0x76: {  	[tilespmem:s28], [sflag:$0x1] =	stream.indirect.gather [hbm4b:s4+s0], $0x80, s17, s0, $0xb8;
	[tilespmem:$0x1F000] =	vst v63  }
0x77: {  	_ =	swait.ge [sflag:s5], $0x2800  }
0x78: {  	[sflag:s5] =	ssyncset.done $0x0  }
0x79: {  	s20 =	sadd.s32 $0x16080, s18;
	[sflag:s5] =	ssyncadd.s32 $0xFFFFD800  }
0x7a: {  	[spmem:s1] =	stream.indirect.scatter.add.f32 [tilespmem:s2], [sflag:$0x3], $0x80, s20, s0, $0xb8;
	[tilespmem:$0x1F000] =	vst v63  }
0x7b: {  	_ =	swait.ge [sflag:s29], $0x2800  }
0x7c: {  	[sflag:s29] =	ssyncset.done $0x0  }
0x7d: {  	[sflag:s29] =	ssyncadd.s32 $0xFFFFD800  }
0x7e: {  	_ =	swait.ge [sflag:s31], $0x2800  }
0x7f: {  	[sflag:s31] =	ssyncset.done $0x0  }
0x80: {  	s21 =	simm.s32 $0x19E00;
	[sflag:s31] =	ssyncadd.s32 $0xFFFFD800  }
0x81: {  	[spmem:s1] =	stream.indirect.scatter.add.f32 [tilespmem:s28], [sflag:$0x3], $0x80, s21, s0, $0xb8;
	[tilespmem:$0x1F000] =	vst v63  }
0x82: {  	_ =	swait.ge [sflag:s29], $0x2800  }
0x83: {  	[sflag:s29] =	ssyncset.done $0x0  }
0x84: {  	[sflag:s29] =	ssyncadd.s32 $0xFFFFD800  }
0x85: {  	[bflag:$0x0] =	sbarrier.arrive $0xFFFF  }
0x86: {  	[tilespmem:s28], [sflag:$0x3] =	stream.linear.gather [spmem:s6], $0x2800, $0x38;
	[tilespmem:$0x1F000] =	vst v63  }
0x87: {  	_ =	swait.ge [sflag:s29], $0x2800  }
0x88: {  	[sflag:s29] =	ssyncset.done $0x0  }
0x89: {  	[sflag:s29] =	ssyncadd.s32 $0xFFFFD800  }
0x8a: {  	[hbm4b:s15+s3] =	stream.linear.scatter [tilespmem:s28], [sflag:$0x3], $0x2800, $0x38;
	[tilespmem:$0x1F000] =	vst v63  }
0x8b: {  	_ =	swait.ge [sflag:s29], $0x2800  }
0x8c: {  	[sflag:s29] =	ssyncset.done $0x0  }
0x8d: {  	[sflag:s29] =	ssyncadd.s32 $0xFFFFD800  }
0x8e: {  	[tilespmem:s28], [sflag:$0x3] =	stream.linear.gather [spmem:s7], $0x2800, $0x38;
	[tilespmem:$0x1F000] =	vst v63  }
0x8f: {  	_ =	swait.ge [sflag:s29], $0x2800  }
0x90: {  	[sflag:s29] =	ssyncset.done $0x0  }
0x91: {  	s18 =	rddreg [dreg:$0x7];
	[sflag:s29] =	ssyncadd.s32 $0xFFFFD800  }
0x92: {  	[hbm4b:s18+s3] =	stream.linear.scatter [tilespmem:s28], [sflag:$0x3], $0x2800, $0x38;
	[tilespmem:$0x1F000] =	vst v63  }
0x93: {  	_ =	swait.ge [sflag:s29], $0x2800  }
0x94: {  	[sflag:s29] =	ssyncset.done $0x0  }
0x95: {  	[sflag:s29] =	ssyncadd.s32 $0xFFFFD800  }
0x96: {  	[tilespmem:s28], [sflag:$0x3] =	stream.linear.gather [spmem:s8], $0x2800, $0x38;
	[tilespmem:$0x1F000] =	vst v63  }
0x97: {  	_ =	swait.ge [sflag:s29], $0x2800  }
0x98: {  	[sflag:s29] =	ssyncset.done $0x0  }
0x99: {  	s19 =	rddreg [dreg:$0x8];
	[sflag:s29] =	ssyncadd.s32 $0xFFFFD800  }
0x9a: {  	[hbm4b:s19+s3] =	stream.linear.scatter [tilespmem:s28], [sflag:$0x3], $0x2800, $0x38;
	[tilespmem:$0x1F000] =	vst v63  }
0x9b: {  	_ =	swait.ge [sflag:s29], $0x2800  }
0x9c: {  	[sflag:s29] =	ssyncset.done $0x0  }
0x9d: {  	[sflag:s29] =	ssyncadd.s32 $0xFFFFD800  }
0x9e: {  	[tilespmem:s28], [sflag:$0x3] =	stream.linear.gather [spmem:s9], $0x2800, $0x38;
	[tilespmem:$0x1F000] =	vst v63  }
0x9f: {  	_ =	swait.ge [sflag:s29], $0x2800  }
0xa0: {  	[sflag:s29] =	ssyncset.done $0x0  }
0xa1: {  	s20 =	rddreg [dreg:$0x9];
	[sflag:s29] =	ssyncadd.s32 $0xFFFFD800  }
0xa2: {  	[hbm4b:s20+s3] =	stream.linear.scatter [tilespmem:s28], [sflag:$0x3], $0x2800, $0x38;
	[tilespmem:$0x1F000] =	vst v63  }
0xa3: {  	_ =	swait.ge [sflag:s29], $0x2800  }
0xa4: {  	[sflag:s29] =	ssyncset.done $0x0  }
0xa5: {  	[sflag:s29] =	ssyncadd.s32 $0xFFFFD800  }
0xa6: {  	[tilespmem:s28], [sflag:$0x3] =	stream.linear.gather [spmem:s10], $0x2800, $0x38;
	[tilespmem:$0x1F000] =	vst v63  }
0xa7: {  	_ =	swait.ge [sflag:s29], $0x2800  }
0xa8: {  	[sflag:s29] =	ssyncset.done $0x0  }
0xa9: {  	s21 =	rddreg [dreg:$0xa];
	[sflag:s29] =	ssyncadd.s32 $0xFFFFD800  }
0xaa: {  	[hbm4b:s21+s3] =	stream.linear.scatter [tilespmem:s28], [sflag:$0x3], $0x2800, $0x38;
	[tilespmem:$0x1F000] =	vst v63  }
0xab: {  	_ =	swait.ge [sflag:s29], $0x2800  }
0xac: {  	[sflag:s29] =	ssyncset.done $0x0  }
0xad: {  	[sflag:s29] =	ssyncadd.s32 $0xFFFFD800  }
0xae: {  	[tilespmem:s28], [sflag:$0x3] =	stream.linear.gather [spmem:s11], $0x2800, $0x38;
	[tilespmem:$0x1F000] =	vst v63  }
0xaf: {  	_ =	swait.ge [sflag:s29], $0x2800  }
0xb0: {  	[sflag:s29] =	ssyncset.done $0x0  }
0xb1: {  	[sflag:s29] =	ssyncadd.s32 $0xFFFFD800  }
0xb2: {  	[hbm4b:s22+s3] =	stream.linear.scatter [tilespmem:s28], [sflag:$0x3], $0x2800, $0x38;
	[tilespmem:$0x1F000] =	vst v63  }
0xb3: {  	_ =	swait.ge [sflag:s29], $0x2800  }
0xb4: {  	[sflag:s29] =	ssyncset.done $0x0  }
0xb5: {  	[sflag:s29] =	ssyncadd.s32 $0xFFFFD800  }
0xb6: {  	[tilespmem:s28], [sflag:$0x3] =	stream.linear.gather [spmem:s12], $0x2800, $0x38;
	[tilespmem:$0x1F000] =	vst v63  }
0xb7: {  	_ =	swait.ge [sflag:s29], $0x2800  }
0xb8: {  	[sflag:s29] =	ssyncset.done $0x0  }
0xb9: {  	[sflag:s29] =	ssyncadd.s32 $0xFFFFD800  }
0xba: {  	[hbm4b:s23+s3] =	stream.linear.scatter [tilespmem:s28], [sflag:$0x3], $0x2800, $0x38;
	[tilespmem:$0x1F000] =	vst v63  }
0xbb: {  	_ =	swait.ge [sflag:s29], $0x2800  }
0xbc: {  	[sflag:s29] =	ssyncset.done $0x0  }
0xbd: {  	[sflag:s29] =	ssyncadd.s32 $0xFFFFD800  }
0xbe: {  	[tilespmem:s28], [sflag:$0x3] =	stream.linear.gather [spmem:s13], $0x2000, $0x38;
	[tilespmem:$0x1F000] =	vst v63  }
0xbf: {  	_ =	swait.ge [sflag:s29], $0x2000  }
0xc0: {  	[sflag:s29] =	ssyncset.done $0x0  }
0xc1: {  	[sflag:s29] =	ssyncadd.s32 $0xFFFFE000  }
0xc2: {  	[hbm4b:s26+s3] =	stream.linear.scatter [tilespmem:s28], [sflag:$0x3], $0x2000, $0x38;
	[tilespmem:$0x1F000] =	vst v63  }
0xc3: {  	_ =	swait.ge [sflag:s29], $0x2000  }
0xc4: {  	[sflag:s29] =	ssyncset.done $0x0  }
0xc5: {  	s17 =	simm.s32 @!p0 $0x1A000;
	s18 =	simm.s32 @!p0 $0x3;
	[sflag:s29] =	ssyncadd.s32 $0xFFFFE000  }
0xc6: {  	[tilespmem:s17], [sflag:$0x3] =	stream.linear.gather @!p0 [spmem:s14], $0x800, $0x38;
	[tilespmem:$0x1F000] =	vst v63  }
0xc7: {  	s16 =	sadd.s32 $0x1, s16;
	_ =	swait.ge @!p0 [sflag:s18], $0x800  }
0xc8: {  	p1 =	sne.s32 s16, s25;
	[sflag:s18] =	ssyncset.done @!p0 $0x0  }
.Ltmp1:
0xc9: {  	s19 =	simm.s32 @!p0 $0x0;
	[sflag:s18] =	ssyncadd.s32 @!p0 $0xFFFFF800;
	(pc) =	sbr.rel @p1 .LBB2_1-.Ltmp1, $4  }
0xca: {  	[hbm4b:s24+s19] =	stream.linear.scatter @!p0 [tilespmem:s17], [sflag:$0x3], $0x800, $0x38;
	[tilespmem:$0x1F000] =	vst v63  }
0xcb: {  	_ =	swait.ge @!p0 [sflag:s18], $0x800  }
0xcc: {  	[sflag:s18] =	ssyncset.done @!p0 $0x0  }
0xcd: {  	[sflag:s18] =	ssyncadd.s32 @!p0 $0xFFFFF800  }
0xce: {  	_ =	sfence.sel $0x180000  }
0xcf: {  	[bflag:$0x0] =	sbarrier.arrive $0xFFFF  }
0xd0: {  	_ =	strace $0x9000004D  }
0xd1: {  	s0 =	stileid.u32;
	[bflag:$0x2] =	sbarrier.arrive $0xFFFF  }
0xd2: {  	p0 =	sne.s32 s0, $0x0;
	s0 =	rddreg [dreg:$0x3]  }
0xd3: {  	s0 =	sadd.s32 @!p0 $0x100000, s0  }
0xd4: {  	[sflag:s0] =	ssyncadd.tile.s32 @!p0 $0x1;
	_ =	shalt  }
.Lfunc_end2:
_tile_overlayer_lowered:
.L_overlay_start_2:
0xd5: {  	(tag) =	ssettag $0x2  }
0xd6: {  	s0 =	rddreg [dreg:$0x0];
	s2 =	stileid.u32  }
0xd7: {  	s1 =	rddreg [dreg:$0x1];
	p0 =	sne.s32 s2, $0x0  }
0xd8: {  	s3 =	rddreg [dreg:$0x2];
	[bflag:$0x3] =	sbarrier.arrive $0xFFFF;
	s2 =	simm.s32 @!p0 $0x1C03  }
0xd9: {  	[timem:s3], [sflag:s2] =	dma.local @!p0 [hbm:s0], s1  }
0xda: {  	s0 =	simm.s32 @!p0 $0x3  }
0xdb: {  	_ =	swait.ge @!p0 [sflag:s0], s1  }
0xdc: {  	s1 =	ssub.s32 @!p0 $0x0, s1;
	[sflag:s0] =	ssyncset.done @!p0 $0x0  }
0xdd: {  	[sflag:s0] =	ssyncadd.s32 @!p0 s1  }
0xde: {  	[bflag:$0x3] =	sbarrier.arrive $0xFFFF  }
0xdf: {  	_ =	shalt  }

// kernel: _run.19.cloned.1.call-start
scs
__scs_entry_jumppad:
0x0: {  	(pc) =	sbr.rel $0x88, $3  }
0x1: {  	(tag) =	ssettag $0x0;
	lr =	simm.s32 $0x1  }
0x2: {  	[smem:$0x3F96] =	sst lr;
	_ =	strace $0xD0000000  }
0x3: {  	_ = 	snop  }
0x4: {  	_ = 	snop  }
0x5: {  	_ = 	snop  }
0x6: {  	_ = 	snop  }
0x7: {  	_ = 	snop  }
__scs_overlays_trampoline_lowered:
0x8: {  	[smem:$0x3FA5] =	sst s0  }
0x9: {  	[smem:$0x3FA6] =	sst s1  }
0xa: {  	[smem:$0x3FA7] =	sst s2  }
0xb: {  	[smem:$0x3FA8] =	sst s3  }
0xc: {  	[smem:$0x3FA9] =	sst s4  }
0xd: {  	[smem:$0x3FAA] =	sst s5  }
0xe: {  	[smem:$0x3FAB] =	sst s6  }
0xf: {  	[smem:$0x3FAC] =	sst s7  }
0x10: {  	[smem:$0x3FAD] =	sst s8  }
0x11: {  	[smem:$0x3FAE] =	sst s9;
	s0 =	simm.s32 @!p0 $0x0  }
0x12: {  	s1 =	sld [smem:$0x3F94];
	s0 =	simm.s32 @p0 $0x1  }
0x13: {  	[smem:$0x3FAF] =	sst s0;
	s0 =	simm.s32 @!p1 $0x0  }
0x14: {  	s2 =	sld [smem:$0x3F93];
	s0 =	simm.s32 @p1 $0x1  }
0x15: {  	[smem:$0x3FB0] =	sst s0;
	s0 =	simm.s32 @!p2 $0x0  }
0x16: {  	s3 =	sld [smem:$0x3FDB];
	s0 =	simm.s32 @p2 $0x1  }
0x17: {  	s4 =	simm.s32 $0x1BF5;
	[smem:$0x3FB2] =	sst s0  }
0x18: {  	s0 =	sld [smem:$0x3F95];
	_ =	swait.ge [sflag:s4], $0x0  }
0x19: {  	s7 =	sld [smem:$0x3F96]  }
0x1a: {  	s8 =	sadd.s32 $0xFFFFE003, lr  }
0x1b: {  	s9 =	sadd.s32 $0xFFFFFEF7, lr;
	s5 =	simm.s32 $0xFFFFFFFF;
	p2 =	slt.u32 s8, $0xFFFFF086  }
0x1c: {  	p1 =	slt.u32 s9, $0xF7A;
	s5 =	simm.s32 @!p2 $0x0  }
0x1d: {  	s5 =	simm.s32 @p1 $0x1;
	p0 =	seq.s32 s7, s2  }
0x1e: {  	s7 =	smul.u32 @!p0 $0xF7A, s2;
	p2 =	seq.s32 @!p0 s5, $0x0  }
0x1f: {  	s9 =	smul.u32 $0xF7A, s1;
	s8 =	simm.s32 @!p0 $0x1BF5;
	p2 =	por !p2, p0  }
0x20: {  	[sflag:s8] =	ssyncset.s32 @!p0 $0xFFFFF086;
	s6 =	sadd.s32 @!p0 s3, s7;
	s7 =	simm.s32 @!p0 $0x108  }
0x21: {  	s3 =	sadd.s32 s3, s9;
	s6 =	sadd.s32 @!p0 $0x88, s6;
	s7 =	simm.s32 @p2 $0x1082  }
0x22: {  	[simem:s7], [sflag:s8] =	dma.local @!p0 [hbm:s6], $0xF7A  }
0x23: {  	s9 =	sor.u32 $0xD0000000, s2;
	s6 =	simm.s32 $0x108;
	_ =	swait.ge @!p0 [sflag:s8], $0x0  }
0x24: {  	s3 =	sadd.s32 $0x88, s3;
	s6 =	simm.s32 @!p1 $0x1082;
	[sflag:s4] =	ssyncset.s32 $0xFFFFF086  }
0x25: {  	[simem:s6], [sflag:s4] =	dma.local [hbm:s3], $0xF7A  }
0x26: {  	[smem:$0x3F96] =	sst s1;
	(tag) =	ssettag s2;
	_ =	strace s9  }
0x27: {  	s1 =	sld [smem:$0x3FA6]  }
0x28: {  	s2 =	sld [smem:$0x3FA7]  }
0x29: {  	s4 =	sld [smem:$0x3FA9]  }
0x2a: {  	p0 =	seq.s32 s5, $0x0;
	s5 =	sld [smem:$0x3FAA]  }
0x2b: {  	s6 =	sld [smem:$0x3FAB]  }
0x2c: {  	s7 =	sld [smem:$0x3FAC]  }
0x2d: {  	s3 =	simm.s32 $0x108;
	s8 =	sld [smem:$0x3FAD]  }
0x2e: {  	s3 =	simm.s32 @!p0 $0x1082;
	s9 =	sld [smem:$0x3FAE]  }
0x2f: {  	lr =	sadd.s32 s0, s3;
	s0 =	sld [smem:$0x3FA5]  }
0x30: {  	s3 =	sld [smem:$0x3FA8]  }
0x31: {  	[smem:$0x3FB1] =	sst s10  }
0x32: {  	s10 =	sld [smem:$0x3FAF];
	_ =	sdelay $0x3  }
0x33: {  	p0 =	seq.s32 s10, $0x1;
	s10 =	sld [smem:$0x3FB1];
	_ =	sdelay $0x3  }
0x34: {  	[smem:$0x3FB1] =	sst s10  }
0x35: {  	s10 =	sld [smem:$0x3FB0];
	_ =	sdelay $0x3  }
0x36: {  	p1 =	seq.s32 s10, $0x1;
	s10 =	sld [smem:$0x3FB1];
	_ =	sdelay $0x3  }
0x37: {  	[smem:$0x3FB1] =	sst s10  }
0x38: {  	s10 =	sld [smem:$0x3FB2]  }
0x39: {  	_ = 	snop;
	(pc) =	sbr.ind lr, $3  }
0x3a: {  	_ = 	snop  }
0x3b: {  	_ = 	snop  }
0x3c: {  	p2 =	seq.s32 s10, $0x1;
	s10 =	sld [smem:$0x3FB1]  }
0x3d: {  	_ =	shalt  }
0x3e: {  	_ =	shalt  }
0x3f: {  	_ =	shalt  }
0x40: {  	_ =	shalt  }
0x41: {  	_ =	shalt  }
0x42: {  	_ =	shalt  }
0x43: {  	_ =	shalt  }
0x44: {  	_ =	shalt  }
0x45: {  	_ =	shalt  }
0x46: {  	_ =	shalt  }
0x47: {  	_ =	shalt  }
0x48: {  	_ =	shalt  }
0x49: {  	_ =	shalt  }
0x4a: {  	_ =	shalt  }
0x4b: {  	_ =	shalt  }
0x4c: {  	_ =	shalt  }
0x4d: {  	_ =	shalt  }
0x4e: {  	_ =	shalt  }
0x4f: {  	_ =	shalt  }
0x50: {  	_ =	shalt  }
0x51: {  	_ =	shalt  }
0x52: {  	_ =	shalt  }
0x53: {  	_ =	shalt  }
0x54: {  	_ =	shalt  }
0x55: {  	_ =	shalt  }
0x56: {  	_ =	shalt  }
0x57: {  	_ =	shalt  }
0x58: {  	_ =	shalt  }
0x59: {  	_ =	shalt  }
0x5a: {  	_ =	shalt  }
0x5b: {  	_ =	shalt  }
0x5c: {  	_ =	shalt  }
0x5d: {  	_ =	shalt  }
0x5e: {  	_ =	shalt  }
0x5f: {  	_ =	shalt  }
0x60: {  	_ =	shalt  }
0x61: {  	_ =	shalt  }
0x62: {  	_ =	shalt  }
0x63: {  	_ =	shalt  }
0x64: {  	_ =	shalt  }
0x65: {  	_ =	shalt  }
0x66: {  	_ =	shalt  }
0x67: {  	_ =	shalt  }
0x68: {  	_ =	shalt  }
0x69: {  	_ =	shalt  }
0x6a: {  	_ =	shalt  }
0x6b: {  	_ =	shalt  }
0x6c: {  	_ =	shalt  }
0x6d: {  	_ =	shalt  }
0x6e: {  	_ =	shalt  }
0x6f: {  	_ =	shalt  }
0x70: {  	_ =	shalt  }
0x71: {  	_ =	shalt  }
0x72: {  	_ =	shalt  }
0x73: {  	_ =	shalt  }
0x74: {  	_ =	shalt  }
0x75: {  	_ =	shalt  }
0x76: {  	_ =	shalt  }
0x77: {  	_ =	shalt  }
0x78: {  	_ =	shalt  }
0x79: {  	_ =	shalt  }
0x7a: {  	_ =	shalt  }
0x7b: {  	_ =	shalt  }
0x7c: {  	_ =	shalt  }
0x7d: {  	_ =	shalt  }
0x7e: {  	_ =	shalt  }
0x7f: {  	_ =	shalt  }
0x80: {  	_ =	shalt  }
0x81: {  	_ =	shalt  }
0x82: {  	_ =	shalt  }
0x83: {  	_ =	shalt  }
0x84: {  	_ =	shalt  }
0x85: {  	_ =	shalt  }
0x86: {  	_ =	shalt  }
0x87: {  	_ =	shalt  }
.Lfunc_end0:
.L_simem_size_0:
called_computation.3_lowered:
.L_overlay_start_0:
0x88: {  	s2 =	sld [smem:$0x3FD9]  }
0x89: {  	s3 =	sld [smem:$0x3FFE];
	_ =	sdelay $0x1  }
0x8a: {  	s1 =	srdreg.scid  }
0x8b: {  	s0 =	sand.u32 $0x1, s1  }
0x8c: {  	s17 =	sshll.u32 s0, $0xA;
	s2 =	sadd.s32 s3, s2  }
0x8d: {  	s2 =	sadd.s32 s2, s17  }
0x8e: {  	[smem:$0x3FBD] =	sst s2  }
0x8f: {  	_ = 	snop  }
0x90: {  	s18 =	sld [smem:$0x3FC8];
	(tm) =	ssettm $0x1  }
0x91: {  	s19 =	sld [smem:$0x3FFB];
	_ =	sdelay $0x3  }
0x92: {  	_ =	strace s19  }
0x93: {  	s2 =	sld [smem:$0x3FFC];
	_ =	sdelay $0x3  }
0x94: {  	_ =	strace s2  }
0x95: {  	s2 =	sld [smem:$0x3FFD];
	_ =	sdelay $0x3  }
0x96: {  	_ =	strace s2  }
0x97: {  	_ =	strace $0x8FFFFFFF  }
0x98: {  	s20 =	sld [smem:$0x3FDB];
	_ =	sdelay $0x1  }
0x99: {  	s4 =	simm.s32 $_scs_section_size  }
0x9a: {  	s5 =	simm.s32 $_size__tile_overlayer_lowered;
	s6 =	simm.s32 $_tile_overlayer_lowered  }
0x9b: {  	s7 =	simm.s32 $0x1BFF;
	s21 =	sshll.u32 s6, $0x1;
	s4 =	sadd.s32 s4, s20  }
0x9c: {  	s22 =	simm.s32 $0x0;
	s5 =	sshll.u32 s5, $0x1;
	s6 =	sadd.s32 s21, s4  }
0x9d: {  	[timem:s22], [sflag:s7] =	dma.local [hbm:s6], s5  }
0x9e: {  	_ =	swait.ge [sflag:s7], s5  }
0x9f: {  	s5 =	ssub.s32 $0x0, s5;
	[sflag:s7] =	ssyncset.done $0x0  }
0xa0: {  	[sflag:s7] =	ssyncadd.s32 s5;
	_ =	sdelay $0x1  }
0xa1: {  	s23 =	simm.s32 $0x1B8B  }
0xa2: {  	_ =	swait.ge [sflag:s23], $0x1  }
0xa3: {  	[sflag:s23] =	ssyncset.done $0x0  }
0xa4: {  	[sflag:s23] =	ssyncadd.s32 $0xFFFFFFFF  }
0xa5: {  	s5 =	sld [smem:$0x0]  }
0xa6: {  	s6 =	sand.u32 $0xFFFFFFFE, s1  }
0xa7: {  	p0 =	sne.s32 s1, s6  }
0xa8: {  	s6 =	sshll.u32 @p0 s6, $0xE  }
0xa9: {  	s6 =	sadd.s32 @p0 $0x11B8D, s6;
	s7 =	sshll.u32 @p0 s5, $0x11  }
0xaa: {  	s6 =	sor.u32 @p0 s7, s6  }
0xab: {  	[sflag:s6] =	ssyncadd.remote.s32 @p0 $0x1;
	_ =	sdelay $0x1  }
0xac: {  	s6 =	simm.s32 @p0 $0x1B8D  }
0xad: {  	_ =	swait.eq @p0 [sflag:s6], $0x1  }
0xae: {  	[sflag:s6] =	ssyncadd.s32 @p0 $0xFFFFFFFF  }
0xaf: {  	s7 =	sshll.u32 @!p0 s1, $0xE  }
0xb0: {  	s7 =	sor.u32 @!p0 $0x4000, s7;
	s6 =	simm.s32 @!p0 $0x1B8D  }
0xb1: {  	s5 =	sshll.u32 @!p0 s5, $0x11;
	s7 =	sadd.s32 @!p0 $0x11B8D, s7;
	_ =	swait.eq @!p0 [sflag:s6], $0x1  }
0xb2: {  	s5 =	sor.u32 @!p0 s5, s7;
	[sflag:s6] =	ssyncadd.s32 @!p0 $0xFFFFFFFF  }
0xb3: {  	s25 =	simm.s32 $0x1B8E;
	s24 =	sld [smem:$0x3FFE];
	[sflag:s5] =	ssyncadd.remote.s32 @!p0 $0x1  }
0xb4: {  	s26 =	simm.s32 $execute0_lowered;
	[smem:$0x3FD2] =	sst s25  }
0xb5: {  	s6 =	sshll.u32 s26, $0x1;
	_ =	strace $0x8000004F;
	[dreg:$0x1] =	wrdreg $0xFFFFFFFF  }
0xb6: {  	s28 =	simm.s32 $_size_execute0_lowered;
	s4 =	sadd.s32 s4, s6;
	[dreg:$0x0] =	wrdreg $0x0  }
0xb7: {  	s6 =	sshll.u32 s28, $0x1;
	[dreg:$0x2] =	wrdreg s4  }
0xb8: {  	[dreg:$0x3] =	wrdreg s6  }
0xb9: {  	[dreg:$0x4] =	wrdreg $0xC0  }
0xba: {  	_ =	task [dreg:s22], $0x5FFFF  }
0xbb: {  	[dreg:$0x1] =	wrdreg $0xFFFFFFFF  }
0xbc: {  	[dreg:$0x0] =	wrdreg $0x60  }
0xbd: {  	[dreg:$0x2] =	wrdreg s24  }
0xbe: {  	[dreg:$0x3] =	wrdreg s18  }
0xbf: {  	[dreg:$0x4] =	wrdreg $0x0  }
0xc0: {  	[dreg:$0x5] =	wrdreg $0xA  }
0xc1: {  	_ =	task.clear_ibuf [dreg:s22], $0x6FFFF;
	_ =	strace $0x9000004F  }
0xc2: {  	s29 =	simm.s32 $0xA;
	_ =	strace $0x80000051  }
0xc3: {  	_ =	swait.ge [sflag:s29], $0x1  }
0xc4: {  	[sflag:s29] =	ssyncadd.s32 $0xFFFFFFFF  }
0xc5: {  	_ =	strace $0x90000051  }
0xc6: {  	_ =	sfence  }
0xc7: {  	s30 =	sld [smem:$0x0];
	_ =	sdelay $0x2  }
0xc8: {  	s31 =	sshll.u32 s1, $0xD;
	s1 =	sshrl.u32 s1, $0x2  }
0xc9: {  	s4 =	sand.u32 $0x4000, s31;
	s1 =	sadd.s32 s1, s30  }
0xca: {  	s0 =	sor.u32 s4, s0;
	s1 =	sshll.u32 s1, $0x11  }
0xcb: {  	s0 =	sor.u32 s1, s0  }
0xcc: {  	s0 =	sadd.s32 $0x8F2B, s0  }
0xcd: {  	[sflag:s0] =	ssyncadd.remote.s32 $0x1  }
0xce: {  	_ =	sfence.sel $0xFFFF  }
0xcf: {  	[dreg:$0x0] =	wrdreg $0xFFFFFFFF;
	(pc) =	sbr.abs _section_cstart, $3  }
0xd0: {  	[dreg:$0x1] =	wrdreg $0xFFFFFFFF  }
0xd1: {  	_ =	task.clear_ibuf [dreg:s22], $0x2FFFF;
	_ =	strace $0x9FFFFFFF  }
0xd2: {  	(tm) =	ssettm $0x7FFFFFFF  }
0xd3: {  	_ =	shalt  }
tec
execute0_lowered:
.L_overlay_start_1:
0x0: {  	(tag) =	ssettag $0x1  }
0x1: {  	s0 =	rddreg [dreg:$0x0]  }
0x2: {  	s2 =	rddreg [dreg:$0x1]  }
0x3: {  	s1 =	rddreg [dreg:$0x2];
	s3 =	simm.s32 $0x0  }
0x4: {  	s20 =	stileid.u32;
	s6 =	srdreg.scid;
	s28 =	simm.s32 $0x1A000  }
0x5: {  	s29 =	simm.s32 $0x3;
	s30 =	simm.s32 $0x13880;
	s31 =	simm.s32 $0x1  }
0x6: {  	[smem:$0x7FF] =	sst s3;
	s4 =	sadd.s32 $0xCF200, s0;
	s5 =	sshll.u32 s20, $0xB  }
0x7: {  	s7 =	smul.u32 $0x4E000, s20;
	s8 =	sadd.s32 $0x59C00, s0;
	s16 =	sand.u32 $0x1, s6  }
0x8: {  	s14 =	smul.u32 $0x270, s20;
	p0 =	sne.s32 s20, $0xF;
	_ =	strace $0x80000050  }
0x9: {  	s5 =	sadd.s32 s5, s0;
	[dreg:$0x4] =	wrdreg s8;
	s0 =	sadd.s32 $0x16B600, s0  }
0xa: {  	s17 =	ssub.s32 $0x2, s16;
	s15 =	smul.u32 $0x27100, s16;
	s18 =	sshrl.u32 s7, $0x2  }
0xb: {  	s19 =	sshrl.u32 s17, $0x1;
	s6 =	sadd.s32 s18, s1;
	s18 =	smul.u32 $0x2710, s16  }
0xc: {  	s21 =	sadd.s32 $0x3A00, s5;
	s17 =	ssub.s32 s17, s19;
	s19 =	smul.u32 $0x2710, s20  }
0xd: {  	s5 =	simm.s32 $0x2;
	s16 =	smul.u32 $0x138800, s16;
	[dreg:$0x6] =	wrdreg s21  }
0xe: {  	s7 =	sadd.s32 $0x2800, s6;
	s8 =	sadd.s32 $0x5000, s6;
	s9 =	sadd.s32 $0x7800, s6  }
0xf: {  	s10 =	sadd.s32 $0xA000, s6;
	s11 =	sadd.s32 $0xC800, s6;
	s12 =	sadd.s32 $0xF000, s6  }
0x10: {  	s13 =	sadd.s32 $0x11800, s6;
	s18 =	sadd.s32 s14, s18;
	s15 =	sadd.s32 s19, s15  }
0x11: {  	s14 =	sadd.s32 $0x138000, s1;
	s18 =	sshll.u32 s18, $0x4;
	s19 =	sshrl.u32 s15, $0x3  }
0x12: {  	s25 =	sshrl.u32 s16, $0x3;
	s15 =	sadd.s32 s0, s18;
	s2 =	sadd.s32 s2, s19  }
0x13: {  	s16 =	simm.s32 $0x0;
	[dreg:$0x5] =	wrdreg s2;
	s22 =	sadd.s32 $0x500, s15  }
0x14: {  	s0 =	sadd.s32 s0, s25;
	s23 =	sadd.s32 $0xA00, s15;
	[dreg:$0x7] =	wrdreg s22  }
0x15: {  	s25 =	smax.u32 s17, $0x1;
	s24 =	sadd.s32 $0xF00, s15;
	[dreg:$0x8] =	wrdreg s23  }
0x16: {  	s26 =	sadd.s32 $0x1400, s15;
	s2 =	simm.s32 $0x1C800;
	[dreg:$0x9] =	wrdreg s24  }
0x17: {  	[dreg:$0xa] =	wrdreg s26;
	s22 =	sadd.s32 $0x1900, s15;
	s23 =	sadd.s32 $0x1E00, s15  }
0x18: {  	s24 =	sadd.s32 $0x27000, s0;
	s26 =	sadd.s32 $0x2300, s15;
	s0 =	simm.s32 $0x50  }
.LBB2_1:
0x19: {  	s17 =	rddreg [dreg:$0x4]  }
0x1a: {  	[tilespmem:s28], [sflag:$0x3] =	stream.linear.gather [hbm4b:s17+s3], $0x2800, $0x38;
	[tilespmem:$0x1F000] =	vst v63  }
0x1b: {  	_ =	swait.ge [sflag:s29], $0x2800  }
0x1c: {  	[sflag:s29] =	ssyncset.done $0x0  }
0x1d: {  	[sflag:s29] =	ssyncadd.s32 $0xFFFFD800  }
0x1e: {  	[spmem:s6] =	stream.linear.scatter [tilespmem:s28], [sflag:$0x3], $0x2800, $0x38;
	[tilespmem:$0x1F000] =	vst v63  }
0x1f: {  	_ =	swait.ge [sflag:s29], $0x2800  }
0x20: {  	[sflag:s29] =	ssyncset.done $0x0  }
0x21: {  	[sflag:s29] =	ssyncadd.s32 $0xFFFFD800  }
0x22: {  	[spmem:s7] =	stream.linear.scatter [tilespmem:s28], [sflag:$0x3], $0x2800, $0x38;
	[tilespmem:$0x1F000] =	vst v63  }
0x23: {  	_ =	swait.ge [sflag:s29], $0x2800  }
0x24: {  	[sflag:s29] =	ssyncset.done $0x0  }
0x25: {  	[sflag:s29] =	ssyncadd.s32 $0xFFFFD800  }
0x26: {  	[spmem:s8] =	stream.linear.scatter [tilespmem:s28], [sflag:$0x3], $0x2800, $0x38;
	[tilespmem:$0x1F000] =	vst v63  }
0x27: {  	_ =	swait.ge [sflag:s29], $0x2800  }
0x28: {  	[sflag:s29] =	ssyncset.done $0x0  }
0x29: {  	[sflag:s29] =	ssyncadd.s32 $0xFFFFD800  }
0x2a: {  	[spmem:s9] =	stream.linear.scatter [tilespmem:s28], [sflag:$0x3], $0x2800, $0x38;
	[tilespmem:$0x1F000] =	vst v63  }
0x2b: {  	_ =	swait.ge [sflag:s29], $0x2800  }
0x2c: {  	[sflag:s29] =	ssyncset.done $0x0  }
0x2d: {  	[sflag:s29] =	ssyncadd.s32 $0xFFFFD800  }
0x2e: {  	[spmem:s10] =	stream.linear.scatter [tilespmem:s28], [sflag:$0x3], $0x2800, $0x38;
	[tilespmem:$0x1F000] =	vst v63  }
0x2f: {  	_ =	swait.ge [sflag:s29], $0x2800  }
0x30: {  	[sflag:s29] =	ssyncset.done $0x0  }
0x31: {  	[sflag:s29] =	ssyncadd.s32 $0xFFFFD800  }
0x32: {  	[spmem:s11] =	stream.linear.scatter [tilespmem:s28], [sflag:$0x3], $0x2800, $0x38;
	[tilespmem:$0x1F000] =	vst v63  }
0x33: {  	_ =	swait.ge [sflag:s29], $0x2800  }
0x34: {  	[sflag:s29] =	ssyncset.done $0x0  }
0x35: {  	[sflag:s29] =	ssyncadd.s32 $0xFFFFD800  }
0x36: {  	[spmem:s12] =	stream.linear.scatter [tilespmem:s28], [sflag:$0x3], $0x2800, $0x38;
	[tilespmem:$0x1F000] =	vst v63  }
0x37: {  	_ =	swait.ge [sflag:s29], $0x2800  }
0x38: {  	[sflag:s29] =	ssyncset.done $0x0  }
0x39: {  	[sflag:s29] =	ssyncadd.s32 $0xFFFFD800  }
0x3a: {  	[spmem:s13] =	stream.linear.scatter [tilespmem:s28], [sflag:$0x3], $0x2000, $0x38;
	[tilespmem:$0x1F000] =	vst v63  }
0x3b: {  	_ =	swait.ge [sflag:s29], $0x2000  }
0x3c: {  	[sflag:s29] =	ssyncset.done $0x0  }
0x3d: {  	s17 =	simm.s32 @!p0 $0x1A000;
	[sflag:s29] =	ssyncadd.s32 $0xFFFFE000  }
0x3e: {  	[spmem:s14] =	stream.linear.scatter @!p0 [tilespmem:s17], [sflag:$0x3], $0x800, $0x38;
	[tilespmem:$0x1F000] =	vst v63  }
0x3f: {  	s17 =	simm.s32 @!p0 $0x3  }
0x40: {  	_ =	swait.ge @!p0 [sflag:s17], $0x800  }
0x41: {  	[sflag:s17] =	ssyncset.done @!p0 $0x0  }
0x42: {  	s20 =	rddreg [dreg:$0x5];
	[sflag:s17] =	ssyncadd.s32 @!p0 $0xFFFFF800  }
0x43: {  	[tilespmem:s30], [sflag:$0x3] =	stream.linear.gather [hbm4b:s20+s3], $0x2710, $0x38;
	[tilespmem:$0x1F000] =	vst v63  }
0x44: {  	_ =	swait.ge [sflag:s29], $0x2710  }
0x45: {  	[sflag:s29] =	ssyncset.done $0x0  }
0x46: {  	s18 =	simm.s32 $0x16000;
	s21 =	rddreg [dreg:$0x6];
	[sflag:s29] =	ssyncadd.s32 $0xFFFFD8F0  }
0x47: {  	[tilespmem:s18], [sflag:$0x3] =	stream.linear.gather [hbm4b:s21+s3], $0x3E80, $0x38;
	[tilespmem:$0x1F000] =	vst v63  }
0x48: {  	_ =	swait.ge [sflag:s29], $0x3E80  }
0x49: {  	[sflag:s29] =	ssyncset.done $0x0  }
0x4a: {  	[sflag:s29] =	ssyncadd.s32 $0xFFFFC180  }
0x4b: {  	[bflag:$0x0] =	sbarrier.arrive $0xFFFF  }
0x4c: {  	[tilespmem:s28], [sflag:$0x1] =	stream.indirect.gather [hbm4b:s4+s0], $0x80, s30, s0, $0xb8;
	[tilespmem:$0x1F000] =	vst v63  }
0x4d: {  	s18 =	simm.s32 $0x138D0  }
0x4e: {  	[tilespmem:s2], [sflag:$0x2] =	stream.indirect.gather [hbm4b:s4+s0], $0x80, s18, s0, $0xb8;
	[tilespmem:$0x1F000] =	vst v63  }
0x4f: {  	_ =	swait.ge [sflag:s31], $0x2800  }
0x50: {  	[sflag:s31] =	ssyncset.done $0x0  }
0x51: {  	s19 =	simm.s32 $0x16000;
	[sflag:s31] =	ssyncadd.s32 $0xFFFFD800  }
0x52: {  	[spmem:s1] =	stream.indirect.scatter.add.f32 [tilespmem:s28], [sflag:$0x3], $0x80, s19, s0, $0xb8;
	[tilespmem:$0x1F000] =	vst v63  }
0x53: {  	_ =	swait.ge [sflag:s29], $0x2800  }
0x54: {  	[sflag:s29] =	ssyncset.done $0x0  }
0x55: {  	s20 =	simm.s32 $0x13920;
	[sflag:s29] =	ssyncadd.s32 $0xFFFFD800  }
0x56: {  	[tilespmem:s28], [sflag:$0x1] =	stream.indirect.gather [hbm4b:s4+s0], $0x80, s20, s0, $0xb8;
	[tilespmem:$0x1F000] =	vst v63  }
0x57: {  	_ =	swait.ge [sflag:s5], $0x2800  }
0x58: {  	[sflag:s5] =	ssyncset.done $0x0  }
0x59: {  	s21 =	simm.s32 $0x16080;
	[sflag:s5] =	ssyncadd.s32 $0xFFFFD800  }
0x5a: {  	[spmem:s1] =	stream.indirect.scatter.add.f32 [tilespmem:s2], [sflag:$0x3], $0x80, s21, s0, $0xb8;
	[tilespmem:$0x1F000] =	vst v63  }
0x5b: {  	s17 =	simm.s32 $0x139C0;
	_ =	swait.ge [sflag:s29], $0x2800  }
0x5c: {  	s18 =	simm.s32 $0x400;
	s19 =	simm.s32 $0x800;
	[sflag:s29] =	ssyncset.done $0x0  }
.LBB2_2:
0x5d: {  	p1 =	sne.s32 s19, $0xF400;
	s20 =	sadd.s32 $0xFFFFFFB0, s17;
	[sflag:s29] =	ssyncadd.s32 $0xFFFFD800  }
0x5e: {  	[tilespmem:s2], [sflag:$0x2] =	stream.indirect.gather [hbm4b:s4+s0], $0x80, s20, s0, $0xb8;
	[tilespmem:$0x1F000] =	vst v63  }
0x5f: {  	s20 =	smov.u32 s19;
	s19 =	sadd.s32 $0x400, s19;
	_ =	swait.ge [sflag:s31], $0x2800  }
0x60: {  	s21 =	sshra.s32 s18, $0x2;
	s18 =	smov.u32 s20;
	[sflag:s31] =	ssyncset.done $0x0  }
0x61: {  	s20 =	sadd.s32 $0x16000, s21;
	[sflag:s31] =	ssyncadd.s32 $0xFFFFD800  }
0x62: {  	[spmem:s1] =	stream.indirect.scatter.add.f32 [tilespmem:s28], [sflag:$0x3], $0x80, s20, s0, $0xb8;
	[tilespmem:$0x1F000] =	vst v63  }
0x63: {  	_ =	swait.ge [sflag:s29], $0x2800  }
0x64: {  	[sflag:s29] =	ssyncset.done $0x0  }
0x65: {  	[sflag:s29] =	ssyncadd.s32 $0xFFFFD800  }
0x66: {  	[tilespmem:s28], [sflag:$0x1] =	stream.indirect.gather [hbm4b:s4+s0], $0x80, s17, s0, $0xb8;
	[tilespmem:$0x1F000] =	vst v63  }
0x67: {  	_ =	swait.ge [sflag:s5], $0x2800  }
.Ltmp0:
0x68: {  	[sflag:s5] =	ssyncset.done $0x0;
	(pc) =	sbr.rel @p1 .LBB2_2-.Ltmp0, $4  }
0x69: {  	s20 =	sadd.s32 $0x16080, s21;
	[sflag:s5] =	ssyncadd.s32 $0xFFFFD800  }
0x6a: {  	[spmem:s1] =	stream.indirect.scatter.add.f32 [tilespmem:s2], [sflag:$0x3], $0x80, s20, s0, $0xb8;
	[tilespmem:$0x1F000] =	vst v63  }
0x6b: {  	_ =	swait.ge [sflag:s29], $0x2800  }
0x6c: {  	s17 =	sadd.s32 $0xA0, s17;
	[sflag:s29] =	ssyncset.done $0x0  }
0x6d: {  	s19 =	sadd.s32 $0xFFFFFFB0, s17;
	[sflag:s29] =	ssyncadd.s32 $0xFFFFD800  }
0x6e: {  	[tilespmem:s2], [sflag:$0x2] =	stream.indirect.gather [hbm4b:s4+s0], $0x80, s19, s0, $0xb8;
	[tilespmem:$0x1F000] =	vst v63  }
0x6f: {  	_ =	swait.ge [sflag:s31], $0x2800  }
0x70: {  	s18 =	sshra.s32 s18, $0x2;
	[sflag:s31] =	ssyncset.done $0x0  }
0x71: {  	s21 =	sadd.s32 $0x16000, s18;
	[sflag:s31] =	ssyncadd.s32 $0xFFFFD800  }
0x72: {  	[spmem:s1] =	stream.indirect.scatter.add.f32 [tilespmem:s28], [sflag:$0x3], $0x80, s21, s0, $0xb8;
	[tilespmem:$0x1F000] =	vst v63  }
0x73: {  	_ =	swait.ge [sflag:s29], $0x2800  }
0x74: {  	[sflag:s29] =	ssyncset.done $0x0  }
0x75: {  	[sflag:s29] =	ssyncadd.s32 $0xFFFFD800  }
0x76: {  	[tilespmem:s28], [sflag:$0x1] =	stream.indirect.gather [hbm4b:s4+s0], $0x80, s17, s0, $0xb8;
	[tilespmem:$0x1F000] =	vst v63  }
0x77: {  	_ =	swait.ge [sflag:s5], $0x2800  }
0x78: {  	[sflag:s5] =	ssyncset.done $0x0  }
0x79: {  	s20 =	sadd.s32 $0x16080, s18;
	[sflag:s5] =	ssyncadd.s32 $0xFFFFD800  }
0x7a: {  	[spmem:s1] =	stream.indirect.scatter.add.f32 [tilespmem:s2], [sflag:$0x3], $0x80, s20, s0, $0xb8;
	[tilespmem:$0x1F000] =	vst v63  }
0x7b: {  	_ =	swait.ge [sflag:s29], $0x2800  }
0x7c: {  	[sflag:s29] =	ssyncset.done $0x0  }
0x7d: {  	[sflag:s29] =	ssyncadd.s32 $0xFFFFD800  }
0x7e: {  	_ =	swait.ge [sflag:s31], $0x2800  }
0x7f: {  	[sflag:s31] =	ssyncset.done $0x0  }
0x80: {  	s21 =	simm.s32 $0x19E00;
	[sflag:s31] =	ssyncadd.s32 $0xFFFFD800  }
0x81: {  	[spmem:s1] =	stream.indirect.scatter.add.f32 [tilespmem:s28], [sflag:$0x3], $0x80, s21, s0, $0xb8;
	[tilespmem:$0x1F000] =	vst v63  }
0x82: {  	_ =	swait.ge [sflag:s29], $0x2800  }
0x83: {  	[sflag:s29] =	ssyncset.done $0x0  }
0x84: {  	[sflag:s29] =	ssyncadd.s32 $0xFFFFD800  }
0x85: {  	[bflag:$0x0] =	sbarrier.arrive $0xFFFF  }
0x86: {  	[tilespmem:s28], [sflag:$0x3] =	stream.linear.gather [spmem:s6], $0x2800, $0x38;
	[tilespmem:$0x1F000] =	vst v63  }
0x87: {  	_ =	swait.ge [sflag:s29], $0x2800  }
0x88: {  	[sflag:s29] =	ssyncset.done $0x0  }
0x89: {  	[sflag:s29] =	ssyncadd.s32 $0xFFFFD800  }
0x8a: {  	[hbm4b:s15+s3] =	stream.linear.scatter [tilespmem:s28], [sflag:$0x3], $0x2800, $0x38;
	[tilespmem:$0x1F000] =	vst v63  }
0x8b: {  	_ =	swait.ge [sflag:s29], $0x2800  }
0x8c: {  	[sflag:s29] =	ssyncset.done $0x0  }
0x8d: {  	[sflag:s29] =	ssyncadd.s32 $0xFFFFD800  }
0x8e: {  	[tilespmem:s28], [sflag:$0x3] =	stream.linear.gather [spmem:s7], $0x2800, $0x38;
	[tilespmem:$0x1F000] =	vst v63  }
0x8f: {  	_ =	swait.ge [sflag:s29], $0x2800  }
0x90: {  	[sflag:s29] =	ssyncset.done $0x0  }
0x91: {  	s18 =	rddreg [dreg:$0x7];
	[sflag:s29] =	ssyncadd.s32 $0xFFFFD800  }
0x92: {  	[hbm4b:s18+s3] =	stream.linear.scatter [tilespmem:s28], [sflag:$0x3], $0x2800, $0x38;
	[tilespmem:$0x1F000] =	vst v63  }
0x93: {  	_ =	swait.ge [sflag:s29], $0x2800  }
0x94: {  	[sflag:s29] =	ssyncset.done $0x0  }
0x95: {  	[sflag:s29] =	ssyncadd.s32 $0xFFFFD800  }
0x96: {  	[tilespmem:s28], [sflag:$0x3] =	stream.linear.gather [spmem:s8], $0x2800, $0x38;
	[tilespmem:$0x1F000] =	vst v63  }
0x97: {  	_ =	swait.ge [sflag:s29], $0x2800  }
0x98: {  	[sflag:s29] =	ssyncset.done $0x0  }
0x99: {  	s19 =	rddreg [dreg:$0x8];
	[sflag:s29] =	ssyncadd.s32 $0xFFFFD800  }
0x9a: {  	[hbm4b:s19+s3] =	stream.linear.scatter [tilespmem:s28], [sflag:$0x3], $0x2800, $0x38;
	[tilespmem:$0x1F000] =	vst v63  }
0x9b: {  	_ =	swait.ge [sflag:s29], $0x2800  }
0x9c: {  	[sflag:s29] =	ssyncset.done $0x0  }
0x9d: {  	[sflag:s29] =	ssyncadd.s32 $0xFFFFD800  }
0x9e: {  	[tilespmem:s28], [sflag:$0x3] =	stream.linear.gather [spmem:s9], $0x2800, $0x38;
	[tilespmem:$0x1F000] =	vst v63  }
0x9f: {  	_ =	swait.ge [sflag:s29], $0x2800  }
0xa0: {  	[sflag:s29] =	ssyncset.done $0x0  }
0xa1: {  	s20 =	rddreg [dreg:$0x9];
	[sflag:s29] =	ssyncadd.s32 $0xFFFFD800  }
0xa2: {  	[hbm4b:s20+s3] =	stream.linear.scatter [tilespmem:s28], [sflag:$0x3], $0x2800, $0x38;
	[tilespmem:$0x1F000] =	vst v63  }
0xa3: {  	_ =	swait.ge [sflag:s29], $0x2800  }
0xa4: {  	[sflag:s29] =	ssyncset.done $0x0  }
0xa5: {  	[sflag:s29] =	ssyncadd.s32 $0xFFFFD800  }
0xa6: {  	[tilespmem:s28], [sflag:$0x3] =	stream.linear.gather [spmem:s10], $0x2800, $0x38;
	[tilespmem:$0x1F000] =	vst v63  }
0xa7: {  	_ =	swait.ge [sflag:s29], $0x2800  }
0xa8: {  	[sflag:s29] =	ssyncset.done $0x0  }
0xa9: {  	s21 =	rddreg [dreg:$0xa];
	[sflag:s29] =	ssyncadd.s32 $0xFFFFD800  }
0xaa: {  	[hbm4b:s21+s3] =	stream.linear.scatter [tilespmem:s28], [sflag:$0x3], $0x2800, $0x38;
	[tilespmem:$0x1F000] =	vst v63  }
0xab: {  	_ =	swait.ge [sflag:s29], $0x2800  }
0xac: {  	[sflag:s29] =	ssyncset.done $0x0  }
0xad: {  	[sflag:s29] =	ssyncadd.s32 $0xFFFFD800  }
0xae: {  	[tilespmem:s28], [sflag:$0x3] =	stream.linear.gather [spmem:s11], $0x2800, $0x38;
	[tilespmem:$0x1F000] =	vst v63  }
0xaf: {  	_ =	swait.ge [sflag:s29], $0x2800  }
0xb0: {  	[sflag:s29] =	ssyncset.done $0x0  }
0xb1: {  	[sflag:s29] =	ssyncadd.s32 $0xFFFFD800  }
0xb2: {  	[hbm4b:s22+s3] =	stream.linear.scatter [tilespmem:s28], [sflag:$0x3], $0x2800, $0x38;
	[tilespmem:$0x1F000] =	vst v63  }
0xb3: {  	_ =	swait.ge [sflag:s29], $0x2800  }
0xb4: {  	[sflag:s29] =	ssyncset.done $0x0  }
0xb5: {  	[sflag:s29] =	ssyncadd.s32 $0xFFFFD800  }
0xb6: {  	[tilespmem:s28], [sflag:$0x3] =	stream.linear.gather [spmem:s12], $0x2800, $0x38;
	[tilespmem:$0x1F000] =	vst v63  }
0xb7: {  	_ =	swait.ge [sflag:s29], $0x2800  }
0xb8: {  	[sflag:s29] =	ssyncset.done $0x0  }
0xb9: {  	[sflag:s29] =	ssyncadd.s32 $0xFFFFD800  }
0xba: {  	[hbm4b:s23+s3] =	stream.linear.scatter [tilespmem:s28], [sflag:$0x3], $0x2800, $0x38;
	[tilespmem:$0x1F000] =	vst v63  }
0xbb: {  	_ =	swait.ge [sflag:s29], $0x2800  }
0xbc: {  	[sflag:s29] =	ssyncset.done $0x0  }
0xbd: {  	[sflag:s29] =	ssyncadd.s32 $0xFFFFD800  }
0xbe: {  	[tilespmem:s28], [sflag:$0x3] =	stream.linear.gather [spmem:s13], $0x2000, $0x38;
	[tilespmem:$0x1F000] =	vst v63  }
0xbf: {  	_ =	swait.ge [sflag:s29], $0x2000  }
0xc0: {  	[sflag:s29] =	ssyncset.done $0x0  }
0xc1: {  	[sflag:s29] =	ssyncadd.s32 $0xFFFFE000  }
0xc2: {  	[hbm4b:s26+s3] =	stream.linear.scatter [tilespmem:s28], [sflag:$0x3], $0x2000, $0x38;
	[tilespmem:$0x1F000] =	vst v63  }
0xc3: {  	_ =	swait.ge [sflag:s29], $0x2000  }
0xc4: {  	[sflag:s29] =	ssyncset.done $0x0  }
0xc5: {  	s17 =	simm.s32 @!p0 $0x1A000;
	s18 =	simm.s32 @!p0 $0x3;
	[sflag:s29] =	ssyncadd.s32 $0xFFFFE000  }
0xc6: {  	[tilespmem:s17], [sflag:$0x3] =	stream.linear.gather @!p0 [spmem:s14], $0x800, $0x38;
	[tilespmem:$0x1F000] =	vst v63  }
0xc7: {  	s16 =	sadd.s32 $0x1, s16;
	_ =	swait.ge @!p0 [sflag:s18], $0x800  }
0xc8: {  	p1 =	sne.s32 s16, s25;
	[sflag:s18] =	ssyncset.done @!p0 $0x0  }
.Ltmp1:
0xc9: {  	s19 =	simm.s32 @!p0 $0x0;
	[sflag:s18] =	ssyncadd.s32 @!p0 $0xFFFFF800;
	(pc) =	sbr.rel @p1 .LBB2_1-.Ltmp1, $4  }
0xca: {  	[hbm4b:s24+s19] =	stream.linear.scatter @!p0 [tilespmem:s17], [sflag:$0x3], $0x800, $0x38;
	[tilespmem:$0x1F000] =	vst v63  }
0xcb: {  	_ =	swait.ge @!p0 [sflag:s18], $0x800  }
0xcc: {  	[sflag:s18] =	ssyncset.done @!p0 $0x0  }
0xcd: {  	[sflag:s18] =	ssyncadd.s32 @!p0 $0xFFFFF800  }
0xce: {  	_ =	sfence.sel $0x180000  }
0xcf: {  	[bflag:$0x0] =	sbarrier.arrive $0xFFFF  }
0xd0: {  	_ =	strace $0x90000050  }
0xd1: {  	s0 =	stileid.u32;
	[bflag:$0x2] =	sbarrier.arrive $0xFFFF  }
0xd2: {  	p0 =	sne.s32 s0, $0x0;
	s0 =	rddreg [dreg:$0x3]  }
0xd3: {  	s0 =	sadd.s32 @!p0 $0x100000, s0  }
0xd4: {  	[sflag:s0] =	ssyncadd.tile.s32 @!p0 $0x1;
	_ =	shalt  }
.Lfunc_end2:
_tile_overlayer_lowered:
.L_overlay_start_2:
0xd5: {  	(tag) =	ssettag $0x2  }
0xd6: {  	s0 =	rddreg [dreg:$0x0];
	s2 =	stileid.u32  }
0xd7: {  	s1 =	rddreg [dreg:$0x1];
	p0 =	sne.s32 s2, $0x0  }
0xd8: {  	s3 =	rddreg [dreg:$0x2];
	[bflag:$0x3] =	sbarrier.arrive $0xFFFF;
	s2 =	simm.s32 @!p0 $0x1C03  }
0xd9: {  	[timem:s3], [sflag:s2] =	dma.local @!p0 [hbm:s0], s1  }
0xda: {  	s0 =	simm.s32 @!p0 $0x3  }
0xdb: {  	_ =	swait.ge @!p0 [sflag:s0], s1  }
0xdc: {  	s1 =	ssub.s32 @!p0 $0x0, s1;
	[sflag:s0] =	ssyncset.done @!p0 $0x0  }
0xdd: {  	[sflag:s0] =	ssyncadd.s32 @!p0 s1  }
0xde: {  	[bflag:$0x3] =	sbarrier.arrive $0xFFFF  }
0xdf: {  	_ =	shalt  }

</sc_bundles>
